<compile_context>
chip_gen: v7x
topology: tpu7x:2x2x1
jax: 0.10.2.dev20260603
libtpu: 0.0.44.dev20260713+nightly
codegen_flags: <defaults>
</compile_context>

<pallas_src>
import functools

import jax
import jax.numpy as jnp
from jax import lax
from jax.experimental import pallas as pl
from jax.experimental.pallas import tpu as pltpu
from jax.experimental.pallas import tpu_sc as plsc

N = 10000
E = 320000
HID = 128
OUT = 64
L = 5

NC = 2
NS = 16
NW = NC * NS
CHUNK = 128
NCHUNK = 2560
CPT = NCHUNK // NW
EPAD = NCHUNK * CHUNK
NPAD = 10240
STRIPE = NPAD // NS
NBUF = 2
PHASES = 2
CPP = CPT // PHASES


def _worker(c, s):
    return s * NC + c


@functools.cache
def _make_deg_sc():
    mesh = plsc.VectorSubcoreMesh(core_axis_name="c", subcore_axis_name="s")
    return pl.kernel(
        _deg_sc_body,
        out_type=jax.ShapeDtypeStruct((NC, NPAD, HID), jnp.float32),
        mesh=mesh,
        scratch_types=[
            pltpu.VMEM((CPT, CHUNK), jnp.int32),
            pltpu.VMEM((CHUNK, HID), jnp.float32),
            pltpu.VMEM_SHARED((NPAD, HID), jnp.float32),
            pltpu.SemaphoreType.DMA,
        ],
    )


def _deg_sc_body(dst_hbm, out_hbm, didx, buf, acc, sem):
    c = lax.axis_index("c")
    s = lax.axis_index("s")
    w = _worker(c, s)

    def _fill(val):
        def body(i, carry):
            for jj in range(HID // 16):
                buf[i, pl.ds(jj * 16, 16)] = jnp.full((16,), val, jnp.float32)
            return carry
        lax.fori_loop(0, CHUNK, body, 0)

    _fill(0.0)
    for k in range(STRIPE // CHUNK):
        pltpu.sync_copy(buf, acc.at[pl.ds(s * STRIPE + k * CHUNK, CHUNK)])
    _fill(1.0)
    pltpu.sync_copy(dst_hbm.at[pl.ds(w * CPT, CPT)], didx)
    plsc.subcore_barrier()

    def chunk(j, carry):
        pltpu.sync_copy(buf, acc.at[didx.at[j]], add=True)
        return carry
    lax.fori_loop(0, CPT, chunk, 0)
    plsc.subcore_barrier()

    pltpu.sync_copy(acc.at[pl.ds(s * STRIPE, STRIPE)],
                    out_hbm.at[c, pl.ds(s * STRIPE, STRIPE)])


@functools.cache
def _make_scatter_sc():
    mesh = plsc.VectorSubcoreMesh(core_axis_name="c", subcore_axis_name="s")
    return pl.kernel(
        _scatter_sc_body,
        out_type=jax.ShapeDtypeStruct((NC, NPAD, HID), jnp.float32),
        mesh=mesh,
        scratch_types=[
            pltpu.VMEM((CPP, CHUNK), jnp.int32),
            pltpu.VMEM((CPP, CHUNK), jnp.int32),
            pltpu.VMEM((CHUNK, HID), jnp.float32),
            pltpu.VMEM((CHUNK, HID), jnp.float32),
            pltpu.VMEM_SHARED((NPAD, HID), jnp.float32),
            pltpu.SemaphoreType.DMA,
            pltpu.SemaphoreType.DMA,
            pltpu.SemaphoreType.DMA,
            pltpu.SemaphoreType.DMA,
        ],
    )


def _scatter_sc_body(m_hbm, src_hbm, dst_hbm, out_hbm, sidx, didx, r0, r1,
                     acc, g0, g1, s0, s1):
    c = lax.axis_index("c")
    s = lax.axis_index("s")
    w = _worker(c, s)
    rows = (r0, r1)
    gsem = (g0, g1)
    ssem = (s0, s1)

    def zbody(i, carry):
        for jj in range(HID // 16):
            r0[i, pl.ds(jj * 16, 16)] = jnp.zeros((16,), jnp.float32)
        return carry
    lax.fori_loop(0, CHUNK, zbody, 0)
    for k in range(STRIPE // CHUNK):
        pltpu.sync_copy(r0, acc.at[pl.ds(s * STRIPE + k * CHUNK, CHUNK)])
    plsc.subcore_barrier()

    for ph in range(PHASES):
        base = w * CPT + ph * CPP
        pltpu.sync_copy(src_hbm.at[pl.ds(base, CPP)], sidx)
        pltpu.sync_copy(dst_hbm.at[pl.ds(base, CPP)], didx)
        for b in range(NBUF):
            pltpu.async_copy(m_hbm.at[sidx.at[b]], rows[b], gsem[b])

        def body(jj, carry):
            for b in range(NBUF):
                j = jj * NBUF + b
                pltpu.make_async_copy(m_hbm.at[sidx.at[j]], rows[b],
                                      gsem[b]).wait()
                pltpu.async_copy(rows[b], acc.at[didx.at[j]], ssem[b],
                                 add=True)

                @pl.when(j + NBUF < CPP)
                def _():
                    pltpu.make_async_copy(rows[b], acc.at[didx.at[j]],
                                          ssem[b]).wait()
                    pltpu.async_copy(m_hbm.at[sidx.at[j + NBUF]], rows[b],
                                     gsem[b])
            return carry
        lax.fori_loop(0, CPP // NBUF, body, 0)
        for b in range(NBUF):
            pltpu.make_async_copy(rows[b], acc.at[didx.at[CPP - NBUF + b]],
                                  ssem[b]).wait()
    plsc.subcore_barrier()

    pltpu.sync_copy(acc.at[pl.ds(s * STRIPE, STRIPE)],
                    out_hbm.at[c, pl.ds(s * STRIPE, STRIPE)])



def _tc0_body(degp_ref, x_ref, w_ref, dinv_ref, m_ref):
    deg = degp_ref[0, 0:N, 0:1] + degp_ref[1, 0:N, 0:1] + 1.0
    dinv = lax.rsqrt(jnp.maximum(deg, 1.0))
    dinv_ref[...] = dinv
    m_ref[...] = dinv * jnp.dot(x_ref[...], w_ref[...],
                                preferred_element_type=jnp.float32,
                                precision=lax.Precision.HIGHEST)


def _tc_mid_body(p_ref, m_ref, dinv_ref, cb_ref, g_ref, bb_ref, w_ref,
                 hmax_ref, mout_ref, hmaxout_ref):
    acc = p_ref[0, 0:N, :] + p_ref[1, 0:N, :]
    sm = dinv_ref[...] * (acc + m_ref[...]) + cb_ref[...]
    mean = jnp.mean(sm, axis=0, keepdims=True)
    var = jnp.mean((sm - mean) ** 2, axis=0, keepdims=True)
    h = (sm - mean) * lax.rsqrt(var + 1e-5) * g_ref[...] + bb_ref[...]
    h = jnp.maximum(h, 0.0)
    hmaxout_ref[...] = jnp.maximum(hmax_ref[...], h)
    mout_ref[...] = dinv_ref[...] * jnp.dot(h, w_ref[...],
                                            preferred_element_type=jnp.float32,
                                            precision=lax.Precision.HIGHEST)


def _tc_final_body(p_ref, m_ref, dinv_ref, cb_ref, g_ref, bb_ref, lw_ref,
                   lb_ref, hmax_ref, out_ref):
    acc = p_ref[0, 0:N, :] + p_ref[1, 0:N, :]
    sm = dinv_ref[...] * (acc + m_ref[...]) + cb_ref[...]
    mean = jnp.mean(sm, axis=0, keepdims=True)
    var = jnp.mean((sm - mean) ** 2, axis=0, keepdims=True)
    h = (sm - mean) * lax.rsqrt(var + 1e-5) * g_ref[...] + bb_ref[...]
    h = jnp.maximum(h, 0.0)
    hmax = jnp.maximum(hmax_ref[...], h)
    logits = jnp.dot(hmax, lw_ref[...], preferred_element_type=jnp.float32,
                     precision=lax.Precision.HIGHEST) + lb_ref[...]
    mx = jnp.max(logits, axis=-1, keepdims=True)
    sh = logits - mx
    lse = jnp.log(jnp.sum(jnp.exp(sh), axis=-1, keepdims=True))
    out_ref[...] = sh - lse


_TC_PARAMS = pltpu.CompilerParams(vmem_limit_bytes=100 * 1024 * 1024)

_tc0 = pl.pallas_call(
    _tc0_body,
    out_shape=(jax.ShapeDtypeStruct((N, 1), jnp.float32),
               jax.ShapeDtypeStruct((N, HID), jnp.float32)),
    compiler_params=_TC_PARAMS,
)

_tc_mid = pl.pallas_call(
    _tc_mid_body,
    out_shape=(jax.ShapeDtypeStruct((N, HID), jnp.float32),
               jax.ShapeDtypeStruct((N, HID), jnp.float32)),
    compiler_params=_TC_PARAMS,
)

_tc_final = pl.pallas_call(
    _tc_final_body,
    out_shape=jax.ShapeDtypeStruct((N, OUT), jnp.float32),
    compiler_params=_TC_PARAMS,
)


def kernel(x, edge_index, convW, convb, bn_g, bn_b, linW, linb):
    ei = edge_index.astype(jnp.int32)
    pad_src = jnp.zeros((EPAD - E,), jnp.int32)
    pad_dst = jnp.full((EPAD - E,), N, jnp.int32)
    src2d = jnp.concatenate([ei[0], pad_src]).reshape(NCHUNK, CHUNK)
    dst2d = jnp.concatenate([ei[1], pad_dst]).reshape(NCHUNK, CHUNK)

    degp = _make_deg_sc()(dst2d)
    dinv, m = _tc0(degp, x, convW[0])

    scatter_sc = _make_scatter_sc()
    hmax = jnp.zeros((N, HID), jnp.float32)
    for i in range(L):
        p = scatter_sc(m, src2d, dst2d)
        cb = convb[i].reshape(1, HID)
        g = bn_g[i].reshape(1, HID)
        bb = bn_b[i].reshape(1, HID)
        if i < L - 1:
            m, hmax = _tc_mid(p, m, dinv, cb, g, bb, convW[i + 1], hmax)
        else:
            out = _tc_final(p, m, dinv, cb, g, bb, linW,
                            linb.reshape(1, OUT), hmax)
    return out

# --- scband reference (transcript-rebuilt; emitter-appended) ---
"""Pipeline reference for scband-jknet-75797582840808 (READ-ONLY COPY).

The authoritative reference and input builder live on the scoring server;
editing this copy changes nothing except your own understanding.
"""

import jax, jax.numpy as jnp
import numpy as np

N = 10000
E = 320000
HID = 128
OUT = 64
L = 5

def setup_inputs(seed: int = 0):
    key = jax.random.key(seed)
    ks = jax.random.split(key, 8)
    x = jax.random.normal(ks[0], (N, HID), dtype=jnp.float32)
    edge_index = jax.random.randint(ks[1], (2, E), 0, N)
    convW = jax.random.normal(ks[2], (L, HID, HID), dtype=jnp.float32) / np.sqrt(HID)
    convb = jax.random.normal(ks[3], (L, HID), dtype=jnp.float32) * 0.01
    bn_g = jnp.ones((L, HID), dtype=jnp.float32)
    bn_b = jnp.zeros((L, HID), dtype=jnp.float32)
    linW = jax.random.normal(ks[4], (HID, OUT), dtype=jnp.float32) / np.sqrt(HID)
    linb = jnp.zeros((OUT,), dtype=jnp.float32)
    return {"x": x, "edge_index": edge_index, "convW": convW, "convb": convb, "bn_g": bn_g, "bn_b": bn_b, "linW": linW, "linb": linb}

def reference(x, edge_index, convW, convb, bn_g, bn_b, linW, linb):
    # GCNConv with add_self_loops=True and symmetric normalization
    src = jnp.concatenate([edge_index[0], jnp.arange(N)])
    dst = jnp.concatenate([edge_index[1], jnp.arange(N)])
    deg = jax.ops.segment_sum(jnp.ones_like(src, dtype=x.dtype), dst, num_segments=N)
    dinv = jax.lax.rsqrt(jnp.maximum(deg, 1.0))
    norm = dinv[src] * dinv[dst]
    xs = []
    h = x
    for i in range(L):
        m = h @ convW[i]
        msg = m[src] * norm[:, None]
        h = jax.ops.segment_sum(msg, dst, num_segments=N) + convb[i]
        # BatchNorm1d with batch statistics (training-mode forward)
        mean = h.mean(axis=0)
        var = h.var(axis=0)
        h = (h - mean) * jax.lax.rsqrt(var + 1e-5) * bn_g[i] + bn_b[i]
        h = jax.nn.relu(h)
        # dropout is identity in eval mode
        xs.append(h)
    # JumpingKnowledge mode='max': elementwise max over layer outputs
    h = jnp.max(jnp.stack(xs, axis=0), axis=0)
    logits = h @ linW + linb
    return jax.nn.log_softmax(logits, axis=-1)

if __name__ == "__main__":
    import jax
    _d = setup_inputs()
    print(jax.jit(kernel)(*tuple(_d.values())))

</pallas_src>

<mosaic_0001>
#map = affine_map<(d0, d1) -> (0, 0)>
#map1 = affine_map<(d0, d1) -> (0, 0, 0)>
module attributes {stable_mosaic.version = 14 : i64} {
  func.func @_deg_sc_body(%arg0: i32, %arg1: i32, %arg2: memref<2560x128xi32, #tpu.memory_space<hbm>>, %arg3: memref<2x10240x128xf32, #tpu.memory_space<hbm>>, %arg4: memref<80x128xi32, #tpu.memory_space<vmem>>, %arg5: memref<128x128xf32, #tpu.memory_space<vmem>>, %arg6: memref<10240x128xf32, #tpu.memory_space<vmem_shared>>, %arg7: memref<!tpu.dma_semaphore, #tpu.memory_space<semaphore_mem>>) attributes {dimension_semantics = [#tpu.dimension_semantics<core_parallel>, #tpu.dimension_semantics<subcore_parallel>], iteration_bounds = array<i64: 2, 16>, scalar_prefetch = 0 : i64, scratch_operands = 4 : i64, tpu.core_type = #tpu.core_type<sc_vector_subcore>, window_params = [{transform_indices = #map}, {transform_indices = #map1}]} {
    %mul3A = arith.constant 2 : i32
    %mul3A_0 = arith.muli %arg1, %mul3A : i32
    %add3A = arith.addi %mul3A_0, %arg0 : i32
    %scan3A = arith.constant 0 : i32
    %scan3A_1 = arith.constant 0 : i32
    %scan3A_2 = arith.constant 128 : i32
    %scan3A_3 = arith.addi %scan3A_1, %scan3A_2 : i32
    %scan3A_4 = arith.constant 1 : i32
    scf.for %scan3A_45 = %scan3A_1 to %scan3A_3 step %scan3A_4  : i32 {
      %broadcast_in_dim3A = arith.constant 0.000000e+00 : f32
      %broadcast_in_dim3A_46 = vector.broadcast %broadcast_in_dim3A : f32 to vector<16xf32>
      %swap3A = arith.index_cast %scan3A_45 : i32 to index
      %swap3A_47 = arith.constant 0 : index
      %swap3A_48 = tpu.vector_load %arg5[%swap3A, %swap3A_47] {strides = array<i32>} : memref<128x128xf32, #tpu.memory_space<vmem>>, vector<1x16xf32>,
      %swap3A_49 = vector.shape_cast %swap3A_48 : vector<1x16xf32> to vector<16xf32>
      %swap3A_50 = vector.shape_cast %broadcast_in_dim3A_46 : vector<16xf32> to vector<1x16xf32>
      tpu.vector_store %arg5[%swap3A, %swap3A_47], %swap3A_50 {strides = array<i32>} : memref<128x128xf32, #tpu.memory_space<vmem>>, vector<1x16xf32>,
      %broadcast_in_dim3A_51 = arith.constant 0.000000e+00 : f32
      %broadcast_in_dim3A_52 = vector.broadcast %broadcast_in_dim3A_51 : f32 to vector<16xf32>
      %swap3A_53 = arith.index_cast %scan3A_45 : i32 to index
      %swap3A_54 = arith.constant 16 : index
      %swap3A_55 = tpu.vector_load %arg5[%swap3A_53, %swap3A_54] {strides = array<i32>} : memref<128x128xf32, #tpu.memory_space<vmem>>, vector<1x16xf32>,
      %swap3A_56 = vector.shape_cast %swap3A_55 : vector<1x16xf32> to vector<16xf32>
      %swap3A_57 = vector.shape_cast %broadcast_in_dim3A_52 : vector<16xf32> to vector<1x16xf32>
      tpu.vector_store %arg5[%swap3A_53, %swap3A_54], %swap3A_57 {strides = array<i32>} : memref<128x128xf32, #tpu.memory_space<vmem>>, vector<1x16xf32>,
      %broadcast_in_dim3A_58 = arith.constant 0.000000e+00 : f32
      %broadcast_in_dim3A_59 = vector.broadcast %broadcast_in_dim3A_58 : f32 to vector<16xf32>
      %swap3A_60 = arith.index_cast %scan3A_45 : i32 to index
      %swap3A_61 = arith.constant 32 : index
      %swap3A_62 = tpu.vector_load %arg5[%swap3A_60, %swap3A_61] {strides = array<i32>} : memref<128x128xf32, #tpu.memory_space<vmem>>, vector<1x16xf32>,
      %swap3A_63 = vector.shape_cast %swap3A_62 : vector<1x16xf32> to vector<16xf32>
      %swap3A_64 = vector.shape_cast %broadcast_in_dim3A_59 : vector<16xf32> to vector<1x16xf32>
      tpu.vector_store %arg5[%swap3A_60, %swap3A_61], %swap3A_64 {strides = array<i32>} : memref<128x128xf32, #tpu.memory_space<vmem>>, vector<1x16xf32>,
      %broadcast_in_dim3A_65 = arith.constant 0.000000e+00 : f32
      %broadcast_in_dim3A_66 = vector.broadcast %broadcast_in_dim3A_65 : f32 to vector<16xf32>
      %swap3A_67 = arith.index_cast %scan3A_45 : i32 to index
      %swap3A_68 = arith.constant 48 : index
      %swap3A_69 = tpu.vector_load %arg5[%swap3A_67, %swap3A_68] {strides = array<i32>} : memref<128x128xf32, #tpu.memory_space<vmem>>, vector<1x16xf32>,
      %swap3A_70 = vector.shape_cast %swap3A_69 : vector<1x16xf32> to vector<16xf32>
      %swap3A_71 = vector.shape_cast %broadcast_in_dim3A_66 : vector<16xf32> to vector<1x16xf32>
      tpu.vector_store %arg5[%swap3A_67, %swap3A_68], %swap3A_71 {strides = array<i32>} : memref<128x128xf32, #tpu.memory_space<vmem>>, vector<1x16xf32>,
      %broadcast_in_dim3A_72 = arith.constant 0.000000e+00 : f32
      %broadcast_in_dim3A_73 = vector.broadcast %broadcast_in_dim3A_72 : f32 to vector<16xf32>
      %swap3A_74 = arith.index_cast %scan3A_45 : i32 to index
      %swap3A_75 = arith.constant 64 : index
      %swap3A_76 = tpu.vector_load %arg5[%swap3A_74, %swap3A_75] {strides = array<i32>} : memref<128x128xf32, #tpu.memory_space<vmem>>, vector<1x16xf32>,
      %swap3A_77 = vector.shape_cast %swap3A_76 : vector<1x16xf32> to vector<16xf32>
      %swap3A_78 = vector.shape_cast %broadcast_in_dim3A_73 : vector<16xf32> to vector<1x16xf32>
      tpu.vector_store %arg5[%swap3A_74, %swap3A_75], %swap3A_78 {strides = array<i32>} : memref<128x128xf32, #tpu.memory_space<vmem>>, vector<1x16xf32>,
      %broadcast_in_dim3A_79 = arith.constant 0.000000e+00 : f32
      %broadcast_in_dim3A_80 = vector.broadcast %broadcast_in_dim3A_79 : f32 to vector<16xf32>
      %swap3A_81 = arith.index_cast %scan3A_45 : i32 to index
      %swap3A_82 = arith.constant 80 : index
      %swap3A_83 = tpu.vector_load %arg5[%swap3A_81, %swap3A_82] {strides = array<i32>} : memref<128x128xf32, #tpu.memory_space<vmem>>, vector<1x16xf32>,
      %swap3A_84 = vector.shape_cast %swap3A_83 : vector<1x16xf32> to vector<16xf32>
      %swap3A_85 = vector.shape_cast %broadcast_in_dim3A_80 : vector<16xf32> to vector<1x16xf32>
      tpu.vector_store %arg5[%swap3A_81, %swap3A_82], %swap3A_85 {strides = array<i32>} : memref<128x128xf32, #tpu.memory_space<vmem>>, vector<1x16xf32>,
      %broadcast_in_dim3A_86 = arith.constant 0.000000e+00 : f32
      %broadcast_in_dim3A_87 = vector.broadcast %broadcast_in_dim3A_86 : f32 to vector<16xf32>
      %swap3A_88 = arith.index_cast %scan3A_45 : i32 to index
      %swap3A_89 = arith.constant 96 : index
      %swap3A_90 = tpu.vector_load %arg5[%swap3A_88, %swap3A_89] {strides = array<i32>} : memref<128x128xf32, #tpu.memory_space<vmem>>, vector<1x16xf32>,
      %swap3A_91 = vector.shape_cast %swap3A_90 : vector<1x16xf32> to vector<16xf32>
      %swap3A_92 = vector.shape_cast %broadcast_in_dim3A_87 : vector<16xf32> to vector<1x16xf32>
      tpu.vector_store %arg5[%swap3A_88, %swap3A_89], %swap3A_92 {strides = array<i32>} : memref<128x128xf32, #tpu.memory_space<vmem>>, vector<1x16xf32>,
      %broadcast_in_dim3A_93 = arith.constant 0.000000e+00 : f32
      %broadcast_in_dim3A_94 = vector.broadcast %broadcast_in_dim3A_93 : f32 to vector<16xf32>
      %swap3A_95 = arith.index_cast %scan3A_45 : i32 to index
      %swap3A_96 = arith.constant 112 : index
      %swap3A_97 = tpu.vector_load %arg5[%swap3A_95, %swap3A_96] {strides = array<i32>} : memref<128x128xf32, #tpu.memory_space<vmem>>, vector<1x16xf32>,
      %swap3A_98 = vector.shape_cast %swap3A_97 : vector<1x16xf32> to vector<16xf32>
      %swap3A_99 = vector.shape_cast %broadcast_in_dim3A_94 : vector<16xf32> to vector<1x16xf32>
      tpu.vector_store %arg5[%swap3A_95, %swap3A_96], %swap3A_99 {strides = array<i32>} : memref<128x128xf32, #tpu.memory_space<vmem>>, vector<1x16xf32>,
    }
    %scan3A_5 = arith.constant 128 : i32
    %mul3A_6 = arith.constant 640 : i32
    %mul3A_7 = arith.muli %arg1, %mul3A_6 : i32
    %add3A_8 = arith.constant 0 : i32
    %add3A_9 = arith.addi %mul3A_7, %add3A_8 : i32
    "tpu.region"() ({
      %run_scoped3A = tpu.sem_alloc : memref<!tpu.dma_semaphore, #tpu.memory_space<semaphore_mem>>
      %dma_start3A = arith.constant 0 : i32
      %dma_start3A_45 = tpu.memref_slice %arg6[%add3A_9, %dma_start3A] : memref<10240x128xf32, #tpu.memory_space<vmem_shared>> -> memref<128x128xf32, #tpu.memory_space<vmem_shared>>
      %dma_start3A_46 = arith.constant 0 : i32
      %dma_start3A_47 = tpu.memref_slice %arg6[%add3A_9, %dma_start3A_46] : memref<10240x128xf32, #tpu.memory_space<vmem_shared>> -> memref<128x128xf32, #tpu.memory_space<vmem_shared>>
      tpu.enqueue_dma source(%arg5 : memref<128x128xf32, #tpu.memory_space<vmem>>) target(%dma_start3A_47 : memref<128x128xf32, #tpu.memory_space<vmem_shared>>) target_semaphore(%run_scoped3A : memref<!tpu.dma_semaphore, #tpu.memory_space<semaphore_mem>>)
      %dma_wait3A = arith.constant 0 : i32
      %dma_wait3A_48 = tpu.memref_slice %arg6[%add3A_9, %dma_wait3A] : memref<10240x128xf32, #tpu.memory_space<vmem_shared>> -> memref<128x128xf32, #tpu.memory_space<vmem_shared>>
      %dma_wait3A_49 = arith.constant 0 : i32
      %dma_wait3A_50 = tpu.memref_slice %arg6[%add3A_9, %dma_wait3A_49] : memref<10240x128xf32, #tpu.memory_space<vmem_shared>> -> memref<128x128xf32, #tpu.memory_space<vmem_shared>>
      tpu.wait_dma2 semaphore(%run_scoped3A : memref<!tpu.dma_semaphore, #tpu.memory_space<semaphore_mem>>) src(%arg5 : memref<128x128xf32, #tpu.memory_space<vmem>>) dst(%dma_wait3A_50 : memref<128x128xf32, #tpu.memory_space<vmem_shared>>)
      tpu.yield
    }) : () -> ()
    %mul3A_10 = arith.constant 640 : i32
    %mul3A_11 = arith.muli %arg1, %mul3A_10 : i32
    %add3A_12 = arith.constant 128 : i32
    %add3A_13 = arith.addi %mul3A_11, %add3A_12 : i32
    "tpu.region"() ({
      %run_scoped3A = tpu.sem_alloc : memref<!tpu.dma_semaphore, #tpu.memory_space<semaphore_mem>>
      %dma_start3A = arith.constant 0 : i32
      %dma_start3A_45 = tpu.memref_slice %arg6[%add3A_13, %dma_start3A] : memref<10240x128xf32, #tpu.memory_space<vmem_shared>> -> memref<128x128xf32, #tpu.memory_space<vmem_shared>>
      %dma_start3A_46 = arith.constant 0 : i32
      %dma_start3A_47 = tpu.memref_slice %arg6[%add3A_13, %dma_start3A_46] : memref<10240x128xf32, #tpu.memory_space<vmem_shared>> -> memref<128x128xf32, #tpu.memory_space<vmem_shared>>
      tpu.enqueue_dma source(%arg5 : memref<128x128xf32, #tpu.memory_space<vmem>>) target(%dma_start3A_47 : memref<128x128xf32, #tpu.memory_space<vmem_shared>>) target_semaphore(%run_scoped3A : memref<!tpu.dma_semaphore, #tpu.memory_space<semaphore_mem>>)
      %dma_wait3A = arith.constant 0 : i32
      %dma_wait3A_48 = tpu.memref_slice %arg6[%add3A_13, %dma_wait3A] : memref<10240x128xf32, #tpu.memory_space<vmem_shared>> -> memref<128x128xf32, #tpu.memory_space<vmem_shared>>
      %dma_wait3A_49 = arith.constant 0 : i32
      %dma_wait3A_50 = tpu.memref_slice %arg6[%add3A_13, %dma_wait3A_49] : memref<10240x128xf32, #tpu.memory_space<vmem_shared>> -> memref<128x128xf32, #tpu.memory_space<vmem_shared>>
      tpu.wait_dma2 semaphore(%run_scoped3A : memref<!tpu.dma_semaphore, #tpu.memory_space<semaphore_mem>>) src(%arg5 : memref<128x128xf32, #tpu.memory_space<vmem>>) dst(%dma_wait3A_50 : memref<128x128xf32, #tpu.memory_space<vmem_shared>>)
      tpu.yield
    }) : () -> ()
    %mul3A_14 = arith.constant 640 : i32
    %mul3A_15 = arith.muli %arg1, %mul3A_14 : i32
    %add3A_16 = arith.constant 256 : i32
    %add3A_17 = arith.addi %mul3A_15, %add3A_16 : i32
    "tpu.region"() ({
      %run_scoped3A = tpu.sem_alloc : memref<!tpu.dma_semaphore, #tpu.memory_space<semaphore_mem>>
      %dma_start3A = arith.constant 0 : i32
      %dma_start3A_45 = tpu.memref_slice %arg6[%add3A_17, %dma_start3A] : memref<10240x128xf32, #tpu.memory_space<vmem_shared>> -> memref<128x128xf32, #tpu.memory_space<vmem_shared>>
      %dma_start3A_46 = arith.constant 0 : i32
      %dma_start3A_47 = tpu.memref_slice %arg6[%add3A_17, %dma_start3A_46] : memref<10240x128xf32, #tpu.memory_space<vmem_shared>> -> memref<128x128xf32, #tpu.memory_space<vmem_shared>>
      tpu.enqueue_dma source(%arg5 : memref<128x128xf32, #tpu.memory_space<vmem>>) target(%dma_start3A_47 : memref<128x128xf32, #tpu.memory_space<vmem_shared>>) target_semaphore(%run_scoped3A : memref<!tpu.dma_semaphore, #tpu.memory_space<semaphore_mem>>)
      %dma_wait3A = arith.constant 0 : i32
      %dma_wait3A_48 = tpu.memref_slice %arg6[%add3A_17, %dma_wait3A] : memref<10240x128xf32, #tpu.memory_space<vmem_shared>> -> memref<128x128xf32, #tpu.memory_space<vmem_shared>>
      %dma_wait3A_49 = arith.constant 0 : i32
      %dma_wait3A_50 = tpu.memref_slice %arg6[%add3A_17, %dma_wait3A_49] : memref<10240x128xf32, #tpu.memory_space<vmem_shared>> -> memref<128x128xf32, #tpu.memory_space<vmem_shared>>
      tpu.wait_dma2 semaphore(%run_scoped3A : memref<!tpu.dma_semaphore, #tpu.memory_space<semaphore_mem>>) src(%arg5 : memref<128x128xf32, #tpu.memory_space<vmem>>) dst(%dma_wait3A_50 : memref<128x128xf32, #tpu.memory_space<vmem_shared>>)
      tpu.yield
    }) : () -> ()
    %mul3A_18 = arith.constant 640 : i32
    %mul3A_19 = arith.muli %arg1, %mul3A_18 : i32
    %add3A_20 = arith.constant 384 : i32
    %add3A_21 = arith.addi %mul3A_19, %add3A_20 : i32
    "tpu.region"() ({
      %run_scoped3A = tpu.sem_alloc : memref<!tpu.dma_semaphore, #tpu.memory_space<semaphore_mem>>
      %dma_start3A = arith.constant 0 : i32
      %dma_start3A_45 = tpu.memref_slice %arg6[%add3A_21, %dma_start3A] : memref<10240x128xf32, #tpu.memory_space<vmem_shared>> -> memref<128x128xf32, #tpu.memory_space<vmem_shared>>
      %dma_start3A_46 = arith.constant 0 : i32
      %dma_start3A_47 = tpu.memref_slice %arg6[%add3A_21, %dma_start3A_46] : memref<10240x128xf32, #tpu.memory_space<vmem_shared>> -> memref<128x128xf32, #tpu.memory_space<vmem_shared>>
      tpu.enqueue_dma source(%arg5 : memref<128x128xf32, #tpu.memory_space<vmem>>) target(%dma_start3A_47 : memref<128x128xf32, #tpu.memory_space<vmem_shared>>) target_semaphore(%run_scoped3A : memref<!tpu.dma_semaphore, #tpu.memory_space<semaphore_mem>>)
      %dma_wait3A = arith.constant 0 : i32
      %dma_wait3A_48 = tpu.memref_slice %arg6[%add3A_21, %dma_wait3A] : memref<10240x128xf32, #tpu.memory_space<vmem_shared>> -> memref<128x128xf32, #tpu.memory_space<vmem_shared>>
      %dma_wait3A_49 = arith.constant 0 : i32
      %dma_wait3A_50 = tpu.memref_slice %arg6[%add3A_21, %dma_wait3A_49] : memref<10240x128xf32, #tpu.memory_space<vmem_shared>> -> memref<128x128xf32, #tpu.memory_space<vmem_shared>>
      tpu.wait_dma2 semaphore(%run_scoped3A : memref<!tpu.dma_semaphore, #tpu.memory_space<semaphore_mem>>) src(%arg5 : memref<128x128xf32, #tpu.memory_space<vmem>>) dst(%dma_wait3A_50 : memref<128x128xf32, #tpu.memory_space<vmem_shared>>)
      tpu.yield
    }) : () -> ()
    %mul3A_22 = arith.constant 640 : i32
    %mul3A_23 = arith.muli %arg1, %mul3A_22 : i32
    %add3A_24 = arith.constant 512 : i32
    %add3A_25 = arith.addi %mul3A_23, %add3A_24 : i32
    "tpu.region"() ({
      %run_scoped3A = tpu.sem_alloc : memref<!tpu.dma_semaphore, #tpu.memory_space<semaphore_mem>>
      %dma_start3A = arith.constant 0 : i32
      %dma_start3A_45 = tpu.memref_slice %arg6[%add3A_25, %dma_start3A] : memref<10240x128xf32, #tpu.memory_space<vmem_shared>> -> memref<128x128xf32, #tpu.memory_space<vmem_shared>>
      %dma_start3A_46 = arith.constant 0 : i32
      %dma_start3A_47 = tpu.memref_slice %arg6[%add3A_25, %dma_start3A_46] : memref<10240x128xf32, #tpu.memory_space<vmem_shared>> -> memref<128x128xf32, #tpu.memory_space<vmem_shared>>
      tpu.enqueue_dma source(%arg5 : memref<128x128xf32, #tpu.memory_space<vmem>>) target(%dma_start3A_47 : memref<128x128xf32, #tpu.memory_space<vmem_shared>>) target_semaphore(%run_scoped3A : memref<!tpu.dma_semaphore, #tpu.memory_space<semaphore_mem>>)
      %dma_wait3A = arith.constant 0 : i32
      %dma_wait3A_48 = tpu.memref_slice %arg6[%add3A_25, %dma_wait3A] : memref<10240x128xf32, #tpu.memory_space<vmem_shared>> -> memref<128x128xf32, #tpu.memory_space<vmem_shared>>
      %dma_wait3A_49 = arith.constant 0 : i32
      %dma_wait3A_50 = tpu.memref_slice %arg6[%add3A_25, %dma_wait3A_49] : memref<10240x128xf32, #tpu.memory_space<vmem_shared>> -> memref<128x128xf32, #tpu.memory_space<vmem_shared>>
      tpu.wait_dma2 semaphore(%run_scoped3A : memref<!tpu.dma_semaphore, #tpu.memory_space<semaphore_mem>>) src(%arg5 : memref<128x128xf32, #tpu.memory_space<vmem>>) dst(%dma_wait3A_50 : memref<128x128xf32, #tpu.memory_space<vmem_shared>>)
      tpu.yield
    }) : () -> ()
    %scan3A_26 = arith.constant 0 : i32
    %scan3A_27 = arith.constant 0 : i32
    %scan3A_28 = arith.constant 128 : i32
    %scan3A_29 = arith.addi %scan3A_27, %scan3A_28 : i32
    %scan3A_30 = arith.constant 1 : i32
    scf.for %scan3A_45 = %scan3A_27 to %scan3A_29 step %scan3A_30  : i32 {
      %broadcast_in_dim3A = arith.constant 1.000000e+00 : f32
      %broadcast_in_dim3A_46 = vector.broadcast %broadcast_in_dim3A : f32 to vector<16xf32>
      %swap3A = arith.index_cast %scan3A_45 : i32 to index
      %swap3A_47 = arith.constant 0 : index
      %swap3A_48 = tpu.vector_load %arg5[%swap3A, %swap3A_47] {strides = array<i32>} : memref<128x128xf32, #tpu.memory_space<vmem>>, vector<1x16xf32>,
      %swap3A_49 = vector.shape_cast %swap3A_48 : vector<1x16xf32> to vector<16xf32>
      %swap3A_50 = vector.shape_cast %broadcast_in_dim3A_46 : vector<16xf32> to vector<1x16xf32>
      tpu.vector_store %arg5[%swap3A, %swap3A_47], %swap3A_50 {strides = array<i32>} : memref<128x128xf32, #tpu.memory_space<vmem>>, vector<1x16xf32>,
      %broadcast_in_dim3A_51 = arith.constant 1.000000e+00 : f32
      %broadcast_in_dim3A_52 = vector.broadcast %broadcast_in_dim3A_51 : f32 to vector<16xf32>
      %swap3A_53 = arith.index_cast %scan3A_45 : i32 to index
      %swap3A_54 = arith.constant 16 : index
      %swap3A_55 = tpu.vector_load %arg5[%swap3A_53, %swap3A_54] {strides = array<i32>} : memref<128x128xf32, #tpu.memory_space<vmem>>, vector<1x16xf32>,
      %swap3A_56 = vector.shape_cast %swap3A_55 : vector<1x16xf32> to vector<16xf32>
      %swap3A_57 = vector.shape_cast %broadcast_in_dim3A_52 : vector<16xf32> to vector<1x16xf32>
      tpu.vector_store %arg5[%swap3A_53, %swap3A_54], %swap3A_57 {strides = array<i32>} : memref<128x128xf32, #tpu.memory_space<vmem>>, vector<1x16xf32>,
      %broadcast_in_dim3A_58 = arith.constant 1.000000e+00 : f32
      %broadcast_in_dim3A_59 = vector.broadcast %broadcast_in_dim3A_58 : f32 to vector<16xf32>
      %swap3A_60 = arith.index_cast %scan3A_45 : i32 to index
      %swap3A_61 = arith.constant 32 : index
      %swap3A_62 = tpu.vector_load %arg5[%swap3A_60, %swap3A_61] {strides = array<i32>} : memref<128x128xf32, #tpu.memory_space<vmem>>, vector<1x16xf32>,
      %swap3A_63 = vector.shape_cast %swap3A_62 : vector<1x16xf32> to vector<16xf32>
      %swap3A_64 = vector.shape_cast %broadcast_in_dim3A_59 : vector<16xf32> to vector<1x16xf32>
      tpu.vector_store %arg5[%swap3A_60, %swap3A_61], %swap3A_64 {strides = array<i32>} : memref<128x128xf32, #tpu.memory_space<vmem>>, vector<1x16xf32>,
      %broadcast_in_dim3A_65 = arith.constant 1.000000e+00 : f32
      %broadcast_in_dim3A_66 = vector.broadcast %broadcast_in_dim3A_65 : f32 to vector<16xf32>
      %swap3A_67 = arith.index_cast %scan3A_45 : i32 to index
      %swap3A_68 = arith.constant 48 : index
      %swap3A_69 = tpu.vector_load %arg5[%swap3A_67, %swap3A_68] {strides = array<i32>} : memref<128x128xf32, #tpu.memory_space<vmem>>, vector<1x16xf32>,
      %swap3A_70 = vector.shape_cast %swap3A_69 : vector<1x16xf32> to vector<16xf32>
      %swap3A_71 = vector.shape_cast %broadcast_in_dim3A_66 : vector<16xf32> to vector<1x16xf32>
      tpu.vector_store %arg5[%swap3A_67, %swap3A_68], %swap3A_71 {strides = array<i32>} : memref<128x128xf32, #tpu.memory_space<vmem>>, vector<1x16xf32>,
      %broadcast_in_dim3A_72 = arith.constant 1.000000e+00 : f32
      %broadcast_in_dim3A_73 = vector.broadcast %broadcast_in_dim3A_72 : f32 to vector<16xf32>
      %swap3A_74 = arith.index_cast %scan3A_45 : i32 to index
      %swap3A_75 = arith.constant 64 : index
      %swap3A_76 = tpu.vector_load %arg5[%swap3A_74, %swap3A_75] {strides = array<i32>} : memref<128x128xf32, #tpu.memory_space<vmem>>, vector<1x16xf32>,
      %swap3A_77 = vector.shape_cast %swap3A_76 : vector<1x16xf32> to vector<16xf32>
      %swap3A_78 = vector.shape_cast %broadcast_in_dim3A_73 : vector<16xf32> to vector<1x16xf32>
      tpu.vector_store %arg5[%swap3A_74, %swap3A_75], %swap3A_78 {strides = array<i32>} : memref<128x128xf32, #tpu.memory_space<vmem>>, vector<1x16xf32>,
      %broadcast_in_dim3A_79 = arith.constant 1.000000e+00 : f32
      %broadcast_in_dim3A_80 = vector.broadcast %broadcast_in_dim3A_79 : f32 to vector<16xf32>
      %swap3A_81 = arith.index_cast %scan3A_45 : i32 to index
      %swap3A_82 = arith.constant 80 : index
      %swap3A_83 = tpu.vector_load %arg5[%swap3A_81, %swap3A_82] {strides = array<i32>} : memref<128x128xf32, #tpu.memory_space<vmem>>, vector<1x16xf32>,
      %swap3A_84 = vector.shape_cast %swap3A_83 : vector<1x16xf32> to vector<16xf32>
      %swap3A_85 = vector.shape_cast %broadcast_in_dim3A_80 : vector<16xf32> to vector<1x16xf32>
      tpu.vector_store %arg5[%swap3A_81, %swap3A_82], %swap3A_85 {strides = array<i32>} : memref<128x128xf32, #tpu.memory_space<vmem>>, vector<1x16xf32>,
      %broadcast_in_dim3A_86 = arith.constant 1.000000e+00 : f32
      %broadcast_in_dim3A_87 = vector.broadcast %broadcast_in_dim3A_86 : f32 to vector<16xf32>
      %swap3A_88 = arith.index_cast %scan3A_45 : i32 to index
      %swap3A_89 = arith.constant 96 : index
      %swap3A_90 = tpu.vector_load %arg5[%swap3A_88, %swap3A_89] {strides = array<i32>} : memref<128x128xf32, #tpu.memory_space<vmem>>, vector<1x16xf32>,
      %swap3A_91 = vector.shape_cast %swap3A_90 : vector<1x16xf32> to vector<16xf32>
      %swap3A_92 = vector.shape_cast %broadcast_in_dim3A_87 : vector<16xf32> to vector<1x16xf32>
      tpu.vector_store %arg5[%swap3A_88, %swap3A_89], %swap3A_92 {strides = array<i32>} : memref<128x128xf32, #tpu.memory_space<vmem>>, vector<1x16xf32>,
      %broadcast_in_dim3A_93 = arith.constant 1.000000e+00 : f32
      %broadcast_in_dim3A_94 = vector.broadcast %broadcast_in_dim3A_93 : f32 to vector<16xf32>
      %swap3A_95 = arith.index_cast %scan3A_45 : i32 to index
      %swap3A_96 = arith.constant 112 : index
      %swap3A_97 = tpu.vector_load %arg5[%swap3A_95, %swap3A_96] {strides = array<i32>} : memref<128x128xf32, #tpu.memory_space<vmem>>, vector<1x16xf32>,
      %swap3A_98 = vector.shape_cast %swap3A_97 : vector<1x16xf32> to vector<16xf32>
      %swap3A_99 = vector.shape_cast %broadcast_in_dim3A_94 : vector<16xf32> to vector<1x16xf32>
      tpu.vector_store %arg5[%swap3A_95, %swap3A_96], %swap3A_99 {strides = array<i32>} : memref<128x128xf32, #tpu.memory_space<vmem>>, vector<1x16xf32>,
    }
    %scan3A_31 = arith.constant 128 : i32
    %mul3A_32 = arith.constant 80 : i32
    %mul3A_33 = arith.muli %add3A, %mul3A_32 : i32
    "tpu.region"() ({
      %run_scoped3A = tpu.sem_alloc : memref<!tpu.dma_semaphore, #tpu.memory_space<semaphore_mem>>
      %dma_start3A = arith.constant 0 : i32
      %dma_start3A_45 = tpu.memref_slice %arg2[%mul3A_33, %dma_start3A] : memref<2560x128xi32, #tpu.memory_space<hbm>> -> memref<80x128xi32, #tpu.memory_space<hbm>>
      %dma_start3A_46 = arith.constant 0 : i32
      %dma_start3A_47 = tpu.memref_slice %arg2[%mul3A_33, %dma_start3A_46] : memref<2560x128xi32, #tpu.memory_space<hbm>> -> memref<80x128xi32, #tpu.memory_space<hbm>>
      tpu.enqueue_dma source(%dma_start3A_47 : memref<80x128xi32, #tpu.memory_space<hbm>>) target(%arg4 : memref<80x128xi32, #tpu.memory_space<vmem>>) target_semaphore(%run_scoped3A : memref<!tpu.dma_semaphore, #tpu.memory_space<semaphore_mem>>)
      %dma_wait3A = arith.constant 0 : i32
      %dma_wait3A_48 = tpu.memref_slice %arg2[%mul3A_33, %dma_wait3A] : memref<2560x128xi32, #tpu.memory_space<hbm>> -> memref<80x128xi32, #tpu.memory_space<hbm>>
      %dma_wait3A_49 = arith.constant 0 : i32
      %dma_wait3A_50 = tpu.memref_slice %arg2[%mul3A_33, %dma_wait3A_49] : memref<2560x128xi32, #tpu.memory_space<hbm>> -> memref<80x128xi32, #tpu.memory_space<hbm>>
      tpu.wait_dma2 semaphore(%run_scoped3A : memref<!tpu.dma_semaphore, #tpu.memory_space<semaphore_mem>>) src(%dma_wait3A_50 : memref<80x128xi32, #tpu.memory_space<hbm>>) dst(%arg4 : memref<80x128xi32, #tpu.memory_space<vmem>>)
      tpu.yield
    }) : () -> ()
    %barrier3A = arith.constant 0 : index
    tpu.barrier barrier_id(%barrier3A)
    %scan3A_34 = arith.constant 0 : i32
    %scan3A_35 = arith.constant 0 : i32
    %scan3A_36 = arith.constant 80 : i32
    %scan3A_37 = arith.addi %scan3A_35, %scan3A_36 : i32
    %scan3A_38 = arith.constant 1 : i32
    scf.for %scan3A_45 = %scan3A_35 to %scan3A_37 step %scan3A_38  : i32 {
      "tpu.region"() ({
        %run_scoped3A = tpu.sem_alloc : memref<!tpu.dma_semaphore, #tpu.memory_space<semaphore_mem>>
        %dma_start3A = arith.constant 0 : i32
        %dma_start3A_46 = tpu.memref_slice %arg4[%scan3A_45, %dma_start3A] : memref<80x128xi32, #tpu.memory_space<vmem>> -> memref<1x128xi32, #tpu.memory_space<vmem>>
        %dma_start3A_47 = tpu.memref_squeeze %dma_start3A_46 : memref<1x128xi32, #tpu.memory_space<vmem>> -> memref<128xi32, #tpu.memory_space<vmem>>
        %dma_start3A_48 = arith.constant 0 : i32
        %dma_start3A_49 = arith.constant 0 : i32
        %dma_start3A_50 = tpu.memref_slice %arg6[%dma_start3A_48, %dma_start3A_49] : memref<10240x128xf32, #tpu.memory_space<vmem_shared>> -> memref<10240x128xf32, #tpu.memory_space<vmem_shared>>
        tpu.enqueue_indirect_dma source(%arg5 : memref<128x128xf32, #tpu.memory_space<vmem>>) target(%dma_start3A_50 : memref<10240x128xf32, #tpu.memory_space<vmem_shared>>) offsets(%dma_start3A_47 : memref<128xi32, #tpu.memory_space<vmem>>) semaphore(%run_scoped3A : memref<!tpu.dma_semaphore, #tpu.memory_space<semaphore_mem>>) {add = true}
        %dma_wait3A = arith.constant 0 : i32
        %dma_wait3A_51 = tpu.memref_slice %arg4[%scan3A_45, %dma_wait3A] : memref<80x128xi32, #tpu.memory_space<vmem>> -> memref<1x128xi32, #tpu.memory_space<vmem>>
        %dma_wait3A_52 = tpu.memref_squeeze %dma_wait3A_51 : memref<1x128xi32, #tpu.memory_space<vmem>> -> memref<128xi32, #tpu.memory_space<vmem>>
        %dma_wait3A_53 = arith.constant 0 : i32
        %dma_wait3A_54 = arith.constant 0 : i32
        %dma_wait3A_55 = tpu.memref_slice %arg6[%dma_wait3A_53, %dma_wait3A_54] : memref<10240x128xf32, #tpu.memory_space<vmem_shared>> -> memref<10240x128xf32, #tpu.memory_space<vmem_shared>>
        tpu.wait_indirect_dma semaphore(%run_scoped3A : memref<!tpu.dma_semaphore, #tpu.memory_space<semaphore_mem>>) src(%arg5 : memref<128x128xf32, #tpu.memory_space<vmem>>) dst(%dma_wait3A_55 : memref<10240x128xf32, #tpu.memory_space<vmem_shared>>)
        tpu.yield
      }) : () -> ()
    }
    %scan3A_39 = arith.constant 80 : i32
    %barrier3A_40 = arith.constant 0 : index
    tpu.barrier barrier_id(%barrier3A_40)
    %mul3A_41 = arith.constant 640 : i32
    %mul3A_42 = arith.muli %arg1, %mul3A_41 : i32
    %mul3A_43 = arith.constant 640 : i32
    %mul3A_44 = arith.muli %arg1, %mul3A_43 : i32
    "tpu.region"() ({
      %run_scoped3A = tpu.sem_alloc : memref<!tpu.dma_semaphore, #tpu.memory_space<semaphore_mem>>
      %dma_start3A = arith.constant 0 : i32
      %dma_start3A_45 = tpu.memref_slice %arg3[%arg0, %mul3A_44, %dma_start3A] : memref<2x10240x128xf32, #tpu.memory_space<hbm>> -> memref<1x640x128xf32, #tpu.memory_space<hbm>>
      %dma_start3A_46 = tpu.memref_squeeze %dma_start3A_45 : memref<1x640x128xf32, #tpu.memory_space<hbm>> -> memref<640x128xf32, #tpu.memory_space<hbm>>
      %dma_start3A_47 = arith.constant 0 : i32
      %dma_start3A_48 = tpu.memref_slice %arg6[%mul3A_42, %dma_start3A_47] : memref<10240x128xf32, #tpu.memory_space<vmem_shared>> -> memref<640x128xf32, #tpu.memory_space<vmem_shared>>
      tpu.enqueue_dma source(%dma_start3A_48 : memref<640x128xf32, #tpu.memory_space<vmem_shared>>) target(%dma_start3A_46 : memref<640x128xf32, #tpu.memory_space<hbm>>) target_semaphore(%run_scoped3A : memref<!tpu.dma_semaphore, #tpu.memory_space<semaphore_mem>>)
      %dma_wait3A = arith.constant 0 : i32
      %dma_wait3A_49 = tpu.memref_slice %arg3[%arg0, %mul3A_44, %dma_wait3A] : memref<2x10240x128xf32, #tpu.memory_space<hbm>> -> memref<1x640x128xf32, #tpu.memory_space<hbm>>
      %dma_wait3A_50 = tpu.memref_squeeze %dma_wait3A_49 : memref<1x640x128xf32, #tpu.memory_space<hbm>> -> memref<640x128xf32, #tpu.memory_space<hbm>>
      %dma_wait3A_51 = arith.constant 0 : i32
      %dma_wait3A_52 = tpu.memref_slice %arg6[%mul3A_42, %dma_wait3A_51] : memref<10240x128xf32, #tpu.memory_space<vmem_shared>> -> memref<640x128xf32, #tpu.memory_space<vmem_shared>>
      tpu.wait_dma2 semaphore(%run_scoped3A : memref<!tpu.dma_semaphore, #tpu.memory_space<semaphore_mem>>) src(%dma_wait3A_52 : memref<640x128xf32, #tpu.memory_space<vmem_shared>>) dst(%dma_wait3A_50 : memref<640x128xf32, #tpu.memory_space<hbm>>)
      tpu.yield
    }) : () -> ()
    return
  }
}

#map = affine_map<(d0, d1) -> (0, 0)>
#map1 = affine_map<(d0, d1) -> (0, 0, 0)>
module attributes {stable_mosaic.version = 14 : i64} {
  func.func @_scatter_sc_body(%arg0: i32, %arg1: i32, %arg2: memref<10000x128xf32, #tpu.memory_space<hbm>>, %arg3: memref<2560x128xi32, #tpu.memory_space<hbm>>, %arg4: memref<2560x128xi32, #tpu.memory_space<hbm>>, %arg5: memref<2x10240x128xf32, #tpu.memory_space<hbm>>, %arg6: memref<40x128xi32, #tpu.memory_space<vmem>>, %arg7: memref<40x128xi32, #tpu.memory_space<vmem>>, %arg8: memref<128x128xf32, #tpu.memory_space<vmem>>, %arg9: memref<128x128xf32, #tpu.memory_space<vmem>>, %arg10: memref<10240x128xf32, #tpu.memory_space<vmem_shared>>, %arg11: memref<!tpu.dma_semaphore, #tpu.memory_space<semaphore_mem>>, %arg12: memref<!tpu.dma_semaphore, #tpu.memory_space<semaphore_mem>>, %arg13: memref<!tpu.dma_semaphore, #tpu.memory_space<semaphore_mem>>, %arg14: memref<!tpu.dma_semaphore, #tpu.memory_space<semaphore_mem>>) attributes {dimension_semantics = [#tpu.dimension_semantics<core_parallel>, #tpu.dimension_semantics<subcore_parallel>], iteration_bounds = array<i64: 2, 16>, scalar_prefetch = 0 : i64, scratch_operands = 9 : i64, tpu.core_type = #tpu.core_type<sc_vector_subcore>, window_params = [{transform_indices = #map}, {transform_indices = #map}, {transform_indices = #map}, {transform_indices = #map1}]} {
    %mul3A = arith.constant 2 : i32
    %mul3A_0 = arith.muli %arg1, %mul3A : i32
    %add3A = arith.addi %mul3A_0, %arg0 : i32
    %scan3A = arith.constant 0 : i32
    %scan3A_1 = arith.constant 0 : i32
    %scan3A_2 = arith.constant 128 : i32
    %scan3A_3 = arith.addi %scan3A_1, %scan3A_2 : i32
    %scan3A_4 = arith.constant 1 : i32
    scf.for %scan3A_105 = %scan3A_1 to %scan3A_3 step %scan3A_4  : i32 {
      %broadcast_in_dim3A = arith.constant 0.000000e+00 : f32
      %broadcast_in_dim3A_106 = vector.broadcast %broadcast_in_dim3A : f32 to vector<16xf32>
      %swap3A = arith.index_cast %scan3A_105 : i32 to index
      %swap3A_107 = arith.constant 0 : index
      %swap3A_108 = tpu.vector_load %arg8[%swap3A, %swap3A_107] {strides = array<i32>} : memref<128x128xf32, #tpu.memory_space<vmem>>, vector<1x16xf32>,
      %swap3A_109 = vector.shape_cast %swap3A_108 : vector<1x16xf32> to vector<16xf32>
      %swap3A_110 = vector.shape_cast %broadcast_in_dim3A_106 : vector<16xf32> to vector<1x16xf32>
      tpu.vector_store %arg8[%swap3A, %swap3A_107], %swap3A_110 {strides = array<i32>} : memref<128x128xf32, #tpu.memory_space<vmem>>, vector<1x16xf32>,
      %broadcast_in_dim3A_111 = arith.constant 0.000000e+00 : f32
      %broadcast_in_dim3A_112 = vector.broadcast %broadcast_in_dim3A_111 : f32 to vector<16xf32>
      %swap3A_113 = arith.index_cast %scan3A_105 : i32 to index
      %swap3A_114 = arith.constant 16 : index
      %swap3A_115 = tpu.vector_load %arg8[%swap3A_113, %swap3A_114] {strides = array<i32>} : memref<128x128xf32, #tpu.memory_space<vmem>>, vector<1x16xf32>,
      %swap3A_116 = vector.shape_cast %swap3A_115 : vector<1x16xf32> to vector<16xf32>
      %swap3A_117 = vector.shape_cast %broadcast_in_dim3A_112 : vector<16xf32> to vector<1x16xf32>
      tpu.vector_store %arg8[%swap3A_113, %swap3A_114], %swap3A_117 {strides = array<i32>} : memref<128x128xf32, #tpu.memory_space<vmem>>, vector<1x16xf32>,
      %broadcast_in_dim3A_118 = arith.constant 0.000000e+00 : f32
      %broadcast_in_dim3A_119 = vector.broadcast %broadcast_in_dim3A_118 : f32 to vector<16xf32>
      %swap3A_120 = arith.index_cast %scan3A_105 : i32 to index
      %swap3A_121 = arith.constant 32 : index
      %swap3A_122 = tpu.vector_load %arg8[%swap3A_120, %swap3A_121] {strides = array<i32>} : memref<128x128xf32, #tpu.memory_space<vmem>>, vector<1x16xf32>,
      %swap3A_123 = vector.shape_cast %swap3A_122 : vector<1x16xf32> to vector<16xf32>
      %swap3A_124 = vector.shape_cast %broadcast_in_dim3A_119 : vector<16xf32> to vector<1x16xf32>
      tpu.vector_store %arg8[%swap3A_120, %swap3A_121], %swap3A_124 {strides = array<i32>} : memref<128x128xf32, #tpu.memory_space<vmem>>, vector<1x16xf32>,
      %broadcast_in_dim3A_125 = arith.constant 0.000000e+00 : f32
      %broadcast_in_dim3A_126 = vector.broadcast %broadcast_in_dim3A_125 : f32 to vector<16xf32>
      %swap3A_127 = arith.index_cast %scan3A_105 : i32 to index
      %swap3A_128 = arith.constant 48 : index
      %swap3A_129 = tpu.vector_load %arg8[%swap3A_127, %swap3A_128] {strides = array<i32>} : memref<128x128xf32, #tpu.memory_space<vmem>>, vector<1x16xf32>,
      %swap3A_130 = vector.shape_cast %swap3A_129 : vector<1x16xf32> to vector<16xf32>
      %swap3A_131 = vector.shape_cast %broadcast_in_dim3A_126 : vector<16xf32> to vector<1x16xf32>
      tpu.vector_store %arg8[%swap3A_127, %swap3A_128], %swap3A_131 {strides = array<i32>} : memref<128x128xf32, #tpu.memory_space<vmem>>, vector<1x16xf32>,
      %broadcast_in_dim3A_132 = arith.constant 0.000000e+00 : f32
      %broadcast_in_dim3A_133 = vector.broadcast %broadcast_in_dim3A_132 : f32 to vector<16xf32>
      %swap3A_134 = arith.index_cast %scan3A_105 : i32 to index
      %swap3A_135 = arith.constant 64 : index
      %swap3A_136 = tpu.vector_load %arg8[%swap3A_134, %swap3A_135] {strides = array<i32>} : memref<128x128xf32, #tpu.memory_space<vmem>>, vector<1x16xf32>,
      %swap3A_137 = vector.shape_cast %swap3A_136 : vector<1x16xf32> to vector<16xf32>
      %swap3A_138 = vector.shape_cast %broadcast_in_dim3A_133 : vector<16xf32> to vector<1x16xf32>
      tpu.vector_store %arg8[%swap3A_134, %swap3A_135], %swap3A_138 {strides = array<i32>} : memref<128x128xf32, #tpu.memory_space<vmem>>, vector<1x16xf32>,
      %broadcast_in_dim3A_139 = arith.constant 0.000000e+00 : f32
      %broadcast_in_dim3A_140 = vector.broadcast %broadcast_in_dim3A_139 : f32 to vector<16xf32>
      %swap3A_141 = arith.index_cast %scan3A_105 : i32 to index
      %swap3A_142 = arith.constant 80 : index
      %swap3A_143 = tpu.vector_load %arg8[%swap3A_141, %swap3A_142] {strides = array<i32>} : memref<128x128xf32, #tpu.memory_space<vmem>>, vector<1x16xf32>,
      %swap3A_144 = vector.shape_cast %swap3A_143 : vector<1x16xf32> to vector<16xf32>
      %swap3A_145 = vector.shape_cast %broadcast_in_dim3A_140 : vector<16xf32> to vector<1x16xf32>
      tpu.vector_store %arg8[%swap3A_141, %swap3A_142], %swap3A_145 {strides = array<i32>} : memref<128x128xf32, #tpu.memory_space<vmem>>, vector<1x16xf32>,
      %broadcast_in_dim3A_146 = arith.constant 0.000000e+00 : f32
      %broadcast_in_dim3A_147 = vector.broadcast %broadcast_in_dim3A_146 : f32 to vector<16xf32>
      %swap3A_148 = arith.index_cast %scan3A_105 : i32 to index
      %swap3A_149 = arith.constant 96 : index
      %swap3A_150 = tpu.vector_load %arg8[%swap3A_148, %swap3A_149] {strides = array<i32>} : memref<128x128xf32, #tpu.memory_space<vmem>>, vector<1x16xf32>,
      %swap3A_151 = vector.shape_cast %swap3A_150 : vector<1x16xf32> to vector<16xf32>
      %swap3A_152 = vector.shape_cast %broadcast_in_dim3A_147 : vector<16xf32> to vector<1x16xf32>
      tpu.vector_store %arg8[%swap3A_148, %swap3A_149], %swap3A_152 {strides = array<i32>} : memref<128x128xf32, #tpu.memory_space<vmem>>, vector<1x16xf32>,
      %broadcast_in_dim3A_153 = arith.constant 0.000000e+00 : f32
      %broadcast_in_dim3A_154 = vector.broadcast %broadcast_in_dim3A_153 : f32 to vector<16xf32>
      %swap3A_155 = arith.index_cast %scan3A_105 : i32 to index
      %swap3A_156 = arith.constant 112 : index
      %swap3A_157 = tpu.vector_load %arg8[%swap3A_155, %swap3A_156] {strides = array<i32>} : memref<128x128xf32, #tpu.memory_space<vmem>>, vector<1x16xf32>,
      %swap3A_158 = vector.shape_cast %swap3A_157 : vector<1x16xf32> to vector<16xf32>
      %swap3A_159 = vector.shape_cast %broadcast_in_dim3A_154 : vector<16xf32> to vector<1x16xf32>
      tpu.vector_store %arg8[%swap3A_155, %swap3A_156], %swap3A_159 {strides = array<i32>} : memref<128x128xf32, #tpu.memory_space<vmem>>, vector<1x16xf32>,
    }
    %scan3A_5 = arith.constant 128 : i32
    %mul3A_6 = arith.constant 640 : i32
    %mul3A_7 = arith.muli %arg1, %mul3A_6 : i32
    %add3A_8 = arith.constant 0 : i32
    %add3A_9 = arith.addi %mul3A_7, %add3A_8 : i32
    "tpu.region"() ({
      %run_scoped3A = tpu.sem_alloc : memref<!tpu.dma_semaphore, #tpu.memory_space<semaphore_mem>>
      %dma_start3A_105 = arith.constant 0 : i32
      %dma_start3A_106 = tpu.memref_slice %arg10[%add3A_9, %dma_start3A_105] : memref<10240x128xf32, #tpu.memory_space<vmem_shared>> -> memref<128x128xf32, #tpu.memory_space<vmem_shared>>
      %dma_start3A_107 = arith.constant 0 : i32
      %dma_start3A_108 = tpu.memref_slice %arg10[%add3A_9, %dma_start3A_107] : memref<10240x128xf32, #tpu.memory_space<vmem_shared>> -> memref<128x128xf32, #tpu.memory_space<vmem_shared>>
      tpu.enqueue_dma source(%arg8 : memref<128x128xf32, #tpu.memory_space<vmem>>) target(%dma_start3A_108 : memref<128x128xf32, #tpu.memory_space<vmem_shared>>) target_semaphore(%run_scoped3A : memref<!tpu.dma_semaphore, #tpu.memory_space<semaphore_mem>>)
      %dma_wait3A_109 = arith.constant 0 : i32
      %dma_wait3A_110 = tpu.memref_slice %arg10[%add3A_9, %dma_wait3A_109] : memref<10240x128xf32, #tpu.memory_space<vmem_shared>> -> memref<128x128xf32, #tpu.memory_space<vmem_shared>>
      %dma_wait3A_111 = arith.constant 0 : i32
      %dma_wait3A_112 = tpu.memref_slice %arg10[%add3A_9, %dma_wait3A_111] : memref<10240x128xf32, #tpu.memory_space<vmem_shared>> -> memref<128x128xf32, #tpu.memory_space<vmem_shared>>
      tpu.wait_dma2 semaphore(%run_scoped3A : memref<!tpu.dma_semaphore, #tpu.memory_space<semaphore_mem>>) src(%arg8 : memref<128x128xf32, #tpu.memory_space<vmem>>) dst(%dma_wait3A_112 : memref<128x128xf32, #tpu.memory_space<vmem_shared>>)
      tpu.yield
    }) : () -> ()
    %mul3A_10 = arith.constant 640 : i32
    %mul3A_11 = arith.muli %arg1, %mul3A_10 : i32
    %add3A_12 = arith.constant 128 : i32
    %add3A_13 = arith.addi %mul3A_11, %add3A_12 : i32
    "tpu.region"() ({
      %run_scoped3A = tpu.sem_alloc : memref<!tpu.dma_semaphore, #tpu.memory_space<semaphore_mem>>
      %dma_start3A_105 = arith.constant 0 : i32
      %dma_start3A_106 = tpu.memref_slice %arg10[%add3A_13, %dma_start3A_105] : memref<10240x128xf32, #tpu.memory_space<vmem_shared>> -> memref<128x128xf32, #tpu.memory_space<vmem_shared>>
      %dma_start3A_107 = arith.constant 0 : i32
      %dma_start3A_108 = tpu.memref_slice %arg10[%add3A_13, %dma_start3A_107] : memref<10240x128xf32, #tpu.memory_space<vmem_shared>> -> memref<128x128xf32, #tpu.memory_space<vmem_shared>>
      tpu.enqueue_dma source(%arg8 : memref<128x128xf32, #tpu.memory_space<vmem>>) target(%dma_start3A_108 : memref<128x128xf32, #tpu.memory_space<vmem_shared>>) target_semaphore(%run_scoped3A : memref<!tpu.dma_semaphore, #tpu.memory_space<semaphore_mem>>)
      %dma_wait3A_109 = arith.constant 0 : i32
      %dma_wait3A_110 = tpu.memref_slice %arg10[%add3A_13, %dma_wait3A_109] : memref<10240x128xf32, #tpu.memory_space<vmem_shared>> -> memref<128x128xf32, #tpu.memory_space<vmem_shared>>
      %dma_wait3A_111 = arith.constant 0 : i32
      %dma_wait3A_112 = tpu.memref_slice %arg10[%add3A_13, %dma_wait3A_111] : memref<10240x128xf32, #tpu.memory_space<vmem_shared>> -> memref<128x128xf32, #tpu.memory_space<vmem_shared>>
      tpu.wait_dma2 semaphore(%run_scoped3A : memref<!tpu.dma_semaphore, #tpu.memory_space<semaphore_mem>>) src(%arg8 : memref<128x128xf32, #tpu.memory_space<vmem>>) dst(%dma_wait3A_112 : memref<128x128xf32, #tpu.memory_space<vmem_shared>>)
      tpu.yield
    }) : () -> ()
    %mul3A_14 = arith.constant 640 : i32
    %mul3A_15 = arith.muli %arg1, %mul3A_14 : i32
    %add3A_16 = arith.constant 256 : i32
    %add3A_17 = arith.addi %mul3A_15, %add3A_16 : i32
    "tpu.region"() ({
      %run_scoped3A = tpu.sem_alloc : memref<!tpu.dma_semaphore, #tpu.memory_space<semaphore_mem>>
      %dma_start3A_105 = arith.constant 0 : i32
      %dma_start3A_106 = tpu.memref_slice %arg10[%add3A_17, %dma_start3A_105] : memref<10240x128xf32, #tpu.memory_space<vmem_shared>> -> memref<128x128xf32, #tpu.memory_space<vmem_shared>>
      %dma_start3A_107 = arith.constant 0 : i32
      %dma_start3A_108 = tpu.memref_slice %arg10[%add3A_17, %dma_start3A_107] : memref<10240x128xf32, #tpu.memory_space<vmem_shared>> -> memref<128x128xf32, #tpu.memory_space<vmem_shared>>
      tpu.enqueue_dma source(%arg8 : memref<128x128xf32, #tpu.memory_space<vmem>>) target(%dma_start3A_108 : memref<128x128xf32, #tpu.memory_space<vmem_shared>>) target_semaphore(%run_scoped3A : memref<!tpu.dma_semaphore, #tpu.memory_space<semaphore_mem>>)
      %dma_wait3A_109 = arith.constant 0 : i32
      %dma_wait3A_110 = tpu.memref_slice %arg10[%add3A_17, %dma_wait3A_109] : memref<10240x128xf32, #tpu.memory_space<vmem_shared>> -> memref<128x128xf32, #tpu.memory_space<vmem_shared>>
      %dma_wait3A_111 = arith.constant 0 : i32
      %dma_wait3A_112 = tpu.memref_slice %arg10[%add3A_17, %dma_wait3A_111] : memref<10240x128xf32, #tpu.memory_space<vmem_shared>> -> memref<128x128xf32, #tpu.memory_space<vmem_shared>>
      tpu.wait_dma2 semaphore(%run_scoped3A : memref<!tpu.dma_semaphore, #tpu.memory_space<semaphore_mem>>) src(%arg8 : memref<128x128xf32, #tpu.memory_space<vmem>>) dst(%dma_wait3A_112 : memref<128x128xf32, #tpu.memory_space<vmem_shared>>)
      tpu.yield
    }) : () -> ()
    %mul3A_18 = arith.constant 640 : i32
    %mul3A_19 = arith.muli %arg1, %mul3A_18 : i32
    %add3A_20 = arith.constant 384 : i32
    %add3A_21 = arith.addi %mul3A_19, %add3A_20 : i32
    "tpu.region"() ({
      %run_scoped3A = tpu.sem_alloc : memref<!tpu.dma_semaphore, #tpu.memory_space<semaphore_mem>>
      %dma_start3A_105 = arith.constant 0 : i32
      %dma_start3A_106 = tpu.memref_slice %arg10[%add3A_21, %dma_start3A_105] : memref<10240x128xf32, #tpu.memory_space<vmem_shared>> -> memref<128x128xf32, #tpu.memory_space<vmem_shared>>
      %dma_start3A_107 = arith.constant 0 : i32
      %dma_start3A_108 = tpu.memref_slice %arg10[%add3A_21, %dma_start3A_107] : memref<10240x128xf32, #tpu.memory_space<vmem_shared>> -> memref<128x128xf32, #tpu.memory_space<vmem_shared>>
      tpu.enqueue_dma source(%arg8 : memref<128x128xf32, #tpu.memory_space<vmem>>) target(%dma_start3A_108 : memref<128x128xf32, #tpu.memory_space<vmem_shared>>) target_semaphore(%run_scoped3A : memref<!tpu.dma_semaphore, #tpu.memory_space<semaphore_mem>>)
      %dma_wait3A_109 = arith.constant 0 : i32
      %dma_wait3A_110 = tpu.memref_slice %arg10[%add3A_21, %dma_wait3A_109] : memref<10240x128xf32, #tpu.memory_space<vmem_shared>> -> memref<128x128xf32, #tpu.memory_space<vmem_shared>>
      %dma_wait3A_111 = arith.constant 0 : i32
      %dma_wait3A_112 = tpu.memref_slice %arg10[%add3A_21, %dma_wait3A_111] : memref<10240x128xf32, #tpu.memory_space<vmem_shared>> -> memref<128x128xf32, #tpu.memory_space<vmem_shared>>
      tpu.wait_dma2 semaphore(%run_scoped3A : memref<!tpu.dma_semaphore, #tpu.memory_space<semaphore_mem>>) src(%arg8 : memref<128x128xf32, #tpu.memory_space<vmem>>) dst(%dma_wait3A_112 : memref<128x128xf32, #tpu.memory_space<vmem_shared>>)
      tpu.yield
    }) : () -> ()
    %mul3A_22 = arith.constant 640 : i32
    %mul3A_23 = arith.muli %arg1, %mul3A_22 : i32
    %add3A_24 = arith.constant 512 : i32
    %add3A_25 = arith.addi %mul3A_23, %add3A_24 : i32
    "tpu.region"() ({
      %run_scoped3A = tpu.sem_alloc : memref<!tpu.dma_semaphore, #tpu.memory_space<semaphore_mem>>
      %dma_start3A_105 = arith.constant 0 : i32
      %dma_start3A_106 = tpu.memref_slice %arg10[%add3A_25, %dma_start3A_105] : memref<10240x128xf32, #tpu.memory_space<vmem_shared>> -> memref<128x128xf32, #tpu.memory_space<vmem_shared>>
      %dma_start3A_107 = arith.constant 0 : i32
      %dma_start3A_108 = tpu.memref_slice %arg10[%add3A_25, %dma_start3A_107] : memref<10240x128xf32, #tpu.memory_space<vmem_shared>> -> memref<128x128xf32, #tpu.memory_space<vmem_shared>>
      tpu.enqueue_dma source(%arg8 : memref<128x128xf32, #tpu.memory_space<vmem>>) target(%dma_start3A_108 : memref<128x128xf32, #tpu.memory_space<vmem_shared>>) target_semaphore(%run_scoped3A : memref<!tpu.dma_semaphore, #tpu.memory_space<semaphore_mem>>)
      %dma_wait3A_109 = arith.constant 0 : i32
      %dma_wait3A_110 = tpu.memref_slice %arg10[%add3A_25, %dma_wait3A_109] : memref<10240x128xf32, #tpu.memory_space<vmem_shared>> -> memref<128x128xf32, #tpu.memory_space<vmem_shared>>
      %dma_wait3A_111 = arith.constant 0 : i32
      %dma_wait3A_112 = tpu.memref_slice %arg10[%add3A_25, %dma_wait3A_111] : memref<10240x128xf32, #tpu.memory_space<vmem_shared>> -> memref<128x128xf32, #tpu.memory_space<vmem_shared>>
      tpu.wait_dma2 semaphore(%run_scoped3A : memref<!tpu.dma_semaphore, #tpu.memory_space<semaphore_mem>>) src(%arg8 : memref<128x128xf32, #tpu.memory_space<vmem>>) dst(%dma_wait3A_112 : memref<128x128xf32, #tpu.memory_space<vmem_shared>>)
      tpu.yield
    }) : () -> ()
    %barrier3A = arith.constant 0 : index
    tpu.barrier barrier_id(%barrier3A)
    %mul3A_26 = arith.constant 80 : i32
    %mul3A_27 = arith.muli %add3A, %mul3A_26 : i32
    %add3A_28 = arith.constant 0 : i32
    %add3A_29 = arith.addi %mul3A_27, %add3A_28 : i32
    "tpu.region"() ({
      %run_scoped3A = tpu.sem_alloc : memref<!tpu.dma_semaphore, #tpu.memory_space<semaphore_mem>>
      %dma_start3A_105 = arith.constant 0 : i32
      %dma_start3A_106 = tpu.memref_slice %arg3[%add3A_29, %dma_start3A_105] : memref<2560x128xi32, #tpu.memory_space<hbm>> -> memref<40x128xi32, #tpu.memory_space<hbm>>
      %dma_start3A_107 = arith.constant 0 : i32
      %dma_start3A_108 = tpu.memref_slice %arg3[%add3A_29, %dma_start3A_107] : memref<2560x128xi32, #tpu.memory_space<hbm>> -> memref<40x128xi32, #tpu.memory_space<hbm>>
      tpu.enqueue_dma source(%dma_start3A_108 : memref<40x128xi32, #tpu.memory_space<hbm>>) target(%arg6 : memref<40x128xi32, #tpu.memory_space<vmem>>) target_semaphore(%run_scoped3A : memref<!tpu.dma_semaphore, #tpu.memory_space<semaphore_mem>>)
      %dma_wait3A_109 = arith.constant 0 : i32
      %dma_wait3A_110 = tpu.memref_slice %arg3[%add3A_29, %dma_wait3A_109] : memref<2560x128xi32, #tpu.memory_space<hbm>> -> memref<40x128xi32, #tpu.memory_space<hbm>>
      %dma_wait3A_111 = arith.constant 0 : i32
      %dma_wait3A_112 = tpu.memref_slice %arg3[%add3A_29, %dma_wait3A_111] : memref<2560x128xi32, #tpu.memory_space<hbm>> -> memref<40x128xi32, #tpu.memory_space<hbm>>
      tpu.wait_dma2 semaphore(%run_scoped3A : memref<!tpu.dma_semaphore, #tpu.memory_space<semaphore_mem>>) src(%dma_wait3A_112 : memref<40x128xi32, #tpu.memory_space<hbm>>) dst(%arg6 : memref<40x128xi32, #tpu.memory_space<vmem>>)
      tpu.yield
    }) : () -> ()
    "tpu.region"() ({
      %run_scoped3A = tpu.sem_alloc : memref<!tpu.dma_semaphore, #tpu.memory_space<semaphore_mem>>
      %dma_start3A_105 = arith.constant 0 : i32
      %dma_start3A_106 = tpu.memref_slice %arg4[%add3A_29, %dma_start3A_105] : memref<2560x128xi32, #tpu.memory_space<hbm>> -> memref<40x128xi32, #tpu.memory_space<hbm>>
      %dma_start3A_107 = arith.constant 0 : i32
      %dma_start3A_108 = tpu.memref_slice %arg4[%add3A_29, %dma_start3A_107] : memref<2560x128xi32, #tpu.memory_space<hbm>> -> memref<40x128xi32, #tpu.memory_space<hbm>>
      tpu.enqueue_dma source(%dma_start3A_108 : memref<40x128xi32, #tpu.memory_space<hbm>>) target(%arg7 : memref<40x128xi32, #tpu.memory_space<vmem>>) target_semaphore(%run_scoped3A : memref<!tpu.dma_semaphore, #tpu.memory_space<semaphore_mem>>)
      %dma_wait3A_109 = arith.constant 0 : i32
      %dma_wait3A_110 = tpu.memref_slice %arg4[%add3A_29, %dma_wait3A_109] : memref<2560x128xi32, #tpu.memory_space<hbm>> -> memref<40x128xi32, #tpu.memory_space<hbm>>
      %dma_wait3A_111 = arith.constant 0 : i32
      %dma_wait3A_112 = tpu.memref_slice %arg4[%add3A_29, %dma_wait3A_111] : memref<2560x128xi32, #tpu.memory_space<hbm>> -> memref<40x128xi32, #tpu.memory_space<hbm>>
      tpu.wait_dma2 semaphore(%run_scoped3A : memref<!tpu.dma_semaphore, #tpu.memory_space<semaphore_mem>>) src(%dma_wait3A_112 : memref<40x128xi32, #tpu.memory_space<hbm>>) dst(%arg7 : memref<40x128xi32, #tpu.memory_space<vmem>>)
      tpu.yield
    }) : () -> ()
    %dma_start3A = arith.constant 0 : i32
    %dma_start3A_30 = arith.constant 0 : i32
    %dma_start3A_31 = tpu.memref_slice %arg6[%dma_start3A, %dma_start3A_30] : memref<40x128xi32, #tpu.memory_space<vmem>> -> memref<1x128xi32, #tpu.memory_space<vmem>>
    %dma_start3A_32 = tpu.memref_squeeze %dma_start3A_31 : memref<1x128xi32, #tpu.memory_space<vmem>> -> memref<128xi32, #tpu.memory_space<vmem>>
    %dma_start3A_33 = arith.constant 0 : i32
    %dma_start3A_34 = arith.constant 0 : i32
    %dma_start3A_35 = tpu.memref_slice %arg2[%dma_start3A_33, %dma_start3A_34] : memref<10000x128xf32, #tpu.memory_space<hbm>> -> memref<10000x128xf32, #tpu.memory_space<hbm>>
    tpu.enqueue_indirect_dma source(%dma_start3A_35 : memref<10000x128xf32, #tpu.memory_space<hbm>>) target(%arg8 : memref<128x128xf32, #tpu.memory_space<vmem>>) offsets(%dma_start3A_32 : memref<128xi32, #tpu.memory_space<vmem>>) semaphore(%arg11 : memref<!tpu.dma_semaphore, #tpu.memory_space<semaphore_mem>>)
    %dma_start3A_36 = arith.constant 1 : i32
    %dma_start3A_37 = arith.constant 0 : i32
    %dma_start3A_38 = tpu.memref_slice %arg6[%dma_start3A_36, %dma_start3A_37] : memref<40x128xi32, #tpu.memory_space<vmem>> -> memref<1x128xi32, #tpu.memory_space<vmem>>
    %dma_start3A_39 = tpu.memref_squeeze %dma_start3A_38 : memref<1x128xi32, #tpu.memory_space<vmem>> -> memref<128xi32, #tpu.memory_space<vmem>>
    %dma_start3A_40 = arith.constant 0 : i32
    %dma_start3A_41 = arith.constant 0 : i32
    %dma_start3A_42 = tpu.memref_slice %arg2[%dma_start3A_40, %dma_start3A_41] : memref<10000x128xf32, #tpu.memory_space<hbm>> -> memref<10000x128xf32, #tpu.memory_space<hbm>>
    tpu.enqueue_indirect_dma source(%dma_start3A_42 : memref<10000x128xf32, #tpu.memory_space<hbm>>) target(%arg9 : memref<128x128xf32, #tpu.memory_space<vmem>>) offsets(%dma_start3A_39 : memref<128xi32, #tpu.memory_space<vmem>>) semaphore(%arg12 : memref<!tpu.dma_semaphore, #tpu.memory_space<semaphore_mem>>)
    %scan3A_43 = arith.constant 0 : i32
    %scan3A_44 = arith.constant 0 : i32
    %scan3A_45 = arith.constant 20 : i32
    %scan3A_46 = arith.addi %scan3A_44, %scan3A_45 : i32
    %scan3A_47 = arith.constant 1 : i32
    scf.for %scan3A_105 = %scan3A_44 to %scan3A_46 step %scan3A_47  : i32 {
      %mul3A_106 = arith.constant 2 : i32
      %mul3A_107 = arith.muli %scan3A_105, %mul3A_106 : i32
      %add3A_108 = arith.constant 0 : i32
      %add3A_109 = arith.addi %mul3A_107, %add3A_108 : i32
      %dma_wait3A_110 = arith.constant 0 : i32
      %dma_wait3A_111 = tpu.memref_slice %arg6[%add3A_109, %dma_wait3A_110] : memref<40x128xi32, #tpu.memory_space<vmem>> -> memref<1x128xi32, #tpu.memory_space<vmem>>
      %dma_wait3A_112 = tpu.memref_squeeze %dma_wait3A_111 : memref<1x128xi32, #tpu.memory_space<vmem>> -> memref<128xi32, #tpu.memory_space<vmem>>
      %dma_wait3A_113 = arith.constant 0 : i32
      %dma_wait3A_114 = arith.constant 0 : i32
      %dma_wait3A_115 = tpu.memref_slice %arg2[%dma_wait3A_113, %dma_wait3A_114] : memref<10000x128xf32, #tpu.memory_space<hbm>> -> memref<10000x128xf32, #tpu.memory_space<hbm>>
      tpu.wait_indirect_dma semaphore(%arg11 : memref<!tpu.dma_semaphore, #tpu.memory_space<semaphore_mem>>) src(%dma_wait3A_115 : memref<10000x128xf32, #tpu.memory_space<hbm>>) dst(%arg8 : memref<128x128xf32, #tpu.memory_space<vmem>>)
      %dma_start3A_116 = arith.constant 0 : i32
      %dma_start3A_117 = tpu.memref_slice %arg7[%add3A_109, %dma_start3A_116] : memref<40x128xi32, #tpu.memory_space<vmem>> -> memref<1x128xi32, #tpu.memory_space<vmem>>
      %dma_start3A_118 = tpu.memref_squeeze %dma_start3A_117 : memref<1x128xi32, #tpu.memory_space<vmem>> -> memref<128xi32, #tpu.memory_space<vmem>>
      %dma_start3A_119 = arith.constant 0 : i32
      %dma_start3A_120 = arith.constant 0 : i32
      %dma_start3A_121 = tpu.memref_slice %arg10[%dma_start3A_119, %dma_start3A_120] : memref<10240x128xf32, #tpu.memory_space<vmem_shared>> -> memref<10240x128xf32, #tpu.memory_space<vmem_shared>>
      tpu.enqueue_indirect_dma source(%arg8 : memref<128x128xf32, #tpu.memory_space<vmem>>) target(%dma_start3A_121 : memref<10240x128xf32, #tpu.memory_space<vmem_shared>>) offsets(%dma_start3A_118 : memref<128xi32, #tpu.memory_space<vmem>>) semaphore(%arg13 : memref<!tpu.dma_semaphore, #tpu.memory_space<semaphore_mem>>) {add = true}
      %add3A_122 = arith.constant 2 : i32
      %add3A_123 = arith.addi %add3A_109, %add3A_122 : i32
      %lt3A = arith.constant 40 : i32
      %lt3A_124 = arith.cmpi slt, %add3A_123, %lt3A : i32
      %convert_element_type3A = arith.extui %lt3A_124 : i1 to i32
      %cond3A = arith.constant 0 : i32
      %cond3A_125 = arith.cmpi ne, %convert_element_type3A, %cond3A : i32
      scf.if %cond3A_125 {
        %dma_wait3A_149 = arith.constant 0 : i32
        %dma_wait3A_150 = tpu.memref_slice %arg7[%add3A_109, %dma_wait3A_149] : memref<40x128xi32, #tpu.memory_space<vmem>> -> memref<1x128xi32, #tpu.memory_space<vmem>>
        %dma_wait3A_151 = tpu.memref_squeeze %dma_wait3A_150 : memref<1x128xi32, #tpu.memory_space<vmem>> -> memref<128xi32, #tpu.memory_space<vmem>>
        %dma_wait3A_152 = arith.constant 0 : i32
        %dma_wait3A_153 = arith.constant 0 : i32
        %dma_wait3A_154 = tpu.memref_slice %arg10[%dma_wait3A_152, %dma_wait3A_153] : memref<10240x128xf32, #tpu.memory_space<vmem_shared>> -> memref<10240x128xf32, #tpu.memory_space<vmem_shared>>
        tpu.wait_indirect_dma semaphore(%arg13 : memref<!tpu.dma_semaphore, #tpu.memory_space<semaphore_mem>>) src(%arg8 : memref<128x128xf32, #tpu.memory_space<vmem>>) dst(%dma_wait3A_154 : memref<10240x128xf32, #tpu.memory_space<vmem_shared>>)
        %add3A_155 = arith.constant 2 : i32
        %add3A_156 = arith.addi %add3A_109, %add3A_155 : i32
        %dma_start3A_157 = arith.constant 0 : i32
        %dma_start3A_158 = tpu.memref_slice %arg6[%add3A_156, %dma_start3A_157] : memref<40x128xi32, #tpu.memory_space<vmem>> -> memref<1x128xi32, #tpu.memory_space<vmem>>
        %dma_start3A_159 = tpu.memref_squeeze %dma_start3A_158 : memref<1x128xi32, #tpu.memory_space<vmem>> -> memref<128xi32, #tpu.memory_space<vmem>>
        %dma_start3A_160 = arith.constant 0 : i32
        %dma_start3A_161 = arith.constant 0 : i32
        %dma_start3A_162 = tpu.memref_slice %arg2[%dma_start3A_160, %dma_start3A_161] : memref<10000x128xf32, #tpu.memory_space<hbm>> -> memref<10000x128xf32, #tpu.memory_space<hbm>>
        tpu.enqueue_indirect_dma source(%dma_start3A_162 : memref<10000x128xf32, #tpu.memory_space<hbm>>) target(%arg8 : memref<128x128xf32, #tpu.memory_space<vmem>>) offsets(%dma_start3A_159 : memref<128xi32, #tpu.memory_space<vmem>>) semaphore(%arg11 : memref<!tpu.dma_semaphore, #tpu.memory_space<semaphore_mem>>)
      } else {
      }
      %mul3A_126 = arith.constant 2 : i32
      %mul3A_127 = arith.muli %scan3A_105, %mul3A_126 : i32
      %add3A_128 = arith.constant 1 : i32
      %add3A_129 = arith.addi %mul3A_127, %add3A_128 : i32
      %dma_wait3A_130 = arith.constant 0 : i32
      %dma_wait3A_131 = tpu.memref_slice %arg6[%add3A_129, %dma_wait3A_130] : memref<40x128xi32, #tpu.memory_space<vmem>> -> memref<1x128xi32, #tpu.memory_space<vmem>>
      %dma_wait3A_132 = tpu.memref_squeeze %dma_wait3A_131 : memref<1x128xi32, #tpu.memory_space<vmem>> -> memref<128xi32, #tpu.memory_space<vmem>>
      %dma_wait3A_133 = arith.constant 0 : i32
      %dma_wait3A_134 = arith.constant 0 : i32
      %dma_wait3A_135 = tpu.memref_slice %arg2[%dma_wait3A_133, %dma_wait3A_134] : memref<10000x128xf32, #tpu.memory_space<hbm>> -> memref<10000x128xf32, #tpu.memory_space<hbm>>
      tpu.wait_indirect_dma semaphore(%arg12 : memref<!tpu.dma_semaphore, #tpu.memory_space<semaphore_mem>>) src(%dma_wait3A_135 : memref<10000x128xf32, #tpu.memory_space<hbm>>) dst(%arg9 : memref<128x128xf32, #tpu.memory_space<vmem>>)
      %dma_start3A_136 = arith.constant 0 : i32
      %dma_start3A_137 = tpu.memref_slice %arg7[%add3A_129, %dma_start3A_136] : memref<40x128xi32, #tpu.memory_space<vmem>> -> memref<1x128xi32, #tpu.memory_space<vmem>>
      %dma_start3A_138 = tpu.memref_squeeze %dma_start3A_137 : memref<1x128xi32, #tpu.memory_space<vmem>> -> memref<128xi32, #tpu.memory_space<vmem>>
      %dma_start3A_139 = arith.constant 0 : i32
      %dma_start3A_140 = arith.constant 0 : i32
      %dma_start3A_141 = tpu.memref_slice %arg10[%dma_start3A_139, %dma_start3A_140] : memref<10240x128xf32, #tpu.memory_space<vmem_shared>> -> memref<10240x128xf32, #tpu.memory_space<vmem_shared>>
      tpu.enqueue_indirect_dma source(%arg9 : memref<128x128xf32, #tpu.memory_space<vmem>>) target(%dma_start3A_141 : memref<10240x128xf32, #tpu.memory_space<vmem_shared>>) offsets(%dma_start3A_138 : memref<128xi32, #tpu.memory_space<vmem>>) semaphore(%arg14 : memref<!tpu.dma_semaphore, #tpu.memory_space<semaphore_mem>>) {add = true}
      %add3A_142 = arith.constant 2 : i32
      %add3A_143 = arith.addi %add3A_129, %add3A_142 : i32
      %lt3A_144 = arith.constant 40 : i32
      %lt3A_145 = arith.cmpi slt, %add3A_143, %lt3A_144 : i32
      %convert_element_type3A_146 = arith.extui %lt3A_145 : i1 to i32
      %cond3A_147 = arith.constant 0 : i32
      %cond3A_148 = arith.cmpi ne, %convert_element_type3A_146, %cond3A_147 : i32
      scf.if %cond3A_148 {
        %dma_wait3A_149 = arith.constant 0 : i32
        %dma_wait3A_150 = tpu.memref_slice %arg7[%add3A_129, %dma_wait3A_149] : memref<40x128xi32, #tpu.memory_space<vmem>> -> memref<1x128xi32, #tpu.memory_space<vmem>>
        %dma_wait3A_151 = tpu.memref_squeeze %dma_wait3A_150 : memref<1x128xi32, #tpu.memory_space<vmem>> -> memref<128xi32, #tpu.memory_space<vmem>>
        %dma_wait3A_152 = arith.constant 0 : i32
        %dma_wait3A_153 = arith.constant 0 : i32
        %dma_wait3A_154 = tpu.memref_slice %arg10[%dma_wait3A_152, %dma_wait3A_153] : memref<10240x128xf32, #tpu.memory_space<vmem_shared>> -> memref<10240x128xf32, #tpu.memory_space<vmem_shared>>
        tpu.wait_indirect_dma semaphore(%arg14 : memref<!tpu.dma_semaphore, #tpu.memory_space<semaphore_mem>>) src(%arg9 : memref<128x128xf32, #tpu.memory_space<vmem>>) dst(%dma_wait3A_154 : memref<10240x128xf32, #tpu.memory_space<vmem_shared>>)
        %add3A_155 = arith.constant 2 : i32
        %add3A_156 = arith.addi %add3A_129, %add3A_155 : i32
        %dma_start3A_157 = arith.constant 0 : i32
        %dma_start3A_158 = tpu.memref_slice %arg6[%add3A_156, %dma_start3A_157] : memref<40x128xi32, #tpu.memory_space<vmem>> -> memref<1x128xi32, #tpu.memory_space<vmem>>
        %dma_start3A_159 = tpu.memref_squeeze %dma_start3A_158 : memref<1x128xi32, #tpu.memory_space<vmem>> -> memref<128xi32, #tpu.memory_space<vmem>>
        %dma_start3A_160 = arith.constant 0 : i32
        %dma_start3A_161 = arith.constant 0 : i32
        %dma_start3A_162 = tpu.memref_slice %arg2[%dma_start3A_160, %dma_start3A_161] : memref<10000x128xf32, #tpu.memory_space<hbm>> -> memref<10000x128xf32, #tpu.memory_space<hbm>>
        tpu.enqueue_indirect_dma source(%dma_start3A_162 : memref<10000x128xf32, #tpu.memory_space<hbm>>) target(%arg9 : memref<128x128xf32, #tpu.memory_space<vmem>>) offsets(%dma_start3A_159 : memref<128xi32, #tpu.memory_space<vmem>>) semaphore(%arg12 : memref<!tpu.dma_semaphore, #tpu.memory_space<semaphore_mem>>)
      } else {
      }
    }
    %scan3A_48 = arith.constant 20 : i32
    %dma_wait3A = arith.constant 38 : i32
    %dma_wait3A_49 = arith.constant 0 : i32
    %dma_wait3A_50 = tpu.memref_slice %arg7[%dma_wait3A, %dma_wait3A_49] : memref<40x128xi32, #tpu.memory_space<vmem>> -> memref<1x128xi32, #tpu.memory_space<vmem>>
    %dma_wait3A_51 = tpu.memref_squeeze %dma_wait3A_50 : memref<1x128xi32, #tpu.memory_space<vmem>> -> memref<128xi32, #tpu.memory_space<vmem>>
    %dma_wait3A_52 = arith.constant 0 : i32
    %dma_wait3A_53 = arith.constant 0 : i32
    %dma_wait3A_54 = tpu.memref_slice %arg10[%dma_wait3A_52, %dma_wait3A_53] : memref<10240x128xf32, #tpu.memory_space<vmem_shared>> -> memref<10240x128xf32, #tpu.memory_space<vmem_shared>>
    tpu.wait_indirect_dma semaphore(%arg13 : memref<!tpu.dma_semaphore, #tpu.memory_space<semaphore_mem>>) src(%arg8 : memref<128x128xf32, #tpu.memory_space<vmem>>) dst(%dma_wait3A_54 : memref<10240x128xf32, #tpu.memory_space<vmem_shared>>)
    %dma_wait3A_55 = arith.constant 39 : i32
    %dma_wait3A_56 = arith.constant 0 : i32
    %dma_wait3A_57 = tpu.memref_slice %arg7[%dma_wait3A_55, %dma_wait3A_56] : memref<40x128xi32, #tpu.memory_space<vmem>> -> memref<1x128xi32, #tpu.memory_space<vmem>>
    %dma_wait3A_58 = tpu.memref_squeeze %dma_wait3A_57 : memref<1x128xi32, #tpu.memory_space<vmem>> -> memref<128xi32, #tpu.memory_space<vmem>>
    %dma_wait3A_59 = arith.constant 0 : i32
    %dma_wait3A_60 = arith.constant 0 : i32
    %dma_wait3A_61 = tpu.memref_slice %arg10[%dma_wait3A_59, %dma_wait3A_60] : memref<10240x128xf32, #tpu.memory_space<vmem_shared>> -> memref<10240x128xf32, #tpu.memory_space<vmem_shared>>
    tpu.wait_indirect_dma semaphore(%arg14 : memref<!tpu.dma_semaphore, #tpu.memory_space<semaphore_mem>>) src(%arg9 : memref<128x128xf32, #tpu.memory_space<vmem>>) dst(%dma_wait3A_61 : memref<10240x128xf32, #tpu.memory_space<vmem_shared>>)
    %mul3A_62 = arith.constant 80 : i32
    %mul3A_63 = arith.muli %add3A, %mul3A_62 : i32
    %add3A_64 = arith.constant 40 : i32
    %add3A_65 = arith.addi %mul3A_63, %add3A_64 : i32
    "tpu.region"() ({
      %run_scoped3A = tpu.sem_alloc : memref<!tpu.dma_semaphore, #tpu.memory_space<semaphore_mem>>
      %dma_start3A_105 = arith.constant 0 : i32
      %dma_start3A_106 = tpu.memref_slice %arg3[%add3A_65, %dma_start3A_105] : memref<2560x128xi32, #tpu.memory_space<hbm>> -> memref<40x128xi32, #tpu.memory_space<hbm>>
      %dma_start3A_107 = arith.constant 0 : i32
      %dma_start3A_108 = tpu.memref_slice %arg3[%add3A_65, %dma_start3A_107] : memref<2560x128xi32, #tpu.memory_space<hbm>> -> memref<40x128xi32, #tpu.memory_space<hbm>>
      tpu.enqueue_dma source(%dma_start3A_108 : memref<40x128xi32, #tpu.memory_space<hbm>>) target(%arg6 : memref<40x128xi32, #tpu.memory_space<vmem>>) target_semaphore(%run_scoped3A : memref<!tpu.dma_semaphore, #tpu.memory_space<semaphore_mem>>)
      %dma_wait3A_109 = arith.constant 0 : i32
      %dma_wait3A_110 = tpu.memref_slice %arg3[%add3A_65, %dma_wait3A_109] : memref<2560x128xi32, #tpu.memory_space<hbm>> -> memref<40x128xi32, #tpu.memory_space<hbm>>
      %dma_wait3A_111 = arith.constant 0 : i32
      %dma_wait3A_112 = tpu.memref_slice %arg3[%add3A_65, %dma_wait3A_111] : memref<2560x128xi32, #tpu.memory_space<hbm>> -> memref<40x128xi32, #tpu.memory_space<hbm>>
      tpu.wait_dma2 semaphore(%run_scoped3A : memref<!tpu.dma_semaphore, #tpu.memory_space<semaphore_mem>>) src(%dma_wait3A_112 : memref<40x128xi32, #tpu.memory_space<hbm>>) dst(%arg6 : memref<40x128xi32, #tpu.memory_space<vmem>>)
      tpu.yield
    }) : () -> ()
    "tpu.region"() ({
      %run_scoped3A = tpu.sem_alloc : memref<!tpu.dma_semaphore, #tpu.memory_space<semaphore_mem>>
      %dma_start3A_105 = arith.constant 0 : i32
      %dma_start3A_106 = tpu.memref_slice %arg4[%add3A_65, %dma_start3A_105] : memref<2560x128xi32, #tpu.memory_space<hbm>> -> memref<40x128xi32, #tpu.memory_space<hbm>>
      %dma_start3A_107 = arith.constant 0 : i32
      %dma_start3A_108 = tpu.memref_slice %arg4[%add3A_65, %dma_start3A_107] : memref<2560x128xi32, #tpu.memory_space<hbm>> -> memref<40x128xi32, #tpu.memory_space<hbm>>
      tpu.enqueue_dma source(%dma_start3A_108 : memref<40x128xi32, #tpu.memory_space<hbm>>) target(%arg7 : memref<40x128xi32, #tpu.memory_space<vmem>>) target_semaphore(%run_scoped3A : memref<!tpu.dma_semaphore, #tpu.memory_space<semaphore_mem>>)
      %dma_wait3A_109 = arith.constant 0 : i32
      %dma_wait3A_110 = tpu.memref_slice %arg4[%add3A_65, %dma_wait3A_109] : memref<2560x128xi32, #tpu.memory_space<hbm>> -> memref<40x128xi32, #tpu.memory_space<hbm>>
      %dma_wait3A_111 = arith.constant 0 : i32
      %dma_wait3A_112 = tpu.memref_slice %arg4[%add3A_65, %dma_wait3A_111] : memref<2560x128xi32, #tpu.memory_space<hbm>> -> memref<40x128xi32, #tpu.memory_space<hbm>>
      tpu.wait_dma2 semaphore(%run_scoped3A : memref<!tpu.dma_semaphore, #tpu.memory_space<semaphore_mem>>) src(%dma_wait3A_112 : memref<40x128xi32, #tpu.memory_space<hbm>>) dst(%arg7 : memref<40x128xi32, #tpu.memory_space<vmem>>)
      tpu.yield
    }) : () -> ()
    %dma_start3A_66 = arith.constant 0 : i32
    %dma_start3A_67 = arith.constant 0 : i32
    %dma_start3A_68 = tpu.memref_slice %arg6[%dma_start3A_66, %dma_start3A_67] : memref<40x128xi32, #tpu.memory_space<vmem>> -> memref<1x128xi32, #tpu.memory_space<vmem>>
    %dma_start3A_69 = tpu.memref_squeeze %dma_start3A_68 : memref<1x128xi32, #tpu.memory_space<vmem>> -> memref<128xi32, #tpu.memory_space<vmem>>
    %dma_start3A_70 = arith.constant 0 : i32
    %dma_start3A_71 = arith.constant 0 : i32
    %dma_start3A_72 = tpu.memref_slice %arg2[%dma_start3A_70, %dma_start3A_71] : memref<10000x128xf32, #tpu.memory_space<hbm>> -> memref<10000x128xf32, #tpu.memory_space<hbm>>
    tpu.enqueue_indirect_dma source(%dma_start3A_72 : memref<10000x128xf32, #tpu.memory_space<hbm>>) target(%arg8 : memref<128x128xf32, #tpu.memory_space<vmem>>) offsets(%dma_start3A_69 : memref<128xi32, #tpu.memory_space<vmem>>) semaphore(%arg11 : memref<!tpu.dma_semaphore, #tpu.memory_space<semaphore_mem>>)
    %dma_start3A_73 = arith.constant 1 : i32
    %dma_start3A_74 = arith.constant 0 : i32
    %dma_start3A_75 = tpu.memref_slice %arg6[%dma_start3A_73, %dma_start3A_74] : memref<40x128xi32, #tpu.memory_space<vmem>> -> memref<1x128xi32, #tpu.memory_space<vmem>>
    %dma_start3A_76 = tpu.memref_squeeze %dma_start3A_75 : memref<1x128xi32, #tpu.memory_space<vmem>> -> memref<128xi32, #tpu.memory_space<vmem>>
    %dma_start3A_77 = arith.constant 0 : i32
    %dma_start3A_78 = arith.constant 0 : i32
    %dma_start3A_79 = tpu.memref_slice %arg2[%dma_start3A_77, %dma_start3A_78] : memref<10000x128xf32, #tpu.memory_space<hbm>> -> memref<10000x128xf32, #tpu.memory_space<hbm>>
    tpu.enqueue_indirect_dma source(%dma_start3A_79 : memref<10000x128xf32, #tpu.memory_space<hbm>>) target(%arg9 : memref<128x128xf32, #tpu.memory_space<vmem>>) offsets(%dma_start3A_76 : memref<128xi32, #tpu.memory_space<vmem>>) semaphore(%arg12 : memref<!tpu.dma_semaphore, #tpu.memory_space<semaphore_mem>>)
    %scan3A_80 = arith.constant 0 : i32
    %scan3A_81 = arith.constant 0 : i32
    %scan3A_82 = arith.constant 20 : i32
    %scan3A_83 = arith.addi %scan3A_81, %scan3A_82 : i32
    %scan3A_84 = arith.constant 1 : i32
    scf.for %scan3A_105 = %scan3A_81 to %scan3A_83 step %scan3A_84  : i32 {
      %mul3A_106 = arith.constant 2 : i32
      %mul3A_107 = arith.muli %scan3A_105, %mul3A_106 : i32
      %add3A_108 = arith.constant 0 : i32
      %add3A_109 = arith.addi %mul3A_107, %add3A_108 : i32
      %dma_wait3A_110 = arith.constant 0 : i32
      %dma_wait3A_111 = tpu.memref_slice %arg6[%add3A_109, %dma_wait3A_110] : memref<40x128xi32, #tpu.memory_space<vmem>> -> memref<1x128xi32, #tpu.memory_space<vmem>>
      %dma_wait3A_112 = tpu.memref_squeeze %dma_wait3A_111 : memref<1x128xi32, #tpu.memory_space<vmem>> -> memref<128xi32, #tpu.memory_space<vmem>>
      %dma_wait3A_113 = arith.constant 0 : i32
      %dma_wait3A_114 = arith.constant 0 : i32
      %dma_wait3A_115 = tpu.memref_slice %arg2[%dma_wait3A_113, %dma_wait3A_114] : memref<10000x128xf32, #tpu.memory_space<hbm>> -> memref<10000x128xf32, #tpu.memory_space<hbm>>
      tpu.wait_indirect_dma semaphore(%arg11 : memref<!tpu.dma_semaphore, #tpu.memory_space<semaphore_mem>>) src(%dma_wait3A_115 : memref<10000x128xf32, #tpu.memory_space<hbm>>) dst(%arg8 : memref<128x128xf32, #tpu.memory_space<vmem>>)
      %dma_start3A_116 = arith.constant 0 : i32
      %dma_start3A_117 = tpu.memref_slice %arg7[%add3A_109, %dma_start3A_116] : memref<40x128xi32, #tpu.memory_space<vmem>> -> memref<1x128xi32, #tpu.memory_space<vmem>>
      %dma_start3A_118 = tpu.memref_squeeze %dma_start3A_117 : memref<1x128xi32, #tpu.memory_space<vmem>> -> memref<128xi32, #tpu.memory_space<vmem>>
      %dma_start3A_119 = arith.constant 0 : i32
      %dma_start3A_120 = arith.constant 0 : i32
      %dma_start3A_121 = tpu.memref_slice %arg10[%dma_start3A_119, %dma_start3A_120] : memref<10240x128xf32, #tpu.memory_space<vmem_shared>> -> memref<10240x128xf32, #tpu.memory_space<vmem_shared>>
      tpu.enqueue_indirect_dma source(%arg8 : memref<128x128xf32, #tpu.memory_space<vmem>>) target(%dma_start3A_121 : memref<10240x128xf32, #tpu.memory_space<vmem_shared>>) offsets(%dma_start3A_118 : memref<128xi32, #tpu.memory_space<vmem>>) semaphore(%arg13 : memref<!tpu.dma_semaphore, #tpu.memory_space<semaphore_mem>>) {add = true}
      %add3A_122 = arith.constant 2 : i32
      %add3A_123 = arith.addi %add3A_109, %add3A_122 : i32
      %lt3A = arith.constant 40 : i32
      %lt3A_124 = arith.cmpi slt, %add3A_123, %lt3A : i32
      %convert_element_type3A = arith.extui %lt3A_124 : i1 to i32
      %cond3A = arith.constant 0 : i32
      %cond3A_125 = arith.cmpi ne, %convert_element_type3A, %cond3A : i32
      scf.if %cond3A_125 {
        %dma_wait3A_149 = arith.constant 0 : i32
        %dma_wait3A_150 = tpu.memref_slice %arg7[%add3A_109, %dma_wait3A_149] : memref<40x128xi32, #tpu.memory_space<vmem>> -> memref<1x128xi32, #tpu.memory_space<vmem>>
        %dma_wait3A_151 = tpu.memref_squeeze %dma_wait3A_150 : memref<1x128xi32, #tpu.memory_space<vmem>> -> memref<128xi32, #tpu.memory_space<vmem>>
        %dma_wait3A_152 = arith.constant 0 : i32
        %dma_wait3A_153 = arith.constant 0 : i32
        %dma_wait3A_154 = tpu.memref_slice %arg10[%dma_wait3A_152, %dma_wait3A_153] : memref<10240x128xf32, #tpu.memory_space<vmem_shared>> -> memref<10240x128xf32, #tpu.memory_space<vmem_shared>>
        tpu.wait_indirect_dma semaphore(%arg13 : memref<!tpu.dma_semaphore, #tpu.memory_space<semaphore_mem>>) src(%arg8 : memref<128x128xf32, #tpu.memory_space<vmem>>) dst(%dma_wait3A_154 : memref<10240x128xf32, #tpu.memory_space<vmem_shared>>)
        %add3A_155 = arith.constant 2 : i32
        %add3A_156 = arith.addi %add3A_109, %add3A_155 : i32
        %dma_start3A_157 = arith.constant 0 : i32
        %dma_start3A_158 = tpu.memref_slice %arg6[%add3A_156, %dma_start3A_157] : memref<40x128xi32, #tpu.memory_space<vmem>> -> memref<1x128xi32, #tpu.memory_space<vmem>>
        %dma_start3A_159 = tpu.memref_squeeze %dma_start3A_158 : memref<1x128xi32, #tpu.memory_space<vmem>> -> memref<128xi32, #tpu.memory_space<vmem>>
        %dma_start3A_160 = arith.constant 0 : i32
        %dma_start3A_161 = arith.constant 0 : i32
        %dma_start3A_162 = tpu.memref_slice %arg2[%dma_start3A_160, %dma_start3A_161] : memref<10000x128xf32, #tpu.memory_space<hbm>> -> memref<10000x128xf32, #tpu.memory_space<hbm>>
        tpu.enqueue_indirect_dma source(%dma_start3A_162 : memref<10000x128xf32, #tpu.memory_space<hbm>>) target(%arg8 : memref<128x128xf32, #tpu.memory_space<vmem>>) offsets(%dma_start3A_159 : memref<128xi32, #tpu.memory_space<vmem>>) semaphore(%arg11 : memref<!tpu.dma_semaphore, #tpu.memory_space<semaphore_mem>>)
      } else {
      }
      %mul3A_126 = arith.constant 2 : i32
      %mul3A_127 = arith.muli %scan3A_105, %mul3A_126 : i32
      %add3A_128 = arith.constant 1 : i32
      %add3A_129 = arith.addi %mul3A_127, %add3A_128 : i32
      %dma_wait3A_130 = arith.constant 0 : i32
      %dma_wait3A_131 = tpu.memref_slice %arg6[%add3A_129, %dma_wait3A_130] : memref<40x128xi32, #tpu.memory_space<vmem>> -> memref<1x128xi32, #tpu.memory_space<vmem>>
      %dma_wait3A_132 = tpu.memref_squeeze %dma_wait3A_131 : memref<1x128xi32, #tpu.memory_space<vmem>> -> memref<128xi32, #tpu.memory_space<vmem>>
      %dma_wait3A_133 = arith.constant 0 : i32
      %dma_wait3A_134 = arith.constant 0 : i32
      %dma_wait3A_135 = tpu.memref_slice %arg2[%dma_wait3A_133, %dma_wait3A_134] : memref<10000x128xf32, #tpu.memory_space<hbm>> -> memref<10000x128xf32, #tpu.memory_space<hbm>>
      tpu.wait_indirect_dma semaphore(%arg12 : memref<!tpu.dma_semaphore, #tpu.memory_space<semaphore_mem>>) src(%dma_wait3A_135 : memref<10000x128xf32, #tpu.memory_space<hbm>>) dst(%arg9 : memref<128x128xf32, #tpu.memory_space<vmem>>)
      %dma_start3A_136 = arith.constant 0 : i32
      %dma_start3A_137 = tpu.memref_slice %arg7[%add3A_129, %dma_start3A_136] : memref<40x128xi32, #tpu.memory_space<vmem>> -> memref<1x128xi32, #tpu.memory_space<vmem>>
      %dma_start3A_138 = tpu.memref_squeeze %dma_start3A_137 : memref<1x128xi32, #tpu.memory_space<vmem>> -> memref<128xi32, #tpu.memory_space<vmem>>
      %dma_start3A_139 = arith.constant 0 : i32
      %dma_start3A_140 = arith.constant 0 : i32
      %dma_start3A_141 = tpu.memref_slice %arg10[%dma_start3A_139, %dma_start3A_140] : memref<10240x128xf32, #tpu.memory_space<vmem_shared>> -> memref<10240x128xf32, #tpu.memory_space<vmem_shared>>
      tpu.enqueue_indirect_dma source(%arg9 : memref<128x128xf32, #tpu.memory_space<vmem>>) target(%dma_start3A_141 : memref<10240x128xf32, #tpu.memory_space<vmem_shared>>) offsets(%dma_start3A_138 : memref<128xi32, #tpu.memory_space<vmem>>) semaphore(%arg14 : memref<!tpu.dma_semaphore, #tpu.memory_space<semaphore_mem>>) {add = true}
      %add3A_142 = arith.constant 2 : i32
      %add3A_143 = arith.addi %add3A_129, %add3A_142 : i32
      %lt3A_144 = arith.constant 40 : i32
      %lt3A_145 = arith.cmpi slt, %add3A_143, %lt3A_144 : i32
      %convert_element_type3A_146 = arith.extui %lt3A_145 : i1 to i32
      %cond3A_147 = arith.constant 0 : i32
      %cond3A_148 = arith.cmpi ne, %convert_element_type3A_146, %cond3A_147 : i32
      scf.if %cond3A_148 {
        %dma_wait3A_149 = arith.constant 0 : i32
        %dma_wait3A_150 = tpu.memref_slice %arg7[%add3A_129, %dma_wait3A_149] : memref<40x128xi32, #tpu.memory_space<vmem>> -> memref<1x128xi32, #tpu.memory_space<vmem>>
        %dma_wait3A_151 = tpu.memref_squeeze %dma_wait3A_150 : memref<1x128xi32, #tpu.memory_space<vmem>> -> memref<128xi32, #tpu.memory_space<vmem>>
        %dma_wait3A_152 = arith.constant 0 : i32
        %dma_wait3A_153 = arith.constant 0 : i32
        %dma_wait3A_154 = tpu.memref_slice %arg10[%dma_wait3A_152, %dma_wait3A_153] : memref<10240x128xf32, #tpu.memory_space<vmem_shared>> -> memref<10240x128xf32, #tpu.memory_space<vmem_shared>>
        tpu.wait_indirect_dma semaphore(%arg14 : memref<!tpu.dma_semaphore, #tpu.memory_space<semaphore_mem>>) src(%arg9 : memref<128x128xf32, #tpu.memory_space<vmem>>) dst(%dma_wait3A_154 : memref<10240x128xf32, #tpu.memory_space<vmem_shared>>)
        %add3A_155 = arith.constant 2 : i32
        %add3A_156 = arith.addi %add3A_129, %add3A_155 : i32
        %dma_start3A_157 = arith.constant 0 : i32
        %dma_start3A_158 = tpu.memref_slice %arg6[%add3A_156, %dma_start3A_157] : memref<40x128xi32, #tpu.memory_space<vmem>> -> memref<1x128xi32, #tpu.memory_space<vmem>>
        %dma_start3A_159 = tpu.memref_squeeze %dma_start3A_158 : memref<1x128xi32, #tpu.memory_space<vmem>> -> memref<128xi32, #tpu.memory_space<vmem>>
        %dma_start3A_160 = arith.constant 0 : i32
        %dma_start3A_161 = arith.constant 0 : i32
        %dma_start3A_162 = tpu.memref_slice %arg2[%dma_start3A_160, %dma_start3A_161] : memref<10000x128xf32, #tpu.memory_space<hbm>> -> memref<10000x128xf32, #tpu.memory_space<hbm>>
        tpu.enqueue_indirect_dma source(%dma_start3A_162 : memref<10000x128xf32, #tpu.memory_space<hbm>>) target(%arg9 : memref<128x128xf32, #tpu.memory_space<vmem>>) offsets(%dma_start3A_159 : memref<128xi32, #tpu.memory_space<vmem>>) semaphore(%arg12 : memref<!tpu.dma_semaphore, #tpu.memory_space<semaphore_mem>>)
      } else {
      }
    }
    %scan3A_85 = arith.constant 20 : i32
    %dma_wait3A_86 = arith.constant 38 : i32
    %dma_wait3A_87 = arith.constant 0 : i32
    %dma_wait3A_88 = tpu.memref_slice %arg7[%dma_wait3A_86, %dma_wait3A_87] : memref<40x128xi32, #tpu.memory_space<vmem>> -> memref<1x128xi32, #tpu.memory_space<vmem>>
    %dma_wait3A_89 = tpu.memref_squeeze %dma_wait3A_88 : memref<1x128xi32, #tpu.memory_space<vmem>> -> memref<128xi32, #tpu.memory_space<vmem>>
    %dma_wait3A_90 = arith.constant 0 : i32
    %dma_wait3A_91 = arith.constant 0 : i32
    %dma_wait3A_92 = tpu.memref_slice %arg10[%dma_wait3A_90, %dma_wait3A_91] : memref<10240x128xf32, #tpu.memory_space<vmem_shared>> -> memref<10240x128xf32, #tpu.memory_space<vmem_shared>>
    tpu.wait_indirect_dma semaphore(%arg13 : memref<!tpu.dma_semaphore, #tpu.memory_space<semaphore_mem>>) src(%arg8 : memref<128x128xf32, #tpu.memory_space<vmem>>) dst(%dma_wait3A_92 : memref<10240x128xf32, #tpu.memory_space<vmem_shared>>)
    %dma_wait3A_93 = arith.constant 39 : i32
    %dma_wait3A_94 = arith.constant 0 : i32
    %dma_wait3A_95 = tpu.memref_slice %arg7[%dma_wait3A_93, %dma_wait3A_94] : memref<40x128xi32, #tpu.memory_space<vmem>> -> memref<1x128xi32, #tpu.memory_space<vmem>>
    %dma_wait3A_96 = tpu.memref_squeeze %dma_wait3A_95 : memref<1x128xi32, #tpu.memory_space<vmem>> -> memref<128xi32, #tpu.memory_space<vmem>>
    %dma_wait3A_97 = arith.constant 0 : i32
    %dma_wait3A_98 = arith.constant 0 : i32
    %dma_wait3A_99 = tpu.memref_slice %arg10[%dma_wait3A_97, %dma_wait3A_98] : memref<10240x128xf32, #tpu.memory_space<vmem_shared>> -> memref<10240x128xf32, #tpu.memory_space<vmem_shared>>
    tpu.wait_indirect_dma semaphore(%arg14 : memref<!tpu.dma_semaphore, #tpu.memory_space<semaphore_mem>>) src(%arg9 : memref<128x128xf32, #tpu.memory_space<vmem>>) dst(%dma_wait3A_99 : memref<10240x128xf32, #tpu.memory_space<vmem_shared>>)
    %barrier3A_100 = arith.constant 0 : index
    tpu.barrier barrier_id(%barrier3A_100)
    %mul3A_101 = arith.constant 640 : i32
    %mul3A_102 = arith.muli %arg1, %mul3A_101 : i32
    %mul3A_103 = arith.constant 640 : i32
    %mul3A_104 = arith.muli %arg1, %mul3A_103 : i32
    "tpu.region"() ({
      %run_scoped3A = tpu.sem_alloc : memref<!tpu.dma_semaphore, #tpu.memory_space<semaphore_mem>>
      %dma_start3A_105 = arith.constant 0 : i32
      %dma_start3A_106 = tpu.memref_slice %arg5[%arg0, %mul3A_104, %dma_start3A_105] : memref<2x10240x128xf32, #tpu.memory_space<hbm>> -> memref<1x640x128xf32, #tpu.memory_space<hbm>>
      %dma_start3A_107 = tpu.memref_squeeze %dma_start3A_106 : memref<1x640x128xf32, #tpu.memory_space<hbm>> -> memref<640x128xf32, #tpu.memory_space<hbm>>
      %dma_start3A_108 = arith.constant 0 : i32
      %dma_start3A_109 = tpu.memref_slice %arg10[%mul3A_102, %dma_start3A_108] : memref<10240x128xf32, #tpu.memory_space<vmem_shared>> -> memref<640x128xf32, #tpu.memory_space<vmem_shared>>
      tpu.enqueue_dma source(%dma_start3A_109 : memref<640x128xf32, #tpu.memory_space<vmem_shared>>) target(%dma_start3A_107 : memref<640x128xf32, #tpu.memory_space<hbm>>) target_semaphore(%run_scoped3A : memref<!tpu.dma_semaphore, #tpu.memory_space<semaphore_mem>>)
      %dma_wait3A_110 = arith.constant 0 : i32
      %dma_wait3A_111 = tpu.memref_slice %arg5[%arg0, %mul3A_104, %dma_wait3A_110] : memref<2x10240x128xf32, #tpu.memory_space<hbm>> -> memref<1x640x128xf32, #tpu.memory_space<hbm>>
      %dma_wait3A_112 = tpu.memref_squeeze %dma_wait3A_111 : memref<1x640x128xf32, #tpu.memory_space<hbm>> -> memref<640x128xf32, #tpu.memory_space<hbm>>
      %dma_wait3A_113 = arith.constant 0 : i32
      %dma_wait3A_114 = tpu.memref_slice %arg10[%mul3A_102, %dma_wait3A_113] : memref<10240x128xf32, #tpu.memory_space<vmem_shared>> -> memref<640x128xf32, #tpu.memory_space<vmem_shared>>
      tpu.wait_dma2 semaphore(%run_scoped3A : memref<!tpu.dma_semaphore, #tpu.memory_space<semaphore_mem>>) src(%dma_wait3A_114 : memref<640x128xf32, #tpu.memory_space<vmem_shared>>) dst(%dma_wait3A_112 : memref<640x128xf32, #tpu.memory_space<hbm>>)
      tpu.yield
    }) : () -> ()
    return
  }
}

#map = affine_map<(d0, d1) -> (0, 0)>
#map1 = affine_map<(d0, d1) -> (0, 0, 0)>
module attributes {stable_mosaic.version = 14 : i64} {
  func.func @_scatter_sc_body(%arg0: i32, %arg1: i32, %arg2: memref<10000x128xf32, #tpu.memory_space<hbm>>, %arg3: memref<2560x128xi32, #tpu.memory_space<hbm>>, %arg4: memref<2560x128xi32, #tpu.memory_space<hbm>>, %arg5: memref<2x10240x128xf32, #tpu.memory_space<hbm>>, %arg6: memref<40x128xi32, #tpu.memory_space<vmem>>, %arg7: memref<40x128xi32, #tpu.memory_space<vmem>>, %arg8: memref<128x128xf32, #tpu.memory_space<vmem>>, %arg9: memref<128x128xf32, #tpu.memory_space<vmem>>, %arg10: memref<10240x128xf32, #tpu.memory_space<vmem_shared>>, %arg11: memref<!tpu.dma_semaphore, #tpu.memory_space<semaphore_mem>>, %arg12: memref<!tpu.dma_semaphore, #tpu.memory_space<semaphore_mem>>, %arg13: memref<!tpu.dma_semaphore, #tpu.memory_space<semaphore_mem>>, %arg14: memref<!tpu.dma_semaphore, #tpu.memory_space<semaphore_mem>>) attributes {dimension_semantics = [#tpu.dimension_semantics<core_parallel>, #tpu.dimension_semantics<subcore_parallel>], iteration_bounds = array<i64: 2, 16>, scalar_prefetch = 0 : i64, scratch_operands = 9 : i64, tpu.core_type = #tpu.core_type<sc_vector_subcore>, window_params = [{transform_indices = #map}, {transform_indices = #map}, {transform_indices = #map}, {transform_indices = #map1}]} {
    %mul3A = arith.constant 2 : i32
    %mul3A_0 = arith.muli %arg1, %mul3A : i32
    %add3A = arith.addi %mul3A_0, %arg0 : i32
    %scan3A = arith.constant 0 : i32
    %scan3A_1 = arith.constant 0 : i32
    %scan3A_2 = arith.constant 128 : i32
    %scan3A_3 = arith.addi %scan3A_1, %scan3A_2 : i32
    %scan3A_4 = arith.constant 1 : i32
    scf.for %scan3A_105 = %scan3A_1 to %scan3A_3 step %scan3A_4  : i32 {
      %broadcast_in_dim3A = arith.constant 0.000000e+00 : f32
      %broadcast_in_dim3A_106 = vector.broadcast %broadcast_in_dim3A : f32 to vector<16xf32>
      %swap3A = arith.index_cast %scan3A_105 : i32 to index
      %swap3A_107 = arith.constant 0 : index
      %swap3A_108 = tpu.vector_load %arg8[%swap3A, %swap3A_107] {strides = array<i32>} : memref<128x128xf32, #tpu.memory_space<vmem>>, vector<1x16xf32>,
      %swap3A_109 = vector.shape_cast %swap3A_108 : vector<1x16xf32> to vector<16xf32>
      %swap3A_110 = vector.shape_cast %broadcast_in_dim3A_106 : vector<16xf32> to vector<1x16xf32>
      tpu.vector_store %arg8[%swap3A, %swap3A_107], %swap3A_110 {strides = array<i32>} : memref<128x128xf32, #tpu.memory_space<vmem>>, vector<1x16xf32>,
      %broadcast_in_dim3A_111 = arith.constant 0.000000e+00 : f32
      %broadcast_in_dim3A_112 = vector.broadcast %broadcast_in_dim3A_111 : f32 to vector<16xf32>
      %swap3A_113 = arith.index_cast %scan3A_105 : i32 to index
      %swap3A_114 = arith.constant 16 : index
      %swap3A_115 = tpu.vector_load %arg8[%swap3A_113, %swap3A_114] {strides = array<i32>} : memref<128x128xf32, #tpu.memory_space<vmem>>, vector<1x16xf32>,
      %swap3A_116 = vector.shape_cast %swap3A_115 : vector<1x16xf32> to vector<16xf32>
      %swap3A_117 = vector.shape_cast %broadcast_in_dim3A_112 : vector<16xf32> to vector<1x16xf32>
      tpu.vector_store %arg8[%swap3A_113, %swap3A_114], %swap3A_117 {strides = array<i32>} : memref<128x128xf32, #tpu.memory_space<vmem>>, vector<1x16xf32>,
      %broadcast_in_dim3A_118 = arith.constant 0.000000e+00 : f32
      %broadcast_in_dim3A_119 = vector.broadcast %broadcast_in_dim3A_118 : f32 to vector<16xf32>
      %swap3A_120 = arith.index_cast %scan3A_105 : i32 to index
      %swap3A_121 = arith.constant 32 : index
      %swap3A_122 = tpu.vector_load %arg8[%swap3A_120, %swap3A_121] {strides = array<i32>} : memref<128x128xf32, #tpu.memory_space<vmem>>, vector<1x16xf32>,
      %swap3A_123 = vector.shape_cast %swap3A_122 : vector<1x16xf32> to vector<16xf32>
      %swap3A_124 = vector.shape_cast %broadcast_in_dim3A_119 : vector<16xf32> to vector<1x16xf32>
      tpu.vector_store %arg8[%swap3A_120, %swap3A_121], %swap3A_124 {strides = array<i32>} : memref<128x128xf32, #tpu.memory_space<vmem>>, vector<1x16xf32>,
      %broadcast_in_dim3A_125 = arith.constant 0.000000e+00 : f32
      %broadcast_in_dim3A_126 = vector.broadcast %broadcast_in_dim3A_125 : f32 to vector<16xf32>
      %swap3A_127 = arith.index_cast %scan3A_105 : i32 to index
      %swap3A_128 = arith.constant 48 : index
      %swap3A_129 = tpu.vector_load %arg8[%swap3A_127, %swap3A_128] {strides = array<i32>} : memref<128x128xf32, #tpu.memory_space<vmem>>, vector<1x16xf32>,
      %swap3A_130 = vector.shape_cast %swap3A_129 : vector<1x16xf32> to vector<16xf32>
      %swap3A_131 = vector.shape_cast %broadcast_in_dim3A_126 : vector<16xf32> to vector<1x16xf32>
      tpu.vector_store %arg8[%swap3A_127, %swap3A_128], %swap3A_131 {strides = array<i32>} : memref<128x128xf32, #tpu.memory_space<vmem>>, vector<1x16xf32>,
      %broadcast_in_dim3A_132 = arith.constant 0.000000e+00 : f32
      %broadcast_in_dim3A_133 = vector.broadcast %broadcast_in_dim3A_132 : f32 to vector<16xf32>
      %swap3A_134 = arith.index_cast %scan3A_105 : i32 to index
      %swap3A_135 = arith.constant 64 : index
      %swap3A_136 = tpu.vector_load %arg8[%swap3A_134, %swap3A_135] {strides = array<i32>} : memref<128x128xf32, #tpu.memory_space<vmem>>, vector<1x16xf32>,
      %swap3A_137 = vector.shape_cast %swap3A_136 : vector<1x16xf32> to vector<16xf32>
      %swap3A_138 = vector.shape_cast %broadcast_in_dim3A_133 : vector<16xf32> to vector<1x16xf32>
      tpu.vector_store %arg8[%swap3A_134, %swap3A_135], %swap3A_138 {strides = array<i32>} : memref<128x128xf32, #tpu.memory_space<vmem>>, vector<1x16xf32>,
      %broadcast_in_dim3A_139 = arith.constant 0.000000e+00 : f32
      %broadcast_in_dim3A_140 = vector.broadcast %broadcast_in_dim3A_139 : f32 to vector<16xf32>
      %swap3A_141 = arith.index_cast %scan3A_105 : i32 to index
      %swap3A_142 = arith.constant 80 : index
      %swap3A_143 = tpu.vector_load %arg8[%swap3A_141, %swap3A_142] {strides = array<i32>} : memref<128x128xf32, #tpu.memory_space<vmem>>, vector<1x16xf32>,
      %swap3A_144 = vector.shape_cast %swap3A_143 : vector<1x16xf32> to vector<16xf32>
      %swap3A_145 = vector.shape_cast %broadcast_in_dim3A_140 : vector<16xf32> to vector<1x16xf32>
      tpu.vector_store %arg8[%swap3A_141, %swap3A_142], %swap3A_145 {strides = array<i32>} : memref<128x128xf32, #tpu.memory_space<vmem>>, vector<1x16xf32>,
      %broadcast_in_dim3A_146 = arith.constant 0.000000e+00 : f32
      %broadcast_in_dim3A_147 = vector.broadcast %broadcast_in_dim3A_146 : f32 to vector<16xf32>
      %swap3A_148 = arith.index_cast %scan3A_105 : i32 to index
      %swap3A_149 = arith.constant 96 : index
      %swap3A_150 = tpu.vector_load %arg8[%swap3A_148, %swap3A_149] {strides = array<i32>} : memref<128x128xf32, #tpu.memory_space<vmem>>, vector<1x16xf32>,
      %swap3A_151 = vector.shape_cast %swap3A_150 : vector<1x16xf32> to vector<16xf32>
      %swap3A_152 = vector.shape_cast %broadcast_in_dim3A_147 : vector<16xf32> to vector<1x16xf32>
      tpu.vector_store %arg8[%swap3A_148, %swap3A_149], %swap3A_152 {strides = array<i32>} : memref<128x128xf32, #tpu.memory_space<vmem>>, vector<1x16xf32>,
      %broadcast_in_dim3A_153 = arith.constant 0.000000e+00 : f32
      %broadcast_in_dim3A_154 = vector.broadcast %broadcast_in_dim3A_153 : f32 to vector<16xf32>
      %swap3A_155 = arith.index_cast %scan3A_105 : i32 to index
      %swap3A_156 = arith.constant 112 : index
      %swap3A_157 = tpu.vector_load %arg8[%swap3A_155, %swap3A_156] {strides = array<i32>} : memref<128x128xf32, #tpu.memory_space<vmem>>, vector<1x16xf32>,
      %swap3A_158 = vector.shape_cast %swap3A_157 : vector<1x16xf32> to vector<16xf32>
      %swap3A_159 = vector.shape_cast %broadcast_in_dim3A_154 : vector<16xf32> to vector<1x16xf32>
      tpu.vector_store %arg8[%swap3A_155, %swap3A_156], %swap3A_159 {strides = array<i32>} : memref<128x128xf32, #tpu.memory_space<vmem>>, vector<1x16xf32>,
    }
    %scan3A_5 = arith.constant 128 : i32
    %mul3A_6 = arith.constant 640 : i32
    %mul3A_7 = arith.muli %arg1, %mul3A_6 : i32
    %add3A_8 = arith.constant 0 : i32
    %add3A_9 = arith.addi %mul3A_7, %add3A_8 : i32
    "tpu.region"() ({
      %run_scoped3A = tpu.sem_alloc : memref<!tpu.dma_semaphore, #tpu.memory_space<semaphore_mem>>
      %dma_start3A_105 = arith.constant 0 : i32
      %dma_start3A_106 = tpu.memref_slice %arg10[%add3A_9, %dma_start3A_105] : memref<10240x128xf32, #tpu.memory_space<vmem_shared>> -> memref<128x128xf32, #tpu.memory_space<vmem_shared>>
      %dma_start3A_107 = arith.constant 0 : i32
      %dma_start3A_108 = tpu.memref_slice %arg10[%add3A_9, %dma_start3A_107] : memref<10240x128xf32, #tpu.memory_space<vmem_shared>> -> memref<128x128xf32, #tpu.memory_space<vmem_shared>>
      tpu.enqueue_dma source(%arg8 : memref<128x128xf32, #tpu.memory_space<vmem>>) target(%dma_start3A_108 : memref<128x128xf32, #tpu.memory_space<vmem_shared>>) target_semaphore(%run_scoped3A : memref<!tpu.dma_semaphore, #tpu.memory_space<semaphore_mem>>)
      %dma_wait3A_109 = arith.constant 0 : i32
      %dma_wait3A_110 = tpu.memref_slice %arg10[%add3A_9, %dma_wait3A_109] : memref<10240x128xf32, #tpu.memory_space<vmem_shared>> -> memref<128x128xf32, #tpu.memory_space<vmem_shared>>
      %dma_wait3A_111 = arith.constant 0 : i32
      %dma_wait3A_112 = tpu.memref_slice %arg10[%add3A_9, %dma_wait3A_111] : memref<10240x128xf32, #tpu.memory_space<vmem_shared>> -> memref<128x128xf32, #tpu.memory_space<vmem_shared>>
      tpu.wait_dma2 semaphore(%run_scoped3A : memref<!tpu.dma_semaphore, #tpu.memory_space<semaphore_mem>>) src(%arg8 : memref<128x128xf32, #tpu.memory_space<vmem>>) dst(%dma_wait3A_112 : memref<128x128xf32, #tpu.memory_space<vmem_shared>>)
      tpu.yield
    }) : () -> ()
    %mul3A_10 = arith.constant 640 : i32
    %mul3A_11 = arith.muli %arg1, %mul3A_10 : i32
    %add3A_12 = arith.constant 128 : i32
    %add3A_13 = arith.addi %mul3A_11, %add3A_12 : i32
    "tpu.region"() ({
      %run_scoped3A = tpu.sem_alloc : memref<!tpu.dma_semaphore, #tpu.memory_space<semaphore_mem>>
      %dma_start3A_105 = arith.constant 0 : i32
      %dma_start3A_106 = tpu.memref_slice %arg10[%add3A_13, %dma_start3A_105] : memref<10240x128xf32, #tpu.memory_space<vmem_shared>> -> memref<128x128xf32, #tpu.memory_space<vmem_shared>>
      %dma_start3A_107 = arith.constant 0 : i32
      %dma_start3A_108 = tpu.memref_slice %arg10[%add3A_13, %dma_start3A_107] : memref<10240x128xf32, #tpu.memory_space<vmem_shared>> -> memref<128x128xf32, #tpu.memory_space<vmem_shared>>
      tpu.enqueue_dma source(%arg8 : memref<128x128xf32, #tpu.memory_space<vmem>>) target(%dma_start3A_108 : memref<128x128xf32, #tpu.memory_space<vmem_shared>>) target_semaphore(%run_scoped3A : memref<!tpu.dma_semaphore, #tpu.memory_space<semaphore_mem>>)
      %dma_wait3A_109 = arith.constant 0 : i32
      %dma_wait3A_110 = tpu.memref_slice %arg10[%add3A_13, %dma_wait3A_109] : memref<10240x128xf32, #tpu.memory_space<vmem_shared>> -> memref<128x128xf32, #tpu.memory_space<vmem_shared>>
      %dma_wait3A_111 = arith.constant 0 : i32
      %dma_wait3A_112 = tpu.memref_slice %arg10[%add3A_13, %dma_wait3A_111] : memref<10240x128xf32, #tpu.memory_space<vmem_shared>> -> memref<128x128xf32, #tpu.memory_space<vmem_shared>>
      tpu.wait_dma2 semaphore(%run_scoped3A : memref<!tpu.dma_semaphore, #tpu.memory_space<semaphore_mem>>) src(%arg8 : memref<128x128xf32, #tpu.memory_space<vmem>>) dst(%dma_wait3A_112 : memref<128x128xf32, #tpu.memory_space<vmem_shared>>)
      tpu.yield
    }) : () -> ()
    %mul3A_14 = arith.constant 640 : i32
    %mul3A_15 = arith.muli %arg1, %mul3A_14 : i32
    %add3A_16 = arith.constant 256 : i32
    %add3A_17 = arith.addi %mul3A_15, %add3A_16 : i32
    "tpu.region"() ({
      %run_scoped3A = tpu.sem_alloc : memref<!tpu.dma_semaphore, #tpu.memory_space<semaphore_mem>>
      %dma_start3A_105 = arith.constant 0 : i32
      %dma_start3A_106 = tpu.memref_slice %arg10[%add3A_17, %dma_start3A_105] : memref<10240x128xf32, #tpu.memory_space<vmem_shared>> -> memref<128x128xf32, #tpu.memory_space<vmem_shared>>
      %dma_start3A_107 = arith.constant 0 : i32
      %dma_start3A_108 = tpu.memref_slice %arg10[%add3A_17, %dma_start3A_107] : memref<10240x128xf32, #tpu.memory_space<vmem_shared>> -> memref<128x128xf32, #tpu.memory_space<vmem_shared>>
      tpu.enqueue_dma source(%arg8 : memref<128x128xf32, #tpu.memory_space<vmem>>) target(%dma_start3A_108 : memref<128x128xf32, #tpu.memory_space<vmem_shared>>) target_semaphore(%run_scoped3A : memref<!tpu.dma_semaphore, #tpu.memory_space<semaphore_mem>>)
      %dma_wait3A_109 = arith.constant 0 : i32
      %dma_wait3A_110 = tpu.memref_slice %arg10[%add3A_17, %dma_wait3A_109] : memref<10240x128xf32, #tpu.memory_space<vmem_shared>> -> memref<128x128xf32, #tpu.memory_space<vmem_shared>>
      %dma_wait3A_111 = arith.constant 0 : i32
      %dma_wait3A_112 = tpu.memref_slice %arg10[%add3A_17, %dma_wait3A_111] : memref<10240x128xf32, #tpu.memory_space<vmem_shared>> -> memref<128x128xf32, #tpu.memory_space<vmem_shared>>
      tpu.wait_dma2 semaphore(%run_scoped3A : memref<!tpu.dma_semaphore, #tpu.memory_space<semaphore_mem>>) src(%arg8 : memref<128x128xf32, #tpu.memory_space<vmem>>) dst(%dma_wait3A_112 : memref<128x128xf32, #tpu.memory_space<vmem_shared>>)
      tpu.yield
    }) : () -> ()
    %mul3A_18 = arith.constant 640 : i32
    %mul3A_19 = arith.muli %arg1, %mul3A_18 : i32
    %add3A_20 = arith.constant 384 : i32
    %add3A_21 = arith.addi %mul3A_19, %add3A_20 : i32
    "tpu.region"() ({
      %run_scoped3A = tpu.sem_alloc : memref<!tpu.dma_semaphore, #tpu.memory_space<semaphore_mem>>
      %dma_start3A_105 = arith.constant 0 : i32
      %dma_start3A_106 = tpu.memref_slice %arg10[%add3A_21, %dma_start3A_105] : memref<10240x128xf32, #tpu.memory_space<vmem_shared>> -> memref<128x128xf32, #tpu.memory_space<vmem_shared>>
      %dma_start3A_107 = arith.constant 0 : i32
      %dma_start3A_108 = tpu.memref_slice %arg10[%add3A_21, %dma_start3A_107] : memref<10240x128xf32, #tpu.memory_space<vmem_shared>> -> memref<128x128xf32, #tpu.memory_space<vmem_shared>>
      tpu.enqueue_dma source(%arg8 : memref<128x128xf32, #tpu.memory_space<vmem>>) target(%dma_start3A_108 : memref<128x128xf32, #tpu.memory_space<vmem_shared>>) target_semaphore(%run_scoped3A : memref<!tpu.dma_semaphore, #tpu.memory_space<semaphore_mem>>)
      %dma_wait3A_109 = arith.constant 0 : i32
      %dma_wait3A_110 = tpu.memref_slice %arg10[%add3A_21, %dma_wait3A_109] : memref<10240x128xf32, #tpu.memory_space<vmem_shared>> -> memref<128x128xf32, #tpu.memory_space<vmem_shared>>
      %dma_wait3A_111 = arith.constant 0 : i32
      %dma_wait3A_112 = tpu.memref_slice %arg10[%add3A_21, %dma_wait3A_111] : memref<10240x128xf32, #tpu.memory_space<vmem_shared>> -> memref<128x128xf32, #tpu.memory_space<vmem_shared>>
      tpu.wait_dma2 semaphore(%run_scoped3A : memref<!tpu.dma_semaphore, #tpu.memory_space<semaphore_mem>>) src(%arg8 : memref<128x128xf32, #tpu.memory_space<vmem>>) dst(%dma_wait3A_112 : memref<128x128xf32, #tpu.memory_space<vmem_shared>>)
      tpu.yield
    }) : () -> ()
    %mul3A_22 = arith.constant 640 : i32
    %mul3A_23 = arith.muli %arg1, %mul3A_22 : i32
    %add3A_24 = arith.constant 512 : i32
    %add3A_25 = arith.addi %mul3A_23, %add3A_24 : i32
    "tpu.region"() ({
      %run_scoped3A = tpu.sem_alloc : memref<!tpu.dma_semaphore, #tpu.memory_space<semaphore_mem>>
      %dma_start3A_105 = arith.constant 0 : i32
      %dma_start3A_106 = tpu.memref_slice %arg10[%add3A_25, %dma_start3A_105] : memref<10240x128xf32, #tpu.memory_space<vmem_shared>> -> memref<128x128xf32, #tpu.memory_space<vmem_shared>>
      %dma_start3A_107 = arith.constant 0 : i32
      %dma_start3A_108 = tpu.memref_slice %arg10[%add3A_25, %dma_start3A_107] : memref<10240x128xf32, #tpu.memory_space<vmem_shared>> -> memref<128x128xf32, #tpu.memory_space<vmem_shared>>
      tpu.enqueue_dma source(%arg8 : memref<128x128xf32, #tpu.memory_space<vmem>>) target(%dma_start3A_108 : memref<128x128xf32, #tpu.memory_space<vmem_shared>>) target_semaphore(%run_scoped3A : memref<!tpu.dma_semaphore, #tpu.memory_space<semaphore_mem>>)
      %dma_wait3A_109 = arith.constant 0 : i32
      %dma_wait3A_110 = tpu.memref_slice %arg10[%add3A_25, %dma_wait3A_109] : memref<10240x128xf32, #tpu.memory_space<vmem_shared>> -> memref<128x128xf32, #tpu.memory_space<vmem_shared>>
      %dma_wait3A_111 = arith.constant 0 : i32
      %dma_wait3A_112 = tpu.memref_slice %arg10[%add3A_25, %dma_wait3A_111] : memref<10240x128xf32, #tpu.memory_space<vmem_shared>> -> memref<128x128xf32, #tpu.memory_space<vmem_shared>>
      tpu.wait_dma2 semaphore(%run_scoped3A : memref<!tpu.dma_semaphore, #tpu.memory_space<semaphore_mem>>) src(%arg8 : memref<128x128xf32, #tpu.memory_space<vmem>>) dst(%dma_wait3A_112 : memref<128x128xf32, #tpu.memory_space<vmem_shared>>)
      tpu.yield
    }) : () -> ()
    %barrier3A = arith.constant 0 : index
    tpu.barrier barrier_id(%barrier3A)
    %mul3A_26 = arith.constant 80 : i32
    %mul3A_27 = arith.muli %add3A, %mul3A_26 : i32
    %add3A_28 = arith.constant 0 : i32
    %add3A_29 = arith.addi %mul3A_27, %add3A_28 : i32
    "tpu.region"() ({
      %run_scoped3A = tpu.sem_alloc : memref<!tpu.dma_semaphore, #tpu.memory_space<semaphore_mem>>
      %dma_start3A_105 = arith.constant 0 : i32
      %dma_start3A_106 = tpu.memref_slice %arg3[%add3A_29, %dma_start3A_105] : memref<2560x128xi32, #tpu.memory_space<hbm>> -> memref<40x128xi32, #tpu.memory_space<hbm>>
      %dma_start3A_107 = arith.constant 0 : i32
      %dma_start3A_108 = tpu.memref_slice %arg3[%add3A_29, %dma_start3A_107] : memref<2560x128xi32, #tpu.memory_space<hbm>> -> memref<40x128xi32, #tpu.memory_space<hbm>>
      tpu.enqueue_dma source(%dma_start3A_108 : memref<40x128xi32, #tpu.memory_space<hbm>>) target(%arg6 : memref<40x128xi32, #tpu.memory_space<vmem>>) target_semaphore(%run_scoped3A : memref<!tpu.dma_semaphore, #tpu.memory_space<semaphore_mem>>)
      %dma_wait3A_109 = arith.constant 0 : i32
      %dma_wait3A_110 = tpu.memref_slice %arg3[%add3A_29, %dma_wait3A_109] : memref<2560x128xi32, #tpu.memory_space<hbm>> -> memref<40x128xi32, #tpu.memory_space<hbm>>
      %dma_wait3A_111 = arith.constant 0 : i32
      %dma_wait3A_112 = tpu.memref_slice %arg3[%add3A_29, %dma_wait3A_111] : memref<2560x128xi32, #tpu.memory_space<hbm>> -> memref<40x128xi32, #tpu.memory_space<hbm>>
      tpu.wait_dma2 semaphore(%run_scoped3A : memref<!tpu.dma_semaphore, #tpu.memory_space<semaphore_mem>>) src(%dma_wait3A_112 : memref<40x128xi32, #tpu.memory_space<hbm>>) dst(%arg6 : memref<40x128xi32, #tpu.memory_space<vmem>>)
      tpu.yield
    }) : () -> ()
    "tpu.region"() ({
      %run_scoped3A = tpu.sem_alloc : memref<!tpu.dma_semaphore, #tpu.memory_space<semaphore_mem>>
      %dma_start3A_105 = arith.constant 0 : i32
      %dma_start3A_106 = tpu.memref_slice %arg4[%add3A_29, %dma_start3A_105] : memref<2560x128xi32, #tpu.memory_space<hbm>> -> memref<40x128xi32, #tpu.memory_space<hbm>>
      %dma_start3A_107 = arith.constant 0 : i32
      %dma_start3A_108 = tpu.memref_slice %arg4[%add3A_29, %dma_start3A_107] : memref<2560x128xi32, #tpu.memory_space<hbm>> -> memref<40x128xi32, #tpu.memory_space<hbm>>
      tpu.enqueue_dma source(%dma_start3A_108 : memref<40x128xi32, #tpu.memory_space<hbm>>) target(%arg7 : memref<40x128xi32, #tpu.memory_space<vmem>>) target_semaphore(%run_scoped3A : memref<!tpu.dma_semaphore, #tpu.memory_space<semaphore_mem>>)
      %dma_wait3A_109 = arith.constant 0 : i32
      %dma_wait3A_110 = tpu.memref_slice %arg4[%add3A_29, %dma_wait3A_109] : memref<2560x128xi32, #tpu.memory_space<hbm>> -> memref<40x128xi32, #tpu.memory_space<hbm>>
      %dma_wait3A_111 = arith.constant 0 : i32
      %dma_wait3A_112 = tpu.memref_slice %arg4[%add3A_29, %dma_wait3A_111] : memref<2560x128xi32, #tpu.memory_space<hbm>> -> memref<40x128xi32, #tpu.memory_space<hbm>>
      tpu.wait_dma2 semaphore(%run_scoped3A : memref<!tpu.dma_semaphore, #tpu.memory_space<semaphore_mem>>) src(%dma_wait3A_112 : memref<40x128xi32, #tpu.memory_space<hbm>>) dst(%arg7 : memref<40x128xi32, #tpu.memory_space<vmem>>)
      tpu.yield
    }) : () -> ()
    %dma_start3A = arith.constant 0 : i32
    %dma_start3A_30 = arith.constant 0 : i32
    %dma_start3A_31 = tpu.memref_slice %arg6[%dma_start3A, %dma_start3A_30] : memref<40x128xi32, #tpu.memory_space<vmem>> -> memref<1x128xi32, #tpu.memory_space<vmem>>
    %dma_start3A_32 = tpu.memref_squeeze %dma_start3A_31 : memref<1x128xi32, #tpu.memory_space<vmem>> -> memref<128xi32, #tpu.memory_space<vmem>>
    %dma_start3A_33 = arith.constant 0 : i32
    %dma_start3A_34 = arith.constant 0 : i32
    %dma_start3A_35 = tpu.memref_slice %arg2[%dma_start3A_33, %dma_start3A_34] : memref<10000x128xf32, #tpu.memory_space<hbm>> -> memref<10000x128xf32, #tpu.memory_space<hbm>>
    tpu.enqueue_indirect_dma source(%dma_start3A_35 : memref<10000x128xf32, #tpu.memory_space<hbm>>) target(%arg8 : memref<128x128xf32, #tpu.memory_space<vmem>>) offsets(%dma_start3A_32 : memref<128xi32, #tpu.memory_space<vmem>>) semaphore(%arg11 : memref<!tpu.dma_semaphore, #tpu.memory_space<semaphore_mem>>)
    %dma_start3A_36 = arith.constant 1 : i32
    %dma_start3A_37 = arith.constant 0 : i32
    %dma_start3A_38 = tpu.memref_slice %arg6[%dma_start3A_36, %dma_start3A_37] : memref<40x128xi32, #tpu.memory_space<vmem>> -> memref<1x128xi32, #tpu.memory_space<vmem>>
    %dma_start3A_39 = tpu.memref_squeeze %dma_start3A_38 : memref<1x128xi32, #tpu.memory_space<vmem>> -> memref<128xi32, #tpu.memory_space<vmem>>
    %dma_start3A_40 = arith.constant 0 : i32
    %dma_start3A_41 = arith.constant 0 : i32
    %dma_start3A_42 = tpu.memref_slice %arg2[%dma_start3A_40, %dma_start3A_41] : memref<10000x128xf32, #tpu.memory_space<hbm>> -> memref<10000x128xf32, #tpu.memory_space<hbm>>
    tpu.enqueue_indirect_dma source(%dma_start3A_42 : memref<10000x128xf32, #tpu.memory_space<hbm>>) target(%arg9 : memref<128x128xf32, #tpu.memory_space<vmem>>) offsets(%dma_start3A_39 : memref<128xi32, #tpu.memory_space<vmem>>) semaphore(%arg12 : memref<!tpu.dma_semaphore, #tpu.memory_space<semaphore_mem>>)
    %scan3A_43 = arith.constant 0 : i32
    %scan3A_44 = arith.constant 0 : i32
    %scan3A_45 = arith.constant 20 : i32
    %scan3A_46 = arith.addi %scan3A_44, %scan3A_45 : i32
    %scan3A_47 = arith.constant 1 : i32
    scf.for %scan3A_105 = %scan3A_44 to %scan3A_46 step %scan3A_47  : i32 {
      %mul3A_106 = arith.constant 2 : i32
      %mul3A_107 = arith.muli %scan3A_105, %mul3A_106 : i32
      %add3A_108 = arith.constant 0 : i32
      %add3A_109 = arith.addi %mul3A_107, %add3A_108 : i32
      %dma_wait3A_110 = arith.constant 0 : i32
      %dma_wait3A_111 = tpu.memref_slice %arg6[%add3A_109, %dma_wait3A_110] : memref<40x128xi32, #tpu.memory_space<vmem>> -> memref<1x128xi32, #tpu.memory_space<vmem>>
      %dma_wait3A_112 = tpu.memref_squeeze %dma_wait3A_111 : memref<1x128xi32, #tpu.memory_space<vmem>> -> memref<128xi32, #tpu.memory_space<vmem>>
      %dma_wait3A_113 = arith.constant 0 : i32
      %dma_wait3A_114 = arith.constant 0 : i32
      %dma_wait3A_115 = tpu.memref_slice %arg2[%dma_wait3A_113, %dma_wait3A_114] : memref<10000x128xf32, #tpu.memory_space<hbm>> -> memref<10000x128xf32, #tpu.memory_space<hbm>>
      tpu.wait_indirect_dma semaphore(%arg11 : memref<!tpu.dma_semaphore, #tpu.memory_space<semaphore_mem>>) src(%dma_wait3A_115 : memref<10000x128xf32, #tpu.memory_space<hbm>>) dst(%arg8 : memref<128x128xf32, #tpu.memory_space<vmem>>)
      %dma_start3A_116 = arith.constant 0 : i32
      %dma_start3A_117 = tpu.memref_slice %arg7[%add3A_109, %dma_start3A_116] : memref<40x128xi32, #tpu.memory_space<vmem>> -> memref<1x128xi32, #tpu.memory_space<vmem>>
      %dma_start3A_118 = tpu.memref_squeeze %dma_start3A_117 : memref<1x128xi32, #tpu.memory_space<vmem>> -> memref<128xi32, #tpu.memory_space<vmem>>
      %dma_start3A_119 = arith.constant 0 : i32
      %dma_start3A_120 = arith.constant 0 : i32
      %dma_start3A_121 = tpu.memref_slice %arg10[%dma_start3A_119, %dma_start3A_120] : memref<10240x128xf32, #tpu.memory_space<vmem_shared>> -> memref<10240x128xf32, #tpu.memory_space<vmem_shared>>
      tpu.enqueue_indirect_dma source(%arg8 : memref<128x128xf32, #tpu.memory_space<vmem>>) target(%dma_start3A_121 : memref<10240x128xf32, #tpu.memory_space<vmem_shared>>) offsets(%dma_start3A_118 : memref<128xi32, #tpu.memory_space<vmem>>) semaphore(%arg13 : memref<!tpu.dma_semaphore, #tpu.memory_space<semaphore_mem>>) {add = true}
      %add3A_122 = arith.constant 2 : i32
      %add3A_123 = arith.addi %add3A_109, %add3A_122 : i32
      %lt3A = arith.constant 40 : i32
      %lt3A_124 = arith.cmpi slt, %add3A_123, %lt3A : i32
      %convert_element_type3A = arith.extui %lt3A_124 : i1 to i32
      %cond3A = arith.constant 0 : i32
      %cond3A_125 = arith.cmpi ne, %convert_element_type3A, %cond3A : i32
      scf.if %cond3A_125 {
        %dma_wait3A_149 = arith.constant 0 : i32
        %dma_wait3A_150 = tpu.memref_slice %arg7[%add3A_109, %dma_wait3A_149] : memref<40x128xi32, #tpu.memory_space<vmem>> -> memref<1x128xi32, #tpu.memory_space<vmem>>
        %dma_wait3A_151 = tpu.memref_squeeze %dma_wait3A_150 : memref<1x128xi32, #tpu.memory_space<vmem>> -> memref<128xi32, #tpu.memory_space<vmem>>
        %dma_wait3A_152 = arith.constant 0 : i32
        %dma_wait3A_153 = arith.constant 0 : i32
        %dma_wait3A_154 = tpu.memref_slice %arg10[%dma_wait3A_152, %dma_wait3A_153] : memref<10240x128xf32, #tpu.memory_space<vmem_shared>> -> memref<10240x128xf32, #tpu.memory_space<vmem_shared>>
        tpu.wait_indirect_dma semaphore(%arg13 : memref<!tpu.dma_semaphore, #tpu.memory_space<semaphore_mem>>) src(%arg8 : memref<128x128xf32, #tpu.memory_space<vmem>>) dst(%dma_wait3A_154 : memref<10240x128xf32, #tpu.memory_space<vmem_shared>>)
        %add3A_155 = arith.constant 2 : i32
        %add3A_156 = arith.addi %add3A_109, %add3A_155 : i32
        %dma_start3A_157 = arith.constant 0 : i32
        %dma_start3A_158 = tpu.memref_slice %arg6[%add3A_156, %dma_start3A_157] : memref<40x128xi32, #tpu.memory_space<vmem>> -> memref<1x128xi32, #tpu.memory_space<vmem>>
        %dma_start3A_159 = tpu.memref_squeeze %dma_start3A_158 : memref<1x128xi32, #tpu.memory_space<vmem>> -> memref<128xi32, #tpu.memory_space<vmem>>
        %dma_start3A_160 = arith.constant 0 : i32
        %dma_start3A_161 = arith.constant 0 : i32
        %dma_start3A_162 = tpu.memref_slice %arg2[%dma_start3A_160, %dma_start3A_161] : memref<10000x128xf32, #tpu.memory_space<hbm>> -> memref<10000x128xf32, #tpu.memory_space<hbm>>
        tpu.enqueue_indirect_dma source(%dma_start3A_162 : memref<10000x128xf32, #tpu.memory_space<hbm>>) target(%arg8 : memref<128x128xf32, #tpu.memory_space<vmem>>) offsets(%dma_start3A_159 : memref<128xi32, #tpu.memory_space<vmem>>) semaphore(%arg11 : memref<!tpu.dma_semaphore, #tpu.memory_space<semaphore_mem>>)
      } else {
      }
      %mul3A_126 = arith.constant 2 : i32
      %mul3A_127 = arith.muli %scan3A_105, %mul3A_126 : i32
      %add3A_128 = arith.constant 1 : i32
      %add3A_129 = arith.addi %mul3A_127, %add3A_128 : i32
      %dma_wait3A_130 = arith.constant 0 : i32
      %dma_wait3A_131 = tpu.memref_slice %arg6[%add3A_129, %dma_wait3A_130] : memref<40x128xi32, #tpu.memory_space<vmem>> -> memref<1x128xi32, #tpu.memory_space<vmem>>
      %dma_wait3A_132 = tpu.memref_squeeze %dma_wait3A_131 : memref<1x128xi32, #tpu.memory_space<vmem>> -> memref<128xi32, #tpu.memory_space<vmem>>
      %dma_wait3A_133 = arith.constant 0 : i32
      %dma_wait3A_134 = arith.constant 0 : i32
      %dma_wait3A_135 = tpu.memref_slice %arg2[%dma_wait3A_133, %dma_wait3A_134] : memref<10000x128xf32, #tpu.memory_space<hbm>> -> memref<10000x128xf32, #tpu.memory_space<hbm>>
      tpu.wait_indirect_dma semaphore(%arg12 : memref<!tpu.dma_semaphore, #tpu.memory_space<semaphore_mem>>) src(%dma_wait3A_135 : memref<10000x128xf32, #tpu.memory_space<hbm>>) dst(%arg9 : memref<128x128xf32, #tpu.memory_space<vmem>>)
      %dma_start3A_136 = arith.constant 0 : i32
      %dma_start3A_137 = tpu.memref_slice %arg7[%add3A_129, %dma_start3A_136] : memref<40x128xi32, #tpu.memory_space<vmem>> -> memref<1x128xi32, #tpu.memory_space<vmem>>
      %dma_start3A_138 = tpu.memref_squeeze %dma_start3A_137 : memref<1x128xi32, #tpu.memory_space<vmem>> -> memref<128xi32, #tpu.memory_space<vmem>>
      %dma_start3A_139 = arith.constant 0 : i32
      %dma_start3A_140 = arith.constant 0 : i32
      %dma_start3A_141 = tpu.memref_slice %arg10[%dma_start3A_139, %dma_start3A_140] : memref<10240x128xf32, #tpu.memory_space<vmem_shared>> -> memref<10240x128xf32, #tpu.memory_space<vmem_shared>>
      tpu.enqueue_indirect_dma source(%arg9 : memref<128x128xf32, #tpu.memory_space<vmem>>) target(%dma_start3A_141 : memref<10240x128xf32, #tpu.memory_space<vmem_shared>>) offsets(%dma_start3A_138 : memref<128xi32, #tpu.memory_space<vmem>>) semaphore(%arg14 : memref<!tpu.dma_semaphore, #tpu.memory_space<semaphore_mem>>) {add = true}
      %add3A_142 = arith.constant 2 : i32
      %add3A_143 = arith.addi %add3A_129, %add3A_142 : i32
      %lt3A_144 = arith.constant 40 : i32
      %lt3A_145 = arith.cmpi slt, %add3A_143, %lt3A_144 : i32
      %convert_element_type3A_146 = arith.extui %lt3A_145 : i1 to i32
      %cond3A_147 = arith.constant 0 : i32
      %cond3A_148 = arith.cmpi ne, %convert_element_type3A_146, %cond3A_147 : i32
      scf.if %cond3A_148 {
        %dma_wait3A_149 = arith.constant 0 : i32
        %dma_wait3A_150 = tpu.memref_slice %arg7[%add3A_129, %dma_wait3A_149] : memref<40x128xi32, #tpu.memory_space<vmem>> -> memref<1x128xi32, #tpu.memory_space<vmem>>
        %dma_wait3A_151 = tpu.memref_squeeze %dma_wait3A_150 : memref<1x128xi32, #tpu.memory_space<vmem>> -> memref<128xi32, #tpu.memory_space<vmem>>
        %dma_wait3A_152 = arith.constant 0 : i32
        %dma_wait3A_153 = arith.constant 0 : i32
        %dma_wait3A_154 = tpu.memref_slice %arg10[%dma_wait3A_152, %dma_wait3A_153] : memref<10240x128xf32, #tpu.memory_space<vmem_shared>> -> memref<10240x128xf32, #tpu.memory_space<vmem_shared>>
        tpu.wait_indirect_dma semaphore(%arg14 : memref<!tpu.dma_semaphore, #tpu.memory_space<semaphore_mem>>) src(%arg9 : memref<128x128xf32, #tpu.memory_space<vmem>>) dst(%dma_wait3A_154 : memref<10240x128xf32, #tpu.memory_space<vmem_shared>>)
        %add3A_155 = arith.constant 2 : i32
        %add3A_156 = arith.addi %add3A_129, %add3A_155 : i32
        %dma_start3A_157 = arith.constant 0 : i32
        %dma_start3A_158 = tpu.memref_slice %arg6[%add3A_156, %dma_start3A_157] : memref<40x128xi32, #tpu.memory_space<vmem>> -> memref<1x128xi32, #tpu.memory_space<vmem>>
        %dma_start3A_159 = tpu.memref_squeeze %dma_start3A_158 : memref<1x128xi32, #tpu.memory_space<vmem>> -> memref<128xi32, #tpu.memory_space<vmem>>
        %dma_start3A_160 = arith.constant 0 : i32
        %dma_start3A_161 = arith.constant 0 : i32
        %dma_start3A_162 = tpu.memref_slice %arg2[%dma_start3A_160, %dma_start3A_161] : memref<10000x128xf32, #tpu.memory_space<hbm>> -> memref<10000x128xf32, #tpu.memory_space<hbm>>
        tpu.enqueue_indirect_dma source(%dma_start3A_162 : memref<10000x128xf32, #tpu.memory_space<hbm>>) target(%arg9 : memref<128x128xf32, #tpu.memory_space<vmem>>) offsets(%dma_start3A_159 : memref<128xi32, #tpu.memory_space<vmem>>) semaphore(%arg12 : memref<!tpu.dma_semaphore, #tpu.memory_space<semaphore_mem>>)
      } else {
      }
    }
    %scan3A_48 = arith.constant 20 : i32
    %dma_wait3A = arith.constant 38 : i32
    %dma_wait3A_49 = arith.constant 0 : i32
    %dma_wait3A_50 = tpu.memref_slice %arg7[%dma_wait3A, %dma_wait3A_49] : memref<40x128xi32, #tpu.memory_space<vmem>> -> memref<1x128xi32, #tpu.memory_space<vmem>>
    %dma_wait3A_51 = tpu.memref_squeeze %dma_wait3A_50 : memref<1x128xi32, #tpu.memory_space<vmem>> -> memref<128xi32, #tpu.memory_space<vmem>>
    %dma_wait3A_52 = arith.constant 0 : i32
    %dma_wait3A_53 = arith.constant 0 : i32
    %dma_wait3A_54 = tpu.memref_slice %arg10[%dma_wait3A_52, %dma_wait3A_53] : memref<10240x128xf32, #tpu.memory_space<vmem_shared>> -> memref<10240x128xf32, #tpu.memory_space<vmem_shared>>
    tpu.wait_indirect_dma semaphore(%arg13 : memref<!tpu.dma_semaphore, #tpu.memory_space<semaphore_mem>>) src(%arg8 : memref<128x128xf32, #tpu.memory_space<vmem>>) dst(%dma_wait3A_54 : memref<10240x128xf32, #tpu.memory_space<vmem_shared>>)
    %dma_wait3A_55 = arith.constant 39 : i32
    %dma_wait3A_56 = arith.constant 0 : i32
    %dma_wait3A_57 = tpu.memref_slice %arg7[%dma_wait3A_55, %dma_wait3A_56] : memref<40x128xi32, #tpu.memory_space<vmem>> -> memref<1x128xi32, #tpu.memory_space<vmem>>
    %dma_wait3A_58 = tpu.memref_squeeze %dma_wait3A_57 : memref<1x128xi32, #tpu.memory_space<vmem>> -> memref<128xi32, #tpu.memory_space<vmem>>
    %dma_wait3A_59 = arith.constant 0 : i32
    %dma_wait3A_60 = arith.constant 0 : i32
    %dma_wait3A_61 = tpu.memref_slice %arg10[%dma_wait3A_59, %dma_wait3A_60] : memref<10240x128xf32, #tpu.memory_space<vmem_shared>> -> memref<10240x128xf32, #tpu.memory_space<vmem_shared>>
    tpu.wait_indirect_dma semaphore(%arg14 : memref<!tpu.dma_semaphore, #tpu.memory_space<semaphore_mem>>) src(%arg9 : memref<128x128xf32, #tpu.memory_space<vmem>>) dst(%dma_wait3A_61 : memref<10240x128xf32, #tpu.memory_space<vmem_shared>>)
    %mul3A_62 = arith.constant 80 : i32
    %mul3A_63 = arith.muli %add3A, %mul3A_62 : i32
    %add3A_64 = arith.constant 40 : i32
    %add3A_65 = arith.addi %mul3A_63, %add3A_64 : i32
    "tpu.region"() ({
      %run_scoped3A = tpu.sem_alloc : memref<!tpu.dma_semaphore, #tpu.memory_space<semaphore_mem>>
      %dma_start3A_105 = arith.constant 0 : i32
      %dma_start3A_106 = tpu.memref_slice %arg3[%add3A_65, %dma_start3A_105] : memref<2560x128xi32, #tpu.memory_space<hbm>> -> memref<40x128xi32, #tpu.memory_space<hbm>>
      %dma_start3A_107 = arith.constant 0 : i32
      %dma_start3A_108 = tpu.memref_slice %arg3[%add3A_65, %dma_start3A_107] : memref<2560x128xi32, #tpu.memory_space<hbm>> -> memref<40x128xi32, #tpu.memory_space<hbm>>
      tpu.enqueue_dma source(%dma_start3A_108 : memref<40x128xi32, #tpu.memory_space<hbm>>) target(%arg6 : memref<40x128xi32, #tpu.memory_space<vmem>>) target_semaphore(%run_scoped3A : memref<!tpu.dma_semaphore, #tpu.memory_space<semaphore_mem>>)
      %dma_wait3A_109 = arith.constant 0 : i32
      %dma_wait3A_110 = tpu.memref_slice %arg3[%add3A_65, %dma_wait3A_109] : memref<2560x128xi32, #tpu.memory_space<hbm>> -> memref<40x128xi32, #tpu.memory_space<hbm>>
      %dma_wait3A_111 = arith.constant 0 : i32
      %dma_wait3A_112 = tpu.memref_slice %arg3[%add3A_65, %dma_wait3A_111] : memref<2560x128xi32, #tpu.memory_space<hbm>> -> memref<40x128xi32, #tpu.memory_space<hbm>>
      tpu.wait_dma2 semaphore(%run_scoped3A : memref<!tpu.dma_semaphore, #tpu.memory_space<semaphore_mem>>) src(%dma_wait3A_112 : memref<40x128xi32, #tpu.memory_space<hbm>>) dst(%arg6 : memref<40x128xi32, #tpu.memory_space<vmem>>)
      tpu.yield
    }) : () -> ()
    "tpu.region"() ({
      %run_scoped3A = tpu.sem_alloc : memref<!tpu.dma_semaphore, #tpu.memory_space<semaphore_mem>>
      %dma_start3A_105 = arith.constant 0 : i32
      %dma_start3A_106 = tpu.memref_slice %arg4[%add3A_65, %dma_start3A_105] : memref<2560x128xi32, #tpu.memory_space<hbm>> -> memref<40x128xi32, #tpu.memory_space<hbm>>
      %dma_start3A_107 = arith.constant 0 : i32
      %dma_start3A_108 = tpu.memref_slice %arg4[%add3A_65, %dma_start3A_107] : memref<2560x128xi32, #tpu.memory_space<hbm>> -> memref<40x128xi32, #tpu.memory_space<hbm>>
      tpu.enqueue_dma source(%dma_start3A_108 : memref<40x128xi32, #tpu.memory_space<hbm>>) target(%arg7 : memref<40x128xi32, #tpu.memory_space<vmem>>) target_semaphore(%run_scoped3A : memref<!tpu.dma_semaphore, #tpu.memory_space<semaphore_mem>>)
      %dma_wait3A_109 = arith.constant 0 : i32
      %dma_wait3A_110 = tpu.memref_slice %arg4[%add3A_65, %dma_wait3A_109] : memref<2560x128xi32, #tpu.memory_space<hbm>> -> memref<40x128xi32, #tpu.memory_space<hbm>>
      %dma_wait3A_111 = arith.constant 0 : i32
      %dma_wait3A_112 = tpu.memref_slice %arg4[%add3A_65, %dma_wait3A_111] : memref<2560x128xi32, #tpu.memory_space<hbm>> -> memref<40x128xi32, #tpu.memory_space<hbm>>
      tpu.wait_dma2 semaphore(%run_scoped3A : memref<!tpu.dma_semaphore, #tpu.memory_space<semaphore_mem>>) src(%dma_wait3A_112 : memref<40x128xi32, #tpu.memory_space<hbm>>) dst(%arg7 : memref<40x128xi32, #tpu.memory_space<vmem>>)
      tpu.yield
    }) : () -> ()
    %dma_start3A_66 = arith.constant 0 : i32
    %dma_start3A_67 = arith.constant 0 : i32
    %dma_start3A_68 = tpu.memref_slice %arg6[%dma_start3A_66, %dma_start3A_67] : memref<40x128xi32, #tpu.memory_space<vmem>> -> memref<1x128xi32, #tpu.memory_space<vmem>>
    %dma_start3A_69 = tpu.memref_squeeze %dma_start3A_68 : memref<1x128xi32, #tpu.memory_space<vmem>> -> memref<128xi32, #tpu.memory_space<vmem>>
    %dma_start3A_70 = arith.constant 0 : i32
    %dma_start3A_71 = arith.constant 0 : i32
    %dma_start3A_72 = tpu.memref_slice %arg2[%dma_start3A_70, %dma_start3A_71] : memref<10000x128xf32, #tpu.memory_space<hbm>> -> memref<10000x128xf32, #tpu.memory_space<hbm>>
    tpu.enqueue_indirect_dma source(%dma_start3A_72 : memref<10000x128xf32, #tpu.memory_space<hbm>>) target(%arg8 : memref<128x128xf32, #tpu.memory_space<vmem>>) offsets(%dma_start3A_69 : memref<128xi32, #tpu.memory_space<vmem>>) semaphore(%arg11 : memref<!tpu.dma_semaphore, #tpu.memory_space<semaphore_mem>>)
    %dma_start3A_73 = arith.constant 1 : i32
    %dma_start3A_74 = arith.constant 0 : i32
    %dma_start3A_75 = tpu.memref_slice %arg6[%dma_start3A_73, %dma_start3A_74] : memref<40x128xi32, #tpu.memory_space<vmem>> -> memref<1x128xi32, #tpu.memory_space<vmem>>
    %dma_start3A_76 = tpu.memref_squeeze %dma_start3A_75 : memref<1x128xi32, #tpu.memory_space<vmem>> -> memref<128xi32, #tpu.memory_space<vmem>>
    %dma_start3A_77 = arith.constant 0 : i32
    %dma_start3A_78 = arith.constant 0 : i32
    %dma_start3A_79 = tpu.memref_slice %arg2[%dma_start3A_77, %dma_start3A_78] : memref<10000x128xf32, #tpu.memory_space<hbm>> -> memref<10000x128xf32, #tpu.memory_space<hbm>>
    tpu.enqueue_indirect_dma source(%dma_start3A_79 : memref<10000x128xf32, #tpu.memory_space<hbm>>) target(%arg9 : memref<128x128xf32, #tpu.memory_space<vmem>>) offsets(%dma_start3A_76 : memref<128xi32, #tpu.memory_space<vmem>>) semaphore(%arg12 : memref<!tpu.dma_semaphore, #tpu.memory_space<semaphore_mem>>)
    %scan3A_80 = arith.constant 0 : i32
    %scan3A_81 = arith.constant 0 : i32
    %scan3A_82 = arith.constant 20 : i32
    %scan3A_83 = arith.addi %scan3A_81, %scan3A_82 : i32
    %scan3A_84 = arith.constant 1 : i32
    scf.for %scan3A_105 = %scan3A_81 to %scan3A_83 step %scan3A_84  : i32 {
      %mul3A_106 = arith.constant 2 : i32
      %mul3A_107 = arith.muli %scan3A_105, %mul3A_106 : i32
      %add3A_108 = arith.constant 0 : i32
      %add3A_109 = arith.addi %mul3A_107, %add3A_108 : i32
      %dma_wait3A_110 = arith.constant 0 : i32
      %dma_wait3A_111 = tpu.memref_slice %arg6[%add3A_109, %dma_wait3A_110] : memref<40x128xi32, #tpu.memory_space<vmem>> -> memref<1x128xi32, #tpu.memory_space<vmem>>
      %dma_wait3A_112 = tpu.memref_squeeze %dma_wait3A_111 : memref<1x128xi32, #tpu.memory_space<vmem>> -> memref<128xi32, #tpu.memory_space<vmem>>
      %dma_wait3A_113 = arith.constant 0 : i32
      %dma_wait3A_114 = arith.constant 0 : i32
      %dma_wait3A_115 = tpu.memref_slice %arg2[%dma_wait3A_113, %dma_wait3A_114] : memref<10000x128xf32, #tpu.memory_space<hbm>> -> memref<10000x128xf32, #tpu.memory_space<hbm>>
      tpu.wait_indirect_dma semaphore(%arg11 : memref<!tpu.dma_semaphore, #tpu.memory_space<semaphore_mem>>) src(%dma_wait3A_115 : memref<10000x128xf32, #tpu.memory_space<hbm>>) dst(%arg8 : memref<128x128xf32, #tpu.memory_space<vmem>>)
      %dma_start3A_116 = arith.constant 0 : i32
      %dma_start3A_117 = tpu.memref_slice %arg7[%add3A_109, %dma_start3A_116] : memref<40x128xi32, #tpu.memory_space<vmem>> -> memref<1x128xi32, #tpu.memory_space<vmem>>
      %dma_start3A_118 = tpu.memref_squeeze %dma_start3A_117 : memref<1x128xi32, #tpu.memory_space<vmem>> -> memref<128xi32, #tpu.memory_space<vmem>>
      %dma_start3A_119 = arith.constant 0 : i32
      %dma_start3A_120 = arith.constant 0 : i32
      %dma_start3A_121 = tpu.memref_slice %arg10[%dma_start3A_119, %dma_start3A_120] : memref<10240x128xf32, #tpu.memory_space<vmem_shared>> -> memref<10240x128xf32, #tpu.memory_space<vmem_shared>>
      tpu.enqueue_indirect_dma source(%arg8 : memref<128x128xf32, #tpu.memory_space<vmem>>) target(%dma_start3A_121 : memref<10240x128xf32, #tpu.memory_space<vmem_shared>>) offsets(%dma_start3A_118 : memref<128xi32, #tpu.memory_space<vmem>>) semaphore(%arg13 : memref<!tpu.dma_semaphore, #tpu.memory_space<semaphore_mem>>) {add = true}
      %add3A_122 = arith.constant 2 : i32
      %add3A_123 = arith.addi %add3A_109, %add3A_122 : i32
      %lt3A = arith.constant 40 : i32
      %lt3A_124 = arith.cmpi slt, %add3A_123, %lt3A : i32
      %convert_element_type3A = arith.extui %lt3A_124 : i1 to i32
      %cond3A = arith.constant 0 : i32
      %cond3A_125 = arith.cmpi ne, %convert_element_type3A, %cond3A : i32
      scf.if %cond3A_125 {
        %dma_wait3A_149 = arith.constant 0 : i32
        %dma_wait3A_150 = tpu.memref_slice %arg7[%add3A_109, %dma_wait3A_149] : memref<40x128xi32, #tpu.memory_space<vmem>> -> memref<1x128xi32, #tpu.memory_space<vmem>>
        %dma_wait3A_151 = tpu.memref_squeeze %dma_wait3A_150 : memref<1x128xi32, #tpu.memory_space<vmem>> -> memref<128xi32, #tpu.memory_space<vmem>>
        %dma_wait3A_152 = arith.constant 0 : i32
        %dma_wait3A_153 = arith.constant 0 : i32
        %dma_wait3A_154 = tpu.memref_slice %arg10[%dma_wait3A_152, %dma_wait3A_153] : memref<10240x128xf32, #tpu.memory_space<vmem_shared>> -> memref<10240x128xf32, #tpu.memory_space<vmem_shared>>
        tpu.wait_indirect_dma semaphore(%arg13 : memref<!tpu.dma_semaphore, #tpu.memory_space<semaphore_mem>>) src(%arg8 : memref<128x128xf32, #tpu.memory_space<vmem>>) dst(%dma_wait3A_154 : memref<10240x128xf32, #tpu.memory_space<vmem_shared>>)
        %add3A_155 = arith.constant 2 : i32
        %add3A_156 = arith.addi %add3A_109, %add3A_155 : i32
        %dma_start3A_157 = arith.constant 0 : i32
        %dma_start3A_158 = tpu.memref_slice %arg6[%add3A_156, %dma_start3A_157] : memref<40x128xi32, #tpu.memory_space<vmem>> -> memref<1x128xi32, #tpu.memory_space<vmem>>
        %dma_start3A_159 = tpu.memref_squeeze %dma_start3A_158 : memref<1x128xi32, #tpu.memory_space<vmem>> -> memref<128xi32, #tpu.memory_space<vmem>>
        %dma_start3A_160 = arith.constant 0 : i32
        %dma_start3A_161 = arith.constant 0 : i32
        %dma_start3A_162 = tpu.memref_slice %arg2[%dma_start3A_160, %dma_start3A_161] : memref<10000x128xf32, #tpu.memory_space<hbm>> -> memref<10000x128xf32, #tpu.memory_space<hbm>>
        tpu.enqueue_indirect_dma source(%dma_start3A_162 : memref<10000x128xf32, #tpu.memory_space<hbm>>) target(%arg8 : memref<128x128xf32, #tpu.memory_space<vmem>>) offsets(%dma_start3A_159 : memref<128xi32, #tpu.memory_space<vmem>>) semaphore(%arg11 : memref<!tpu.dma_semaphore, #tpu.memory_space<semaphore_mem>>)
      } else {
      }
      %mul3A_126 = arith.constant 2 : i32
      %mul3A_127 = arith.muli %scan3A_105, %mul3A_126 : i32
      %add3A_128 = arith.constant 1 : i32
      %add3A_129 = arith.addi %mul3A_127, %add3A_128 : i32
      %dma_wait3A_130 = arith.constant 0 : i32
      %dma_wait3A_131 = tpu.memref_slice %arg6[%add3A_129, %dma_wait3A_130] : memref<40x128xi32, #tpu.memory_space<vmem>> -> memref<1x128xi32, #tpu.memory_space<vmem>>
      %dma_wait3A_132 = tpu.memref_squeeze %dma_wait3A_131 : memref<1x128xi32, #tpu.memory_space<vmem>> -> memref<128xi32, #tpu.memory_space<vmem>>
      %dma_wait3A_133 = arith.constant 0 : i32
      %dma_wait3A_134 = arith.constant 0 : i32
      %dma_wait3A_135 = tpu.memref_slice %arg2[%dma_wait3A_133, %dma_wait3A_134] : memref<10000x128xf32, #tpu.memory_space<hbm>> -> memref<10000x128xf32, #tpu.memory_space<hbm>>
      tpu.wait_indirect_dma semaphore(%arg12 : memref<!tpu.dma_semaphore, #tpu.memory_space<semaphore_mem>>) src(%dma_wait3A_135 : memref<10000x128xf32, #tpu.memory_space<hbm>>) dst(%arg9 : memref<128x128xf32, #tpu.memory_space<vmem>>)
      %dma_start3A_136 = arith.constant 0 : i32
      %dma_start3A_137 = tpu.memref_slice %arg7[%add3A_129, %dma_start3A_136] : memref<40x128xi32, #tpu.memory_space<vmem>> -> memref<1x128xi32, #tpu.memory_space<vmem>>
      %dma_start3A_138 = tpu.memref_squeeze %dma_start3A_137 : memref<1x128xi32, #tpu.memory_space<vmem>> -> memref<128xi32, #tpu.memory_space<vmem>>
      %dma_start3A_139 = arith.constant 0 : i32
      %dma_start3A_140 = arith.constant 0 : i32
      %dma_start3A_141 = tpu.memref_slice %arg10[%dma_start3A_139, %dma_start3A_140] : memref<10240x128xf32, #tpu.memory_space<vmem_shared>> -> memref<10240x128xf32, #tpu.memory_space<vmem_shared>>
      tpu.enqueue_indirect_dma source(%arg9 : memref<128x128xf32, #tpu.memory_space<vmem>>) target(%dma_start3A_141 : memref<10240x128xf32, #tpu.memory_space<vmem_shared>>) offsets(%dma_start3A_138 : memref<128xi32, #tpu.memory_space<vmem>>) semaphore(%arg14 : memref<!tpu.dma_semaphore, #tpu.memory_space<semaphore_mem>>) {add = true}
      %add3A_142 = arith.constant 2 : i32
      %add3A_143 = arith.addi %add3A_129, %add3A_142 : i32
      %lt3A_144 = arith.constant 40 : i32
      %lt3A_145 = arith.cmpi slt, %add3A_143, %lt3A_144 : i32
      %convert_element_type3A_146 = arith.extui %lt3A_145 : i1 to i32
      %cond3A_147 = arith.constant 0 : i32
      %cond3A_148 = arith.cmpi ne, %convert_element_type3A_146, %cond3A_147 : i32
      scf.if %cond3A_148 {
        %dma_wait3A_149 = arith.constant 0 : i32
        %dma_wait3A_150 = tpu.memref_slice %arg7[%add3A_129, %dma_wait3A_149] : memref<40x128xi32, #tpu.memory_space<vmem>> -> memref<1x128xi32, #tpu.memory_space<vmem>>
        %dma_wait3A_151 = tpu.memref_squeeze %dma_wait3A_150 : memref<1x128xi32, #tpu.memory_space<vmem>> -> memref<128xi32, #tpu.memory_space<vmem>>
        %dma_wait3A_152 = arith.constant 0 : i32
        %dma_wait3A_153 = arith.constant 0 : i32
        %dma_wait3A_154 = tpu.memref_slice %arg10[%dma_wait3A_152, %dma_wait3A_153] : memref<10240x128xf32, #tpu.memory_space<vmem_shared>> -> memref<10240x128xf32, #tpu.memory_space<vmem_shared>>
        tpu.wait_indirect_dma semaphore(%arg14 : memref<!tpu.dma_semaphore, #tpu.memory_space<semaphore_mem>>) src(%arg9 : memref<128x128xf32, #tpu.memory_space<vmem>>) dst(%dma_wait3A_154 : memref<10240x128xf32, #tpu.memory_space<vmem_shared>>)
        %add3A_155 = arith.constant 2 : i32
        %add3A_156 = arith.addi %add3A_129, %add3A_155 : i32
        %dma_start3A_157 = arith.constant 0 : i32
        %dma_start3A_158 = tpu.memref_slice %arg6[%add3A_156, %dma_start3A_157] : memref<40x128xi32, #tpu.memory_space<vmem>> -> memref<1x128xi32, #tpu.memory_space<vmem>>
        %dma_start3A_159 = tpu.memref_squeeze %dma_start3A_158 : memref<1x128xi32, #tpu.memory_space<vmem>> -> memref<128xi32, #tpu.memory_space<vmem>>
        %dma_start3A_160 = arith.constant 0 : i32
        %dma_start3A_161 = arith.constant 0 : i32
        %dma_start3A_162 = tpu.memref_slice %arg2[%dma_start3A_160, %dma_start3A_161] : memref<10000x128xf32, #tpu.memory_space<hbm>> -> memref<10000x128xf32, #tpu.memory_space<hbm>>
        tpu.enqueue_indirect_dma source(%dma_start3A_162 : memref<10000x128xf32, #tpu.memory_space<hbm>>) target(%arg9 : memref<128x128xf32, #tpu.memory_space<vmem>>) offsets(%dma_start3A_159 : memref<128xi32, #tpu.memory_space<vmem>>) semaphore(%arg12 : memref<!tpu.dma_semaphore, #tpu.memory_space<semaphore_mem>>)
      } else {
      }
    }
    %scan3A_85 = arith.constant 20 : i32
    %dma_wait3A_86 = arith.constant 38 : i32
    %dma_wait3A_87 = arith.constant 0 : i32
    %dma_wait3A_88 = tpu.memref_slice %arg7[%dma_wait3A_86, %dma_wait3A_87] : memref<40x128xi32, #tpu.memory_space<vmem>> -> memref<1x128xi32, #tpu.memory_space<vmem>>
    %dma_wait3A_89 = tpu.memref_squeeze %dma_wait3A_88 : memref<1x128xi32, #tpu.memory_space<vmem>> -> memref<128xi32, #tpu.memory_space<vmem>>
    %dma_wait3A_90 = arith.constant 0 : i32
    %dma_wait3A_91 = arith.constant 0 : i32
    %dma_wait3A_92 = tpu.memref_slice %arg10[%dma_wait3A_90, %dma_wait3A_91] : memref<10240x128xf32, #tpu.memory_space<vmem_shared>> -> memref<10240x128xf32, #tpu.memory_space<vmem_shared>>
    tpu.wait_indirect_dma semaphore(%arg13 : memref<!tpu.dma_semaphore, #tpu.memory_space<semaphore_mem>>) src(%arg8 : memref<128x128xf32, #tpu.memory_space<vmem>>) dst(%dma_wait3A_92 : memref<10240x128xf32, #tpu.memory_space<vmem_shared>>)
    %dma_wait3A_93 = arith.constant 39 : i32
    %dma_wait3A_94 = arith.constant 0 : i32
    %dma_wait3A_95 = tpu.memref_slice %arg7[%dma_wait3A_93, %dma_wait3A_94] : memref<40x128xi32, #tpu.memory_space<vmem>> -> memref<1x128xi32, #tpu.memory_space<vmem>>
    %dma_wait3A_96 = tpu.memref_squeeze %dma_wait3A_95 : memref<1x128xi32, #tpu.memory_space<vmem>> -> memref<128xi32, #tpu.memory_space<vmem>>
    %dma_wait3A_97 = arith.constant 0 : i32
    %dma_wait3A_98 = arith.constant 0 : i32
    %dma_wait3A_99 = tpu.memref_slice %arg10[%dma_wait3A_97, %dma_wait3A_98] : memref<10240x128xf32, #tpu.memory_space<vmem_shared>> -> memref<10240x128xf32, #tpu.memory_space<vmem_shared>>
    tpu.wait_indirect_dma semaphore(%arg14 : memref<!tpu.dma_semaphore, #tpu.memory_space<semaphore_mem>>) src(%arg9 : memref<128x128xf32, #tpu.memory_space<vmem>>) dst(%dma_wait3A_99 : memref<10240x128xf32, #tpu.memory_space<vmem_shared>>)
    %barrier3A_100 = arith.constant 0 : index
    tpu.barrier barrier_id(%barrier3A_100)
    %mul3A_101 = arith.constant 640 : i32
    %mul3A_102 = arith.muli %arg1, %mul3A_101 : i32
    %mul3A_103 = arith.constant 640 : i32
    %mul3A_104 = arith.muli %arg1, %mul3A_103 : i32
    "tpu.region"() ({
      %run_scoped3A = tpu.sem_alloc : memref<!tpu.dma_semaphore, #tpu.memory_space<semaphore_mem>>
      %dma_start3A_105 = arith.constant 0 : i32
      %dma_start3A_106 = tpu.memref_slice %arg5[%arg0, %mul3A_104, %dma_start3A_105] : memref<2x10240x128xf32, #tpu.memory_space<hbm>> -> memref<1x640x128xf32, #tpu.memory_space<hbm>>
      %dma_start3A_107 = tpu.memref_squeeze %dma_start3A_106 : memref<1x640x128xf32, #tpu.memory_space<hbm>> -> memref<640x128xf32, #tpu.memory_space<hbm>>
      %dma_start3A_108 = arith.constant 0 : i32
      %dma_start3A_109 = tpu.memref_slice %arg10[%mul3A_102, %dma_start3A_108] : memref<10240x128xf32, #tpu.memory_space<vmem_shared>> -> memref<640x128xf32, #tpu.memory_space<vmem_shared>>
      tpu.enqueue_dma source(%dma_start3A_109 : memref<640x128xf32, #tpu.memory_space<vmem_shared>>) target(%dma_start3A_107 : memref<640x128xf32, #tpu.memory_space<hbm>>) target_semaphore(%run_scoped3A : memref<!tpu.dma_semaphore, #tpu.memory_space<semaphore_mem>>)
      %dma_wait3A_110 = arith.constant 0 : i32
      %dma_wait3A_111 = tpu.memref_slice %arg5[%arg0, %mul3A_104, %dma_wait3A_110] : memref<2x10240x128xf32, #tpu.memory_space<hbm>> -> memref<1x640x128xf32, #tpu.memory_space<hbm>>
      %dma_wait3A_112 = tpu.memref_squeeze %dma_wait3A_111 : memref<1x640x128xf32, #tpu.memory_space<hbm>> -> memref<640x128xf32, #tpu.memory_space<hbm>>
      %dma_wait3A_113 = arith.constant 0 : i32
      %dma_wait3A_114 = tpu.memref_slice %arg10[%mul3A_102, %dma_wait3A_113] : memref<10240x128xf32, #tpu.memory_space<vmem_shared>> -> memref<640x128xf32, #tpu.memory_space<vmem_shared>>
      tpu.wait_dma2 semaphore(%run_scoped3A : memref<!tpu.dma_semaphore, #tpu.memory_space<semaphore_mem>>) src(%dma_wait3A_114 : memref<640x128xf32, #tpu.memory_space<vmem_shared>>) dst(%dma_wait3A_112 : memref<640x128xf32, #tpu.memory_space<hbm>>)
      tpu.yield
    }) : () -> ()
    return
  }
}

#map = affine_map<(d0, d1) -> (0, 0)>
#map1 = affine_map<(d0, d1) -> (0, 0, 0)>
module attributes {stable_mosaic.version = 14 : i64} {
  func.func @_scatter_sc_body(%arg0: i32, %arg1: i32, %arg2: memref<10000x128xf32, #tpu.memory_space<hbm>>, %arg3: memref<2560x128xi32, #tpu.memory_space<hbm>>, %arg4: memref<2560x128xi32, #tpu.memory_space<hbm>>, %arg5: memref<2x10240x128xf32, #tpu.memory_space<hbm>>, %arg6: memref<40x128xi32, #tpu.memory_space<vmem>>, %arg7: memref<40x128xi32, #tpu.memory_space<vmem>>, %arg8: memref<128x128xf32, #tpu.memory_space<vmem>>, %arg9: memref<128x128xf32, #tpu.memory_space<vmem>>, %arg10: memref<10240x128xf32, #tpu.memory_space<vmem_shared>>, %arg11: memref<!tpu.dma_semaphore, #tpu.memory_space<semaphore_mem>>, %arg12: memref<!tpu.dma_semaphore, #tpu.memory_space<semaphore_mem>>, %arg13: memref<!tpu.dma_semaphore, #tpu.memory_space<semaphore_mem>>, %arg14: memref<!tpu.dma_semaphore, #tpu.memory_space<semaphore_mem>>) attributes {dimension_semantics = [#tpu.dimension_semantics<core_parallel>, #tpu.dimension_semantics<subcore_parallel>], iteration_bounds = array<i64: 2, 16>, scalar_prefetch = 0 : i64, scratch_operands = 9 : i64, tpu.core_type = #tpu.core_type<sc_vector_subcore>, window_params = [{transform_indices = #map}, {transform_indices = #map}, {transform_indices = #map}, {transform_indices = #map1}]} {
    %mul3A = arith.constant 2 : i32
    %mul3A_0 = arith.muli %arg1, %mul3A : i32
    %add3A = arith.addi %mul3A_0, %arg0 : i32
    %scan3A = arith.constant 0 : i32
    %scan3A_1 = arith.constant 0 : i32
    %scan3A_2 = arith.constant 128 : i32
    %scan3A_3 = arith.addi %scan3A_1, %scan3A_2 : i32
    %scan3A_4 = arith.constant 1 : i32
    scf.for %scan3A_105 = %scan3A_1 to %scan3A_3 step %scan3A_4  : i32 {
      %broadcast_in_dim3A = arith.constant 0.000000e+00 : f32
      %broadcast_in_dim3A_106 = vector.broadcast %broadcast_in_dim3A : f32 to vector<16xf32>
      %swap3A = arith.index_cast %scan3A_105 : i32 to index
      %swap3A_107 = arith.constant 0 : index
      %swap3A_108 = tpu.vector_load %arg8[%swap3A, %swap3A_107] {strides = array<i32>} : memref<128x128xf32, #tpu.memory_space<vmem>>, vector<1x16xf32>,
      %swap3A_109 = vector.shape_cast %swap3A_108 : vector<1x16xf32> to vector<16xf32>
      %swap3A_110 = vector.shape_cast %broadcast_in_dim3A_106 : vector<16xf32> to vector<1x16xf32>
      tpu.vector_store %arg8[%swap3A, %swap3A_107], %swap3A_110 {strides = array<i32>} : memref<128x128xf32, #tpu.memory_space<vmem>>, vector<1x16xf32>,
      %broadcast_in_dim3A_111 = arith.constant 0.000000e+00 : f32
      %broadcast_in_dim3A_112 = vector.broadcast %broadcast_in_dim3A_111 : f32 to vector<16xf32>
      %swap3A_113 = arith.index_cast %scan3A_105 : i32 to index
      %swap3A_114 = arith.constant 16 : index
      %swap3A_115 = tpu.vector_load %arg8[%swap3A_113, %swap3A_114] {strides = array<i32>} : memref<128x128xf32, #tpu.memory_space<vmem>>, vector<1x16xf32>,
      %swap3A_116 = vector.shape_cast %swap3A_115 : vector<1x16xf32> to vector<16xf32>
      %swap3A_117 = vector.shape_cast %broadcast_in_dim3A_112 : vector<16xf32> to vector<1x16xf32>
      tpu.vector_store %arg8[%swap3A_113, %swap3A_114], %swap3A_117 {strides = array<i32>} : memref<128x128xf32, #tpu.memory_space<vmem>>, vector<1x16xf32>,
      %broadcast_in_dim3A_118 = arith.constant 0.000000e+00 : f32
      %broadcast_in_dim3A_119 = vector.broadcast %broadcast_in_dim3A_118 : f32 to vector<16xf32>
      %swap3A_120 = arith.index_cast %scan3A_105 : i32 to index
      %swap3A_121 = arith.constant 32 : index
      %swap3A_122 = tpu.vector_load %arg8[%swap3A_120, %swap3A_121] {strides = array<i32>} : memref<128x128xf32, #tpu.memory_space<vmem>>, vector<1x16xf32>,
      %swap3A_123 = vector.shape_cast %swap3A_122 : vector<1x16xf32> to vector<16xf32>
      %swap3A_124 = vector.shape_cast %broadcast_in_dim3A_119 : vector<16xf32> to vector<1x16xf32>
      tpu.vector_store %arg8[%swap3A_120, %swap3A_121], %swap3A_124 {strides = array<i32>} : memref<128x128xf32, #tpu.memory_space<vmem>>, vector<1x16xf32>,
      %broadcast_in_dim3A_125 = arith.constant 0.000000e+00 : f32
      %broadcast_in_dim3A_126 = vector.broadcast %broadcast_in_dim3A_125 : f32 to vector<16xf32>
      %swap3A_127 = arith.index_cast %scan3A_105 : i32 to index
      %swap3A_128 = arith.constant 48 : index
      %swap3A_129 = tpu.vector_load %arg8[%swap3A_127, %swap3A_128] {strides = array<i32>} : memref<128x128xf32, #tpu.memory_space<vmem>>, vector<1x16xf32>,
      %swap3A_130 = vector.shape_cast %swap3A_129 : vector<1x16xf32> to vector<16xf32>
      %swap3A_131 = vector.shape_cast %broadcast_in_dim3A_126 : vector<16xf32> to vector<1x16xf32>
      tpu.vector_store %arg8[%swap3A_127, %swap3A_128], %swap3A_131 {strides = array<i32>} : memref<128x128xf32, #tpu.memory_space<vmem>>, vector<1x16xf32>,
      %broadcast_in_dim3A_132 = arith.constant 0.000000e+00 : f32
      %broadcast_in_dim3A_133 = vector.broadcast %broadcast_in_dim3A_132 : f32 to vector<16xf32>
      %swap3A_134 = arith.index_cast %scan3A_105 : i32 to index
      %swap3A_135 = arith.constant 64 : index
      %swap3A_136 = tpu.vector_load %arg8[%swap3A_134, %swap3A_135] {strides = array<i32>} : memref<128x128xf32, #tpu.memory_space<vmem>>, vector<1x16xf32>,
      %swap3A_137 = vector.shape_cast %swap3A_136 : vector<1x16xf32> to vector<16xf32>
      %swap3A_138 = vector.shape_cast %broadcast_in_dim3A_133 : vector<16xf32> to vector<1x16xf32>
      tpu.vector_store %arg8[%swap3A_134, %swap3A_135], %swap3A_138 {strides = array<i32>} : memref<128x128xf32, #tpu.memory_space<vmem>>, vector<1x16xf32>,
      %broadcast_in_dim3A_139 = arith.constant 0.000000e+00 : f32
      %broadcast_in_dim3A_140 = vector.broadcast %broadcast_in_dim3A_139 : f32 to vector<16xf32>
      %swap3A_141 = arith.index_cast %scan3A_105 : i32 to index
      %swap3A_142 = arith.constant 80 : index
      %swap3A_143 = tpu.vector_load %arg8[%swap3A_141, %swap3A_142] {strides = array<i32>} : memref<128x128xf32, #tpu.memory_space<vmem>>, vector<1x16xf32>,
      %swap3A_144 = vector.shape_cast %swap3A_143 : vector<1x16xf32> to vector<16xf32>
      %swap3A_145 = vector.shape_cast %broadcast_in_dim3A_140 : vector<16xf32> to vector<1x16xf32>
      tpu.vector_store %arg8[%swap3A_141, %swap3A_142], %swap3A_145 {strides = array<i32>} : memref<128x128xf32, #tpu.memory_space<vmem>>, vector<1x16xf32>,
      %broadcast_in_dim3A_146 = arith.constant 0.000000e+00 : f32
      %broadcast_in_dim3A_147 = vector.broadcast %broadcast_in_dim3A_146 : f32 to vector<16xf32>
      %swap3A_148 = arith.index_cast %scan3A_105 : i32 to index
      %swap3A_149 = arith.constant 96 : index
      %swap3A_150 = tpu.vector_load %arg8[%swap3A_148, %swap3A_149] {strides = array<i32>} : memref<128x128xf32, #tpu.memory_space<vmem>>, vector<1x16xf32>,
      %swap3A_151 = vector.shape_cast %swap3A_150 : vector<1x16xf32> to vector<16xf32>
      %swap3A_152 = vector.shape_cast %broadcast_in_dim3A_147 : vector<16xf32> to vector<1x16xf32>
      tpu.vector_store %arg8[%swap3A_148, %swap3A_149], %swap3A_152 {strides = array<i32>} : memref<128x128xf32, #tpu.memory_space<vmem>>, vector<1x16xf32>,
      %broadcast_in_dim3A_153 = arith.constant 0.000000e+00 : f32
      %broadcast_in_dim3A_154 = vector.broadcast %broadcast_in_dim3A_153 : f32 to vector<16xf32>
      %swap3A_155 = arith.index_cast %scan3A_105 : i32 to index
      %swap3A_156 = arith.constant 112 : index
      %swap3A_157 = tpu.vector_load %arg8[%swap3A_155, %swap3A_156] {strides = array<i32>} : memref<128x128xf32, #tpu.memory_space<vmem>>, vector<1x16xf32>,
      %swap3A_158 = vector.shape_cast %swap3A_157 : vector<1x16xf32> to vector<16xf32>
      %swap3A_159 = vector.shape_cast %broadcast_in_dim3A_154 : vector<16xf32> to vector<1x16xf32>
      tpu.vector_store %arg8[%swap3A_155, %swap3A_156], %swap3A_159 {strides = array<i32>} : memref<128x128xf32, #tpu.memory_space<vmem>>, vector<1x16xf32>,
    }
    %scan3A_5 = arith.constant 128 : i32
    %mul3A_6 = arith.constant 640 : i32
    %mul3A_7 = arith.muli %arg1, %mul3A_6 : i32
    %add3A_8 = arith.constant 0 : i32
    %add3A_9 = arith.addi %mul3A_7, %add3A_8 : i32
    "tpu.region"() ({
      %run_scoped3A = tpu.sem_alloc : memref<!tpu.dma_semaphore, #tpu.memory_space<semaphore_mem>>
      %dma_start3A_105 = arith.constant 0 : i32
      %dma_start3A_106 = tpu.memref_slice %arg10[%add3A_9, %dma_start3A_105] : memref<10240x128xf32, #tpu.memory_space<vmem_shared>> -> memref<128x128xf32, #tpu.memory_space<vmem_shared>>
      %dma_start3A_107 = arith.constant 0 : i32
      %dma_start3A_108 = tpu.memref_slice %arg10[%add3A_9, %dma_start3A_107] : memref<10240x128xf32, #tpu.memory_space<vmem_shared>> -> memref<128x128xf32, #tpu.memory_space<vmem_shared>>
      tpu.enqueue_dma source(%arg8 : memref<128x128xf32, #tpu.memory_space<vmem>>) target(%dma_start3A_108 : memref<128x128xf32, #tpu.memory_space<vmem_shared>>) target_semaphore(%run_scoped3A : memref<!tpu.dma_semaphore, #tpu.memory_space<semaphore_mem>>)
      %dma_wait3A_109 = arith.constant 0 : i32
      %dma_wait3A_110 = tpu.memref_slice %arg10[%add3A_9, %dma_wait3A_109] : memref<10240x128xf32, #tpu.memory_space<vmem_shared>> -> memref<128x128xf32, #tpu.memory_space<vmem_shared>>
      %dma_wait3A_111 = arith.constant 0 : i32
      %dma_wait3A_112 = tpu.memref_slice %arg10[%add3A_9, %dma_wait3A_111] : memref<10240x128xf32, #tpu.memory_space<vmem_shared>> -> memref<128x128xf32, #tpu.memory_space<vmem_shared>>
      tpu.wait_dma2 semaphore(%run_scoped3A : memref<!tpu.dma_semaphore, #tpu.memory_space<semaphore_mem>>) src(%arg8 : memref<128x128xf32, #tpu.memory_space<vmem>>) dst(%dma_wait3A_112 : memref<128x128xf32, #tpu.memory_space<vmem_shared>>)
      tpu.yield
    }) : () -> ()
    %mul3A_10 = arith.constant 640 : i32
    %mul3A_11 = arith.muli %arg1, %mul3A_10 : i32
    %add3A_12 = arith.constant 128 : i32
    %add3A_13 = arith.addi %mul3A_11, %add3A_12 : i32
    "tpu.region"() ({
      %run_scoped3A = tpu.sem_alloc : memref<!tpu.dma_semaphore, #tpu.memory_space<semaphore_mem>>
      %dma_start3A_105 = arith.constant 0 : i32
      %dma_start3A_106 = tpu.memref_slice %arg10[%add3A_13, %dma_start3A_105] : memref<10240x128xf32, #tpu.memory_space<vmem_shared>> -> memref<128x128xf32, #tpu.memory_space<vmem_shared>>
      %dma_start3A_107 = arith.constant 0 : i32
      %dma_start3A_108 = tpu.memref_slice %arg10[%add3A_13, %dma_start3A_107] : memref<10240x128xf32, #tpu.memory_space<vmem_shared>> -> memref<128x128xf32, #tpu.memory_space<vmem_shared>>
      tpu.enqueue_dma source(%arg8 : memref<128x128xf32, #tpu.memory_space<vmem>>) target(%dma_start3A_108 : memref<128x128xf32, #tpu.memory_space<vmem_shared>>) target_semaphore(%run_scoped3A : memref<!tpu.dma_semaphore, #tpu.memory_space<semaphore_mem>>)
      %dma_wait3A_109 = arith.constant 0 : i32
      %dma_wait3A_110 = tpu.memref_slice %arg10[%add3A_13, %dma_wait3A_109] : memref<10240x128xf32, #tpu.memory_space<vmem_shared>> -> memref<128x128xf32, #tpu.memory_space<vmem_shared>>
      %dma_wait3A_111 = arith.constant 0 : i32
      %dma_wait3A_112 = tpu.memref_slice %arg10[%add3A_13, %dma_wait3A_111] : memref<10240x128xf32, #tpu.memory_space<vmem_shared>> -> memref<128x128xf32, #tpu.memory_space<vmem_shared>>
      tpu.wait_dma2 semaphore(%run_scoped3A : memref<!tpu.dma_semaphore, #tpu.memory_space<semaphore_mem>>) src(%arg8 : memref<128x128xf32, #tpu.memory_space<vmem>>) dst(%dma_wait3A_112 : memref<128x128xf32, #tpu.memory_space<vmem_shared>>)
      tpu.yield
    }) : () -> ()
    %mul3A_14 = arith.constant 640 : i32
    %mul3A_15 = arith.muli %arg1, %mul3A_14 : i32
    %add3A_16 = arith.constant 256 : i32
    %add3A_17 = arith.addi %mul3A_15, %add3A_16 : i32
    "tpu.region"() ({
      %run_scoped3A = tpu.sem_alloc : memref<!tpu.dma_semaphore, #tpu.memory_space<semaphore_mem>>
      %dma_start3A_105 = arith.constant 0 : i32
      %dma_start3A_106 = tpu.memref_slice %arg10[%add3A_17, %dma_start3A_105] : memref<10240x128xf32, #tpu.memory_space<vmem_shared>> -> memref<128x128xf32, #tpu.memory_space<vmem_shared>>
      %dma_start3A_107 = arith.constant 0 : i32
      %dma_start3A_108 = tpu.memref_slice %arg10[%add3A_17, %dma_start3A_107] : memref<10240x128xf32, #tpu.memory_space<vmem_shared>> -> memref<128x128xf32, #tpu.memory_space<vmem_shared>>
      tpu.enqueue_dma source(%arg8 : memref<128x128xf32, #tpu.memory_space<vmem>>) target(%dma_start3A_108 : memref<128x128xf32, #tpu.memory_space<vmem_shared>>) target_semaphore(%run_scoped3A : memref<!tpu.dma_semaphore, #tpu.memory_space<semaphore_mem>>)
      %dma_wait3A_109 = arith.constant 0 : i32
      %dma_wait3A_110 = tpu.memref_slice %arg10[%add3A_17, %dma_wait3A_109] : memref<10240x128xf32, #tpu.memory_space<vmem_shared>> -> memref<128x128xf32, #tpu.memory_space<vmem_shared>>
      %dma_wait3A_111 = arith.constant 0 : i32
      %dma_wait3A_112 = tpu.memref_slice %arg10[%add3A_17, %dma_wait3A_111] : memref<10240x128xf32, #tpu.memory_space<vmem_shared>> -> memref<128x128xf32, #tpu.memory_space<vmem_shared>>
      tpu.wait_dma2 semaphore(%run_scoped3A : memref<!tpu.dma_semaphore, #tpu.memory_space<semaphore_mem>>) src(%arg8 : memref<128x128xf32, #tpu.memory_space<vmem>>) dst(%dma_wait3A_112 : memref<128x128xf32, #tpu.memory_space<vmem_shared>>)
      tpu.yield
    }) : () -> ()
    %mul3A_18 = arith.constant 640 : i32
    %mul3A_19 = arith.muli %arg1, %mul3A_18 : i32
    %add3A_20 = arith.constant 384 : i32
    %add3A_21 = arith.addi %mul3A_19, %add3A_20 : i32
    "tpu.region"() ({
      %run_scoped3A = tpu.sem_alloc : memref<!tpu.dma_semaphore, #tpu.memory_space<semaphore_mem>>
      %dma_start3A_105 = arith.constant 0 : i32
      %dma_start3A_106 = tpu.memref_slice %arg10[%add3A_21, %dma_start3A_105] : memref<10240x128xf32, #tpu.memory_space<vmem_shared>> -> memref<128x128xf32, #tpu.memory_space<vmem_shared>>
      %dma_start3A_107 = arith.constant 0 : i32
      %dma_start3A_108 = tpu.memref_slice %arg10[%add3A_21, %dma_start3A_107] : memref<10240x128xf32, #tpu.memory_space<vmem_shared>> -> memref<128x128xf32, #tpu.memory_space<vmem_shared>>
      tpu.enqueue_dma source(%arg8 : memref<128x128xf32, #tpu.memory_space<vmem>>) target(%dma_start3A_108 : memref<128x128xf32, #tpu.memory_space<vmem_shared>>) target_semaphore(%run_scoped3A : memref<!tpu.dma_semaphore, #tpu.memory_space<semaphore_mem>>)
      %dma_wait3A_109 = arith.constant 0 : i32
      %dma_wait3A_110 = tpu.memref_slice %arg10[%add3A_21, %dma_wait3A_109] : memref<10240x128xf32, #tpu.memory_space<vmem_shared>> -> memref<128x128xf32, #tpu.memory_space<vmem_shared>>
      %dma_wait3A_111 = arith.constant 0 : i32
      %dma_wait3A_112 = tpu.memref_slice %arg10[%add3A_21, %dma_wait3A_111] : memref<10240x128xf32, #tpu.memory_space<vmem_shared>> -> memref<128x128xf32, #tpu.memory_space<vmem_shared>>
      tpu.wait_dma2 semaphore(%run_scoped3A : memref<!tpu.dma_semaphore, #tpu.memory_space<semaphore_mem>>) src(%arg8 : memref<128x128xf32, #tpu.memory_space<vmem>>) dst(%dma_wait3A_112 : memref<128x128xf32, #tpu.memory_space<vmem_shared>>)
      tpu.yield
    }) : () -> ()
    %mul3A_22 = arith.constant 640 : i32
    %mul3A_23 = arith.muli %arg1, %mul3A_22 : i32
    %add3A_24 = arith.constant 512 : i32
    %add3A_25 = arith.addi %mul3A_23, %add3A_24 : i32
    "tpu.region"() ({
      %run_scoped3A = tpu.sem_alloc : memref<!tpu.dma_semaphore, #tpu.memory_space<semaphore_mem>>
      %dma_start3A_105 = arith.constant 0 : i32
      %dma_start3A_106 = tpu.memref_slice %arg10[%add3A_25, %dma_start3A_105] : memref<10240x128xf32, #tpu.memory_space<vmem_shared>> -> memref<128x128xf32, #tpu.memory_space<vmem_shared>>
      %dma_start3A_107 = arith.constant 0 : i32
      %dma_start3A_108 = tpu.memref_slice %arg10[%add3A_25, %dma_start3A_107] : memref<10240x128xf32, #tpu.memory_space<vmem_shared>> -> memref<128x128xf32, #tpu.memory_space<vmem_shared>>
      tpu.enqueue_dma source(%arg8 : memref<128x128xf32, #tpu.memory_space<vmem>>) target(%dma_start3A_108 : memref<128x128xf32, #tpu.memory_space<vmem_shared>>) target_semaphore(%run_scoped3A : memref<!tpu.dma_semaphore, #tpu.memory_space<semaphore_mem>>)
      %dma_wait3A_109 = arith.constant 0 : i32
      %dma_wait3A_110 = tpu.memref_slice %arg10[%add3A_25, %dma_wait3A_109] : memref<10240x128xf32, #tpu.memory_space<vmem_shared>> -> memref<128x128xf32, #tpu.memory_space<vmem_shared>>
      %dma_wait3A_111 = arith.constant 0 : i32
      %dma_wait3A_112 = tpu.memref_slice %arg10[%add3A_25, %dma_wait3A_111] : memref<10240x128xf32, #tpu.memory_space<vmem_shared>> -> memref<128x128xf32, #tpu.memory_space<vmem_shared>>
      tpu.wait_dma2 semaphore(%run_scoped3A : memref<!tpu.dma_semaphore, #tpu.memory_space<semaphore_mem>>) src(%arg8 : memref<128x128xf32, #tpu.memory_space<vmem>>) dst(%dma_wait3A_112 : memref<128x128xf32, #tpu.memory_space<vmem_shared>>)
      tpu.yield
    }) : () -> ()
    %barrier3A = arith.constant 0 : index
    tpu.barrier barrier_id(%barrier3A)
    %mul3A_26 = arith.constant 80 : i32
    %mul3A_27 = arith.muli %add3A, %mul3A_26 : i32
    %add3A_28 = arith.constant 0 : i32
    %add3A_29 = arith.addi %mul3A_27, %add3A_28 : i32
    "tpu.region"() ({
      %run_scoped3A = tpu.sem_alloc : memref<!tpu.dma_semaphore, #tpu.memory_space<semaphore_mem>>
      %dma_start3A_105 = arith.constant 0 : i32
      %dma_start3A_106 = tpu.memref_slice %arg3[%add3A_29, %dma_start3A_105] : memref<2560x128xi32, #tpu.memory_space<hbm>> -> memref<40x128xi32, #tpu.memory_space<hbm>>
      %dma_start3A_107 = arith.constant 0 : i32
      %dma_start3A_108 = tpu.memref_slice %arg3[%add3A_29, %dma_start3A_107] : memref<2560x128xi32, #tpu.memory_space<hbm>> -> memref<40x128xi32, #tpu.memory_space<hbm>>
      tpu.enqueue_dma source(%dma_start3A_108 : memref<40x128xi32, #tpu.memory_space<hbm>>) target(%arg6 : memref<40x128xi32, #tpu.memory_space<vmem>>) target_semaphore(%run_scoped3A : memref<!tpu.dma_semaphore, #tpu.memory_space<semaphore_mem>>)
      %dma_wait3A_109 = arith.constant 0 : i32
      %dma_wait3A_110 = tpu.memref_slice %arg3[%add3A_29, %dma_wait3A_109] : memref<2560x128xi32, #tpu.memory_space<hbm>> -> memref<40x128xi32, #tpu.memory_space<hbm>>
      %dma_wait3A_111 = arith.constant 0 : i32
      %dma_wait3A_112 = tpu.memref_slice %arg3[%add3A_29, %dma_wait3A_111] : memref<2560x128xi32, #tpu.memory_space<hbm>> -> memref<40x128xi32, #tpu.memory_space<hbm>>
      tpu.wait_dma2 semaphore(%run_scoped3A : memref<!tpu.dma_semaphore, #tpu.memory_space<semaphore_mem>>) src(%dma_wait3A_112 : memref<40x128xi32, #tpu.memory_space<hbm>>) dst(%arg6 : memref<40x128xi32, #tpu.memory_space<vmem>>)
      tpu.yield
    }) : () -> ()
    "tpu.region"() ({
      %run_scoped3A = tpu.sem_alloc : memref<!tpu.dma_semaphore, #tpu.memory_space<semaphore_mem>>
      %dma_start3A_105 = arith.constant 0 : i32
      %dma_start3A_106 = tpu.memref_slice %arg4[%add3A_29, %dma_start3A_105] : memref<2560x128xi32, #tpu.memory_space<hbm>> -> memref<40x128xi32, #tpu.memory_space<hbm>>
      %dma_start3A_107 = arith.constant 0 : i32
      %dma_start3A_108 = tpu.memref_slice %arg4[%add3A_29, %dma_start3A_107] : memref<2560x128xi32, #tpu.memory_space<hbm>> -> memref<40x128xi32, #tpu.memory_space<hbm>>
      tpu.enqueue_dma source(%dma_start3A_108 : memref<40x128xi32, #tpu.memory_space<hbm>>) target(%arg7 : memref<40x128xi32, #tpu.memory_space<vmem>>) target_semaphore(%run_scoped3A : memref<!tpu.dma_semaphore, #tpu.memory_space<semaphore_mem>>)
      %dma_wait3A_109 = arith.constant 0 : i32
      %dma_wait3A_110 = tpu.memref_slice %arg4[%add3A_29, %dma_wait3A_109] : memref<2560x128xi32, #tpu.memory_space<hbm>> -> memref<40x128xi32, #tpu.memory_space<hbm>>
      %dma_wait3A_111 = arith.constant 0 : i32
      %dma_wait3A_112 = tpu.memref_slice %arg4[%add3A_29, %dma_wait3A_111] : memref<2560x128xi32, #tpu.memory_space<hbm>> -> memref<40x128xi32, #tpu.memory_space<hbm>>
      tpu.wait_dma2 semaphore(%run_scoped3A : memref<!tpu.dma_semaphore, #tpu.memory_space<semaphore_mem>>) src(%dma_wait3A_112 : memref<40x128xi32, #tpu.memory_space<hbm>>) dst(%arg7 : memref<40x128xi32, #tpu.memory_space<vmem>>)
      tpu.yield
    }) : () -> ()
    %dma_start3A = arith.constant 0 : i32
    %dma_start3A_30 = arith.constant 0 : i32
    %dma_start3A_31 = tpu.memref_slice %arg6[%dma_start3A, %dma_start3A_30] : memref<40x128xi32, #tpu.memory_space<vmem>> -> memref<1x128xi32, #tpu.memory_space<vmem>>
    %dma_start3A_32 = tpu.memref_squeeze %dma_start3A_31 : memref<1x128xi32, #tpu.memory_space<vmem>> -> memref<128xi32, #tpu.memory_space<vmem>>
    %dma_start3A_33 = arith.constant 0 : i32
    %dma_start3A_34 = arith.constant 0 : i32
    %dma_start3A_35 = tpu.memref_slice %arg2[%dma_start3A_33, %dma_start3A_34] : memref<10000x128xf32, #tpu.memory_space<hbm>> -> memref<10000x128xf32, #tpu.memory_space<hbm>>
    tpu.enqueue_indirect_dma source(%dma_start3A_35 : memref<10000x128xf32, #tpu.memory_space<hbm>>) target(%arg8 : memref<128x128xf32, #tpu.memory_space<vmem>>) offsets(%dma_start3A_32 : memref<128xi32, #tpu.memory_space<vmem>>) semaphore(%arg11 : memref<!tpu.dma_semaphore, #tpu.memory_space<semaphore_mem>>)
    %dma_start3A_36 = arith.constant 1 : i32
    %dma_start3A_37 = arith.constant 0 : i32
    %dma_start3A_38 = tpu.memref_slice %arg6[%dma_start3A_36, %dma_start3A_37] : memref<40x128xi32, #tpu.memory_space<vmem>> -> memref<1x128xi32, #tpu.memory_space<vmem>>
    %dma_start3A_39 = tpu.memref_squeeze %dma_start3A_38 : memref<1x128xi32, #tpu.memory_space<vmem>> -> memref<128xi32, #tpu.memory_space<vmem>>
    %dma_start3A_40 = arith.constant 0 : i32
    %dma_start3A_41 = arith.constant 0 : i32
    %dma_start3A_42 = tpu.memref_slice %arg2[%dma_start3A_40, %dma_start3A_41] : memref<10000x128xf32, #tpu.memory_space<hbm>> -> memref<10000x128xf32, #tpu.memory_space<hbm>>
    tpu.enqueue_indirect_dma source(%dma_start3A_42 : memref<10000x128xf32, #tpu.memory_space<hbm>>) target(%arg9 : memref<128x128xf32, #tpu.memory_space<vmem>>) offsets(%dma_start3A_39 : memref<128xi32, #tpu.memory_space<vmem>>) semaphore(%arg12 : memref<!tpu.dma_semaphore, #tpu.memory_space<semaphore_mem>>)
    %scan3A_43 = arith.constant 0 : i32
    %scan3A_44 = arith.constant 0 : i32
    %scan3A_45 = arith.constant 20 : i32
    %scan3A_46 = arith.addi %scan3A_44, %scan3A_45 : i32
    %scan3A_47 = arith.constant 1 : i32
    scf.for %scan3A_105 = %scan3A_44 to %scan3A_46 step %scan3A_47  : i32 {
      %mul3A_106 = arith.constant 2 : i32
      %mul3A_107 = arith.muli %scan3A_105, %mul3A_106 : i32
      %add3A_108 = arith.constant 0 : i32
      %add3A_109 = arith.addi %mul3A_107, %add3A_108 : i32
      %dma_wait3A_110 = arith.constant 0 : i32
      %dma_wait3A_111 = tpu.memref_slice %arg6[%add3A_109, %dma_wait3A_110] : memref<40x128xi32, #tpu.memory_space<vmem>> -> memref<1x128xi32, #tpu.memory_space<vmem>>
      %dma_wait3A_112 = tpu.memref_squeeze %dma_wait3A_111 : memref<1x128xi32, #tpu.memory_space<vmem>> -> memref<128xi32, #tpu.memory_space<vmem>>
      %dma_wait3A_113 = arith.constant 0 : i32
      %dma_wait3A_114 = arith.constant 0 : i32
      %dma_wait3A_115 = tpu.memref_slice %arg2[%dma_wait3A_113, %dma_wait3A_114] : memref<10000x128xf32, #tpu.memory_space<hbm>> -> memref<10000x128xf32, #tpu.memory_space<hbm>>
      tpu.wait_indirect_dma semaphore(%arg11 : memref<!tpu.dma_semaphore, #tpu.memory_space<semaphore_mem>>) src(%dma_wait3A_115 : memref<10000x128xf32, #tpu.memory_space<hbm>>) dst(%arg8 : memref<128x128xf32, #tpu.memory_space<vmem>>)
      %dma_start3A_116 = arith.constant 0 : i32
      %dma_start3A_117 = tpu.memref_slice %arg7[%add3A_109, %dma_start3A_116] : memref<40x128xi32, #tpu.memory_space<vmem>> -> memref<1x128xi32, #tpu.memory_space<vmem>>
      %dma_start3A_118 = tpu.memref_squeeze %dma_start3A_117 : memref<1x128xi32, #tpu.memory_space<vmem>> -> memref<128xi32, #tpu.memory_space<vmem>>
      %dma_start3A_119 = arith.constant 0 : i32
      %dma_start3A_120 = arith.constant 0 : i32
      %dma_start3A_121 = tpu.memref_slice %arg10[%dma_start3A_119, %dma_start3A_120] : memref<10240x128xf32, #tpu.memory_space<vmem_shared>> -> memref<10240x128xf32, #tpu.memory_space<vmem_shared>>
      tpu.enqueue_indirect_dma source(%arg8 : memref<128x128xf32, #tpu.memory_space<vmem>>) target(%dma_start3A_121 : memref<10240x128xf32, #tpu.memory_space<vmem_shared>>) offsets(%dma_start3A_118 : memref<128xi32, #tpu.memory_space<vmem>>) semaphore(%arg13 : memref<!tpu.dma_semaphore, #tpu.memory_space<semaphore_mem>>) {add = true}
      %add3A_122 = arith.constant 2 : i32
      %add3A_123 = arith.addi %add3A_109, %add3A_122 : i32
      %lt3A = arith.constant 40 : i32
      %lt3A_124 = arith.cmpi slt, %add3A_123, %lt3A : i32
      %convert_element_type3A = arith.extui %lt3A_124 : i1 to i32
      %cond3A = arith.constant 0 : i32
      %cond3A_125 = arith.cmpi ne, %convert_element_type3A, %cond3A : i32
      scf.if %cond3A_125 {
        %dma_wait3A_149 = arith.constant 0 : i32
        %dma_wait3A_150 = tpu.memref_slice %arg7[%add3A_109, %dma_wait3A_149] : memref<40x128xi32, #tpu.memory_space<vmem>> -> memref<1x128xi32, #tpu.memory_space<vmem>>
        %dma_wait3A_151 = tpu.memref_squeeze %dma_wait3A_150 : memref<1x128xi32, #tpu.memory_space<vmem>> -> memref<128xi32, #tpu.memory_space<vmem>>
        %dma_wait3A_152 = arith.constant 0 : i32
        %dma_wait3A_153 = arith.constant 0 : i32
        %dma_wait3A_154 = tpu.memref_slice %arg10[%dma_wait3A_152, %dma_wait3A_153] : memref<10240x128xf32, #tpu.memory_space<vmem_shared>> -> memref<10240x128xf32, #tpu.memory_space<vmem_shared>>
        tpu.wait_indirect_dma semaphore(%arg13 : memref<!tpu.dma_semaphore, #tpu.memory_space<semaphore_mem>>) src(%arg8 : memref<128x128xf32, #tpu.memory_space<vmem>>) dst(%dma_wait3A_154 : memref<10240x128xf32, #tpu.memory_space<vmem_shared>>)
        %add3A_155 = arith.constant 2 : i32
        %add3A_156 = arith.addi %add3A_109, %add3A_155 : i32
        %dma_start3A_157 = arith.constant 0 : i32
        %dma_start3A_158 = tpu.memref_slice %arg6[%add3A_156, %dma_start3A_157] : memref<40x128xi32, #tpu.memory_space<vmem>> -> memref<1x128xi32, #tpu.memory_space<vmem>>
        %dma_start3A_159 = tpu.memref_squeeze %dma_start3A_158 : memref<1x128xi32, #tpu.memory_space<vmem>> -> memref<128xi32, #tpu.memory_space<vmem>>
        %dma_start3A_160 = arith.constant 0 : i32
        %dma_start3A_161 = arith.constant 0 : i32
        %dma_start3A_162 = tpu.memref_slice %arg2[%dma_start3A_160, %dma_start3A_161] : memref<10000x128xf32, #tpu.memory_space<hbm>> -> memref<10000x128xf32, #tpu.memory_space<hbm>>
        tpu.enqueue_indirect_dma source(%dma_start3A_162 : memref<10000x128xf32, #tpu.memory_space<hbm>>) target(%arg8 : memref<128x128xf32, #tpu.memory_space<vmem>>) offsets(%dma_start3A_159 : memref<128xi32, #tpu.memory_space<vmem>>) semaphore(%arg11 : memref<!tpu.dma_semaphore, #tpu.memory_space<semaphore_mem>>)
      } else {
      }
      %mul3A_126 = arith.constant 2 : i32
      %mul3A_127 = arith.muli %scan3A_105, %mul3A_126 : i32
      %add3A_128 = arith.constant 1 : i32
      %add3A_129 = arith.addi %mul3A_127, %add3A_128 : i32
      %dma_wait3A_130 = arith.constant 0 : i32
      %dma_wait3A_131 = tpu.memref_slice %arg6[%add3A_129, %dma_wait3A_130] : memref<40x128xi32, #tpu.memory_space<vmem>> -> memref<1x128xi32, #tpu.memory_space<vmem>>
      %dma_wait3A_132 = tpu.memref_squeeze %dma_wait3A_131 : memref<1x128xi32, #tpu.memory_space<vmem>> -> memref<128xi32, #tpu.memory_space<vmem>>
      %dma_wait3A_133 = arith.constant 0 : i32
      %dma_wait3A_134 = arith.constant 0 : i32
      %dma_wait3A_135 = tpu.memref_slice %arg2[%dma_wait3A_133, %dma_wait3A_134] : memref<10000x128xf32, #tpu.memory_space<hbm>> -> memref<10000x128xf32, #tpu.memory_space<hbm>>
      tpu.wait_indirect_dma semaphore(%arg12 : memref<!tpu.dma_semaphore, #tpu.memory_space<semaphore_mem>>) src(%dma_wait3A_135 : memref<10000x128xf32, #tpu.memory_space<hbm>>) dst(%arg9 : memref<128x128xf32, #tpu.memory_space<vmem>>)
      %dma_start3A_136 = arith.constant 0 : i32
      %dma_start3A_137 = tpu.memref_slice %arg7[%add3A_129, %dma_start3A_136] : memref<40x128xi32, #tpu.memory_space<vmem>> -> memref<1x128xi32, #tpu.memory_space<vmem>>
      %dma_start3A_138 = tpu.memref_squeeze %dma_start3A_137 : memref<1x128xi32, #tpu.memory_space<vmem>> -> memref<128xi32, #tpu.memory_space<vmem>>
      %dma_start3A_139 = arith.constant 0 : i32
      %dma_start3A_140 = arith.constant 0 : i32
      %dma_start3A_141 = tpu.memref_slice %arg10[%dma_start3A_139, %dma_start3A_140] : memref<10240x128xf32, #tpu.memory_space<vmem_shared>> -> memref<10240x128xf32, #tpu.memory_space<vmem_shared>>
      tpu.enqueue_indirect_dma source(%arg9 : memref<128x128xf32, #tpu.memory_space<vmem>>) target(%dma_start3A_141 : memref<10240x128xf32, #tpu.memory_space<vmem_shared>>) offsets(%dma_start3A_138 : memref<128xi32, #tpu.memory_space<vmem>>) semaphore(%arg14 : memref<!tpu.dma_semaphore, #tpu.memory_space<semaphore_mem>>) {add = true}
      %add3A_142 = arith.constant 2 : i32
      %add3A_143 = arith.addi %add3A_129, %add3A_142 : i32
      %lt3A_144 = arith.constant 40 : i32
      %lt3A_145 = arith.cmpi slt, %add3A_143, %lt3A_144 : i32
      %convert_element_type3A_146 = arith.extui %lt3A_145 : i1 to i32
      %cond3A_147 = arith.constant 0 : i32
      %cond3A_148 = arith.cmpi ne, %convert_element_type3A_146, %cond3A_147 : i32
      scf.if %cond3A_148 {
        %dma_wait3A_149 = arith.constant 0 : i32
        %dma_wait3A_150 = tpu.memref_slice %arg7[%add3A_129, %dma_wait3A_149] : memref<40x128xi32, #tpu.memory_space<vmem>> -> memref<1x128xi32, #tpu.memory_space<vmem>>
        %dma_wait3A_151 = tpu.memref_squeeze %dma_wait3A_150 : memref<1x128xi32, #tpu.memory_space<vmem>> -> memref<128xi32, #tpu.memory_space<vmem>>
        %dma_wait3A_152 = arith.constant 0 : i32
        %dma_wait3A_153 = arith.constant 0 : i32
        %dma_wait3A_154 = tpu.memref_slice %arg10[%dma_wait3A_152, %dma_wait3A_153] : memref<10240x128xf32, #tpu.memory_space<vmem_shared>> -> memref<10240x128xf32, #tpu.memory_space<vmem_shared>>
        tpu.wait_indirect_dma semaphore(%arg14 : memref<!tpu.dma_semaphore, #tpu.memory_space<semaphore_mem>>) src(%arg9 : memref<128x128xf32, #tpu.memory_space<vmem>>) dst(%dma_wait3A_154 : memref<10240x128xf32, #tpu.memory_space<vmem_shared>>)
        %add3A_155 = arith.constant 2 : i32
        %add3A_156 = arith.addi %add3A_129, %add3A_155 : i32
        %dma_start3A_157 = arith.constant 0 : i32
        %dma_start3A_158 = tpu.memref_slice %arg6[%add3A_156, %dma_start3A_157] : memref<40x128xi32, #tpu.memory_space<vmem>> -> memref<1x128xi32, #tpu.memory_space<vmem>>
        %dma_start3A_159 = tpu.memref_squeeze %dma_start3A_158 : memref<1x128xi32, #tpu.memory_space<vmem>> -> memref<128xi32, #tpu.memory_space<vmem>>
        %dma_start3A_160 = arith.constant 0 : i32
        %dma_start3A_161 = arith.constant 0 : i32
        %dma_start3A_162 = tpu.memref_slice %arg2[%dma_start3A_160, %dma_start3A_161] : memref<10000x128xf32, #tpu.memory_space<hbm>> -> memref<10000x128xf32, #tpu.memory_space<hbm>>
        tpu.enqueue_indirect_dma source(%dma_start3A_162 : memref<10000x128xf32, #tpu.memory_space<hbm>>) target(%arg9 : memref<128x128xf32, #tpu.memory_space<vmem>>) offsets(%dma_start3A_159 : memref<128xi32, #tpu.memory_space<vmem>>) semaphore(%arg12 : memref<!tpu.dma_semaphore, #tpu.memory_space<semaphore_mem>>)
      } else {
      }
    }
    %scan3A_48 = arith.constant 20 : i32
    %dma_wait3A = arith.constant 38 : i32
    %dma_wait3A_49 = arith.constant 0 : i32
    %dma_wait3A_50 = tpu.memref_slice %arg7[%dma_wait3A, %dma_wait3A_49] : memref<40x128xi32, #tpu.memory_space<vmem>> -> memref<1x128xi32, #tpu.memory_space<vmem>>
    %dma_wait3A_51 = tpu.memref_squeeze %dma_wait3A_50 : memref<1x128xi32, #tpu.memory_space<vmem>> -> memref<128xi32, #tpu.memory_space<vmem>>
    %dma_wait3A_52 = arith.constant 0 : i32
    %dma_wait3A_53 = arith.constant 0 : i32
    %dma_wait3A_54 = tpu.memref_slice %arg10[%dma_wait3A_52, %dma_wait3A_53] : memref<10240x128xf32, #tpu.memory_space<vmem_shared>> -> memref<10240x128xf32, #tpu.memory_space<vmem_shared>>
    tpu.wait_indirect_dma semaphore(%arg13 : memref<!tpu.dma_semaphore, #tpu.memory_space<semaphore_mem>>) src(%arg8 : memref<128x128xf32, #tpu.memory_space<vmem>>) dst(%dma_wait3A_54 : memref<10240x128xf32, #tpu.memory_space<vmem_shared>>)
    %dma_wait3A_55 = arith.constant 39 : i32
    %dma_wait3A_56 = arith.constant 0 : i32
    %dma_wait3A_57 = tpu.memref_slice %arg7[%dma_wait3A_55, %dma_wait3A_56] : memref<40x128xi32, #tpu.memory_space<vmem>> -> memref<1x128xi32, #tpu.memory_space<vmem>>
    %dma_wait3A_58 = tpu.memref_squeeze %dma_wait3A_57 : memref<1x128xi32, #tpu.memory_space<vmem>> -> memref<128xi32, #tpu.memory_space<vmem>>
    %dma_wait3A_59 = arith.constant 0 : i32
    %dma_wait3A_60 = arith.constant 0 : i32
    %dma_wait3A_61 = tpu.memref_slice %arg10[%dma_wait3A_59, %dma_wait3A_60] : memref<10240x128xf32, #tpu.memory_space<vmem_shared>> -> memref<10240x128xf32, #tpu.memory_space<vmem_shared>>
    tpu.wait_indirect_dma semaphore(%arg14 : memref<!tpu.dma_semaphore, #tpu.memory_space<semaphore_mem>>) src(%arg9 : memref<128x128xf32, #tpu.memory_space<vmem>>) dst(%dma_wait3A_61 : memref<10240x128xf32, #tpu.memory_space<vmem_shared>>)
    %mul3A_62 = arith.constant 80 : i32
    %mul3A_63 = arith.muli %add3A, %mul3A_62 : i32
    %add3A_64 = arith.constant 40 : i32
    %add3A_65 = arith.addi %mul3A_63, %add3A_64 : i32
    "tpu.region"() ({
      %run_scoped3A = tpu.sem_alloc : memref<!tpu.dma_semaphore, #tpu.memory_space<semaphore_mem>>
      %dma_start3A_105 = arith.constant 0 : i32
      %dma_start3A_106 = tpu.memref_slice %arg3[%add3A_65, %dma_start3A_105] : memref<2560x128xi32, #tpu.memory_space<hbm>> -> memref<40x128xi32, #tpu.memory_space<hbm>>
      %dma_start3A_107 = arith.constant 0 : i32
      %dma_start3A_108 = tpu.memref_slice %arg3[%add3A_65, %dma_start3A_107] : memref<2560x128xi32, #tpu.memory_space<hbm>> -> memref<40x128xi32, #tpu.memory_space<hbm>>
      tpu.enqueue_dma source(%dma_start3A_108 : memref<40x128xi32, #tpu.memory_space<hbm>>) target(%arg6 : memref<40x128xi32, #tpu.memory_space<vmem>>) target_semaphore(%run_scoped3A : memref<!tpu.dma_semaphore, #tpu.memory_space<semaphore_mem>>)
      %dma_wait3A_109 = arith.constant 0 : i32
      %dma_wait3A_110 = tpu.memref_slice %arg3[%add3A_65, %dma_wait3A_109] : memref<2560x128xi32, #tpu.memory_space<hbm>> -> memref<40x128xi32, #tpu.memory_space<hbm>>
      %dma_wait3A_111 = arith.constant 0 : i32
      %dma_wait3A_112 = tpu.memref_slice %arg3[%add3A_65, %dma_wait3A_111] : memref<2560x128xi32, #tpu.memory_space<hbm>> -> memref<40x128xi32, #tpu.memory_space<hbm>>
      tpu.wait_dma2 semaphore(%run_scoped3A : memref<!tpu.dma_semaphore, #tpu.memory_space<semaphore_mem>>) src(%dma_wait3A_112 : memref<40x128xi32, #tpu.memory_space<hbm>>) dst(%arg6 : memref<40x128xi32, #tpu.memory_space<vmem>>)
      tpu.yield
    }) : () -> ()
    "tpu.region"() ({
      %run_scoped3A = tpu.sem_alloc : memref<!tpu.dma_semaphore, #tpu.memory_space<semaphore_mem>>
      %dma_start3A_105 = arith.constant 0 : i32
      %dma_start3A_106 = tpu.memref_slice %arg4[%add3A_65, %dma_start3A_105] : memref<2560x128xi32, #tpu.memory_space<hbm>> -> memref<40x128xi32, #tpu.memory_space<hbm>>
      %dma_start3A_107 = arith.constant 0 : i32
      %dma_start3A_108 = tpu.memref_slice %arg4[%add3A_65, %dma_start3A_107] : memref<2560x128xi32, #tpu.memory_space<hbm>> -> memref<40x128xi32, #tpu.memory_space<hbm>>
      tpu.enqueue_dma source(%dma_start3A_108 : memref<40x128xi32, #tpu.memory_space<hbm>>) target(%arg7 : memref<40x128xi32, #tpu.memory_space<vmem>>) target_semaphore(%run_scoped3A : memref<!tpu.dma_semaphore, #tpu.memory_space<semaphore_mem>>)
      %dma_wait3A_109 = arith.constant 0 : i32
      %dma_wait3A_110 = tpu.memref_slice %arg4[%add3A_65, %dma_wait3A_109] : memref<2560x128xi32, #tpu.memory_space<hbm>> -> memref<40x128xi32, #tpu.memory_space<hbm>>
      %dma_wait3A_111 = arith.constant 0 : i32
      %dma_wait3A_112 = tpu.memref_slice %arg4[%add3A_65, %dma_wait3A_111] : memref<2560x128xi32, #tpu.memory_space<hbm>> -> memref<40x128xi32, #tpu.memory_space<hbm>>
      tpu.wait_dma2 semaphore(%run_scoped3A : memref<!tpu.dma_semaphore, #tpu.memory_space<semaphore_mem>>) src(%dma_wait3A_112 : memref<40x128xi32, #tpu.memory_space<hbm>>) dst(%arg7 : memref<40x128xi32, #tpu.memory_space<vmem>>)
      tpu.yield
    }) : () -> ()
    %dma_start3A_66 = arith.constant 0 : i32
    %dma_start3A_67 = arith.constant 0 : i32
    %dma_start3A_68 = tpu.memref_slice %arg6[%dma_start3A_66, %dma_start3A_67] : memref<40x128xi32, #tpu.memory_space<vmem>> -> memref<1x128xi32, #tpu.memory_space<vmem>>
    %dma_start3A_69 = tpu.memref_squeeze %dma_start3A_68 : memref<1x128xi32, #tpu.memory_space<vmem>> -> memref<128xi32, #tpu.memory_space<vmem>>
    %dma_start3A_70 = arith.constant 0 : i32
    %dma_start3A_71 = arith.constant 0 : i32
    %dma_start3A_72 = tpu.memref_slice %arg2[%dma_start3A_70, %dma_start3A_71] : memref<10000x128xf32, #tpu.memory_space<hbm>> -> memref<10000x128xf32, #tpu.memory_space<hbm>>
    tpu.enqueue_indirect_dma source(%dma_start3A_72 : memref<10000x128xf32, #tpu.memory_space<hbm>>) target(%arg8 : memref<128x128xf32, #tpu.memory_space<vmem>>) offsets(%dma_start3A_69 : memref<128xi32, #tpu.memory_space<vmem>>) semaphore(%arg11 : memref<!tpu.dma_semaphore, #tpu.memory_space<semaphore_mem>>)
    %dma_start3A_73 = arith.constant 1 : i32
    %dma_start3A_74 = arith.constant 0 : i32
    %dma_start3A_75 = tpu.memref_slice %arg6[%dma_start3A_73, %dma_start3A_74] : memref<40x128xi32, #tpu.memory_space<vmem>> -> memref<1x128xi32, #tpu.memory_space<vmem>>
    %dma_start3A_76 = tpu.memref_squeeze %dma_start3A_75 : memref<1x128xi32, #tpu.memory_space<vmem>> -> memref<128xi32, #tpu.memory_space<vmem>>
    %dma_start3A_77 = arith.constant 0 : i32
    %dma_start3A_78 = arith.constant 0 : i32
    %dma_start3A_79 = tpu.memref_slice %arg2[%dma_start3A_77, %dma_start3A_78] : memref<10000x128xf32, #tpu.memory_space<hbm>> -> memref<10000x128xf32, #tpu.memory_space<hbm>>
    tpu.enqueue_indirect_dma source(%dma_start3A_79 : memref<10000x128xf32, #tpu.memory_space<hbm>>) target(%arg9 : memref<128x128xf32, #tpu.memory_space<vmem>>) offsets(%dma_start3A_76 : memref<128xi32, #tpu.memory_space<vmem>>) semaphore(%arg12 : memref<!tpu.dma_semaphore, #tpu.memory_space<semaphore_mem>>)
    %scan3A_80 = arith.constant 0 : i32
    %scan3A_81 = arith.constant 0 : i32
    %scan3A_82 = arith.constant 20 : i32
    %scan3A_83 = arith.addi %scan3A_81, %scan3A_82 : i32
    %scan3A_84 = arith.constant 1 : i32
    scf.for %scan3A_105 = %scan3A_81 to %scan3A_83 step %scan3A_84  : i32 {
      %mul3A_106 = arith.constant 2 : i32
      %mul3A_107 = arith.muli %scan3A_105, %mul3A_106 : i32
      %add3A_108 = arith.constant 0 : i32
      %add3A_109 = arith.addi %mul3A_107, %add3A_108 : i32
      %dma_wait3A_110 = arith.constant 0 : i32
      %dma_wait3A_111 = tpu.memref_slice %arg6[%add3A_109, %dma_wait3A_110] : memref<40x128xi32, #tpu.memory_space<vmem>> -> memref<1x128xi32, #tpu.memory_space<vmem>>
      %dma_wait3A_112 = tpu.memref_squeeze %dma_wait3A_111 : memref<1x128xi32, #tpu.memory_space<vmem>> -> memref<128xi32, #tpu.memory_space<vmem>>
      %dma_wait3A_113 = arith.constant 0 : i32
      %dma_wait3A_114 = arith.constant 0 : i32
      %dma_wait3A_115 = tpu.memref_slice %arg2[%dma_wait3A_113, %dma_wait3A_114] : memref<10000x128xf32, #tpu.memory_space<hbm>> -> memref<10000x128xf32, #tpu.memory_space<hbm>>
      tpu.wait_indirect_dma semaphore(%arg11 : memref<!tpu.dma_semaphore, #tpu.memory_space<semaphore_mem>>) src(%dma_wait3A_115 : memref<10000x128xf32, #tpu.memory_space<hbm>>) dst(%arg8 : memref<128x128xf32, #tpu.memory_space<vmem>>)
      %dma_start3A_116 = arith.constant 0 : i32
      %dma_start3A_117 = tpu.memref_slice %arg7[%add3A_109, %dma_start3A_116] : memref<40x128xi32, #tpu.memory_space<vmem>> -> memref<1x128xi32, #tpu.memory_space<vmem>>
      %dma_start3A_118 = tpu.memref_squeeze %dma_start3A_117 : memref<1x128xi32, #tpu.memory_space<vmem>> -> memref<128xi32, #tpu.memory_space<vmem>>
      %dma_start3A_119 = arith.constant 0 : i32
      %dma_start3A_120 = arith.constant 0 : i32
      %dma_start3A_121 = tpu.memref_slice %arg10[%dma_start3A_119, %dma_start3A_120] : memref<10240x128xf32, #tpu.memory_space<vmem_shared>> -> memref<10240x128xf32, #tpu.memory_space<vmem_shared>>
      tpu.enqueue_indirect_dma source(%arg8 : memref<128x128xf32, #tpu.memory_space<vmem>>) target(%dma_start3A_121 : memref<10240x128xf32, #tpu.memory_space<vmem_shared>>) offsets(%dma_start3A_118 : memref<128xi32, #tpu.memory_space<vmem>>) semaphore(%arg13 : memref<!tpu.dma_semaphore, #tpu.memory_space<semaphore_mem>>) {add = true}
      %add3A_122 = arith.constant 2 : i32
      %add3A_123 = arith.addi %add3A_109, %add3A_122 : i32
      %lt3A = arith.constant 40 : i32
      %lt3A_124 = arith.cmpi slt, %add3A_123, %lt3A : i32
      %convert_element_type3A = arith.extui %lt3A_124 : i1 to i32
      %cond3A = arith.constant 0 : i32
      %cond3A_125 = arith.cmpi ne, %convert_element_type3A, %cond3A : i32
      scf.if %cond3A_125 {
        %dma_wait3A_149 = arith.constant 0 : i32
        %dma_wait3A_150 = tpu.memref_slice %arg7[%add3A_109, %dma_wait3A_149] : memref<40x128xi32, #tpu.memory_space<vmem>> -> memref<1x128xi32, #tpu.memory_space<vmem>>
        %dma_wait3A_151 = tpu.memref_squeeze %dma_wait3A_150 : memref<1x128xi32, #tpu.memory_space<vmem>> -> memref<128xi32, #tpu.memory_space<vmem>>
        %dma_wait3A_152 = arith.constant 0 : i32
        %dma_wait3A_153 = arith.constant 0 : i32
        %dma_wait3A_154 = tpu.memref_slice %arg10[%dma_wait3A_152, %dma_wait3A_153] : memref<10240x128xf32, #tpu.memory_space<vmem_shared>> -> memref<10240x128xf32, #tpu.memory_space<vmem_shared>>
        tpu.wait_indirect_dma semaphore(%arg13 : memref<!tpu.dma_semaphore, #tpu.memory_space<semaphore_mem>>) src(%arg8 : memref<128x128xf32, #tpu.memory_space<vmem>>) dst(%dma_wait3A_154 : memref<10240x128xf32, #tpu.memory_space<vmem_shared>>)
        %add3A_155 = arith.constant 2 : i32
        %add3A_156 = arith.addi %add3A_109, %add3A_155 : i32
        %dma_start3A_157 = arith.constant 0 : i32
        %dma_start3A_158 = tpu.memref_slice %arg6[%add3A_156, %dma_start3A_157] : memref<40x128xi32, #tpu.memory_space<vmem>> -> memref<1x128xi32, #tpu.memory_space<vmem>>
        %dma_start3A_159 = tpu.memref_squeeze %dma_start3A_158 : memref<1x128xi32, #tpu.memory_space<vmem>> -> memref<128xi32, #tpu.memory_space<vmem>>
        %dma_start3A_160 = arith.constant 0 : i32
        %dma_start3A_161 = arith.constant 0 : i32
        %dma_start3A_162 = tpu.memref_slice %arg2[%dma_start3A_160, %dma_start3A_161] : memref<10000x128xf32, #tpu.memory_space<hbm>> -> memref<10000x128xf32, #tpu.memory_space<hbm>>
        tpu.enqueue_indirect_dma source(%dma_start3A_162 : memref<10000x128xf32, #tpu.memory_space<hbm>>) target(%arg8 : memref<128x128xf32, #tpu.memory_space<vmem>>) offsets(%dma_start3A_159 : memref<128xi32, #tpu.memory_space<vmem>>) semaphore(%arg11 : memref<!tpu.dma_semaphore, #tpu.memory_space<semaphore_mem>>)
      } else {
      }
      %mul3A_126 = arith.constant 2 : i32
      %mul3A_127 = arith.muli %scan3A_105, %mul3A_126 : i32
      %add3A_128 = arith.constant 1 : i32
      %add3A_129 = arith.addi %mul3A_127, %add3A_128 : i32
      %dma_wait3A_130 = arith.constant 0 : i32
      %dma_wait3A_131 = tpu.memref_slice %arg6[%add3A_129, %dma_wait3A_130] : memref<40x128xi32, #tpu.memory_space<vmem>> -> memref<1x128xi32, #tpu.memory_space<vmem>>
      %dma_wait3A_132 = tpu.memref_squeeze %dma_wait3A_131 : memref<1x128xi32, #tpu.memory_space<vmem>> -> memref<128xi32, #tpu.memory_space<vmem>>
      %dma_wait3A_133 = arith.constant 0 : i32
      %dma_wait3A_134 = arith.constant 0 : i32
      %dma_wait3A_135 = tpu.memref_slice %arg2[%dma_wait3A_133, %dma_wait3A_134] : memref<10000x128xf32, #tpu.memory_space<hbm>> -> memref<10000x128xf32, #tpu.memory_space<hbm>>
      tpu.wait_indirect_dma semaphore(%arg12 : memref<!tpu.dma_semaphore, #tpu.memory_space<semaphore_mem>>) src(%dma_wait3A_135 : memref<10000x128xf32, #tpu.memory_space<hbm>>) dst(%arg9 : memref<128x128xf32, #tpu.memory_space<vmem>>)
      %dma_start3A_136 = arith.constant 0 : i32
      %dma_start3A_137 = tpu.memref_slice %arg7[%add3A_129, %dma_start3A_136] : memref<40x128xi32, #tpu.memory_space<vmem>> -> memref<1x128xi32, #tpu.memory_space<vmem>>
      %dma_start3A_138 = tpu.memref_squeeze %dma_start3A_137 : memref<1x128xi32, #tpu.memory_space<vmem>> -> memref<128xi32, #tpu.memory_space<vmem>>
      %dma_start3A_139 = arith.constant 0 : i32
      %dma_start3A_140 = arith.constant 0 : i32
      %dma_start3A_141 = tpu.memref_slice %arg10[%dma_start3A_139, %dma_start3A_140] : memref<10240x128xf32, #tpu.memory_space<vmem_shared>> -> memref<10240x128xf32, #tpu.memory_space<vmem_shared>>
      tpu.enqueue_indirect_dma source(%arg9 : memref<128x128xf32, #tpu.memory_space<vmem>>) target(%dma_start3A_141 : memref<10240x128xf32, #tpu.memory_space<vmem_shared>>) offsets(%dma_start3A_138 : memref<128xi32, #tpu.memory_space<vmem>>) semaphore(%arg14 : memref<!tpu.dma_semaphore, #tpu.memory_space<semaphore_mem>>) {add = true}
      %add3A_142 = arith.constant 2 : i32
      %add3A_143 = arith.addi %add3A_129, %add3A_142 : i32
      %lt3A_144 = arith.constant 40 : i32
      %lt3A_145 = arith.cmpi slt, %add3A_143, %lt3A_144 : i32
      %convert_element_type3A_146 = arith.extui %lt3A_145 : i1 to i32
      %cond3A_147 = arith.constant 0 : i32
      %cond3A_148 = arith.cmpi ne, %convert_element_type3A_146, %cond3A_147 : i32
      scf.if %cond3A_148 {
        %dma_wait3A_149 = arith.constant 0 : i32
        %dma_wait3A_150 = tpu.memref_slice %arg7[%add3A_129, %dma_wait3A_149] : memref<40x128xi32, #tpu.memory_space<vmem>> -> memref<1x128xi32, #tpu.memory_space<vmem>>
        %dma_wait3A_151 = tpu.memref_squeeze %dma_wait3A_150 : memref<1x128xi32, #tpu.memory_space<vmem>> -> memref<128xi32, #tpu.memory_space<vmem>>
        %dma_wait3A_152 = arith.constant 0 : i32
        %dma_wait3A_153 = arith.constant 0 : i32
        %dma_wait3A_154 = tpu.memref_slice %arg10[%dma_wait3A_152, %dma_wait3A_153] : memref<10240x128xf32, #tpu.memory_space<vmem_shared>> -> memref<10240x128xf32, #tpu.memory_space<vmem_shared>>
        tpu.wait_indirect_dma semaphore(%arg14 : memref<!tpu.dma_semaphore, #tpu.memory_space<semaphore_mem>>) src(%arg9 : memref<128x128xf32, #tpu.memory_space<vmem>>) dst(%dma_wait3A_154 : memref<10240x128xf32, #tpu.memory_space<vmem_shared>>)
        %add3A_155 = arith.constant 2 : i32
        %add3A_156 = arith.addi %add3A_129, %add3A_155 : i32
        %dma_start3A_157 = arith.constant 0 : i32
        %dma_start3A_158 = tpu.memref_slice %arg6[%add3A_156, %dma_start3A_157] : memref<40x128xi32, #tpu.memory_space<vmem>> -> memref<1x128xi32, #tpu.memory_space<vmem>>
        %dma_start3A_159 = tpu.memref_squeeze %dma_start3A_158 : memref<1x128xi32, #tpu.memory_space<vmem>> -> memref<128xi32, #tpu.memory_space<vmem>>
        %dma_start3A_160 = arith.constant 0 : i32
        %dma_start3A_161 = arith.constant 0 : i32
        %dma_start3A_162 = tpu.memref_slice %arg2[%dma_start3A_160, %dma_start3A_161] : memref<10000x128xf32, #tpu.memory_space<hbm>> -> memref<10000x128xf32, #tpu.memory_space<hbm>>
        tpu.enqueue_indirect_dma source(%dma_start3A_162 : memref<10000x128xf32, #tpu.memory_space<hbm>>) target(%arg9 : memref<128x128xf32, #tpu.memory_space<vmem>>) offsets(%dma_start3A_159 : memref<128xi32, #tpu.memory_space<vmem>>) semaphore(%arg12 : memref<!tpu.dma_semaphore, #tpu.memory_space<semaphore_mem>>)
      } else {
      }
    }
    %scan3A_85 = arith.constant 20 : i32
    %dma_wait3A_86 = arith.constant 38 : i32
    %dma_wait3A_87 = arith.constant 0 : i32
    %dma_wait3A_88 = tpu.memref_slice %arg7[%dma_wait3A_86, %dma_wait3A_87] : memref<40x128xi32, #tpu.memory_space<vmem>> -> memref<1x128xi32, #tpu.memory_space<vmem>>
    %dma_wait3A_89 = tpu.memref_squeeze %dma_wait3A_88 : memref<1x128xi32, #tpu.memory_space<vmem>> -> memref<128xi32, #tpu.memory_space<vmem>>
    %dma_wait3A_90 = arith.constant 0 : i32
    %dma_wait3A_91 = arith.constant 0 : i32
    %dma_wait3A_92 = tpu.memref_slice %arg10[%dma_wait3A_90, %dma_wait3A_91] : memref<10240x128xf32, #tpu.memory_space<vmem_shared>> -> memref<10240x128xf32, #tpu.memory_space<vmem_shared>>
    tpu.wait_indirect_dma semaphore(%arg13 : memref<!tpu.dma_semaphore, #tpu.memory_space<semaphore_mem>>) src(%arg8 : memref<128x128xf32, #tpu.memory_space<vmem>>) dst(%dma_wait3A_92 : memref<10240x128xf32, #tpu.memory_space<vmem_shared>>)
    %dma_wait3A_93 = arith.constant 39 : i32
    %dma_wait3A_94 = arith.constant 0 : i32
    %dma_wait3A_95 = tpu.memref_slice %arg7[%dma_wait3A_93, %dma_wait3A_94] : memref<40x128xi32, #tpu.memory_space<vmem>> -> memref<1x128xi32, #tpu.memory_space<vmem>>
    %dma_wait3A_96 = tpu.memref_squeeze %dma_wait3A_95 : memref<1x128xi32, #tpu.memory_space<vmem>> -> memref<128xi32, #tpu.memory_space<vmem>>
    %dma_wait3A_97 = arith.constant 0 : i32
    %dma_wait3A_98 = arith.constant 0 : i32
    %dma_wait3A_99 = tpu.memref_slice %arg10[%dma_wait3A_97, %dma_wait3A_98] : memref<10240x128xf32, #tpu.memory_space<vmem_shared>> -> memref<10240x128xf32, #tpu.memory_space<vmem_shared>>
    tpu.wait_indirect_dma semaphore(%arg14 : memref<!tpu.dma_semaphore, #tpu.memory_space<semaphore_mem>>) src(%arg9 : memref<128x128xf32, #tpu.memory_space<vmem>>) dst(%dma_wait3A_99 : memref<10240x128xf32, #tpu.memory_space<vmem_shared>>)
    %barrier3A_100 = arith.constant 0 : index
    tpu.barrier barrier_id(%barrier3A_100)
    %mul3A_101 = arith.constant 640 : i32
    %mul3A_102 = arith.muli %arg1, %mul3A_101 : i32
    %mul3A_103 = arith.constant 640 : i32
    %mul3A_104 = arith.muli %arg1, %mul3A_103 : i32
    "tpu.region"() ({
      %run_scoped3A = tpu.sem_alloc : memref<!tpu.dma_semaphore, #tpu.memory_space<semaphore_mem>>
      %dma_start3A_105 = arith.constant 0 : i32
      %dma_start3A_106 = tpu.memref_slice %arg5[%arg0, %mul3A_104, %dma_start3A_105] : memref<2x10240x128xf32, #tpu.memory_space<hbm>> -> memref<1x640x128xf32, #tpu.memory_space<hbm>>
      %dma_start3A_107 = tpu.memref_squeeze %dma_start3A_106 : memref<1x640x128xf32, #tpu.memory_space<hbm>> -> memref<640x128xf32, #tpu.memory_space<hbm>>
      %dma_start3A_108 = arith.constant 0 : i32
      %dma_start3A_109 = tpu.memref_slice %arg10[%mul3A_102, %dma_start3A_108] : memref<10240x128xf32, #tpu.memory_space<vmem_shared>> -> memref<640x128xf32, #tpu.memory_space<vmem_shared>>
      tpu.enqueue_dma source(%dma_start3A_109 : memref<640x128xf32, #tpu.memory_space<vmem_shared>>) target(%dma_start3A_107 : memref<640x128xf32, #tpu.memory_space<hbm>>) target_semaphore(%run_scoped3A : memref<!tpu.dma_semaphore, #tpu.memory_space<semaphore_mem>>)
      %dma_wait3A_110 = arith.constant 0 : i32
      %dma_wait3A_111 = tpu.memref_slice %arg5[%arg0, %mul3A_104, %dma_wait3A_110] : memref<2x10240x128xf32, #tpu.memory_space<hbm>> -> memref<1x640x128xf32, #tpu.memory_space<hbm>>
      %dma_wait3A_112 = tpu.memref_squeeze %dma_wait3A_111 : memref<1x640x128xf32, #tpu.memory_space<hbm>> -> memref<640x128xf32, #tpu.memory_space<hbm>>
      %dma_wait3A_113 = arith.constant 0 : i32
      %dma_wait3A_114 = tpu.memref_slice %arg10[%mul3A_102, %dma_wait3A_113] : memref<10240x128xf32, #tpu.memory_space<vmem_shared>> -> memref<640x128xf32, #tpu.memory_space<vmem_shared>>
      tpu.wait_dma2 semaphore(%run_scoped3A : memref<!tpu.dma_semaphore, #tpu.memory_space<semaphore_mem>>) src(%dma_wait3A_114 : memref<640x128xf32, #tpu.memory_space<vmem_shared>>) dst(%dma_wait3A_112 : memref<640x128xf32, #tpu.memory_space<hbm>>)
      tpu.yield
    }) : () -> ()
    return
  }
}

#map = affine_map<(d0, d1) -> (0, 0)>
#map1 = affine_map<(d0, d1) -> (0, 0, 0)>
module attributes {stable_mosaic.version = 14 : i64} {
  func.func @_scatter_sc_body(%arg0: i32, %arg1: i32, %arg2: memref<10000x128xf32, #tpu.memory_space<hbm>>, %arg3: memref<2560x128xi32, #tpu.memory_space<hbm>>, %arg4: memref<2560x128xi32, #tpu.memory_space<hbm>>, %arg5: memref<2x10240x128xf32, #tpu.memory_space<hbm>>, %arg6: memref<40x128xi32, #tpu.memory_space<vmem>>, %arg7: memref<40x128xi32, #tpu.memory_space<vmem>>, %arg8: memref<128x128xf32, #tpu.memory_space<vmem>>, %arg9: memref<128x128xf32, #tpu.memory_space<vmem>>, %arg10: memref<10240x128xf32, #tpu.memory_space<vmem_shared>>, %arg11: memref<!tpu.dma_semaphore, #tpu.memory_space<semaphore_mem>>, %arg12: memref<!tpu.dma_semaphore, #tpu.memory_space<semaphore_mem>>, %arg13: memref<!tpu.dma_semaphore, #tpu.memory_space<semaphore_mem>>, %arg14: memref<!tpu.dma_semaphore, #tpu.memory_space<semaphore_mem>>) attributes {dimension_semantics = [#tpu.dimension_semantics<core_parallel>, #tpu.dimension_semantics<subcore_parallel>], iteration_bounds = array<i64: 2, 16>, scalar_prefetch = 0 : i64, scratch_operands = 9 : i64, tpu.core_type = #tpu.core_type<sc_vector_subcore>, window_params = [{transform_indices = #map}, {transform_indices = #map}, {transform_indices = #map}, {transform_indices = #map1}]} {
    %mul3A = arith.constant 2 : i32
    %mul3A_0 = arith.muli %arg1, %mul3A : i32
    %add3A = arith.addi %mul3A_0, %arg0 : i32
    %scan3A = arith.constant 0 : i32
    %scan3A_1 = arith.constant 0 : i32
    %scan3A_2 = arith.constant 128 : i32
    %scan3A_3 = arith.addi %scan3A_1, %scan3A_2 : i32
    %scan3A_4 = arith.constant 1 : i32
    scf.for %scan3A_105 = %scan3A_1 to %scan3A_3 step %scan3A_4  : i32 {
      %broadcast_in_dim3A = arith.constant 0.000000e+00 : f32
      %broadcast_in_dim3A_106 = vector.broadcast %broadcast_in_dim3A : f32 to vector<16xf32>
      %swap3A = arith.index_cast %scan3A_105 : i32 to index
      %swap3A_107 = arith.constant 0 : index
      %swap3A_108 = tpu.vector_load %arg8[%swap3A, %swap3A_107] {strides = array<i32>} : memref<128x128xf32, #tpu.memory_space<vmem>>, vector<1x16xf32>,
      %swap3A_109 = vector.shape_cast %swap3A_108 : vector<1x16xf32> to vector<16xf32>
      %swap3A_110 = vector.shape_cast %broadcast_in_dim3A_106 : vector<16xf32> to vector<1x16xf32>
      tpu.vector_store %arg8[%swap3A, %swap3A_107], %swap3A_110 {strides = array<i32>} : memref<128x128xf32, #tpu.memory_space<vmem>>, vector<1x16xf32>,
      %broadcast_in_dim3A_111 = arith.constant 0.000000e+00 : f32
      %broadcast_in_dim3A_112 = vector.broadcast %broadcast_in_dim3A_111 : f32 to vector<16xf32>
      %swap3A_113 = arith.index_cast %scan3A_105 : i32 to index
      %swap3A_114 = arith.constant 16 : index
      %swap3A_115 = tpu.vector_load %arg8[%swap3A_113, %swap3A_114] {strides = array<i32>} : memref<128x128xf32, #tpu.memory_space<vmem>>, vector<1x16xf32>,
      %swap3A_116 = vector.shape_cast %swap3A_115 : vector<1x16xf32> to vector<16xf32>
      %swap3A_117 = vector.shape_cast %broadcast_in_dim3A_112 : vector<16xf32> to vector<1x16xf32>
      tpu.vector_store %arg8[%swap3A_113, %swap3A_114], %swap3A_117 {strides = array<i32>} : memref<128x128xf32, #tpu.memory_space<vmem>>, vector<1x16xf32>,
      %broadcast_in_dim3A_118 = arith.constant 0.000000e+00 : f32
      %broadcast_in_dim3A_119 = vector.broadcast %broadcast_in_dim3A_118 : f32 to vector<16xf32>
      %swap3A_120 = arith.index_cast %scan3A_105 : i32 to index
      %swap3A_121 = arith.constant 32 : index
      %swap3A_122 = tpu.vector_load %arg8[%swap3A_120, %swap3A_121] {strides = array<i32>} : memref<128x128xf32, #tpu.memory_space<vmem>>, vector<1x16xf32>,
      %swap3A_123 = vector.shape_cast %swap3A_122 : vector<1x16xf32> to vector<16xf32>
      %swap3A_124 = vector.shape_cast %broadcast_in_dim3A_119 : vector<16xf32> to vector<1x16xf32>
      tpu.vector_store %arg8[%swap3A_120, %swap3A_121], %swap3A_124 {strides = array<i32>} : memref<128x128xf32, #tpu.memory_space<vmem>>, vector<1x16xf32>,
      %broadcast_in_dim3A_125 = arith.constant 0.000000e+00 : f32
      %broadcast_in_dim3A_126 = vector.broadcast %broadcast_in_dim3A_125 : f32 to vector<16xf32>
      %swap3A_127 = arith.index_cast %scan3A_105 : i32 to index
      %swap3A_128 = arith.constant 48 : index
      %swap3A_129 = tpu.vector_load %arg8[%swap3A_127, %swap3A_128] {strides = array<i32>} : memref<128x128xf32, #tpu.memory_space<vmem>>, vector<1x16xf32>,
      %swap3A_130 = vector.shape_cast %swap3A_129 : vector<1x16xf32> to vector<16xf32>
      %swap3A_131 = vector.shape_cast %broadcast_in_dim3A_126 : vector<16xf32> to vector<1x16xf32>
      tpu.vector_store %arg8[%swap3A_127, %swap3A_128], %swap3A_131 {strides = array<i32>} : memref<128x128xf32, #tpu.memory_space<vmem>>, vector<1x16xf32>,
      %broadcast_in_dim3A_132 = arith.constant 0.000000e+00 : f32
      %broadcast_in_dim3A_133 = vector.broadcast %broadcast_in_dim3A_132 : f32 to vector<16xf32>
      %swap3A_134 = arith.index_cast %scan3A_105 : i32 to index
      %swap3A_135 = arith.constant 64 : index
      %swap3A_136 = tpu.vector_load %arg8[%swap3A_134, %swap3A_135] {strides = array<i32>} : memref<128x128xf32, #tpu.memory_space<vmem>>, vector<1x16xf32>,
      %swap3A_137 = vector.shape_cast %swap3A_136 : vector<1x16xf32> to vector<16xf32>
      %swap3A_138 = vector.shape_cast %broadcast_in_dim3A_133 : vector<16xf32> to vector<1x16xf32>
      tpu.vector_store %arg8[%swap3A_134, %swap3A_135], %swap3A_138 {strides = array<i32>} : memref<128x128xf32, #tpu.memory_space<vmem>>, vector<1x16xf32>,
      %broadcast_in_dim3A_139 = arith.constant 0.000000e+00 : f32
      %broadcast_in_dim3A_140 = vector.broadcast %broadcast_in_dim3A_139 : f32 to vector<16xf32>
      %swap3A_141 = arith.index_cast %scan3A_105 : i32 to index
      %swap3A_142 = arith.constant 80 : index
      %swap3A_143 = tpu.vector_load %arg8[%swap3A_141, %swap3A_142] {strides = array<i32>} : memref<128x128xf32, #tpu.memory_space<vmem>>, vector<1x16xf32>,
      %swap3A_144 = vector.shape_cast %swap3A_143 : vector<1x16xf32> to vector<16xf32>
      %swap3A_145 = vector.shape_cast %broadcast_in_dim3A_140 : vector<16xf32> to vector<1x16xf32>
      tpu.vector_store %arg8[%swap3A_141, %swap3A_142], %swap3A_145 {strides = array<i32>} : memref<128x128xf32, #tpu.memory_space<vmem>>, vector<1x16xf32>,
      %broadcast_in_dim3A_146 = arith.constant 0.000000e+00 : f32
      %broadcast_in_dim3A_147 = vector.broadcast %broadcast_in_dim3A_146 : f32 to vector<16xf32>
      %swap3A_148 = arith.index_cast %scan3A_105 : i32 to index
      %swap3A_149 = arith.constant 96 : index
      %swap3A_150 = tpu.vector_load %arg8[%swap3A_148, %swap3A_149] {strides = array<i32>} : memref<128x128xf32, #tpu.memory_space<vmem>>, vector<1x16xf32>,
      %swap3A_151 = vector.shape_cast %swap3A_150 : vector<1x16xf32> to vector<16xf32>
      %swap3A_152 = vector.shape_cast %broadcast_in_dim3A_147 : vector<16xf32> to vector<1x16xf32>
      tpu.vector_store %arg8[%swap3A_148, %swap3A_149], %swap3A_152 {strides = array<i32>} : memref<128x128xf32, #tpu.memory_space<vmem>>, vector<1x16xf32>,
      %broadcast_in_dim3A_153 = arith.constant 0.000000e+00 : f32
      %broadcast_in_dim3A_154 = vector.broadcast %broadcast_in_dim3A_153 : f32 to vector<16xf32>
      %swap3A_155 = arith.index_cast %scan3A_105 : i32 to index
      %swap3A_156 = arith.constant 112 : index
      %swap3A_157 = tpu.vector_load %arg8[%swap3A_155, %swap3A_156] {strides = array<i32>} : memref<128x128xf32, #tpu.memory_space<vmem>>, vector<1x16xf32>,
      %swap3A_158 = vector.shape_cast %swap3A_157 : vector<1x16xf32> to vector<16xf32>
      %swap3A_159 = vector.shape_cast %broadcast_in_dim3A_154 : vector<16xf32> to vector<1x16xf32>
      tpu.vector_store %arg8[%swap3A_155, %swap3A_156], %swap3A_159 {strides = array<i32>} : memref<128x128xf32, #tpu.memory_space<vmem>>, vector<1x16xf32>,
    }
    %scan3A_5 = arith.constant 128 : i32
    %mul3A_6 = arith.constant 640 : i32
    %mul3A_7 = arith.muli %arg1, %mul3A_6 : i32
    %add3A_8 = arith.constant 0 : i32
    %add3A_9 = arith.addi %mul3A_7, %add3A_8 : i32
    "tpu.region"() ({
      %run_scoped3A = tpu.sem_alloc : memref<!tpu.dma_semaphore, #tpu.memory_space<semaphore_mem>>
      %dma_start3A_105 = arith.constant 0 : i32
      %dma_start3A_106 = tpu.memref_slice %arg10[%add3A_9, %dma_start3A_105] : memref<10240x128xf32, #tpu.memory_space<vmem_shared>> -> memref<128x128xf32, #tpu.memory_space<vmem_shared>>
      %dma_start3A_107 = arith.constant 0 : i32
      %dma_start3A_108 = tpu.memref_slice %arg10[%add3A_9, %dma_start3A_107] : memref<10240x128xf32, #tpu.memory_space<vmem_shared>> -> memref<128x128xf32, #tpu.memory_space<vmem_shared>>
      tpu.enqueue_dma source(%arg8 : memref<128x128xf32, #tpu.memory_space<vmem>>) target(%dma_start3A_108 : memref<128x128xf32, #tpu.memory_space<vmem_shared>>) target_semaphore(%run_scoped3A : memref<!tpu.dma_semaphore, #tpu.memory_space<semaphore_mem>>)
      %dma_wait3A_109 = arith.constant 0 : i32
      %dma_wait3A_110 = tpu.memref_slice %arg10[%add3A_9, %dma_wait3A_109] : memref<10240x128xf32, #tpu.memory_space<vmem_shared>> -> memref<128x128xf32, #tpu.memory_space<vmem_shared>>
      %dma_wait3A_111 = arith.constant 0 : i32
      %dma_wait3A_112 = tpu.memref_slice %arg10[%add3A_9, %dma_wait3A_111] : memref<10240x128xf32, #tpu.memory_space<vmem_shared>> -> memref<128x128xf32, #tpu.memory_space<vmem_shared>>
      tpu.wait_dma2 semaphore(%run_scoped3A : memref<!tpu.dma_semaphore, #tpu.memory_space<semaphore_mem>>) src(%arg8 : memref<128x128xf32, #tpu.memory_space<vmem>>) dst(%dma_wait3A_112 : memref<128x128xf32, #tpu.memory_space<vmem_shared>>)
      tpu.yield
    }) : () -> ()
    %mul3A_10 = arith.constant 640 : i32
    %mul3A_11 = arith.muli %arg1, %mul3A_10 : i32
    %add3A_12 = arith.constant 128 : i32
    %add3A_13 = arith.addi %mul3A_11, %add3A_12 : i32
    "tpu.region"() ({
      %run_scoped3A = tpu.sem_alloc : memref<!tpu.dma_semaphore, #tpu.memory_space<semaphore_mem>>
      %dma_start3A_105 = arith.constant 0 : i32
      %dma_start3A_106 = tpu.memref_slice %arg10[%add3A_13, %dma_start3A_105] : memref<10240x128xf32, #tpu.memory_space<vmem_shared>> -> memref<128x128xf32, #tpu.memory_space<vmem_shared>>
      %dma_start3A_107 = arith.constant 0 : i32
      %dma_start3A_108 = tpu.memref_slice %arg10[%add3A_13, %dma_start3A_107] : memref<10240x128xf32, #tpu.memory_space<vmem_shared>> -> memref<128x128xf32, #tpu.memory_space<vmem_shared>>
      tpu.enqueue_dma source(%arg8 : memref<128x128xf32, #tpu.memory_space<vmem>>) target(%dma_start3A_108 : memref<128x128xf32, #tpu.memory_space<vmem_shared>>) target_semaphore(%run_scoped3A : memref<!tpu.dma_semaphore, #tpu.memory_space<semaphore_mem>>)
      %dma_wait3A_109 = arith.constant 0 : i32
      %dma_wait3A_110 = tpu.memref_slice %arg10[%add3A_13, %dma_wait3A_109] : memref<10240x128xf32, #tpu.memory_space<vmem_shared>> -> memref<128x128xf32, #tpu.memory_space<vmem_shared>>
      %dma_wait3A_111 = arith.constant 0 : i32
      %dma_wait3A_112 = tpu.memref_slice %arg10[%add3A_13, %dma_wait3A_111] : memref<10240x128xf32, #tpu.memory_space<vmem_shared>> -> memref<128x128xf32, #tpu.memory_space<vmem_shared>>
      tpu.wait_dma2 semaphore(%run_scoped3A : memref<!tpu.dma_semaphore, #tpu.memory_space<semaphore_mem>>) src(%arg8 : memref<128x128xf32, #tpu.memory_space<vmem>>) dst(%dma_wait3A_112 : memref<128x128xf32, #tpu.memory_space<vmem_shared>>)
      tpu.yield
    }) : () -> ()
    %mul3A_14 = arith.constant 640 : i32
    %mul3A_15 = arith.muli %arg1, %mul3A_14 : i32
    %add3A_16 = arith.constant 256 : i32
    %add3A_17 = arith.addi %mul3A_15, %add3A_16 : i32
    "tpu.region"() ({
      %run_scoped3A = tpu.sem_alloc : memref<!tpu.dma_semaphore, #tpu.memory_space<semaphore_mem>>
      %dma_start3A_105 = arith.constant 0 : i32
      %dma_start3A_106 = tpu.memref_slice %arg10[%add3A_17, %dma_start3A_105] : memref<10240x128xf32, #tpu.memory_space<vmem_shared>> -> memref<128x128xf32, #tpu.memory_space<vmem_shared>>
      %dma_start3A_107 = arith.constant 0 : i32
      %dma_start3A_108 = tpu.memref_slice %arg10[%add3A_17, %dma_start3A_107] : memref<10240x128xf32, #tpu.memory_space<vmem_shared>> -> memref<128x128xf32, #tpu.memory_space<vmem_shared>>
      tpu.enqueue_dma source(%arg8 : memref<128x128xf32, #tpu.memory_space<vmem>>) target(%dma_start3A_108 : memref<128x128xf32, #tpu.memory_space<vmem_shared>>) target_semaphore(%run_scoped3A : memref<!tpu.dma_semaphore, #tpu.memory_space<semaphore_mem>>)
      %dma_wait3A_109 = arith.constant 0 : i32
      %dma_wait3A_110 = tpu.memref_slice %arg10[%add3A_17, %dma_wait3A_109] : memref<10240x128xf32, #tpu.memory_space<vmem_shared>> -> memref<128x128xf32, #tpu.memory_space<vmem_shared>>
      %dma_wait3A_111 = arith.constant 0 : i32
      %dma_wait3A_112 = tpu.memref_slice %arg10[%add3A_17, %dma_wait3A_111] : memref<10240x128xf32, #tpu.memory_space<vmem_shared>> -> memref<128x128xf32, #tpu.memory_space<vmem_shared>>
      tpu.wait_dma2 semaphore(%run_scoped3A : memref<!tpu.dma_semaphore, #tpu.memory_space<semaphore_mem>>) src(%arg8 : memref<128x128xf32, #tpu.memory_space<vmem>>) dst(%dma_wait3A_112 : memref<128x128xf32, #tpu.memory_space<vmem_shared>>)
      tpu.yield
    }) : () -> ()
    %mul3A_18 = arith.constant 640 : i32
    %mul3A_19 = arith.muli %arg1, %mul3A_18 : i32
    %add3A_20 = arith.constant 384 : i32
    %add3A_21 = arith.addi %mul3A_19, %add3A_20 : i32
    "tpu.region"() ({
      %run_scoped3A = tpu.sem_alloc : memref<!tpu.dma_semaphore, #tpu.memory_space<semaphore_mem>>
      %dma_start3A_105 = arith.constant 0 : i32
      %dma_start3A_106 = tpu.memref_slice %arg10[%add3A_21, %dma_start3A_105] : memref<10240x128xf32, #tpu.memory_space<vmem_shared>> -> memref<128x128xf32, #tpu.memory_space<vmem_shared>>
      %dma_start3A_107 = arith.constant 0 : i32
      %dma_start3A_108 = tpu.memref_slice %arg10[%add3A_21, %dma_start3A_107] : memref<10240x128xf32, #tpu.memory_space<vmem_shared>> -> memref<128x128xf32, #tpu.memory_space<vmem_shared>>
      tpu.enqueue_dma source(%arg8 : memref<128x128xf32, #tpu.memory_space<vmem>>) target(%dma_start3A_108 : memref<128x128xf32, #tpu.memory_space<vmem_shared>>) target_semaphore(%run_scoped3A : memref<!tpu.dma_semaphore, #tpu.memory_space<semaphore_mem>>)
      %dma_wait3A_109 = arith.constant 0 : i32
      %dma_wait3A_110 = tpu.memref_slice %arg10[%add3A_21, %dma_wait3A_109] : memref<10240x128xf32, #tpu.memory_space<vmem_shared>> -> memref<128x128xf32, #tpu.memory_space<vmem_shared>>
      %dma_wait3A_111 = arith.constant 0 : i32
      %dma_wait3A_112 = tpu.memref_slice %arg10[%add3A_21, %dma_wait3A_111] : memref<10240x128xf32, #tpu.memory_space<vmem_shared>> -> memref<128x128xf32, #tpu.memory_space<vmem_shared>>
      tpu.wait_dma2 semaphore(%run_scoped3A : memref<!tpu.dma_semaphore, #tpu.memory_space<semaphore_mem>>) src(%arg8 : memref<128x128xf32, #tpu.memory_space<vmem>>) dst(%dma_wait3A_112 : memref<128x128xf32, #tpu.memory_space<vmem_shared>>)
      tpu.yield
    }) : () -> ()
    %mul3A_22 = arith.constant 640 : i32
    %mul3A_23 = arith.muli %arg1, %mul3A_22 : i32
    %add3A_24 = arith.constant 512 : i32
    %add3A_25 = arith.addi %mul3A_23, %add3A_24 : i32
    "tpu.region"() ({
      %run_scoped3A = tpu.sem_alloc : memref<!tpu.dma_semaphore, #tpu.memory_space<semaphore_mem>>
      %dma_start3A_105 = arith.constant 0 : i32
      %dma_start3A_106 = tpu.memref_slice %arg10[%add3A_25, %dma_start3A_105] : memref<10240x128xf32, #tpu.memory_space<vmem_shared>> -> memref<128x128xf32, #tpu.memory_space<vmem_shared>>
      %dma_start3A_107 = arith.constant 0 : i32
      %dma_start3A_108 = tpu.memref_slice %arg10[%add3A_25, %dma_start3A_107] : memref<10240x128xf32, #tpu.memory_space<vmem_shared>> -> memref<128x128xf32, #tpu.memory_space<vmem_shared>>
      tpu.enqueue_dma source(%arg8 : memref<128x128xf32, #tpu.memory_space<vmem>>) target(%dma_start3A_108 : memref<128x128xf32, #tpu.memory_space<vmem_shared>>) target_semaphore(%run_scoped3A : memref<!tpu.dma_semaphore, #tpu.memory_space<semaphore_mem>>)
      %dma_wait3A_109 = arith.constant 0 : i32
      %dma_wait3A_110 = tpu.memref_slice %arg10[%add3A_25, %dma_wait3A_109] : memref<10240x128xf32, #tpu.memory_space<vmem_shared>> -> memref<128x128xf32, #tpu.memory_space<vmem_shared>>
      %dma_wait3A_111 = arith.constant 0 : i32
      %dma_wait3A_112 = tpu.memref_slice %arg10[%add3A_25, %dma_wait3A_111] : memref<10240x128xf32, #tpu.memory_space<vmem_shared>> -> memref<128x128xf32, #tpu.memory_space<vmem_shared>>
      tpu.wait_dma2 semaphore(%run_scoped3A : memref<!tpu.dma_semaphore, #tpu.memory_space<semaphore_mem>>) src(%arg8 : memref<128x128xf32, #tpu.memory_space<vmem>>) dst(%dma_wait3A_112 : memref<128x128xf32, #tpu.memory_space<vmem_shared>>)
      tpu.yield
    }) : () -> ()
    %barrier3A = arith.constant 0 : index
    tpu.barrier barrier_id(%barrier3A)
    %mul3A_26 = arith.constant 80 : i32
    %mul3A_27 = arith.muli %add3A, %mul3A_26 : i32
    %add3A_28 = arith.constant 0 : i32
    %add3A_29 = arith.addi %mul3A_27, %add3A_28 : i32
    "tpu.region"() ({
      %run_scoped3A = tpu.sem_alloc : memref<!tpu.dma_semaphore, #tpu.memory_space<semaphore_mem>>
      %dma_start3A_105 = arith.constant 0 : i32
      %dma_start3A_106 = tpu.memref_slice %arg3[%add3A_29, %dma_start3A_105] : memref<2560x128xi32, #tpu.memory_space<hbm>> -> memref<40x128xi32, #tpu.memory_space<hbm>>
      %dma_start3A_107 = arith.constant 0 : i32
      %dma_start3A_108 = tpu.memref_slice %arg3[%add3A_29, %dma_start3A_107] : memref<2560x128xi32, #tpu.memory_space<hbm>> -> memref<40x128xi32, #tpu.memory_space<hbm>>
      tpu.enqueue_dma source(%dma_start3A_108 : memref<40x128xi32, #tpu.memory_space<hbm>>) target(%arg6 : memref<40x128xi32, #tpu.memory_space<vmem>>) target_semaphore(%run_scoped3A : memref<!tpu.dma_semaphore, #tpu.memory_space<semaphore_mem>>)
      %dma_wait3A_109 = arith.constant 0 : i32
      %dma_wait3A_110 = tpu.memref_slice %arg3[%add3A_29, %dma_wait3A_109] : memref<2560x128xi32, #tpu.memory_space<hbm>> -> memref<40x128xi32, #tpu.memory_space<hbm>>
      %dma_wait3A_111 = arith.constant 0 : i32
      %dma_wait3A_112 = tpu.memref_slice %arg3[%add3A_29, %dma_wait3A_111] : memref<2560x128xi32, #tpu.memory_space<hbm>> -> memref<40x128xi32, #tpu.memory_space<hbm>>
      tpu.wait_dma2 semaphore(%run_scoped3A : memref<!tpu.dma_semaphore, #tpu.memory_space<semaphore_mem>>) src(%dma_wait3A_112 : memref<40x128xi32, #tpu.memory_space<hbm>>) dst(%arg6 : memref<40x128xi32, #tpu.memory_space<vmem>>)
      tpu.yield
    }) : () -> ()
    "tpu.region"() ({
      %run_scoped3A = tpu.sem_alloc : memref<!tpu.dma_semaphore, #tpu.memory_space<semaphore_mem>>
      %dma_start3A_105 = arith.constant 0 : i32
      %dma_start3A_106 = tpu.memref_slice %arg4[%add3A_29, %dma_start3A_105] : memref<2560x128xi32, #tpu.memory_space<hbm>> -> memref<40x128xi32, #tpu.memory_space<hbm>>
      %dma_start3A_107 = arith.constant 0 : i32
      %dma_start3A_108 = tpu.memref_slice %arg4[%add3A_29, %dma_start3A_107] : memref<2560x128xi32, #tpu.memory_space<hbm>> -> memref<40x128xi32, #tpu.memory_space<hbm>>
      tpu.enqueue_dma source(%dma_start3A_108 : memref<40x128xi32, #tpu.memory_space<hbm>>) target(%arg7 : memref<40x128xi32, #tpu.memory_space<vmem>>) target_semaphore(%run_scoped3A : memref<!tpu.dma_semaphore, #tpu.memory_space<semaphore_mem>>)
      %dma_wait3A_109 = arith.constant 0 : i32
      %dma_wait3A_110 = tpu.memref_slice %arg4[%add3A_29, %dma_wait3A_109] : memref<2560x128xi32, #tpu.memory_space<hbm>> -> memref<40x128xi32, #tpu.memory_space<hbm>>
      %dma_wait3A_111 = arith.constant 0 : i32
      %dma_wait3A_112 = tpu.memref_slice %arg4[%add3A_29, %dma_wait3A_111] : memref<2560x128xi32, #tpu.memory_space<hbm>> -> memref<40x128xi32, #tpu.memory_space<hbm>>
      tpu.wait_dma2 semaphore(%run_scoped3A : memref<!tpu.dma_semaphore, #tpu.memory_space<semaphore_mem>>) src(%dma_wait3A_112 : memref<40x128xi32, #tpu.memory_space<hbm>>) dst(%arg7 : memref<40x128xi32, #tpu.memory_space<vmem>>)
      tpu.yield
    }) : () -> ()
    %dma_start3A = arith.constant 0 : i32
    %dma_start3A_30 = arith.constant 0 : i32
    %dma_start3A_31 = tpu.memref_slice %arg6[%dma_start3A, %dma_start3A_30] : memref<40x128xi32, #tpu.memory_space<vmem>> -> memref<1x128xi32, #tpu.memory_space<vmem>>
    %dma_start3A_32 = tpu.memref_squeeze %dma_start3A_31 : memref<1x128xi32, #tpu.memory_space<vmem>> -> memref<128xi32, #tpu.memory_space<vmem>>
    %dma_start3A_33 = arith.constant 0 : i32
    %dma_start3A_34 = arith.constant 0 : i32
    %dma_start3A_35 = tpu.memref_slice %arg2[%dma_start3A_33, %dma_start3A_34] : memref<10000x128xf32, #tpu.memory_space<hbm>> -> memref<10000x128xf32, #tpu.memory_space<hbm>>
    tpu.enqueue_indirect_dma source(%dma_start3A_35 : memref<10000x128xf32, #tpu.memory_space<hbm>>) target(%arg8 : memref<128x128xf32, #tpu.memory_space<vmem>>) offsets(%dma_start3A_32 : memref<128xi32, #tpu.memory_space<vmem>>) semaphore(%arg11 : memref<!tpu.dma_semaphore, #tpu.memory_space<semaphore_mem>>)
    %dma_start3A_36 = arith.constant 1 : i32
    %dma_start3A_37 = arith.constant 0 : i32
    %dma_start3A_38 = tpu.memref_slice %arg6[%dma_start3A_36, %dma_start3A_37] : memref<40x128xi32, #tpu.memory_space<vmem>> -> memref<1x128xi32, #tpu.memory_space<vmem>>
    %dma_start3A_39 = tpu.memref_squeeze %dma_start3A_38 : memref<1x128xi32, #tpu.memory_space<vmem>> -> memref<128xi32, #tpu.memory_space<vmem>>
    %dma_start3A_40 = arith.constant 0 : i32
    %dma_start3A_41 = arith.constant 0 : i32
    %dma_start3A_42 = tpu.memref_slice %arg2[%dma_start3A_40, %dma_start3A_41] : memref<10000x128xf32, #tpu.memory_space<hbm>> -> memref<10000x128xf32, #tpu.memory_space<hbm>>
    tpu.enqueue_indirect_dma source(%dma_start3A_42 : memref<10000x128xf32, #tpu.memory_space<hbm>>) target(%arg9 : memref<128x128xf32, #tpu.memory_space<vmem>>) offsets(%dma_start3A_39 : memref<128xi32, #tpu.memory_space<vmem>>) semaphore(%arg12 : memref<!tpu.dma_semaphore, #tpu.memory_space<semaphore_mem>>)
    %scan3A_43 = arith.constant 0 : i32
    %scan3A_44 = arith.constant 0 : i32
    %scan3A_45 = arith.constant 20 : i32
    %scan3A_46 = arith.addi %scan3A_44, %scan3A_45 : i32
    %scan3A_47 = arith.constant 1 : i32
    scf.for %scan3A_105 = %scan3A_44 to %scan3A_46 step %scan3A_47  : i32 {
      %mul3A_106 = arith.constant 2 : i32
      %mul3A_107 = arith.muli %scan3A_105, %mul3A_106 : i32
      %add3A_108 = arith.constant 0 : i32
      %add3A_109 = arith.addi %mul3A_107, %add3A_108 : i32
      %dma_wait3A_110 = arith.constant 0 : i32
      %dma_wait3A_111 = tpu.memref_slice %arg6[%add3A_109, %dma_wait3A_110] : memref<40x128xi32, #tpu.memory_space<vmem>> -> memref<1x128xi32, #tpu.memory_space<vmem>>
      %dma_wait3A_112 = tpu.memref_squeeze %dma_wait3A_111 : memref<1x128xi32, #tpu.memory_space<vmem>> -> memref<128xi32, #tpu.memory_space<vmem>>
      %dma_wait3A_113 = arith.constant 0 : i32
      %dma_wait3A_114 = arith.constant 0 : i32
      %dma_wait3A_115 = tpu.memref_slice %arg2[%dma_wait3A_113, %dma_wait3A_114] : memref<10000x128xf32, #tpu.memory_space<hbm>> -> memref<10000x128xf32, #tpu.memory_space<hbm>>
      tpu.wait_indirect_dma semaphore(%arg11 : memref<!tpu.dma_semaphore, #tpu.memory_space<semaphore_mem>>) src(%dma_wait3A_115 : memref<10000x128xf32, #tpu.memory_space<hbm>>) dst(%arg8 : memref<128x128xf32, #tpu.memory_space<vmem>>)
      %dma_start3A_116 = arith.constant 0 : i32
      %dma_start3A_117 = tpu.memref_slice %arg7[%add3A_109, %dma_start3A_116] : memref<40x128xi32, #tpu.memory_space<vmem>> -> memref<1x128xi32, #tpu.memory_space<vmem>>
      %dma_start3A_118 = tpu.memref_squeeze %dma_start3A_117 : memref<1x128xi32, #tpu.memory_space<vmem>> -> memref<128xi32, #tpu.memory_space<vmem>>
      %dma_start3A_119 = arith.constant 0 : i32
      %dma_start3A_120 = arith.constant 0 : i32
      %dma_start3A_121 = tpu.memref_slice %arg10[%dma_start3A_119, %dma_start3A_120] : memref<10240x128xf32, #tpu.memory_space<vmem_shared>> -> memref<10240x128xf32, #tpu.memory_space<vmem_shared>>
      tpu.enqueue_indirect_dma source(%arg8 : memref<128x128xf32, #tpu.memory_space<vmem>>) target(%dma_start3A_121 : memref<10240x128xf32, #tpu.memory_space<vmem_shared>>) offsets(%dma_start3A_118 : memref<128xi32, #tpu.memory_space<vmem>>) semaphore(%arg13 : memref<!tpu.dma_semaphore, #tpu.memory_space<semaphore_mem>>) {add = true}
      %add3A_122 = arith.constant 2 : i32
      %add3A_123 = arith.addi %add3A_109, %add3A_122 : i32
      %lt3A = arith.constant 40 : i32
      %lt3A_124 = arith.cmpi slt, %add3A_123, %lt3A : i32
      %convert_element_type3A = arith.extui %lt3A_124 : i1 to i32
      %cond3A = arith.constant 0 : i32
      %cond3A_125 = arith.cmpi ne, %convert_element_type3A, %cond3A : i32
      scf.if %cond3A_125 {
        %dma_wait3A_149 = arith.constant 0 : i32
        %dma_wait3A_150 = tpu.memref_slice %arg7[%add3A_109, %dma_wait3A_149] : memref<40x128xi32, #tpu.memory_space<vmem>> -> memref<1x128xi32, #tpu.memory_space<vmem>>
        %dma_wait3A_151 = tpu.memref_squeeze %dma_wait3A_150 : memref<1x128xi32, #tpu.memory_space<vmem>> -> memref<128xi32, #tpu.memory_space<vmem>>
        %dma_wait3A_152 = arith.constant 0 : i32
        %dma_wait3A_153 = arith.constant 0 : i32
        %dma_wait3A_154 = tpu.memref_slice %arg10[%dma_wait3A_152, %dma_wait3A_153] : memref<10240x128xf32, #tpu.memory_space<vmem_shared>> -> memref<10240x128xf32, #tpu.memory_space<vmem_shared>>
        tpu.wait_indirect_dma semaphore(%arg13 : memref<!tpu.dma_semaphore, #tpu.memory_space<semaphore_mem>>) src(%arg8 : memref<128x128xf32, #tpu.memory_space<vmem>>) dst(%dma_wait3A_154 : memref<10240x128xf32, #tpu.memory_space<vmem_shared>>)
        %add3A_155 = arith.constant 2 : i32
        %add3A_156 = arith.addi %add3A_109, %add3A_155 : i32
        %dma_start3A_157 = arith.constant 0 : i32
        %dma_start3A_158 = tpu.memref_slice %arg6[%add3A_156, %dma_start3A_157] : memref<40x128xi32, #tpu.memory_space<vmem>> -> memref<1x128xi32, #tpu.memory_space<vmem>>
        %dma_start3A_159 = tpu.memref_squeeze %dma_start3A_158 : memref<1x128xi32, #tpu.memory_space<vmem>> -> memref<128xi32, #tpu.memory_space<vmem>>
        %dma_start3A_160 = arith.constant 0 : i32
        %dma_start3A_161 = arith.constant 0 : i32
        %dma_start3A_162 = tpu.memref_slice %arg2[%dma_start3A_160, %dma_start3A_161] : memref<10000x128xf32, #tpu.memory_space<hbm>> -> memref<10000x128xf32, #tpu.memory_space<hbm>>
        tpu.enqueue_indirect_dma source(%dma_start3A_162 : memref<10000x128xf32, #tpu.memory_space<hbm>>) target(%arg8 : memref<128x128xf32, #tpu.memory_space<vmem>>) offsets(%dma_start3A_159 : memref<128xi32, #tpu.memory_space<vmem>>) semaphore(%arg11 : memref<!tpu.dma_semaphore, #tpu.memory_space<semaphore_mem>>)
      } else {
      }
      %mul3A_126 = arith.constant 2 : i32
      %mul3A_127 = arith.muli %scan3A_105, %mul3A_126 : i32
      %add3A_128 = arith.constant 1 : i32
      %add3A_129 = arith.addi %mul3A_127, %add3A_128 : i32
      %dma_wait3A_130 = arith.constant 0 : i32
      %dma_wait3A_131 = tpu.memref_slice %arg6[%add3A_129, %dma_wait3A_130] : memref<40x128xi32, #tpu.memory_space<vmem>> -> memref<1x128xi32, #tpu.memory_space<vmem>>
      %dma_wait3A_132 = tpu.memref_squeeze %dma_wait3A_131 : memref<1x128xi32, #tpu.memory_space<vmem>> -> memref<128xi32, #tpu.memory_space<vmem>>
      %dma_wait3A_133 = arith.constant 0 : i32
      %dma_wait3A_134 = arith.constant 0 : i32
      %dma_wait3A_135 = tpu.memref_slice %arg2[%dma_wait3A_133, %dma_wait3A_134] : memref<10000x128xf32, #tpu.memory_space<hbm>> -> memref<10000x128xf32, #tpu.memory_space<hbm>>
      tpu.wait_indirect_dma semaphore(%arg12 : memref<!tpu.dma_semaphore, #tpu.memory_space<semaphore_mem>>) src(%dma_wait3A_135 : memref<10000x128xf32, #tpu.memory_space<hbm>>) dst(%arg9 : memref<128x128xf32, #tpu.memory_space<vmem>>)
      %dma_start3A_136 = arith.constant 0 : i32
      %dma_start3A_137 = tpu.memref_slice %arg7[%add3A_129, %dma_start3A_136] : memref<40x128xi32, #tpu.memory_space<vmem>> -> memref<1x128xi32, #tpu.memory_space<vmem>>
      %dma_start3A_138 = tpu.memref_squeeze %dma_start3A_137 : memref<1x128xi32, #tpu.memory_space<vmem>> -> memref<128xi32, #tpu.memory_space<vmem>>
      %dma_start3A_139 = arith.constant 0 : i32
      %dma_start3A_140 = arith.constant 0 : i32
      %dma_start3A_141 = tpu.memref_slice %arg10[%dma_start3A_139, %dma_start3A_140] : memref<10240x128xf32, #tpu.memory_space<vmem_shared>> -> memref<10240x128xf32, #tpu.memory_space<vmem_shared>>
      tpu.enqueue_indirect_dma source(%arg9 : memref<128x128xf32, #tpu.memory_space<vmem>>) target(%dma_start3A_141 : memref<10240x128xf32, #tpu.memory_space<vmem_shared>>) offsets(%dma_start3A_138 : memref<128xi32, #tpu.memory_space<vmem>>) semaphore(%arg14 : memref<!tpu.dma_semaphore, #tpu.memory_space<semaphore_mem>>) {add = true}
      %add3A_142 = arith.constant 2 : i32
      %add3A_143 = arith.addi %add3A_129, %add3A_142 : i32
      %lt3A_144 = arith.constant 40 : i32
      %lt3A_145 = arith.cmpi slt, %add3A_143, %lt3A_144 : i32
      %convert_element_type3A_146 = arith.extui %lt3A_145 : i1 to i32
      %cond3A_147 = arith.constant 0 : i32
      %cond3A_148 = arith.cmpi ne, %convert_element_type3A_146, %cond3A_147 : i32
      scf.if %cond3A_148 {
        %dma_wait3A_149 = arith.constant 0 : i32
        %dma_wait3A_150 = tpu.memref_slice %arg7[%add3A_129, %dma_wait3A_149] : memref<40x128xi32, #tpu.memory_space<vmem>> -> memref<1x128xi32, #tpu.memory_space<vmem>>
        %dma_wait3A_151 = tpu.memref_squeeze %dma_wait3A_150 : memref<1x128xi32, #tpu.memory_space<vmem>> -> memref<128xi32, #tpu.memory_space<vmem>>
        %dma_wait3A_152 = arith.constant 0 : i32
        %dma_wait3A_153 = arith.constant 0 : i32
        %dma_wait3A_154 = tpu.memref_slice %arg10[%dma_wait3A_152, %dma_wait3A_153] : memref<10240x128xf32, #tpu.memory_space<vmem_shared>> -> memref<10240x128xf32, #tpu.memory_space<vmem_shared>>
        tpu.wait_indirect_dma semaphore(%arg14 : memref<!tpu.dma_semaphore, #tpu.memory_space<semaphore_mem>>) src(%arg9 : memref<128x128xf32, #tpu.memory_space<vmem>>) dst(%dma_wait3A_154 : memref<10240x128xf32, #tpu.memory_space<vmem_shared>>)
        %add3A_155 = arith.constant 2 : i32
        %add3A_156 = arith.addi %add3A_129, %add3A_155 : i32
        %dma_start3A_157 = arith.constant 0 : i32
        %dma_start3A_158 = tpu.memref_slice %arg6[%add3A_156, %dma_start3A_157] : memref<40x128xi32, #tpu.memory_space<vmem>> -> memref<1x128xi32, #tpu.memory_space<vmem>>
        %dma_start3A_159 = tpu.memref_squeeze %dma_start3A_158 : memref<1x128xi32, #tpu.memory_space<vmem>> -> memref<128xi32, #tpu.memory_space<vmem>>
        %dma_start3A_160 = arith.constant 0 : i32
        %dma_start3A_161 = arith.constant 0 : i32
        %dma_start3A_162 = tpu.memref_slice %arg2[%dma_start3A_160, %dma_start3A_161] : memref<10000x128xf32, #tpu.memory_space<hbm>> -> memref<10000x128xf32, #tpu.memory_space<hbm>>
        tpu.enqueue_indirect_dma source(%dma_start3A_162 : memref<10000x128xf32, #tpu.memory_space<hbm>>) target(%arg9 : memref<128x128xf32, #tpu.memory_space<vmem>>) offsets(%dma_start3A_159 : memref<128xi32, #tpu.memory_space<vmem>>) semaphore(%arg12 : memref<!tpu.dma_semaphore, #tpu.memory_space<semaphore_mem>>)
      } else {
      }
    }
    %scan3A_48 = arith.constant 20 : i32
    %dma_wait3A = arith.constant 38 : i32
    %dma_wait3A_49 = arith.constant 0 : i32
    %dma_wait3A_50 = tpu.memref_slice %arg7[%dma_wait3A, %dma_wait3A_49] : memref<40x128xi32, #tpu.memory_space<vmem>> -> memref<1x128xi32, #tpu.memory_space<vmem>>
    %dma_wait3A_51 = tpu.memref_squeeze %dma_wait3A_50 : memref<1x128xi32, #tpu.memory_space<vmem>> -> memref<128xi32, #tpu.memory_space<vmem>>
    %dma_wait3A_52 = arith.constant 0 : i32
    %dma_wait3A_53 = arith.constant 0 : i32
    %dma_wait3A_54 = tpu.memref_slice %arg10[%dma_wait3A_52, %dma_wait3A_53] : memref<10240x128xf32, #tpu.memory_space<vmem_shared>> -> memref<10240x128xf32, #tpu.memory_space<vmem_shared>>
    tpu.wait_indirect_dma semaphore(%arg13 : memref<!tpu.dma_semaphore, #tpu.memory_space<semaphore_mem>>) src(%arg8 : memref<128x128xf32, #tpu.memory_space<vmem>>) dst(%dma_wait3A_54 : memref<10240x128xf32, #tpu.memory_space<vmem_shared>>)
    %dma_wait3A_55 = arith.constant 39 : i32
    %dma_wait3A_56 = arith.constant 0 : i32
    %dma_wait3A_57 = tpu.memref_slice %arg7[%dma_wait3A_55, %dma_wait3A_56] : memref<40x128xi32, #tpu.memory_space<vmem>> -> memref<1x128xi32, #tpu.memory_space<vmem>>
    %dma_wait3A_58 = tpu.memref_squeeze %dma_wait3A_57 : memref<1x128xi32, #tpu.memory_space<vmem>> -> memref<128xi32, #tpu.memory_space<vmem>>
    %dma_wait3A_59 = arith.constant 0 : i32
    %dma_wait3A_60 = arith.constant 0 : i32
    %dma_wait3A_61 = tpu.memref_slice %arg10[%dma_wait3A_59, %dma_wait3A_60] : memref<10240x128xf32, #tpu.memory_space<vmem_shared>> -> memref<10240x128xf32, #tpu.memory_space<vmem_shared>>
    tpu.wait_indirect_dma semaphore(%arg14 : memref<!tpu.dma_semaphore, #tpu.memory_space<semaphore_mem>>) src(%arg9 : memref<128x128xf32, #tpu.memory_space<vmem>>) dst(%dma_wait3A_61 : memref<10240x128xf32, #tpu.memory_space<vmem_shared>>)
    %mul3A_62 = arith.constant 80 : i32
    %mul3A_63 = arith.muli %add3A, %mul3A_62 : i32
    %add3A_64 = arith.constant 40 : i32
    %add3A_65 = arith.addi %mul3A_63, %add3A_64 : i32
    "tpu.region"() ({
      %run_scoped3A = tpu.sem_alloc : memref<!tpu.dma_semaphore, #tpu.memory_space<semaphore_mem>>
      %dma_start3A_105 = arith.constant 0 : i32
      %dma_start3A_106 = tpu.memref_slice %arg3[%add3A_65, %dma_start3A_105] : memref<2560x128xi32, #tpu.memory_space<hbm>> -> memref<40x128xi32, #tpu.memory_space<hbm>>
      %dma_start3A_107 = arith.constant 0 : i32
      %dma_start3A_108 = tpu.memref_slice %arg3[%add3A_65, %dma_start3A_107] : memref<2560x128xi32, #tpu.memory_space<hbm>> -> memref<40x128xi32, #tpu.memory_space<hbm>>
      tpu.enqueue_dma source(%dma_start3A_108 : memref<40x128xi32, #tpu.memory_space<hbm>>) target(%arg6 : memref<40x128xi32, #tpu.memory_space<vmem>>) target_semaphore(%run_scoped3A : memref<!tpu.dma_semaphore, #tpu.memory_space<semaphore_mem>>)
      %dma_wait3A_109 = arith.constant 0 : i32
      %dma_wait3A_110 = tpu.memref_slice %arg3[%add3A_65, %dma_wait3A_109] : memref<2560x128xi32, #tpu.memory_space<hbm>> -> memref<40x128xi32, #tpu.memory_space<hbm>>
      %dma_wait3A_111 = arith.constant 0 : i32
      %dma_wait3A_112 = tpu.memref_slice %arg3[%add3A_65, %dma_wait3A_111] : memref<2560x128xi32, #tpu.memory_space<hbm>> -> memref<40x128xi32, #tpu.memory_space<hbm>>
      tpu.wait_dma2 semaphore(%run_scoped3A : memref<!tpu.dma_semaphore, #tpu.memory_space<semaphore_mem>>) src(%dma_wait3A_112 : memref<40x128xi32, #tpu.memory_space<hbm>>) dst(%arg6 : memref<40x128xi32, #tpu.memory_space<vmem>>)
      tpu.yield
    }) : () -> ()
    "tpu.region"() ({
      %run_scoped3A = tpu.sem_alloc : memref<!tpu.dma_semaphore, #tpu.memory_space<semaphore_mem>>
      %dma_start3A_105 = arith.constant 0 : i32
      %dma_start3A_106 = tpu.memref_slice %arg4[%add3A_65, %dma_start3A_105] : memref<2560x128xi32, #tpu.memory_space<hbm>> -> memref<40x128xi32, #tpu.memory_space<hbm>>
      %dma_start3A_107 = arith.constant 0 : i32
      %dma_start3A_108 = tpu.memref_slice %arg4[%add3A_65, %dma_start3A_107] : memref<2560x128xi32, #tpu.memory_space<hbm>> -> memref<40x128xi32, #tpu.memory_space<hbm>>
      tpu.enqueue_dma source(%dma_start3A_108 : memref<40x128xi32, #tpu.memory_space<hbm>>) target(%arg7 : memref<40x128xi32, #tpu.memory_space<vmem>>) target_semaphore(%run_scoped3A : memref<!tpu.dma_semaphore, #tpu.memory_space<semaphore_mem>>)
      %dma_wait3A_109 = arith.constant 0 : i32
      %dma_wait3A_110 = tpu.memref_slice %arg4[%add3A_65, %dma_wait3A_109] : memref<2560x128xi32, #tpu.memory_space<hbm>> -> memref<40x128xi32, #tpu.memory_space<hbm>>
      %dma_wait3A_111 = arith.constant 0 : i32
      %dma_wait3A_112 = tpu.memref_slice %arg4[%add3A_65, %dma_wait3A_111] : memref<2560x128xi32, #tpu.memory_space<hbm>> -> memref<40x128xi32, #tpu.memory_space<hbm>>
      tpu.wait_dma2 semaphore(%run_scoped3A : memref<!tpu.dma_semaphore, #tpu.memory_space<semaphore_mem>>) src(%dma_wait3A_112 : memref<40x128xi32, #tpu.memory_space<hbm>>) dst(%arg7 : memref<40x128xi32, #tpu.memory_space<vmem>>)
      tpu.yield
    }) : () -> ()
    %dma_start3A_66 = arith.constant 0 : i32
    %dma_start3A_67 = arith.constant 0 : i32
    %dma_start3A_68 = tpu.memref_slice %arg6[%dma_start3A_66, %dma_start3A_67] : memref<40x128xi32, #tpu.memory_space<vmem>> -> memref<1x128xi32, #tpu.memory_space<vmem>>
    %dma_start3A_69 = tpu.memref_squeeze %dma_start3A_68 : memref<1x128xi32, #tpu.memory_space<vmem>> -> memref<128xi32, #tpu.memory_space<vmem>>
    %dma_start3A_70 = arith.constant 0 : i32
    %dma_start3A_71 = arith.constant 0 : i32
    %dma_start3A_72 = tpu.memref_slice %arg2[%dma_start3A_70, %dma_start3A_71] : memref<10000x128xf32, #tpu.memory_space<hbm>> -> memref<10000x128xf32, #tpu.memory_space<hbm>>
    tpu.enqueue_indirect_dma source(%dma_start3A_72 : memref<10000x128xf32, #tpu.memory_space<hbm>>) target(%arg8 : memref<128x128xf32, #tpu.memory_space<vmem>>) offsets(%dma_start3A_69 : memref<128xi32, #tpu.memory_space<vmem>>) semaphore(%arg11 : memref<!tpu.dma_semaphore, #tpu.memory_space<semaphore_mem>>)
    %dma_start3A_73 = arith.constant 1 : i32
    %dma_start3A_74 = arith.constant 0 : i32
    %dma_start3A_75 = tpu.memref_slice %arg6[%dma_start3A_73, %dma_start3A_74] : memref<40x128xi32, #tpu.memory_space<vmem>> -> memref<1x128xi32, #tpu.memory_space<vmem>>
    %dma_start3A_76 = tpu.memref_squeeze %dma_start3A_75 : memref<1x128xi32, #tpu.memory_space<vmem>> -> memref<128xi32, #tpu.memory_space<vmem>>
    %dma_start3A_77 = arith.constant 0 : i32
    %dma_start3A_78 = arith.constant 0 : i32
    %dma_start3A_79 = tpu.memref_slice %arg2[%dma_start3A_77, %dma_start3A_78] : memref<10000x128xf32, #tpu.memory_space<hbm>> -> memref<10000x128xf32, #tpu.memory_space<hbm>>
    tpu.enqueue_indirect_dma source(%dma_start3A_79 : memref<10000x128xf32, #tpu.memory_space<hbm>>) target(%arg9 : memref<128x128xf32, #tpu.memory_space<vmem>>) offsets(%dma_start3A_76 : memref<128xi32, #tpu.memory_space<vmem>>) semaphore(%arg12 : memref<!tpu.dma_semaphore, #tpu.memory_space<semaphore_mem>>)
    %scan3A_80 = arith.constant 0 : i32
    %scan3A_81 = arith.constant 0 : i32
    %scan3A_82 = arith.constant 20 : i32
    %scan3A_83 = arith.addi %scan3A_81, %scan3A_82 : i32
    %scan3A_84 = arith.constant 1 : i32
    scf.for %scan3A_105 = %scan3A_81 to %scan3A_83 step %scan3A_84  : i32 {
      %mul3A_106 = arith.constant 2 : i32
      %mul3A_107 = arith.muli %scan3A_105, %mul3A_106 : i32
      %add3A_108 = arith.constant 0 : i32
      %add3A_109 = arith.addi %mul3A_107, %add3A_108 : i32
      %dma_wait3A_110 = arith.constant 0 : i32
      %dma_wait3A_111 = tpu.memref_slice %arg6[%add3A_109, %dma_wait3A_110] : memref<40x128xi32, #tpu.memory_space<vmem>> -> memref<1x128xi32, #tpu.memory_space<vmem>>
      %dma_wait3A_112 = tpu.memref_squeeze %dma_wait3A_111 : memref<1x128xi32, #tpu.memory_space<vmem>> -> memref<128xi32, #tpu.memory_space<vmem>>
      %dma_wait3A_113 = arith.constant 0 : i32
      %dma_wait3A_114 = arith.constant 0 : i32
      %dma_wait3A_115 = tpu.memref_slice %arg2[%dma_wait3A_113, %dma_wait3A_114] : memref<10000x128xf32, #tpu.memory_space<hbm>> -> memref<10000x128xf32, #tpu.memory_space<hbm>>
      tpu.wait_indirect_dma semaphore(%arg11 : memref<!tpu.dma_semaphore, #tpu.memory_space<semaphore_mem>>) src(%dma_wait3A_115 : memref<10000x128xf32, #tpu.memory_space<hbm>>) dst(%arg8 : memref<128x128xf32, #tpu.memory_space<vmem>>)
      %dma_start3A_116 = arith.constant 0 : i32
      %dma_start3A_117 = tpu.memref_slice %arg7[%add3A_109, %dma_start3A_116] : memref<40x128xi32, #tpu.memory_space<vmem>> -> memref<1x128xi32, #tpu.memory_space<vmem>>
      %dma_start3A_118 = tpu.memref_squeeze %dma_start3A_117 : memref<1x128xi32, #tpu.memory_space<vmem>> -> memref<128xi32, #tpu.memory_space<vmem>>
      %dma_start3A_119 = arith.constant 0 : i32
      %dma_start3A_120 = arith.constant 0 : i32
      %dma_start3A_121 = tpu.memref_slice %arg10[%dma_start3A_119, %dma_start3A_120] : memref<10240x128xf32, #tpu.memory_space<vmem_shared>> -> memref<10240x128xf32, #tpu.memory_space<vmem_shared>>
      tpu.enqueue_indirect_dma source(%arg8 : memref<128x128xf32, #tpu.memory_space<vmem>>) target(%dma_start3A_121 : memref<10240x128xf32, #tpu.memory_space<vmem_shared>>) offsets(%dma_start3A_118 : memref<128xi32, #tpu.memory_space<vmem>>) semaphore(%arg13 : memref<!tpu.dma_semaphore, #tpu.memory_space<semaphore_mem>>) {add = true}
      %add3A_122 = arith.constant 2 : i32
      %add3A_123 = arith.addi %add3A_109, %add3A_122 : i32
      %lt3A = arith.constant 40 : i32
      %lt3A_124 = arith.cmpi slt, %add3A_123, %lt3A : i32
      %convert_element_type3A = arith.extui %lt3A_124 : i1 to i32
      %cond3A = arith.constant 0 : i32
      %cond3A_125 = arith.cmpi ne, %convert_element_type3A, %cond3A : i32
      scf.if %cond3A_125 {
        %dma_wait3A_149 = arith.constant 0 : i32
        %dma_wait3A_150 = tpu.memref_slice %arg7[%add3A_109, %dma_wait3A_149] : memref<40x128xi32, #tpu.memory_space<vmem>> -> memref<1x128xi32, #tpu.memory_space<vmem>>
        %dma_wait3A_151 = tpu.memref_squeeze %dma_wait3A_150 : memref<1x128xi32, #tpu.memory_space<vmem>> -> memref<128xi32, #tpu.memory_space<vmem>>
        %dma_wait3A_152 = arith.constant 0 : i32
        %dma_wait3A_153 = arith.constant 0 : i32
        %dma_wait3A_154 = tpu.memref_slice %arg10[%dma_wait3A_152, %dma_wait3A_153] : memref<10240x128xf32, #tpu.memory_space<vmem_shared>> -> memref<10240x128xf32, #tpu.memory_space<vmem_shared>>
        tpu.wait_indirect_dma semaphore(%arg13 : memref<!tpu.dma_semaphore, #tpu.memory_space<semaphore_mem>>) src(%arg8 : memref<128x128xf32, #tpu.memory_space<vmem>>) dst(%dma_wait3A_154 : memref<10240x128xf32, #tpu.memory_space<vmem_shared>>)
        %add3A_155 = arith.constant 2 : i32
        %add3A_156 = arith.addi %add3A_109, %add3A_155 : i32
        %dma_start3A_157 = arith.constant 0 : i32
        %dma_start3A_158 = tpu.memref_slice %arg6[%add3A_156, %dma_start3A_157] : memref<40x128xi32, #tpu.memory_space<vmem>> -> memref<1x128xi32, #tpu.memory_space<vmem>>
        %dma_start3A_159 = tpu.memref_squeeze %dma_start3A_158 : memref<1x128xi32, #tpu.memory_space<vmem>> -> memref<128xi32, #tpu.memory_space<vmem>>
        %dma_start3A_160 = arith.constant 0 : i32
        %dma_start3A_161 = arith.constant 0 : i32
        %dma_start3A_162 = tpu.memref_slice %arg2[%dma_start3A_160, %dma_start3A_161] : memref<10000x128xf32, #tpu.memory_space<hbm>> -> memref<10000x128xf32, #tpu.memory_space<hbm>>
        tpu.enqueue_indirect_dma source(%dma_start3A_162 : memref<10000x128xf32, #tpu.memory_space<hbm>>) target(%arg8 : memref<128x128xf32, #tpu.memory_space<vmem>>) offsets(%dma_start3A_159 : memref<128xi32, #tpu.memory_space<vmem>>) semaphore(%arg11 : memref<!tpu.dma_semaphore, #tpu.memory_space<semaphore_mem>>)
      } else {
      }
      %mul3A_126 = arith.constant 2 : i32
      %mul3A_127 = arith.muli %scan3A_105, %mul3A_126 : i32
      %add3A_128 = arith.constant 1 : i32
      %add3A_129 = arith.addi %mul3A_127, %add3A_128 : i32
      %dma_wait3A_130 = arith.constant 0 : i32
      %dma_wait3A_131 = tpu.memref_slice %arg6[%add3A_129, %dma_wait3A_130] : memref<40x128xi32, #tpu.memory_space<vmem>> -> memref<1x128xi32, #tpu.memory_space<vmem>>
      %dma_wait3A_132 = tpu.memref_squeeze %dma_wait3A_131 : memref<1x128xi32, #tpu.memory_space<vmem>> -> memref<128xi32, #tpu.memory_space<vmem>>
      %dma_wait3A_133 = arith.constant 0 : i32
      %dma_wait3A_134 = arith.constant 0 : i32
      %dma_wait3A_135 = tpu.memref_slice %arg2[%dma_wait3A_133, %dma_wait3A_134] : memref<10000x128xf32, #tpu.memory_space<hbm>> -> memref<10000x128xf32, #tpu.memory_space<hbm>>
      tpu.wait_indirect_dma semaphore(%arg12 : memref<!tpu.dma_semaphore, #tpu.memory_space<semaphore_mem>>) src(%dma_wait3A_135 : memref<10000x128xf32, #tpu.memory_space<hbm>>) dst(%arg9 : memref<128x128xf32, #tpu.memory_space<vmem>>)
      %dma_start3A_136 = arith.constant 0 : i32
      %dma_start3A_137 = tpu.memref_slice %arg7[%add3A_129, %dma_start3A_136] : memref<40x128xi32, #tpu.memory_space<vmem>> -> memref<1x128xi32, #tpu.memory_space<vmem>>
      %dma_start3A_138 = tpu.memref_squeeze %dma_start3A_137 : memref<1x128xi32, #tpu.memory_space<vmem>> -> memref<128xi32, #tpu.memory_space<vmem>>
      %dma_start3A_139 = arith.constant 0 : i32
      %dma_start3A_140 = arith.constant 0 : i32
      %dma_start3A_141 = tpu.memref_slice %arg10[%dma_start3A_139, %dma_start3A_140] : memref<10240x128xf32, #tpu.memory_space<vmem_shared>> -> memref<10240x128xf32, #tpu.memory_space<vmem_shared>>
      tpu.enqueue_indirect_dma source(%arg9 : memref<128x128xf32, #tpu.memory_space<vmem>>) target(%dma_start3A_141 : memref<10240x128xf32, #tpu.memory_space<vmem_shared>>) offsets(%dma_start3A_138 : memref<128xi32, #tpu.memory_space<vmem>>) semaphore(%arg14 : memref<!tpu.dma_semaphore, #tpu.memory_space<semaphore_mem>>) {add = true}
      %add3A_142 = arith.constant 2 : i32
      %add3A_143 = arith.addi %add3A_129, %add3A_142 : i32
      %lt3A_144 = arith.constant 40 : i32
      %lt3A_145 = arith.cmpi slt, %add3A_143, %lt3A_144 : i32
      %convert_element_type3A_146 = arith.extui %lt3A_145 : i1 to i32
      %cond3A_147 = arith.constant 0 : i32
      %cond3A_148 = arith.cmpi ne, %convert_element_type3A_146, %cond3A_147 : i32
      scf.if %cond3A_148 {
        %dma_wait3A_149 = arith.constant 0 : i32
        %dma_wait3A_150 = tpu.memref_slice %arg7[%add3A_129, %dma_wait3A_149] : memref<40x128xi32, #tpu.memory_space<vmem>> -> memref<1x128xi32, #tpu.memory_space<vmem>>
        %dma_wait3A_151 = tpu.memref_squeeze %dma_wait3A_150 : memref<1x128xi32, #tpu.memory_space<vmem>> -> memref<128xi32, #tpu.memory_space<vmem>>
        %dma_wait3A_152 = arith.constant 0 : i32
        %dma_wait3A_153 = arith.constant 0 : i32
        %dma_wait3A_154 = tpu.memref_slice %arg10[%dma_wait3A_152, %dma_wait3A_153] : memref<10240x128xf32, #tpu.memory_space<vmem_shared>> -> memref<10240x128xf32, #tpu.memory_space<vmem_shared>>
        tpu.wait_indirect_dma semaphore(%arg14 : memref<!tpu.dma_semaphore, #tpu.memory_space<semaphore_mem>>) src(%arg9 : memref<128x128xf32, #tpu.memory_space<vmem>>) dst(%dma_wait3A_154 : memref<10240x128xf32, #tpu.memory_space<vmem_shared>>)
        %add3A_155 = arith.constant 2 : i32
        %add3A_156 = arith.addi %add3A_129, %add3A_155 : i32
        %dma_start3A_157 = arith.constant 0 : i32
        %dma_start3A_158 = tpu.memref_slice %arg6[%add3A_156, %dma_start3A_157] : memref<40x128xi32, #tpu.memory_space<vmem>> -> memref<1x128xi32, #tpu.memory_space<vmem>>
        %dma_start3A_159 = tpu.memref_squeeze %dma_start3A_158 : memref<1x128xi32, #tpu.memory_space<vmem>> -> memref<128xi32, #tpu.memory_space<vmem>>
        %dma_start3A_160 = arith.constant 0 : i32
        %dma_start3A_161 = arith.constant 0 : i32
        %dma_start3A_162 = tpu.memref_slice %arg2[%dma_start3A_160, %dma_start3A_161] : memref<10000x128xf32, #tpu.memory_space<hbm>> -> memref<10000x128xf32, #tpu.memory_space<hbm>>
        tpu.enqueue_indirect_dma source(%dma_start3A_162 : memref<10000x128xf32, #tpu.memory_space<hbm>>) target(%arg9 : memref<128x128xf32, #tpu.memory_space<vmem>>) offsets(%dma_start3A_159 : memref<128xi32, #tpu.memory_space<vmem>>) semaphore(%arg12 : memref<!tpu.dma_semaphore, #tpu.memory_space<semaphore_mem>>)
      } else {
      }
    }
    %scan3A_85 = arith.constant 20 : i32
    %dma_wait3A_86 = arith.constant 38 : i32
    %dma_wait3A_87 = arith.constant 0 : i32
    %dma_wait3A_88 = tpu.memref_slice %arg7[%dma_wait3A_86, %dma_wait3A_87] : memref<40x128xi32, #tpu.memory_space<vmem>> -> memref<1x128xi32, #tpu.memory_space<vmem>>
    %dma_wait3A_89 = tpu.memref_squeeze %dma_wait3A_88 : memref<1x128xi32, #tpu.memory_space<vmem>> -> memref<128xi32, #tpu.memory_space<vmem>>
    %dma_wait3A_90 = arith.constant 0 : i32
    %dma_wait3A_91 = arith.constant 0 : i32
    %dma_wait3A_92 = tpu.memref_slice %arg10[%dma_wait3A_90, %dma_wait3A_91] : memref<10240x128xf32, #tpu.memory_space<vmem_shared>> -> memref<10240x128xf32, #tpu.memory_space<vmem_shared>>
    tpu.wait_indirect_dma semaphore(%arg13 : memref<!tpu.dma_semaphore, #tpu.memory_space<semaphore_mem>>) src(%arg8 : memref<128x128xf32, #tpu.memory_space<vmem>>) dst(%dma_wait3A_92 : memref<10240x128xf32, #tpu.memory_space<vmem_shared>>)
    %dma_wait3A_93 = arith.constant 39 : i32
    %dma_wait3A_94 = arith.constant 0 : i32
    %dma_wait3A_95 = tpu.memref_slice %arg7[%dma_wait3A_93, %dma_wait3A_94] : memref<40x128xi32, #tpu.memory_space<vmem>> -> memref<1x128xi32, #tpu.memory_space<vmem>>
    %dma_wait3A_96 = tpu.memref_squeeze %dma_wait3A_95 : memref<1x128xi32, #tpu.memory_space<vmem>> -> memref<128xi32, #tpu.memory_space<vmem>>
    %dma_wait3A_97 = arith.constant 0 : i32
    %dma_wait3A_98 = arith.constant 0 : i32
    %dma_wait3A_99 = tpu.memref_slice %arg10[%dma_wait3A_97, %dma_wait3A_98] : memref<10240x128xf32, #tpu.memory_space<vmem_shared>> -> memref<10240x128xf32, #tpu.memory_space<vmem_shared>>
    tpu.wait_indirect_dma semaphore(%arg14 : memref<!tpu.dma_semaphore, #tpu.memory_space<semaphore_mem>>) src(%arg9 : memref<128x128xf32, #tpu.memory_space<vmem>>) dst(%dma_wait3A_99 : memref<10240x128xf32, #tpu.memory_space<vmem_shared>>)
    %barrier3A_100 = arith.constant 0 : index
    tpu.barrier barrier_id(%barrier3A_100)
    %mul3A_101 = arith.constant 640 : i32
    %mul3A_102 = arith.muli %arg1, %mul3A_101 : i32
    %mul3A_103 = arith.constant 640 : i32
    %mul3A_104 = arith.muli %arg1, %mul3A_103 : i32
    "tpu.region"() ({
      %run_scoped3A = tpu.sem_alloc : memref<!tpu.dma_semaphore, #tpu.memory_space<semaphore_mem>>
      %dma_start3A_105 = arith.constant 0 : i32
      %dma_start3A_106 = tpu.memref_slice %arg5[%arg0, %mul3A_104, %dma_start3A_105] : memref<2x10240x128xf32, #tpu.memory_space<hbm>> -> memref<1x640x128xf32, #tpu.memory_space<hbm>>
      %dma_start3A_107 = tpu.memref_squeeze %dma_start3A_106 : memref<1x640x128xf32, #tpu.memory_space<hbm>> -> memref<640x128xf32, #tpu.memory_space<hbm>>
      %dma_start3A_108 = arith.constant 0 : i32
      %dma_start3A_109 = tpu.memref_slice %arg10[%mul3A_102, %dma_start3A_108] : memref<10240x128xf32, #tpu.memory_space<vmem_shared>> -> memref<640x128xf32, #tpu.memory_space<vmem_shared>>
      tpu.enqueue_dma source(%dma_start3A_109 : memref<640x128xf32, #tpu.memory_space<vmem_shared>>) target(%dma_start3A_107 : memref<640x128xf32, #tpu.memory_space<hbm>>) target_semaphore(%run_scoped3A : memref<!tpu.dma_semaphore, #tpu.memory_space<semaphore_mem>>)
      %dma_wait3A_110 = arith.constant 0 : i32
      %dma_wait3A_111 = tpu.memref_slice %arg5[%arg0, %mul3A_104, %dma_wait3A_110] : memref<2x10240x128xf32, #tpu.memory_space<hbm>> -> memref<1x640x128xf32, #tpu.memory_space<hbm>>
      %dma_wait3A_112 = tpu.memref_squeeze %dma_wait3A_111 : memref<1x640x128xf32, #tpu.memory_space<hbm>> -> memref<640x128xf32, #tpu.memory_space<hbm>>
      %dma_wait3A_113 = arith.constant 0 : i32
      %dma_wait3A_114 = tpu.memref_slice %arg10[%mul3A_102, %dma_wait3A_113] : memref<10240x128xf32, #tpu.memory_space<vmem_shared>> -> memref<640x128xf32, #tpu.memory_space<vmem_shared>>
      tpu.wait_dma2 semaphore(%run_scoped3A : memref<!tpu.dma_semaphore, #tpu.memory_space<semaphore_mem>>) src(%dma_wait3A_114 : memref<640x128xf32, #tpu.memory_space<vmem_shared>>) dst(%dma_wait3A_112 : memref<640x128xf32, #tpu.memory_space<hbm>>)
      tpu.yield
    }) : () -> ()
    return
  }
}

#map = affine_map<(d0, d1) -> (0, 0)>
#map1 = affine_map<(d0, d1) -> (0, 0, 0)>
module attributes {stable_mosaic.version = 14 : i64} {
  func.func @_scatter_sc_body(%arg0: i32, %arg1: i32, %arg2: memref<10000x128xf32, #tpu.memory_space<hbm>>, %arg3: memref<2560x128xi32, #tpu.memory_space<hbm>>, %arg4: memref<2560x128xi32, #tpu.memory_space<hbm>>, %arg5: memref<2x10240x128xf32, #tpu.memory_space<hbm>>, %arg6: memref<40x128xi32, #tpu.memory_space<vmem>>, %arg7: memref<40x128xi32, #tpu.memory_space<vmem>>, %arg8: memref<128x128xf32, #tpu.memory_space<vmem>>, %arg9: memref<128x128xf32, #tpu.memory_space<vmem>>, %arg10: memref<10240x128xf32, #tpu.memory_space<vmem_shared>>, %arg11: memref<!tpu.dma_semaphore, #tpu.memory_space<semaphore_mem>>, %arg12: memref<!tpu.dma_semaphore, #tpu.memory_space<semaphore_mem>>, %arg13: memref<!tpu.dma_semaphore, #tpu.memory_space<semaphore_mem>>, %arg14: memref<!tpu.dma_semaphore, #tpu.memory_space<semaphore_mem>>) attributes {dimension_semantics = [#tpu.dimension_semantics<core_parallel>, #tpu.dimension_semantics<subcore_parallel>], iteration_bounds = array<i64: 2, 16>, scalar_prefetch = 0 : i64, scratch_operands = 9 : i64, tpu.core_type = #tpu.core_type<sc_vector_subcore>, window_params = [{transform_indices = #map}, {transform_indices = #map}, {transform_indices = #map}, {transform_indices = #map1}]} {
    %mul3A = arith.constant 2 : i32
    %mul3A_0 = arith.muli %arg1, %mul3A : i32
    %add3A = arith.addi %mul3A_0, %arg0 : i32
    %scan3A = arith.constant 0 : i32
    %scan3A_1 = arith.constant 0 : i32
    %scan3A_2 = arith.constant 128 : i32
    %scan3A_3 = arith.addi %scan3A_1, %scan3A_2 : i32
    %scan3A_4 = arith.constant 1 : i32
    scf.for %scan3A_105 = %scan3A_1 to %scan3A_3 step %scan3A_4  : i32 {
      %broadcast_in_dim3A = arith.constant 0.000000e+00 : f32
      %broadcast_in_dim3A_106 = vector.broadcast %broadcast_in_dim3A : f32 to vector<16xf32>
      %swap3A = arith.index_cast %scan3A_105 : i32 to index
      %swap3A_107 = arith.constant 0 : index
      %swap3A_108 = tpu.vector_load %arg8[%swap3A, %swap3A_107] {strides = array<i32>} : memref<128x128xf32, #tpu.memory_space<vmem>>, vector<1x16xf32>,
      %swap3A_109 = vector.shape_cast %swap3A_108 : vector<1x16xf32> to vector<16xf32>
      %swap3A_110 = vector.shape_cast %broadcast_in_dim3A_106 : vector<16xf32> to vector<1x16xf32>
      tpu.vector_store %arg8[%swap3A, %swap3A_107], %swap3A_110 {strides = array<i32>} : memref<128x128xf32, #tpu.memory_space<vmem>>, vector<1x16xf32>,
      %broadcast_in_dim3A_111 = arith.constant 0.000000e+00 : f32
      %broadcast_in_dim3A_112 = vector.broadcast %broadcast_in_dim3A_111 : f32 to vector<16xf32>
      %swap3A_113 = arith.index_cast %scan3A_105 : i32 to index
      %swap3A_114 = arith.constant 16 : index
      %swap3A_115 = tpu.vector_load %arg8[%swap3A_113, %swap3A_114] {strides = array<i32>} : memref<128x128xf32, #tpu.memory_space<vmem>>, vector<1x16xf32>,
      %swap3A_116 = vector.shape_cast %swap3A_115 : vector<1x16xf32> to vector<16xf32>
      %swap3A_117 = vector.shape_cast %broadcast_in_dim3A_112 : vector<16xf32> to vector<1x16xf32>
      tpu.vector_store %arg8[%swap3A_113, %swap3A_114], %swap3A_117 {strides = array<i32>} : memref<128x128xf32, #tpu.memory_space<vmem>>, vector<1x16xf32>,
      %broadcast_in_dim3A_118 = arith.constant 0.000000e+00 : f32
      %broadcast_in_dim3A_119 = vector.broadcast %broadcast_in_dim3A_118 : f32 to vector<16xf32>
      %swap3A_120 = arith.index_cast %scan3A_105 : i32 to index
      %swap3A_121 = arith.constant 32 : index
      %swap3A_122 = tpu.vector_load %arg8[%swap3A_120, %swap3A_121] {strides = array<i32>} : memref<128x128xf32, #tpu.memory_space<vmem>>, vector<1x16xf32>,
      %swap3A_123 = vector.shape_cast %swap3A_122 : vector<1x16xf32> to vector<16xf32>
      %swap3A_124 = vector.shape_cast %broadcast_in_dim3A_119 : vector<16xf32> to vector<1x16xf32>
      tpu.vector_store %arg8[%swap3A_120, %swap3A_121], %swap3A_124 {strides = array<i32>} : memref<128x128xf32, #tpu.memory_space<vmem>>, vector<1x16xf32>,
      %broadcast_in_dim3A_125 = arith.constant 0.000000e+00 : f32
      %broadcast_in_dim3A_126 = vector.broadcast %broadcast_in_dim3A_125 : f32 to vector<16xf32>
      %swap3A_127 = arith.index_cast %scan3A_105 : i32 to index
      %swap3A_128 = arith.constant 48 : index
      %swap3A_129 = tpu.vector_load %arg8[%swap3A_127, %swap3A_128] {strides = array<i32>} : memref<128x128xf32, #tpu.memory_space<vmem>>, vector<1x16xf32>,
      %swap3A_130 = vector.shape_cast %swap3A_129 : vector<1x16xf32> to vector<16xf32>
      %swap3A_131 = vector.shape_cast %broadcast_in_dim3A_126 : vector<16xf32> to vector<1x16xf32>
      tpu.vector_store %arg8[%swap3A_127, %swap3A_128], %swap3A_131 {strides = array<i32>} : memref<128x128xf32, #tpu.memory_space<vmem>>, vector<1x16xf32>,
      %broadcast_in_dim3A_132 = arith.constant 0.000000e+00 : f32
      %broadcast_in_dim3A_133 = vector.broadcast %broadcast_in_dim3A_132 : f32 to vector<16xf32>
      %swap3A_134 = arith.index_cast %scan3A_105 : i32 to index
      %swap3A_135 = arith.constant 64 : index
      %swap3A_136 = tpu.vector_load %arg8[%swap3A_134, %swap3A_135] {strides = array<i32>} : memref<128x128xf32, #tpu.memory_space<vmem>>, vector<1x16xf32>,
      %swap3A_137 = vector.shape_cast %swap3A_136 : vector<1x16xf32> to vector<16xf32>
      %swap3A_138 = vector.shape_cast %broadcast_in_dim3A_133 : vector<16xf32> to vector<1x16xf32>
      tpu.vector_store %arg8[%swap3A_134, %swap3A_135], %swap3A_138 {strides = array<i32>} : memref<128x128xf32, #tpu.memory_space<vmem>>, vector<1x16xf32>,
      %broadcast_in_dim3A_139 = arith.constant 0.000000e+00 : f32
      %broadcast_in_dim3A_140 = vector.broadcast %broadcast_in_dim3A_139 : f32 to vector<16xf32>
      %swap3A_141 = arith.index_cast %scan3A_105 : i32 to index
      %swap3A_142 = arith.constant 80 : index
      %swap3A_143 = tpu.vector_load %arg8[%swap3A_141, %swap3A_142] {strides = array<i32>} : memref<128x128xf32, #tpu.memory_space<vmem>>, vector<1x16xf32>,
      %swap3A_144 = vector.shape_cast %swap3A_143 : vector<1x16xf32> to vector<16xf32>
      %swap3A_145 = vector.shape_cast %broadcast_in_dim3A_140 : vector<16xf32> to vector<1x16xf32>
      tpu.vector_store %arg8[%swap3A_141, %swap3A_142], %swap3A_145 {strides = array<i32>} : memref<128x128xf32, #tpu.memory_space<vmem>>, vector<1x16xf32>,
      %broadcast_in_dim3A_146 = arith.constant 0.000000e+00 : f32
      %broadcast_in_dim3A_147 = vector.broadcast %broadcast_in_dim3A_146 : f32 to vector<16xf32>
      %swap3A_148 = arith.index_cast %scan3A_105 : i32 to index
      %swap3A_149 = arith.constant 96 : index
      %swap3A_150 = tpu.vector_load %arg8[%swap3A_148, %swap3A_149] {strides = array<i32>} : memref<128x128xf32, #tpu.memory_space<vmem>>, vector<1x16xf32>,
      %swap3A_151 = vector.shape_cast %swap3A_150 : vector<1x16xf32> to vector<16xf32>
      %swap3A_152 = vector.shape_cast %broadcast_in_dim3A_147 : vector<16xf32> to vector<1x16xf32>
      tpu.vector_store %arg8[%swap3A_148, %swap3A_149], %swap3A_152 {strides = array<i32>} : memref<128x128xf32, #tpu.memory_space<vmem>>, vector<1x16xf32>,
      %broadcast_in_dim3A_153 = arith.constant 0.000000e+00 : f32
      %broadcast_in_dim3A_154 = vector.broadcast %broadcast_in_dim3A_153 : f32 to vector<16xf32>
      %swap3A_155 = arith.index_cast %scan3A_105 : i32 to index
      %swap3A_156 = arith.constant 112 : index
      %swap3A_157 = tpu.vector_load %arg8[%swap3A_155, %swap3A_156] {strides = array<i32>} : memref<128x128xf32, #tpu.memory_space<vmem>>, vector<1x16xf32>,
      %swap3A_158 = vector.shape_cast %swap3A_157 : vector<1x16xf32> to vector<16xf32>
      %swap3A_159 = vector.shape_cast %broadcast_in_dim3A_154 : vector<16xf32> to vector<1x16xf32>
      tpu.vector_store %arg8[%swap3A_155, %swap3A_156], %swap3A_159 {strides = array<i32>} : memref<128x128xf32, #tpu.memory_space<vmem>>, vector<1x16xf32>,
    }
    %scan3A_5 = arith.constant 128 : i32
    %mul3A_6 = arith.constant 640 : i32
    %mul3A_7 = arith.muli %arg1, %mul3A_6 : i32
    %add3A_8 = arith.constant 0 : i32
    %add3A_9 = arith.addi %mul3A_7, %add3A_8 : i32
    "tpu.region"() ({
      %run_scoped3A = tpu.sem_alloc : memref<!tpu.dma_semaphore, #tpu.memory_space<semaphore_mem>>
      %dma_start3A_105 = arith.constant 0 : i32
      %dma_start3A_106 = tpu.memref_slice %arg10[%add3A_9, %dma_start3A_105] : memref<10240x128xf32, #tpu.memory_space<vmem_shared>> -> memref<128x128xf32, #tpu.memory_space<vmem_shared>>
      %dma_start3A_107 = arith.constant 0 : i32
      %dma_start3A_108 = tpu.memref_slice %arg10[%add3A_9, %dma_start3A_107] : memref<10240x128xf32, #tpu.memory_space<vmem_shared>> -> memref<128x128xf32, #tpu.memory_space<vmem_shared>>
      tpu.enqueue_dma source(%arg8 : memref<128x128xf32, #tpu.memory_space<vmem>>) target(%dma_start3A_108 : memref<128x128xf32, #tpu.memory_space<vmem_shared>>) target_semaphore(%run_scoped3A : memref<!tpu.dma_semaphore, #tpu.memory_space<semaphore_mem>>)
      %dma_wait3A_109 = arith.constant 0 : i32
      %dma_wait3A_110 = tpu.memref_slice %arg10[%add3A_9, %dma_wait3A_109] : memref<10240x128xf32, #tpu.memory_space<vmem_shared>> -> memref<128x128xf32, #tpu.memory_space<vmem_shared>>
      %dma_wait3A_111 = arith.constant 0 : i32
      %dma_wait3A_112 = tpu.memref_slice %arg10[%add3A_9, %dma_wait3A_111] : memref<10240x128xf32, #tpu.memory_space<vmem_shared>> -> memref<128x128xf32, #tpu.memory_space<vmem_shared>>
      tpu.wait_dma2 semaphore(%run_scoped3A : memref<!tpu.dma_semaphore, #tpu.memory_space<semaphore_mem>>) src(%arg8 : memref<128x128xf32, #tpu.memory_space<vmem>>) dst(%dma_wait3A_112 : memref<128x128xf32, #tpu.memory_space<vmem_shared>>)
      tpu.yield
    }) : () -> ()
    %mul3A_10 = arith.constant 640 : i32
    %mul3A_11 = arith.muli %arg1, %mul3A_10 : i32
    %add3A_12 = arith.constant 128 : i32
    %add3A_13 = arith.addi %mul3A_11, %add3A_12 : i32
    "tpu.region"() ({
      %run_scoped3A = tpu.sem_alloc : memref<!tpu.dma_semaphore, #tpu.memory_space<semaphore_mem>>
      %dma_start3A_105 = arith.constant 0 : i32
      %dma_start3A_106 = tpu.memref_slice %arg10[%add3A_13, %dma_start3A_105] : memref<10240x128xf32, #tpu.memory_space<vmem_shared>> -> memref<128x128xf32, #tpu.memory_space<vmem_shared>>
      %dma_start3A_107 = arith.constant 0 : i32
      %dma_start3A_108 = tpu.memref_slice %arg10[%add3A_13, %dma_start3A_107] : memref<10240x128xf32, #tpu.memory_space<vmem_shared>> -> memref<128x128xf32, #tpu.memory_space<vmem_shared>>
      tpu.enqueue_dma source(%arg8 : memref<128x128xf32, #tpu.memory_space<vmem>>) target(%dma_start3A_108 : memref<128x128xf32, #tpu.memory_space<vmem_shared>>) target_semaphore(%run_scoped3A : memref<!tpu.dma_semaphore, #tpu.memory_space<semaphore_mem>>)
      %dma_wait3A_109 = arith.constant 0 : i32
      %dma_wait3A_110 = tpu.memref_slice %arg10[%add3A_13, %dma_wait3A_109] : memref<10240x128xf32, #tpu.memory_space<vmem_shared>> -> memref<128x128xf32, #tpu.memory_space<vmem_shared>>
      %dma_wait3A_111 = arith.constant 0 : i32
      %dma_wait3A_112 = tpu.memref_slice %arg10[%add3A_13, %dma_wait3A_111] : memref<10240x128xf32, #tpu.memory_space<vmem_shared>> -> memref<128x128xf32, #tpu.memory_space<vmem_shared>>
      tpu.wait_dma2 semaphore(%run_scoped3A : memref<!tpu.dma_semaphore, #tpu.memory_space<semaphore_mem>>) src(%arg8 : memref<128x128xf32, #tpu.memory_space<vmem>>) dst(%dma_wait3A_112 : memref<128x128xf32, #tpu.memory_space<vmem_shared>>)
      tpu.yield
    }) : () -> ()
    %mul3A_14 = arith.constant 640 : i32
    %mul3A_15 = arith.muli %arg1, %mul3A_14 : i32
    %add3A_16 = arith.constant 256 : i32
    %add3A_17 = arith.addi %mul3A_15, %add3A_16 : i32
    "tpu.region"() ({
      %run_scoped3A = tpu.sem_alloc : memref<!tpu.dma_semaphore, #tpu.memory_space<semaphore_mem>>
      %dma_start3A_105 = arith.constant 0 : i32
      %dma_start3A_106 = tpu.memref_slice %arg10[%add3A_17, %dma_start3A_105] : memref<10240x128xf32, #tpu.memory_space<vmem_shared>> -> memref<128x128xf32, #tpu.memory_space<vmem_shared>>
      %dma_start3A_107 = arith.constant 0 : i32
      %dma_start3A_108 = tpu.memref_slice %arg10[%add3A_17, %dma_start3A_107] : memref<10240x128xf32, #tpu.memory_space<vmem_shared>> -> memref<128x128xf32, #tpu.memory_space<vmem_shared>>
      tpu.enqueue_dma source(%arg8 : memref<128x128xf32, #tpu.memory_space<vmem>>) target(%dma_start3A_108 : memref<128x128xf32, #tpu.memory_space<vmem_shared>>) target_semaphore(%run_scoped3A : memref<!tpu.dma_semaphore, #tpu.memory_space<semaphore_mem>>)
      %dma_wait3A_109 = arith.constant 0 : i32
      %dma_wait3A_110 = tpu.memref_slice %arg10[%add3A_17, %dma_wait3A_109] : memref<10240x128xf32, #tpu.memory_space<vmem_shared>> -> memref<128x128xf32, #tpu.memory_space<vmem_shared>>
      %dma_wait3A_111 = arith.constant 0 : i32
      %dma_wait3A_112 = tpu.memref_slice %arg10[%add3A_17, %dma_wait3A_111] : memref<10240x128xf32, #tpu.memory_space<vmem_shared>> -> memref<128x128xf32, #tpu.memory_space<vmem_shared>>
      tpu.wait_dma2 semaphore(%run_scoped3A : memref<!tpu.dma_semaphore, #tpu.memory_space<semaphore_mem>>) src(%arg8 : memref<128x128xf32, #tpu.memory_space<vmem>>) dst(%dma_wait3A_112 : memref<128x128xf32, #tpu.memory_space<vmem_shared>>)
      tpu.yield
    }) : () -> ()
    %mul3A_18 = arith.constant 640 : i32
    %mul3A_19 = arith.muli %arg1, %mul3A_18 : i32
    %add3A_20 = arith.constant 384 : i32
    %add3A_21 = arith.addi %mul3A_19, %add3A_20 : i32
    "tpu.region"() ({
      %run_scoped3A = tpu.sem_alloc : memref<!tpu.dma_semaphore, #tpu.memory_space<semaphore_mem>>
      %dma_start3A_105 = arith.constant 0 : i32
      %dma_start3A_106 = tpu.memref_slice %arg10[%add3A_21, %dma_start3A_105] : memref<10240x128xf32, #tpu.memory_space<vmem_shared>> -> memref<128x128xf32, #tpu.memory_space<vmem_shared>>
      %dma_start3A_107 = arith.constant 0 : i32
      %dma_start3A_108 = tpu.memref_slice %arg10[%add3A_21, %dma_start3A_107] : memref<10240x128xf32, #tpu.memory_space<vmem_shared>> -> memref<128x128xf32, #tpu.memory_space<vmem_shared>>
      tpu.enqueue_dma source(%arg8 : memref<128x128xf32, #tpu.memory_space<vmem>>) target(%dma_start3A_108 : memref<128x128xf32, #tpu.memory_space<vmem_shared>>) target_semaphore(%run_scoped3A : memref<!tpu.dma_semaphore, #tpu.memory_space<semaphore_mem>>)
      %dma_wait3A_109 = arith.constant 0 : i32
      %dma_wait3A_110 = tpu.memref_slice %arg10[%add3A_21, %dma_wait3A_109] : memref<10240x128xf32, #tpu.memory_space<vmem_shared>> -> memref<128x128xf32, #tpu.memory_space<vmem_shared>>
      %dma_wait3A_111 = arith.constant 0 : i32
      %dma_wait3A_112 = tpu.memref_slice %arg10[%add3A_21, %dma_wait3A_111] : memref<10240x128xf32, #tpu.memory_space<vmem_shared>> -> memref<128x128xf32, #tpu.memory_space<vmem_shared>>
      tpu.wait_dma2 semaphore(%run_scoped3A : memref<!tpu.dma_semaphore, #tpu.memory_space<semaphore_mem>>) src(%arg8 : memref<128x128xf32, #tpu.memory_space<vmem>>) dst(%dma_wait3A_112 : memref<128x128xf32, #tpu.memory_space<vmem_shared>>)
      tpu.yield
    }) : () -> ()
    %mul3A_22 = arith.constant 640 : i32
    %mul3A_23 = arith.muli %arg1, %mul3A_22 : i32
    %add3A_24 = arith.constant 512 : i32
    %add3A_25 = arith.addi %mul3A_23, %add3A_24 : i32
    "tpu.region"() ({
      %run_scoped3A = tpu.sem_alloc : memref<!tpu.dma_semaphore, #tpu.memory_space<semaphore_mem>>
      %dma_start3A_105 = arith.constant 0 : i32
      %dma_start3A_106 = tpu.memref_slice %arg10[%add3A_25, %dma_start3A_105] : memref<10240x128xf32, #tpu.memory_space<vmem_shared>> -> memref<128x128xf32, #tpu.memory_space<vmem_shared>>
      %dma_start3A_107 = arith.constant 0 : i32
      %dma_start3A_108 = tpu.memref_slice %arg10[%add3A_25, %dma_start3A_107] : memref<10240x128xf32, #tpu.memory_space<vmem_shared>> -> memref<128x128xf32, #tpu.memory_space<vmem_shared>>
      tpu.enqueue_dma source(%arg8 : memref<128x128xf32, #tpu.memory_space<vmem>>) target(%dma_start3A_108 : memref<128x128xf32, #tpu.memory_space<vmem_shared>>) target_semaphore(%run_scoped3A : memref<!tpu.dma_semaphore, #tpu.memory_space<semaphore_mem>>)
      %dma_wait3A_109 = arith.constant 0 : i32
      %dma_wait3A_110 = tpu.memref_slice %arg10[%add3A_25, %dma_wait3A_109] : memref<10240x128xf32, #tpu.memory_space<vmem_shared>> -> memref<128x128xf32, #tpu.memory_space<vmem_shared>>
      %dma_wait3A_111 = arith.constant 0 : i32
      %dma_wait3A_112 = tpu.memref_slice %arg10[%add3A_25, %dma_wait3A_111] : memref<10240x128xf32, #tpu.memory_space<vmem_shared>> -> memref<128x128xf32, #tpu.memory_space<vmem_shared>>
      tpu.wait_dma2 semaphore(%run_scoped3A : memref<!tpu.dma_semaphore, #tpu.memory_space<semaphore_mem>>) src(%arg8 : memref<128x128xf32, #tpu.memory_space<vmem>>) dst(%dma_wait3A_112 : memref<128x128xf32, #tpu.memory_space<vmem_shared>>)
      tpu.yield
    }) : () -> ()
    %barrier3A = arith.constant 0 : index
    tpu.barrier barrier_id(%barrier3A)
    %mul3A_26 = arith.constant 80 : i32
    %mul3A_27 = arith.muli %add3A, %mul3A_26 : i32
    %add3A_28 = arith.constant 0 : i32
    %add3A_29 = arith.addi %mul3A_27, %add3A_28 : i32
    "tpu.region"() ({
      %run_scoped3A = tpu.sem_alloc : memref<!tpu.dma_semaphore, #tpu.memory_space<semaphore_mem>>
      %dma_start3A_105 = arith.constant 0 : i32
      %dma_start3A_106 = tpu.memref_slice %arg3[%add3A_29, %dma_start3A_105] : memref<2560x128xi32, #tpu.memory_space<hbm>> -> memref<40x128xi32, #tpu.memory_space<hbm>>
      %dma_start3A_107 = arith.constant 0 : i32
      %dma_start3A_108 = tpu.memref_slice %arg3[%add3A_29, %dma_start3A_107] : memref<2560x128xi32, #tpu.memory_space<hbm>> -> memref<40x128xi32, #tpu.memory_space<hbm>>
      tpu.enqueue_dma source(%dma_start3A_108 : memref<40x128xi32, #tpu.memory_space<hbm>>) target(%arg6 : memref<40x128xi32, #tpu.memory_space<vmem>>) target_semaphore(%run_scoped3A : memref<!tpu.dma_semaphore, #tpu.memory_space<semaphore_mem>>)
      %dma_wait3A_109 = arith.constant 0 : i32
      %dma_wait3A_110 = tpu.memref_slice %arg3[%add3A_29, %dma_wait3A_109] : memref<2560x128xi32, #tpu.memory_space<hbm>> -> memref<40x128xi32, #tpu.memory_space<hbm>>
      %dma_wait3A_111 = arith.constant 0 : i32
      %dma_wait3A_112 = tpu.memref_slice %arg3[%add3A_29, %dma_wait3A_111] : memref<2560x128xi32, #tpu.memory_space<hbm>> -> memref<40x128xi32, #tpu.memory_space<hbm>>
      tpu.wait_dma2 semaphore(%run_scoped3A : memref<!tpu.dma_semaphore, #tpu.memory_space<semaphore_mem>>) src(%dma_wait3A_112 : memref<40x128xi32, #tpu.memory_space<hbm>>) dst(%arg6 : memref<40x128xi32, #tpu.memory_space<vmem>>)
      tpu.yield
    }) : () -> ()
    "tpu.region"() ({
      %run_scoped3A = tpu.sem_alloc : memref<!tpu.dma_semaphore, #tpu.memory_space<semaphore_mem>>
      %dma_start3A_105 = arith.constant 0 : i32
      %dma_start3A_106 = tpu.memref_slice %arg4[%add3A_29, %dma_start3A_105] : memref<2560x128xi32, #tpu.memory_space<hbm>> -> memref<40x128xi32, #tpu.memory_space<hbm>>
      %dma_start3A_107 = arith.constant 0 : i32
      %dma_start3A_108 = tpu.memref_slice %arg4[%add3A_29, %dma_start3A_107] : memref<2560x128xi32, #tpu.memory_space<hbm>> -> memref<40x128xi32, #tpu.memory_space<hbm>>
      tpu.enqueue_dma source(%dma_start3A_108 : memref<40x128xi32, #tpu.memory_space<hbm>>) target(%arg7 : memref<40x128xi32, #tpu.memory_space<vmem>>) target_semaphore(%run_scoped3A : memref<!tpu.dma_semaphore, #tpu.memory_space<semaphore_mem>>)
      %dma_wait3A_109 = arith.constant 0 : i32
      %dma_wait3A_110 = tpu.memref_slice %arg4[%add3A_29, %dma_wait3A_109] : memref<2560x128xi32, #tpu.memory_space<hbm>> -> memref<40x128xi32, #tpu.memory_space<hbm>>
      %dma_wait3A_111 = arith.constant 0 : i32
      %dma_wait3A_112 = tpu.memref_slice %arg4[%add3A_29, %dma_wait3A_111] : memref<2560x128xi32, #tpu.memory_space<hbm>> -> memref<40x128xi32, #tpu.memory_space<hbm>>
      tpu.wait_dma2 semaphore(%run_scoped3A : memref<!tpu.dma_semaphore, #tpu.memory_space<semaphore_mem>>) src(%dma_wait3A_112 : memref<40x128xi32, #tpu.memory_space<hbm>>) dst(%arg7 : memref<40x128xi32, #tpu.memory_space<vmem>>)
      tpu.yield
    }) : () -> ()
    %dma_start3A = arith.constant 0 : i32
    %dma_start3A_30 = arith.constant 0 : i32
    %dma_start3A_31 = tpu.memref_slice %arg6[%dma_start3A, %dma_start3A_30] : memref<40x128xi32, #tpu.memory_space<vmem>> -> memref<1x128xi32, #tpu.memory_space<vmem>>
    %dma_start3A_32 = tpu.memref_squeeze %dma_start3A_31 : memref<1x128xi32, #tpu.memory_space<vmem>> -> memref<128xi32, #tpu.memory_space<vmem>>
    %dma_start3A_33 = arith.constant 0 : i32
    %dma_start3A_34 = arith.constant 0 : i32
    %dma_start3A_35 = tpu.memref_slice %arg2[%dma_start3A_33, %dma_start3A_34] : memref<10000x128xf32, #tpu.memory_space<hbm>> -> memref<10000x128xf32, #tpu.memory_space<hbm>>
    tpu.enqueue_indirect_dma source(%dma_start3A_35 : memref<10000x128xf32, #tpu.memory_space<hbm>>) target(%arg8 : memref<128x128xf32, #tpu.memory_space<vmem>>) offsets(%dma_start3A_32 : memref<128xi32, #tpu.memory_space<vmem>>) semaphore(%arg11 : memref<!tpu.dma_semaphore, #tpu.memory_space<semaphore_mem>>)
    %dma_start3A_36 = arith.constant 1 : i32
    %dma_start3A_37 = arith.constant 0 : i32
    %dma_start3A_38 = tpu.memref_slice %arg6[%dma_start3A_36, %dma_start3A_37] : memref<40x128xi32, #tpu.memory_space<vmem>> -> memref<1x128xi32, #tpu.memory_space<vmem>>
    %dma_start3A_39 = tpu.memref_squeeze %dma_start3A_38 : memref<1x128xi32, #tpu.memory_space<vmem>> -> memref<128xi32, #tpu.memory_space<vmem>>
    %dma_start3A_40 = arith.constant 0 : i32
    %dma_start3A_41 = arith.constant 0 : i32
    %dma_start3A_42 = tpu.memref_slice %arg2[%dma_start3A_40, %dma_start3A_41] : memref<10000x128xf32, #tpu.memory_space<hbm>> -> memref<10000x128xf32, #tpu.memory_space<hbm>>
    tpu.enqueue_indirect_dma source(%dma_start3A_42 : memref<10000x128xf32, #tpu.memory_space<hbm>>) target(%arg9 : memref<128x128xf32, #tpu.memory_space<vmem>>) offsets(%dma_start3A_39 : memref<128xi32, #tpu.memory_space<vmem>>) semaphore(%arg12 : memref<!tpu.dma_semaphore, #tpu.memory_space<semaphore_mem>>)
    %scan3A_43 = arith.constant 0 : i32
    %scan3A_44 = arith.constant 0 : i32
    %scan3A_45 = arith.constant 20 : i32
    %scan3A_46 = arith.addi %scan3A_44, %scan3A_45 : i32
    %scan3A_47 = arith.constant 1 : i32
    scf.for %scan3A_105 = %scan3A_44 to %scan3A_46 step %scan3A_47  : i32 {
      %mul3A_106 = arith.constant 2 : i32
      %mul3A_107 = arith.muli %scan3A_105, %mul3A_106 : i32
      %add3A_108 = arith.constant 0 : i32
      %add3A_109 = arith.addi %mul3A_107, %add3A_108 : i32
      %dma_wait3A_110 = arith.constant 0 : i32
      %dma_wait3A_111 = tpu.memref_slice %arg6[%add3A_109, %dma_wait3A_110] : memref<40x128xi32, #tpu.memory_space<vmem>> -> memref<1x128xi32, #tpu.memory_space<vmem>>
      %dma_wait3A_112 = tpu.memref_squeeze %dma_wait3A_111 : memref<1x128xi32, #tpu.memory_space<vmem>> -> memref<128xi32, #tpu.memory_space<vmem>>
      %dma_wait3A_113 = arith.constant 0 : i32
      %dma_wait3A_114 = arith.constant 0 : i32
      %dma_wait3A_115 = tpu.memref_slice %arg2[%dma_wait3A_113, %dma_wait3A_114] : memref<10000x128xf32, #tpu.memory_space<hbm>> -> memref<10000x128xf32, #tpu.memory_space<hbm>>
      tpu.wait_indirect_dma semaphore(%arg11 : memref<!tpu.dma_semaphore, #tpu.memory_space<semaphore_mem>>) src(%dma_wait3A_115 : memref<10000x128xf32, #tpu.memory_space<hbm>>) dst(%arg8 : memref<128x128xf32, #tpu.memory_space<vmem>>)
      %dma_start3A_116 = arith.constant 0 : i32
      %dma_start3A_117 = tpu.memref_slice %arg7[%add3A_109, %dma_start3A_116] : memref<40x128xi32, #tpu.memory_space<vmem>> -> memref<1x128xi32, #tpu.memory_space<vmem>>
      %dma_start3A_118 = tpu.memref_squeeze %dma_start3A_117 : memref<1x128xi32, #tpu.memory_space<vmem>> -> memref<128xi32, #tpu.memory_space<vmem>>
      %dma_start3A_119 = arith.constant 0 : i32
      %dma_start3A_120 = arith.constant 0 : i32
      %dma_start3A_121 = tpu.memref_slice %arg10[%dma_start3A_119, %dma_start3A_120] : memref<10240x128xf32, #tpu.memory_space<vmem_shared>> -> memref<10240x128xf32, #tpu.memory_space<vmem_shared>>
      tpu.enqueue_indirect_dma source(%arg8 : memref<128x128xf32, #tpu.memory_space<vmem>>) target(%dma_start3A_121 : memref<10240x128xf32, #tpu.memory_space<vmem_shared>>) offsets(%dma_start3A_118 : memref<128xi32, #tpu.memory_space<vmem>>) semaphore(%arg13 : memref<!tpu.dma_semaphore, #tpu.memory_space<semaphore_mem>>) {add = true}
      %add3A_122 = arith.constant 2 : i32
      %add3A_123 = arith.addi %add3A_109, %add3A_122 : i32
      %lt3A = arith.constant 40 : i32
      %lt3A_124 = arith.cmpi slt, %add3A_123, %lt3A : i32
      %convert_element_type3A = arith.extui %lt3A_124 : i1 to i32
      %cond3A = arith.constant 0 : i32
      %cond3A_125 = arith.cmpi ne, %convert_element_type3A, %cond3A : i32
      scf.if %cond3A_125 {
        %dma_wait3A_149 = arith.constant 0 : i32
        %dma_wait3A_150 = tpu.memref_slice %arg7[%add3A_109, %dma_wait3A_149] : memref<40x128xi32, #tpu.memory_space<vmem>> -> memref<1x128xi32, #tpu.memory_space<vmem>>
        %dma_wait3A_151 = tpu.memref_squeeze %dma_wait3A_150 : memref<1x128xi32, #tpu.memory_space<vmem>> -> memref<128xi32, #tpu.memory_space<vmem>>
        %dma_wait3A_152 = arith.constant 0 : i32
        %dma_wait3A_153 = arith.constant 0 : i32
        %dma_wait3A_154 = tpu.memref_slice %arg10[%dma_wait3A_152, %dma_wait3A_153] : memref<10240x128xf32, #tpu.memory_space<vmem_shared>> -> memref<10240x128xf32, #tpu.memory_space<vmem_shared>>
        tpu.wait_indirect_dma semaphore(%arg13 : memref<!tpu.dma_semaphore, #tpu.memory_space<semaphore_mem>>) src(%arg8 : memref<128x128xf32, #tpu.memory_space<vmem>>) dst(%dma_wait3A_154 : memref<10240x128xf32, #tpu.memory_space<vmem_shared>>)
        %add3A_155 = arith.constant 2 : i32
        %add3A_156 = arith.addi %add3A_109, %add3A_155 : i32
        %dma_start3A_157 = arith.constant 0 : i32
        %dma_start3A_158 = tpu.memref_slice %arg6[%add3A_156, %dma_start3A_157] : memref<40x128xi32, #tpu.memory_space<vmem>> -> memref<1x128xi32, #tpu.memory_space<vmem>>
        %dma_start3A_159 = tpu.memref_squeeze %dma_start3A_158 : memref<1x128xi32, #tpu.memory_space<vmem>> -> memref<128xi32, #tpu.memory_space<vmem>>
        %dma_start3A_160 = arith.constant 0 : i32
        %dma_start3A_161 = arith.constant 0 : i32
        %dma_start3A_162 = tpu.memref_slice %arg2[%dma_start3A_160, %dma_start3A_161] : memref<10000x128xf32, #tpu.memory_space<hbm>> -> memref<10000x128xf32, #tpu.memory_space<hbm>>
        tpu.enqueue_indirect_dma source(%dma_start3A_162 : memref<10000x128xf32, #tpu.memory_space<hbm>>) target(%arg8 : memref<128x128xf32, #tpu.memory_space<vmem>>) offsets(%dma_start3A_159 : memref<128xi32, #tpu.memory_space<vmem>>) semaphore(%arg11 : memref<!tpu.dma_semaphore, #tpu.memory_space<semaphore_mem>>)
      } else {
      }
      %mul3A_126 = arith.constant 2 : i32
      %mul3A_127 = arith.muli %scan3A_105, %mul3A_126 : i32
      %add3A_128 = arith.constant 1 : i32
      %add3A_129 = arith.addi %mul3A_127, %add3A_128 : i32
      %dma_wait3A_130 = arith.constant 0 : i32
      %dma_wait3A_131 = tpu.memref_slice %arg6[%add3A_129, %dma_wait3A_130] : memref<40x128xi32, #tpu.memory_space<vmem>> -> memref<1x128xi32, #tpu.memory_space<vmem>>
      %dma_wait3A_132 = tpu.memref_squeeze %dma_wait3A_131 : memref<1x128xi32, #tpu.memory_space<vmem>> -> memref<128xi32, #tpu.memory_space<vmem>>
      %dma_wait3A_133 = arith.constant 0 : i32
      %dma_wait3A_134 = arith.constant 0 : i32
      %dma_wait3A_135 = tpu.memref_slice %arg2[%dma_wait3A_133, %dma_wait3A_134] : memref<10000x128xf32, #tpu.memory_space<hbm>> -> memref<10000x128xf32, #tpu.memory_space<hbm>>
      tpu.wait_indirect_dma semaphore(%arg12 : memref<!tpu.dma_semaphore, #tpu.memory_space<semaphore_mem>>) src(%dma_wait3A_135 : memref<10000x128xf32, #tpu.memory_space<hbm>>) dst(%arg9 : memref<128x128xf32, #tpu.memory_space<vmem>>)
      %dma_start3A_136 = arith.constant 0 : i32
      %dma_start3A_137 = tpu.memref_slice %arg7[%add3A_129, %dma_start3A_136] : memref<40x128xi32, #tpu.memory_space<vmem>> -> memref<1x128xi32, #tpu.memory_space<vmem>>
      %dma_start3A_138 = tpu.memref_squeeze %dma_start3A_137 : memref<1x128xi32, #tpu.memory_space<vmem>> -> memref<128xi32, #tpu.memory_space<vmem>>
      %dma_start3A_139 = arith.constant 0 : i32
      %dma_start3A_140 = arith.constant 0 : i32
      %dma_start3A_141 = tpu.memref_slice %arg10[%dma_start3A_139, %dma_start3A_140] : memref<10240x128xf32, #tpu.memory_space<vmem_shared>> -> memref<10240x128xf32, #tpu.memory_space<vmem_shared>>
      tpu.enqueue_indirect_dma source(%arg9 : memref<128x128xf32, #tpu.memory_space<vmem>>) target(%dma_start3A_141 : memref<10240x128xf32, #tpu.memory_space<vmem_shared>>) offsets(%dma_start3A_138 : memref<128xi32, #tpu.memory_space<vmem>>) semaphore(%arg14 : memref<!tpu.dma_semaphore, #tpu.memory_space<semaphore_mem>>) {add = true}
      %add3A_142 = arith.constant 2 : i32
      %add3A_143 = arith.addi %add3A_129, %add3A_142 : i32
      %lt3A_144 = arith.constant 40 : i32
      %lt3A_145 = arith.cmpi slt, %add3A_143, %lt3A_144 : i32
      %convert_element_type3A_146 = arith.extui %lt3A_145 : i1 to i32
      %cond3A_147 = arith.constant 0 : i32
      %cond3A_148 = arith.cmpi ne, %convert_element_type3A_146, %cond3A_147 : i32
      scf.if %cond3A_148 {
        %dma_wait3A_149 = arith.constant 0 : i32
        %dma_wait3A_150 = tpu.memref_slice %arg7[%add3A_129, %dma_wait3A_149] : memref<40x128xi32, #tpu.memory_space<vmem>> -> memref<1x128xi32, #tpu.memory_space<vmem>>
        %dma_wait3A_151 = tpu.memref_squeeze %dma_wait3A_150 : memref<1x128xi32, #tpu.memory_space<vmem>> -> memref<128xi32, #tpu.memory_space<vmem>>
        %dma_wait3A_152 = arith.constant 0 : i32
        %dma_wait3A_153 = arith.constant 0 : i32
        %dma_wait3A_154 = tpu.memref_slice %arg10[%dma_wait3A_152, %dma_wait3A_153] : memref<10240x128xf32, #tpu.memory_space<vmem_shared>> -> memref<10240x128xf32, #tpu.memory_space<vmem_shared>>
        tpu.wait_indirect_dma semaphore(%arg14 : memref<!tpu.dma_semaphore, #tpu.memory_space<semaphore_mem>>) src(%arg9 : memref<128x128xf32, #tpu.memory_space<vmem>>) dst(%dma_wait3A_154 : memref<10240x128xf32, #tpu.memory_space<vmem_shared>>)
        %add3A_155 = arith.constant 2 : i32
        %add3A_156 = arith.addi %add3A_129, %add3A_155 : i32
        %dma_start3A_157 = arith.constant 0 : i32
        %dma_start3A_158 = tpu.memref_slice %arg6[%add3A_156, %dma_start3A_157] : memref<40x128xi32, #tpu.memory_space<vmem>> -> memref<1x128xi32, #tpu.memory_space<vmem>>
        %dma_start3A_159 = tpu.memref_squeeze %dma_start3A_158 : memref<1x128xi32, #tpu.memory_space<vmem>> -> memref<128xi32, #tpu.memory_space<vmem>>
        %dma_start3A_160 = arith.constant 0 : i32
        %dma_start3A_161 = arith.constant 0 : i32
        %dma_start3A_162 = tpu.memref_slice %arg2[%dma_start3A_160, %dma_start3A_161] : memref<10000x128xf32, #tpu.memory_space<hbm>> -> memref<10000x128xf32, #tpu.memory_space<hbm>>
        tpu.enqueue_indirect_dma source(%dma_start3A_162 : memref<10000x128xf32, #tpu.memory_space<hbm>>) target(%arg9 : memref<128x128xf32, #tpu.memory_space<vmem>>) offsets(%dma_start3A_159 : memref<128xi32, #tpu.memory_space<vmem>>) semaphore(%arg12 : memref<!tpu.dma_semaphore, #tpu.memory_space<semaphore_mem>>)
      } else {
      }
    }
    %scan3A_48 = arith.constant 20 : i32
    %dma_wait3A = arith.constant 38 : i32
    %dma_wait3A_49 = arith.constant 0 : i32
    %dma_wait3A_50 = tpu.memref_slice %arg7[%dma_wait3A, %dma_wait3A_49] : memref<40x128xi32, #tpu.memory_space<vmem>> -> memref<1x128xi32, #tpu.memory_space<vmem>>
    %dma_wait3A_51 = tpu.memref_squeeze %dma_wait3A_50 : memref<1x128xi32, #tpu.memory_space<vmem>> -> memref<128xi32, #tpu.memory_space<vmem>>
    %dma_wait3A_52 = arith.constant 0 : i32
    %dma_wait3A_53 = arith.constant 0 : i32
    %dma_wait3A_54 = tpu.memref_slice %arg10[%dma_wait3A_52, %dma_wait3A_53] : memref<10240x128xf32, #tpu.memory_space<vmem_shared>> -> memref<10240x128xf32, #tpu.memory_space<vmem_shared>>
    tpu.wait_indirect_dma semaphore(%arg13 : memref<!tpu.dma_semaphore, #tpu.memory_space<semaphore_mem>>) src(%arg8 : memref<128x128xf32, #tpu.memory_space<vmem>>) dst(%dma_wait3A_54 : memref<10240x128xf32, #tpu.memory_space<vmem_shared>>)
    %dma_wait3A_55 = arith.constant 39 : i32
    %dma_wait3A_56 = arith.constant 0 : i32
    %dma_wait3A_57 = tpu.memref_slice %arg7[%dma_wait3A_55, %dma_wait3A_56] : memref<40x128xi32, #tpu.memory_space<vmem>> -> memref<1x128xi32, #tpu.memory_space<vmem>>
    %dma_wait3A_58 = tpu.memref_squeeze %dma_wait3A_57 : memref<1x128xi32, #tpu.memory_space<vmem>> -> memref<128xi32, #tpu.memory_space<vmem>>
    %dma_wait3A_59 = arith.constant 0 : i32
    %dma_wait3A_60 = arith.constant 0 : i32
    %dma_wait3A_61 = tpu.memref_slice %arg10[%dma_wait3A_59, %dma_wait3A_60] : memref<10240x128xf32, #tpu.memory_space<vmem_shared>> -> memref<10240x128xf32, #tpu.memory_space<vmem_shared>>
    tpu.wait_indirect_dma semaphore(%arg14 : memref<!tpu.dma_semaphore, #tpu.memory_space<semaphore_mem>>) src(%arg9 : memref<128x128xf32, #tpu.memory_space<vmem>>) dst(%dma_wait3A_61 : memref<10240x128xf32, #tpu.memory_space<vmem_shared>>)
    %mul3A_62 = arith.constant 80 : i32
    %mul3A_63 = arith.muli %add3A, %mul3A_62 : i32
    %add3A_64 = arith.constant 40 : i32
    %add3A_65 = arith.addi %mul3A_63, %add3A_64 : i32
    "tpu.region"() ({
      %run_scoped3A = tpu.sem_alloc : memref<!tpu.dma_semaphore, #tpu.memory_space<semaphore_mem>>
      %dma_start3A_105 = arith.constant 0 : i32
      %dma_start3A_106 = tpu.memref_slice %arg3[%add3A_65, %dma_start3A_105] : memref<2560x128xi32, #tpu.memory_space<hbm>> -> memref<40x128xi32, #tpu.memory_space<hbm>>
      %dma_start3A_107 = arith.constant 0 : i32
      %dma_start3A_108 = tpu.memref_slice %arg3[%add3A_65, %dma_start3A_107] : memref<2560x128xi32, #tpu.memory_space<hbm>> -> memref<40x128xi32, #tpu.memory_space<hbm>>
      tpu.enqueue_dma source(%dma_start3A_108 : memref<40x128xi32, #tpu.memory_space<hbm>>) target(%arg6 : memref<40x128xi32, #tpu.memory_space<vmem>>) target_semaphore(%run_scoped3A : memref<!tpu.dma_semaphore, #tpu.memory_space<semaphore_mem>>)
      %dma_wait3A_109 = arith.constant 0 : i32
      %dma_wait3A_110 = tpu.memref_slice %arg3[%add3A_65, %dma_wait3A_109] : memref<2560x128xi32, #tpu.memory_space<hbm>> -> memref<40x128xi32, #tpu.memory_space<hbm>>
      %dma_wait3A_111 = arith.constant 0 : i32
      %dma_wait3A_112 = tpu.memref_slice %arg3[%add3A_65, %dma_wait3A_111] : memref<2560x128xi32, #tpu.memory_space<hbm>> -> memref<40x128xi32, #tpu.memory_space<hbm>>
      tpu.wait_dma2 semaphore(%run_scoped3A : memref<!tpu.dma_semaphore, #tpu.memory_space<semaphore_mem>>) src(%dma_wait3A_112 : memref<40x128xi32, #tpu.memory_space<hbm>>) dst(%arg6 : memref<40x128xi32, #tpu.memory_space<vmem>>)
      tpu.yield
    }) : () -> ()
    "tpu.region"() ({
      %run_scoped3A = tpu.sem_alloc : memref<!tpu.dma_semaphore, #tpu.memory_space<semaphore_mem>>
      %dma_start3A_105 = arith.constant 0 : i32
      %dma_start3A_106 = tpu.memref_slice %arg4[%add3A_65, %dma_start3A_105] : memref<2560x128xi32, #tpu.memory_space<hbm>> -> memref<40x128xi32, #tpu.memory_space<hbm>>
      %dma_start3A_107 = arith.constant 0 : i32
      %dma_start3A_108 = tpu.memref_slice %arg4[%add3A_65, %dma_start3A_107] : memref<2560x128xi32, #tpu.memory_space<hbm>> -> memref<40x128xi32, #tpu.memory_space<hbm>>
      tpu.enqueue_dma source(%dma_start3A_108 : memref<40x128xi32, #tpu.memory_space<hbm>>) target(%arg7 : memref<40x128xi32, #tpu.memory_space<vmem>>) target_semaphore(%run_scoped3A : memref<!tpu.dma_semaphore, #tpu.memory_space<semaphore_mem>>)
      %dma_wait3A_109 = arith.constant 0 : i32
      %dma_wait3A_110 = tpu.memref_slice %arg4[%add3A_65, %dma_wait3A_109] : memref<2560x128xi32, #tpu.memory_space<hbm>> -> memref<40x128xi32, #tpu.memory_space<hbm>>
      %dma_wait3A_111 = arith.constant 0 : i32
      %dma_wait3A_112 = tpu.memref_slice %arg4[%add3A_65, %dma_wait3A_111] : memref<2560x128xi32, #tpu.memory_space<hbm>> -> memref<40x128xi32, #tpu.memory_space<hbm>>
      tpu.wait_dma2 semaphore(%run_scoped3A : memref<!tpu.dma_semaphore, #tpu.memory_space<semaphore_mem>>) src(%dma_wait3A_112 : memref<40x128xi32, #tpu.memory_space<hbm>>) dst(%arg7 : memref<40x128xi32, #tpu.memory_space<vmem>>)
      tpu.yield
    }) : () -> ()
    %dma_start3A_66 = arith.constant 0 : i32
    %dma_start3A_67 = arith.constant 0 : i32
    %dma_start3A_68 = tpu.memref_slice %arg6[%dma_start3A_66, %dma_start3A_67] : memref<40x128xi32, #tpu.memory_space<vmem>> -> memref<1x128xi32, #tpu.memory_space<vmem>>
    %dma_start3A_69 = tpu.memref_squeeze %dma_start3A_68 : memref<1x128xi32, #tpu.memory_space<vmem>> -> memref<128xi32, #tpu.memory_space<vmem>>
    %dma_start3A_70 = arith.constant 0 : i32
    %dma_start3A_71 = arith.constant 0 : i32
    %dma_start3A_72 = tpu.memref_slice %arg2[%dma_start3A_70, %dma_start3A_71] : memref<10000x128xf32, #tpu.memory_space<hbm>> -> memref<10000x128xf32, #tpu.memory_space<hbm>>
    tpu.enqueue_indirect_dma source(%dma_start3A_72 : memref<10000x128xf32, #tpu.memory_space<hbm>>) target(%arg8 : memref<128x128xf32, #tpu.memory_space<vmem>>) offsets(%dma_start3A_69 : memref<128xi32, #tpu.memory_space<vmem>>) semaphore(%arg11 : memref<!tpu.dma_semaphore, #tpu.memory_space<semaphore_mem>>)
    %dma_start3A_73 = arith.constant 1 : i32
    %dma_start3A_74 = arith.constant 0 : i32
    %dma_start3A_75 = tpu.memref_slice %arg6[%dma_start3A_73, %dma_start3A_74] : memref<40x128xi32, #tpu.memory_space<vmem>> -> memref<1x128xi32, #tpu.memory_space<vmem>>
    %dma_start3A_76 = tpu.memref_squeeze %dma_start3A_75 : memref<1x128xi32, #tpu.memory_space<vmem>> -> memref<128xi32, #tpu.memory_space<vmem>>
    %dma_start3A_77 = arith.constant 0 : i32
    %dma_start3A_78 = arith.constant 0 : i32
    %dma_start3A_79 = tpu.memref_slice %arg2[%dma_start3A_77, %dma_start3A_78] : memref<10000x128xf32, #tpu.memory_space<hbm>> -> memref<10000x128xf32, #tpu.memory_space<hbm>>
    tpu.enqueue_indirect_dma source(%dma_start3A_79 : memref<10000x128xf32, #tpu.memory_space<hbm>>) target(%arg9 : memref<128x128xf32, #tpu.memory_space<vmem>>) offsets(%dma_start3A_76 : memref<128xi32, #tpu.memory_space<vmem>>) semaphore(%arg12 : memref<!tpu.dma_semaphore, #tpu.memory_space<semaphore_mem>>)
    %scan3A_80 = arith.constant 0 : i32
    %scan3A_81 = arith.constant 0 : i32
    %scan3A_82 = arith.constant 20 : i32
    %scan3A_83 = arith.addi %scan3A_81, %scan3A_82 : i32
    %scan3A_84 = arith.constant 1 : i32
    scf.for %scan3A_105 = %scan3A_81 to %scan3A_83 step %scan3A_84  : i32 {
      %mul3A_106 = arith.constant 2 : i32
      %mul3A_107 = arith.muli %scan3A_105, %mul3A_106 : i32
      %add3A_108 = arith.constant 0 : i32
      %add3A_109 = arith.addi %mul3A_107, %add3A_108 : i32
      %dma_wait3A_110 = arith.constant 0 : i32
      %dma_wait3A_111 = tpu.memref_slice %arg6[%add3A_109, %dma_wait3A_110] : memref<40x128xi32, #tpu.memory_space<vmem>> -> memref<1x128xi32, #tpu.memory_space<vmem>>
      %dma_wait3A_112 = tpu.memref_squeeze %dma_wait3A_111 : memref<1x128xi32, #tpu.memory_space<vmem>> -> memref<128xi32, #tpu.memory_space<vmem>>
      %dma_wait3A_113 = arith.constant 0 : i32
      %dma_wait3A_114 = arith.constant 0 : i32
      %dma_wait3A_115 = tpu.memref_slice %arg2[%dma_wait3A_113, %dma_wait3A_114] : memref<10000x128xf32, #tpu.memory_space<hbm>> -> memref<10000x128xf32, #tpu.memory_space<hbm>>
      tpu.wait_indirect_dma semaphore(%arg11 : memref<!tpu.dma_semaphore, #tpu.memory_space<semaphore_mem>>) src(%dma_wait3A_115 : memref<10000x128xf32, #tpu.memory_space<hbm>>) dst(%arg8 : memref<128x128xf32, #tpu.memory_space<vmem>>)
      %dma_start3A_116 = arith.constant 0 : i32
      %dma_start3A_117 = tpu.memref_slice %arg7[%add3A_109, %dma_start3A_116] : memref<40x128xi32, #tpu.memory_space<vmem>> -> memref<1x128xi32, #tpu.memory_space<vmem>>
      %dma_start3A_118 = tpu.memref_squeeze %dma_start3A_117 : memref<1x128xi32, #tpu.memory_space<vmem>> -> memref<128xi32, #tpu.memory_space<vmem>>
      %dma_start3A_119 = arith.constant 0 : i32
      %dma_start3A_120 = arith.constant 0 : i32
      %dma_start3A_121 = tpu.memref_slice %arg10[%dma_start3A_119, %dma_start3A_120] : memref<10240x128xf32, #tpu.memory_space<vmem_shared>> -> memref<10240x128xf32, #tpu.memory_space<vmem_shared>>
      tpu.enqueue_indirect_dma source(%arg8 : memref<128x128xf32, #tpu.memory_space<vmem>>) target(%dma_start3A_121 : memref<10240x128xf32, #tpu.memory_space<vmem_shared>>) offsets(%dma_start3A_118 : memref<128xi32, #tpu.memory_space<vmem>>) semaphore(%arg13 : memref<!tpu.dma_semaphore, #tpu.memory_space<semaphore_mem>>) {add = true}
      %add3A_122 = arith.constant 2 : i32
      %add3A_123 = arith.addi %add3A_109, %add3A_122 : i32
      %lt3A = arith.constant 40 : i32
      %lt3A_124 = arith.cmpi slt, %add3A_123, %lt3A : i32
      %convert_element_type3A = arith.extui %lt3A_124 : i1 to i32
      %cond3A = arith.constant 0 : i32
      %cond3A_125 = arith.cmpi ne, %convert_element_type3A, %cond3A : i32
      scf.if %cond3A_125 {
        %dma_wait3A_149 = arith.constant 0 : i32
        %dma_wait3A_150 = tpu.memref_slice %arg7[%add3A_109, %dma_wait3A_149] : memref<40x128xi32, #tpu.memory_space<vmem>> -> memref<1x128xi32, #tpu.memory_space<vmem>>
        %dma_wait3A_151 = tpu.memref_squeeze %dma_wait3A_150 : memref<1x128xi32, #tpu.memory_space<vmem>> -> memref<128xi32, #tpu.memory_space<vmem>>
        %dma_wait3A_152 = arith.constant 0 : i32
        %dma_wait3A_153 = arith.constant 0 : i32
        %dma_wait3A_154 = tpu.memref_slice %arg10[%dma_wait3A_152, %dma_wait3A_153] : memref<10240x128xf32, #tpu.memory_space<vmem_shared>> -> memref<10240x128xf32, #tpu.memory_space<vmem_shared>>
        tpu.wait_indirect_dma semaphore(%arg13 : memref<!tpu.dma_semaphore, #tpu.memory_space<semaphore_mem>>) src(%arg8 : memref<128x128xf32, #tpu.memory_space<vmem>>) dst(%dma_wait3A_154 : memref<10240x128xf32, #tpu.memory_space<vmem_shared>>)
        %add3A_155 = arith.constant 2 : i32
        %add3A_156 = arith.addi %add3A_109, %add3A_155 : i32
        %dma_start3A_157 = arith.constant 0 : i32
        %dma_start3A_158 = tpu.memref_slice %arg6[%add3A_156, %dma_start3A_157] : memref<40x128xi32, #tpu.memory_space<vmem>> -> memref<1x128xi32, #tpu.memory_space<vmem>>
        %dma_start3A_159 = tpu.memref_squeeze %dma_start3A_158 : memref<1x128xi32, #tpu.memory_space<vmem>> -> memref<128xi32, #tpu.memory_space<vmem>>
        %dma_start3A_160 = arith.constant 0 : i32
        %dma_start3A_161 = arith.constant 0 : i32
        %dma_start3A_162 = tpu.memref_slice %arg2[%dma_start3A_160, %dma_start3A_161] : memref<10000x128xf32, #tpu.memory_space<hbm>> -> memref<10000x128xf32, #tpu.memory_space<hbm>>
        tpu.enqueue_indirect_dma source(%dma_start3A_162 : memref<10000x128xf32, #tpu.memory_space<hbm>>) target(%arg8 : memref<128x128xf32, #tpu.memory_space<vmem>>) offsets(%dma_start3A_159 : memref<128xi32, #tpu.memory_space<vmem>>) semaphore(%arg11 : memref<!tpu.dma_semaphore, #tpu.memory_space<semaphore_mem>>)
      } else {
      }
      %mul3A_126 = arith.constant 2 : i32
      %mul3A_127 = arith.muli %scan3A_105, %mul3A_126 : i32
      %add3A_128 = arith.constant 1 : i32
      %add3A_129 = arith.addi %mul3A_127, %add3A_128 : i32
      %dma_wait3A_130 = arith.constant 0 : i32
      %dma_wait3A_131 = tpu.memref_slice %arg6[%add3A_129, %dma_wait3A_130] : memref<40x128xi32, #tpu.memory_space<vmem>> -> memref<1x128xi32, #tpu.memory_space<vmem>>
      %dma_wait3A_132 = tpu.memref_squeeze %dma_wait3A_131 : memref<1x128xi32, #tpu.memory_space<vmem>> -> memref<128xi32, #tpu.memory_space<vmem>>
      %dma_wait3A_133 = arith.constant 0 : i32
      %dma_wait3A_134 = arith.constant 0 : i32
      %dma_wait3A_135 = tpu.memref_slice %arg2[%dma_wait3A_133, %dma_wait3A_134] : memref<10000x128xf32, #tpu.memory_space<hbm>> -> memref<10000x128xf32, #tpu.memory_space<hbm>>
      tpu.wait_indirect_dma semaphore(%arg12 : memref<!tpu.dma_semaphore, #tpu.memory_space<semaphore_mem>>) src(%dma_wait3A_135 : memref<10000x128xf32, #tpu.memory_space<hbm>>) dst(%arg9 : memref<128x128xf32, #tpu.memory_space<vmem>>)
      %dma_start3A_136 = arith.constant 0 : i32
      %dma_start3A_137 = tpu.memref_slice %arg7[%add3A_129, %dma_start3A_136] : memref<40x128xi32, #tpu.memory_space<vmem>> -> memref<1x128xi32, #tpu.memory_space<vmem>>
      %dma_start3A_138 = tpu.memref_squeeze %dma_start3A_137 : memref<1x128xi32, #tpu.memory_space<vmem>> -> memref<128xi32, #tpu.memory_space<vmem>>
      %dma_start3A_139 = arith.constant 0 : i32
      %dma_start3A_140 = arith.constant 0 : i32
      %dma_start3A_141 = tpu.memref_slice %arg10[%dma_start3A_139, %dma_start3A_140] : memref<10240x128xf32, #tpu.memory_space<vmem_shared>> -> memref<10240x128xf32, #tpu.memory_space<vmem_shared>>
      tpu.enqueue_indirect_dma source(%arg9 : memref<128x128xf32, #tpu.memory_space<vmem>>) target(%dma_start3A_141 : memref<10240x128xf32, #tpu.memory_space<vmem_shared>>) offsets(%dma_start3A_138 : memref<128xi32, #tpu.memory_space<vmem>>) semaphore(%arg14 : memref<!tpu.dma_semaphore, #tpu.memory_space<semaphore_mem>>) {add = true}
      %add3A_142 = arith.constant 2 : i32
      %add3A_143 = arith.addi %add3A_129, %add3A_142 : i32
      %lt3A_144 = arith.constant 40 : i32
      %lt3A_145 = arith.cmpi slt, %add3A_143, %lt3A_144 : i32
      %convert_element_type3A_146 = arith.extui %lt3A_145 : i1 to i32
      %cond3A_147 = arith.constant 0 : i32
      %cond3A_148 = arith.cmpi ne, %convert_element_type3A_146, %cond3A_147 : i32
      scf.if %cond3A_148 {
        %dma_wait3A_149 = arith.constant 0 : i32
        %dma_wait3A_150 = tpu.memref_slice %arg7[%add3A_129, %dma_wait3A_149] : memref<40x128xi32, #tpu.memory_space<vmem>> -> memref<1x128xi32, #tpu.memory_space<vmem>>
        %dma_wait3A_151 = tpu.memref_squeeze %dma_wait3A_150 : memref<1x128xi32, #tpu.memory_space<vmem>> -> memref<128xi32, #tpu.memory_space<vmem>>
        %dma_wait3A_152 = arith.constant 0 : i32
        %dma_wait3A_153 = arith.constant 0 : i32
        %dma_wait3A_154 = tpu.memref_slice %arg10[%dma_wait3A_152, %dma_wait3A_153] : memref<10240x128xf32, #tpu.memory_space<vmem_shared>> -> memref<10240x128xf32, #tpu.memory_space<vmem_shared>>
        tpu.wait_indirect_dma semaphore(%arg14 : memref<!tpu.dma_semaphore, #tpu.memory_space<semaphore_mem>>) src(%arg9 : memref<128x128xf32, #tpu.memory_space<vmem>>) dst(%dma_wait3A_154 : memref<10240x128xf32, #tpu.memory_space<vmem_shared>>)
        %add3A_155 = arith.constant 2 : i32
        %add3A_156 = arith.addi %add3A_129, %add3A_155 : i32
        %dma_start3A_157 = arith.constant 0 : i32
        %dma_start3A_158 = tpu.memref_slice %arg6[%add3A_156, %dma_start3A_157] : memref<40x128xi32, #tpu.memory_space<vmem>> -> memref<1x128xi32, #tpu.memory_space<vmem>>
        %dma_start3A_159 = tpu.memref_squeeze %dma_start3A_158 : memref<1x128xi32, #tpu.memory_space<vmem>> -> memref<128xi32, #tpu.memory_space<vmem>>
        %dma_start3A_160 = arith.constant 0 : i32
        %dma_start3A_161 = arith.constant 0 : i32
        %dma_start3A_162 = tpu.memref_slice %arg2[%dma_start3A_160, %dma_start3A_161] : memref<10000x128xf32, #tpu.memory_space<hbm>> -> memref<10000x128xf32, #tpu.memory_space<hbm>>
        tpu.enqueue_indirect_dma source(%dma_start3A_162 : memref<10000x128xf32, #tpu.memory_space<hbm>>) target(%arg9 : memref<128x128xf32, #tpu.memory_space<vmem>>) offsets(%dma_start3A_159 : memref<128xi32, #tpu.memory_space<vmem>>) semaphore(%arg12 : memref<!tpu.dma_semaphore, #tpu.memory_space<semaphore_mem>>)
      } else {
      }
    }
    %scan3A_85 = arith.constant 20 : i32
    %dma_wait3A_86 = arith.constant 38 : i32
    %dma_wait3A_87 = arith.constant 0 : i32
    %dma_wait3A_88 = tpu.memref_slice %arg7[%dma_wait3A_86, %dma_wait3A_87] : memref<40x128xi32, #tpu.memory_space<vmem>> -> memref<1x128xi32, #tpu.memory_space<vmem>>
    %dma_wait3A_89 = tpu.memref_squeeze %dma_wait3A_88 : memref<1x128xi32, #tpu.memory_space<vmem>> -> memref<128xi32, #tpu.memory_space<vmem>>
    %dma_wait3A_90 = arith.constant 0 : i32
    %dma_wait3A_91 = arith.constant 0 : i32
    %dma_wait3A_92 = tpu.memref_slice %arg10[%dma_wait3A_90, %dma_wait3A_91] : memref<10240x128xf32, #tpu.memory_space<vmem_shared>> -> memref<10240x128xf32, #tpu.memory_space<vmem_shared>>
    tpu.wait_indirect_dma semaphore(%arg13 : memref<!tpu.dma_semaphore, #tpu.memory_space<semaphore_mem>>) src(%arg8 : memref<128x128xf32, #tpu.memory_space<vmem>>) dst(%dma_wait3A_92 : memref<10240x128xf32, #tpu.memory_space<vmem_shared>>)
    %dma_wait3A_93 = arith.constant 39 : i32
    %dma_wait3A_94 = arith.constant 0 : i32
    %dma_wait3A_95 = tpu.memref_slice %arg7[%dma_wait3A_93, %dma_wait3A_94] : memref<40x128xi32, #tpu.memory_space<vmem>> -> memref<1x128xi32, #tpu.memory_space<vmem>>
    %dma_wait3A_96 = tpu.memref_squeeze %dma_wait3A_95 : memref<1x128xi32, #tpu.memory_space<vmem>> -> memref<128xi32, #tpu.memory_space<vmem>>
    %dma_wait3A_97 = arith.constant 0 : i32
    %dma_wait3A_98 = arith.constant 0 : i32
    %dma_wait3A_99 = tpu.memref_slice %arg10[%dma_wait3A_97, %dma_wait3A_98] : memref<10240x128xf32, #tpu.memory_space<vmem_shared>> -> memref<10240x128xf32, #tpu.memory_space<vmem_shared>>
    tpu.wait_indirect_dma semaphore(%arg14 : memref<!tpu.dma_semaphore, #tpu.memory_space<semaphore_mem>>) src(%arg9 : memref<128x128xf32, #tpu.memory_space<vmem>>) dst(%dma_wait3A_99 : memref<10240x128xf32, #tpu.memory_space<vmem_shared>>)
    %barrier3A_100 = arith.constant 0 : index
    tpu.barrier barrier_id(%barrier3A_100)
    %mul3A_101 = arith.constant 640 : i32
    %mul3A_102 = arith.muli %arg1, %mul3A_101 : i32
    %mul3A_103 = arith.constant 640 : i32
    %mul3A_104 = arith.muli %arg1, %mul3A_103 : i32
    "tpu.region"() ({
      %run_scoped3A = tpu.sem_alloc : memref<!tpu.dma_semaphore, #tpu.memory_space<semaphore_mem>>
      %dma_start3A_105 = arith.constant 0 : i32
      %dma_start3A_106 = tpu.memref_slice %arg5[%arg0, %mul3A_104, %dma_start3A_105] : memref<2x10240x128xf32, #tpu.memory_space<hbm>> -> memref<1x640x128xf32, #tpu.memory_space<hbm>>
      %dma_start3A_107 = tpu.memref_squeeze %dma_start3A_106 : memref<1x640x128xf32, #tpu.memory_space<hbm>> -> memref<640x128xf32, #tpu.memory_space<hbm>>
      %dma_start3A_108 = arith.constant 0 : i32
      %dma_start3A_109 = tpu.memref_slice %arg10[%mul3A_102, %dma_start3A_108] : memref<10240x128xf32, #tpu.memory_space<vmem_shared>> -> memref<640x128xf32, #tpu.memory_space<vmem_shared>>
      tpu.enqueue_dma source(%dma_start3A_109 : memref<640x128xf32, #tpu.memory_space<vmem_shared>>) target(%dma_start3A_107 : memref<640x128xf32, #tpu.memory_space<hbm>>) target_semaphore(%run_scoped3A : memref<!tpu.dma_semaphore, #tpu.memory_space<semaphore_mem>>)
      %dma_wait3A_110 = arith.constant 0 : i32
      %dma_wait3A_111 = tpu.memref_slice %arg5[%arg0, %mul3A_104, %dma_wait3A_110] : memref<2x10240x128xf32, #tpu.memory_space<hbm>> -> memref<1x640x128xf32, #tpu.memory_space<hbm>>
      %dma_wait3A_112 = tpu.memref_squeeze %dma_wait3A_111 : memref<1x640x128xf32, #tpu.memory_space<hbm>> -> memref<640x128xf32, #tpu.memory_space<hbm>>
      %dma_wait3A_113 = arith.constant 0 : i32
      %dma_wait3A_114 = tpu.memref_slice %arg10[%mul3A_102, %dma_wait3A_113] : memref<10240x128xf32, #tpu.memory_space<vmem_shared>> -> memref<640x128xf32, #tpu.memory_space<vmem_shared>>
      tpu.wait_dma2 semaphore(%run_scoped3A : memref<!tpu.dma_semaphore, #tpu.memory_space<semaphore_mem>>) src(%dma_wait3A_114 : memref<640x128xf32, #tpu.memory_space<vmem_shared>>) dst(%dma_wait3A_112 : memref<640x128xf32, #tpu.memory_space<hbm>>)
      tpu.yield
    }) : () -> ()
    return
  }
}

module attributes {stable_mosaic.version = 14 : i64} {
  func.func @_tc0_body(%arg0: memref<2x10240x128xf32, #tpu.memory_space<vmem>>, %arg1: memref<10000x128xf32, #tpu.memory_space<vmem>>, %arg2: memref<128x128xf32, #tpu.memory_space<vmem>>, %arg3: memref<10000x1xf32, #tpu.memory_space<vmem>>, %arg4: memref<10000x128xf32, #tpu.memory_space<vmem>>) attributes {dimension_semantics = [], scalar_prefetch = 0 : i64, scratch_operands = 0 : i64, tpu.core_type = #tpu.core_type<tc>} {
    %get3A = arith.constant 0 : index
    %get3A_0 = arith.constant 0 : index
    %get3A_1 = arith.constant 0 : index
    %get3A_2 = vector.load %arg0[%get3A, %get3A_0, %get3A_1] : memref<2x10240x128xf32, #tpu.memory_space<vmem>>, vector<1x10000x1xf32>
    %get3A_3 = vector.shape_cast %get3A_2 : vector<1x10000x1xf32> to vector<10000x1xf32>
    %get3A_4 = arith.constant 1 : index
    %get3A_5 = arith.constant 0 : index
    %get3A_6 = arith.constant 0 : index
    %get3A_7 = vector.load %arg0[%get3A_4, %get3A_5, %get3A_6] : memref<2x10240x128xf32, #tpu.memory_space<vmem>>, vector<1x10000x1xf32>
    %get3A_8 = vector.shape_cast %get3A_7 : vector<1x10000x1xf32> to vector<10000x1xf32>
    %add3A = arith.addf %get3A_3, %get3A_8 : vector<10000x1xf32>
    %add3A_9 = arith.constant 1.000000e+00 : f32
    %add3A_10 = vector.broadcast %add3A_9 : f32 to vector<10000x1xf32>
    %add3A_11 = arith.addf %add3A, %add3A_10 : vector<10000x1xf32>
    %max3A = arith.constant 1.000000e+00 : f32
    %max3A_12 = vector.broadcast %max3A : f32 to vector<10000x1xf32>
    %max3A_13 = arith.maximumf %add3A_11, %max3A_12 : vector<10000x1xf32>
    %rsqrt3A = math.rsqrt %max3A_13 : vector<10000x1xf32>
    %swap3A = arith.constant 0 : index
    %swap3A_14 = arith.constant 0 : index
    %swap3A_15 = vector.load %arg3[%swap3A, %swap3A_14] : memref<10000x1xf32, #tpu.memory_space<vmem>>, vector<10000x1xf32>
    tpu.vector_store %arg3[%swap3A, %swap3A_14], %rsqrt3A {strides = array<i32>} : memref<10000x1xf32, #tpu.memory_space<vmem>>, vector<10000x1xf32>,
    %get3A_16 = arith.constant 0 : index
    %get3A_17 = arith.constant 0 : index
    %get3A_18 = vector.load %arg1[%get3A_16, %get3A_17] : memref<10000x128xf32, #tpu.memory_space<vmem>>, vector<10000x128xf32>
    %get3A_19 = arith.constant 0 : index
    %get3A_20 = arith.constant 0 : index
    %get3A_21 = vector.load %arg2[%get3A_19, %get3A_20] : memref<128x128xf32, #tpu.memory_space<vmem>>, vector<128x128xf32>
    %dot_general3A = arith.constant dense<0.000000e+00> : vector<10000x128xf32>
    %dot_general3A_22 = tpu.matmul %get3A_18, %get3A_21, %dot_general3A {dimension_numbers = #tpu.dot_dimension_numbers<[1], [0], [0], [1], [0, 0, 1, 1], [], []>, precision = #tpu.contract_precision<fp32>, transpose_lhs_hint = false} : vector<10000x128xf32>, vector<128x128xf32>, vector<10000x128xf32> -> vector<10000x128xf32>
    %mul3A = vector.broadcast %rsqrt3A : vector<10000x1xf32> to vector<10000x128xf32>
    %mul3A_23 = arith.mulf %mul3A, %dot_general3A_22 : vector<10000x128xf32>
    %swap3A_24 = arith.constant 0 : index
    %swap3A_25 = arith.constant 0 : index
    %swap3A_26 = vector.load %arg4[%swap3A_24, %swap3A_25] : memref<10000x128xf32, #tpu.memory_space<vmem>>, vector<10000x128xf32>
    tpu.vector_store %arg4[%swap3A_24, %swap3A_25], %mul3A_23 {strides = array<i32>} : memref<10000x128xf32, #tpu.memory_space<vmem>>, vector<10000x128xf32>,
    return
  }
}

module attributes {stable_mosaic.version = 14 : i64} {
  func.func @_tc_mid_body(%arg0: memref<2x10240x128xf32, #tpu.memory_space<vmem>>, %arg1: memref<10000x128xf32, #tpu.memory_space<vmem>>, %arg2: memref<10000x1xf32, #tpu.memory_space<vmem>>, %arg3: memref<1x128xf32, #tpu.memory_space<vmem>>, %arg4: memref<1x128xf32, #tpu.memory_space<vmem>>, %arg5: memref<1x128xf32, #tpu.memory_space<vmem>>, %arg6: memref<128x128xf32, #tpu.memory_space<vmem>>, %arg7: memref<10000x128xf32, #tpu.memory_space<vmem>>, %arg8: memref<10000x128xf32, #tpu.memory_space<vmem>>, %arg9: memref<10000x128xf32, #tpu.memory_space<vmem>>) attributes {dimension_semantics = [], scalar_prefetch = 0 : i64, scratch_operands = 0 : i64, tpu.core_type = #tpu.core_type<tc>} {
    %get3A = arith.constant 0 : index
    %get3A_0 = arith.constant 0 : index
    %get3A_1 = arith.constant 0 : index
    %get3A_2 = vector.load %arg0[%get3A, %get3A_0, %get3A_1] : memref<2x10240x128xf32, #tpu.memory_space<vmem>>, vector<1x10000x128xf32>
    %get3A_3 = vector.shape_cast %get3A_2 : vector<1x10000x128xf32> to vector<10000x128xf32>
    %get3A_4 = arith.constant 1 : index
    %get3A_5 = arith.constant 0 : index
    %get3A_6 = arith.constant 0 : index
    %get3A_7 = vector.load %arg0[%get3A_4, %get3A_5, %get3A_6] : memref<2x10240x128xf32, #tpu.memory_space<vmem>>, vector<1x10000x128xf32>
    %get3A_8 = vector.shape_cast %get3A_7 : vector<1x10000x128xf32> to vector<10000x128xf32>
    %add3A = arith.addf %get3A_3, %get3A_8 : vector<10000x128xf32>
    %get3A_9 = arith.constant 0 : index
    %get3A_10 = arith.constant 0 : index
    %get3A_11 = vector.load %arg2[%get3A_9, %get3A_10] : memref<10000x1xf32, #tpu.memory_space<vmem>>, vector<10000x1xf32>
    %get3A_12 = arith.constant 0 : index
    %get3A_13 = arith.constant 0 : index
    %get3A_14 = vector.load %arg1[%get3A_12, %get3A_13] : memref<10000x128xf32, #tpu.memory_space<vmem>>, vector<10000x128xf32>
    %add3A_15 = arith.addf %add3A, %get3A_14 : vector<10000x128xf32>
    %mul3A = vector.broadcast %get3A_11 : vector<10000x1xf32> to vector<10000x128xf32>
    %mul3A_16 = arith.mulf %mul3A, %add3A_15 : vector<10000x128xf32>
    %get3A_17 = arith.constant 0 : index
    %get3A_18 = arith.constant 0 : index
    %get3A_19 = vector.load %arg3[%get3A_17, %get3A_18] : memref<1x128xf32, #tpu.memory_space<vmem>>, vector<1x128xf32>
    %add3A_20 = vector.broadcast %get3A_19 : vector<1x128xf32> to vector<10000x128xf32>
    %add3A_21 = arith.addf %mul3A_16, %add3A_20 : vector<10000x128xf32>
    %reduce_sum3A = arith.constant dense<0.000000e+00> : vector<128xf32>
    %reduce_sum3A_22 = vector.multi_reduction <add>, %add3A_21, %reduce_sum3A [0] : vector<10000x128xf32> to vector<128xf32>
    %broadcast_in_dim3A = vector.shape_cast %reduce_sum3A_22 : vector<128xf32> to vector<1x128xf32>
    %div3A = arith.constant 1.000000e+04 : f32
    %div3A_23 = vector.broadcast %div3A : f32 to vector<1x128xf32>
    %div3A_24 = arith.divf %broadcast_in_dim3A, %div3A_23 : vector<1x128xf32>
    %sub3A = vector.broadcast %div3A_24 : vector<1x128xf32> to vector<10000x128xf32>
    %sub3A_25 = arith.subf %add3A_21, %sub3A : vector<10000x128xf32>
    %integer_pow3A = arith.mulf %sub3A_25, %sub3A_25 : vector<10000x128xf32>
    %reduce_sum3A_26 = arith.constant dense<0.000000e+00> : vector<128xf32>
    %reduce_sum3A_27 = vector.multi_reduction <add>, %integer_pow3A, %reduce_sum3A_26 [0] : vector<10000x128xf32> to vector<128xf32>
    %broadcast_in_dim3A_28 = vector.shape_cast %reduce_sum3A_27 : vector<128xf32> to vector<1x128xf32>
    %div3A_29 = arith.constant 1.000000e+04 : f32
    %div3A_30 = vector.broadcast %div3A_29 : f32 to vector<1x128xf32>
    %div3A_31 = arith.divf %broadcast_in_dim3A_28, %div3A_30 : vector<1x128xf32>
    %sub3A_32 = vector.broadcast %div3A_24 : vector<1x128xf32> to vector<10000x128xf32>
    %sub3A_33 = arith.subf %add3A_21, %sub3A_32 : vector<10000x128xf32>
    %add3A_34 = arith.constant 9.99999974E-6 : f32
    %add3A_35 = vector.broadcast %add3A_34 : f32 to vector<1x128xf32>
    %add3A_36 = arith.addf %div3A_31, %add3A_35 : vector<1x128xf32>
    %rsqrt3A = math.rsqrt %add3A_36 : vector<1x128xf32>
    %mul3A_37 = vector.broadcast %rsqrt3A : vector<1x128xf32> to vector<10000x128xf32>
    %mul3A_38 = arith.mulf %sub3A_33, %mul3A_37 : vector<10000x128xf32>
    %get3A_39 = arith.constant 0 : index
    %get3A_40 = arith.constant 0 : index
    %get3A_41 = vector.load %arg4[%get3A_39, %get3A_40] : memref<1x128xf32, #tpu.memory_space<vmem>>, vector<1x128xf32>
    %mul3A_42 = vector.broadcast %get3A_41 : vector<1x128xf32> to vector<10000x128xf32>
    %mul3A_43 = arith.mulf %mul3A_38, %mul3A_42 : vector<10000x128xf32>
    %get3A_44 = arith.constant 0 : index
    %get3A_45 = arith.constant 0 : index
    %get3A_46 = vector.load %arg5[%get3A_44, %get3A_45] : memref<1x128xf32, #tpu.memory_space<vmem>>, vector<1x128xf32>
    %add3A_47 = vector.broadcast %get3A_46 : vector<1x128xf32> to vector<10000x128xf32>
    %add3A_48 = arith.addf %mul3A_43, %add3A_47 : vector<10000x128xf32>
    %max3A = arith.constant 0.000000e+00 : f32
    %max3A_49 = vector.broadcast %max3A : f32 to vector<10000x128xf32>
    %max3A_50 = arith.maximumf %add3A_48, %max3A_49 : vector<10000x128xf32>
    %get3A_51 = arith.constant 0 : index
    %get3A_52 = arith.constant 0 : index
    %get3A_53 = vector.load %arg7[%get3A_51, %get3A_52] : memref<10000x128xf32, #tpu.memory_space<vmem>>, vector<10000x128xf32>
    %max3A_54 = arith.maximumf %get3A_53, %max3A_50 : vector<10000x128xf32>
    %swap3A = arith.constant 0 : index
    %swap3A_55 = arith.constant 0 : index
    %swap3A_56 = vector.load %arg9[%swap3A, %swap3A_55] : memref<10000x128xf32, #tpu.memory_space<vmem>>, vector<10000x128xf32>
    tpu.vector_store %arg9[%swap3A, %swap3A_55], %max3A_54 {strides = array<i32>} : memref<10000x128xf32, #tpu.memory_space<vmem>>, vector<10000x128xf32>,
    %get3A_57 = arith.constant 0 : index
    %get3A_58 = arith.constant 0 : index
    %get3A_59 = vector.load %arg2[%get3A_57, %get3A_58] : memref<10000x1xf32, #tpu.memory_space<vmem>>, vector<10000x1xf32>
    %get3A_60 = arith.constant 0 : index
    %get3A_61 = arith.constant 0 : index
    %get3A_62 = vector.load %arg6[%get3A_60, %get3A_61] : memref<128x128xf32, #tpu.memory_space<vmem>>, vector<128x128xf32>
    %dot_general3A = arith.constant dense<0.000000e+00> : vector<10000x128xf32>
    %dot_general3A_63 = tpu.matmul %max3A_50, %get3A_62, %dot_general3A {dimension_numbers = #tpu.dot_dimension_numbers<[1], [0], [0], [1], [0, 0, 1, 1], [], []>, precision = #tpu.contract_precision<fp32>, transpose_lhs_hint = false} : vector<10000x128xf32>, vector<128x128xf32>, vector<10000x128xf32> -> vector<10000x128xf32>
    %mul3A_64 = vector.broadcast %get3A_59 : vector<10000x1xf32> to vector<10000x128xf32>
    %mul3A_65 = arith.mulf %mul3A_64, %dot_general3A_63 : vector<10000x128xf32>
    %swap3A_66 = arith.constant 0 : index
    %swap3A_67 = arith.constant 0 : index
    %swap3A_68 = vector.load %arg8[%swap3A_66, %swap3A_67] : memref<10000x128xf32, #tpu.memory_space<vmem>>, vector<10000x128xf32>
    tpu.vector_store %arg8[%swap3A_66, %swap3A_67], %mul3A_65 {strides = array<i32>} : memref<10000x128xf32, #tpu.memory_space<vmem>>, vector<10000x128xf32>,
    return
  }
}

module attributes {stable_mosaic.version = 14 : i64} {
  func.func @_tc_final_body(%arg0: memref<2x10240x128xf32, #tpu.memory_space<vmem>>, %arg1: memref<10000x128xf32, #tpu.memory_space<vmem>>, %arg2: memref<10000x1xf32, #tpu.memory_space<vmem>>, %arg3: memref<1x128xf32, #tpu.memory_space<vmem>>, %arg4: memref<1x128xf32, #tpu.memory_space<vmem>>, %arg5: memref<1x128xf32, #tpu.memory_space<vmem>>, %arg6: memref<128x64xf32, #tpu.memory_space<vmem>>, %arg7: memref<1x64xf32, #tpu.memory_space<vmem>>, %arg8: memref<10000x128xf32, #tpu.memory_space<vmem>>, %arg9: memref<10000x64xf32, #tpu.memory_space<vmem>>) attributes {dimension_semantics = [], scalar_prefetch = 0 : i64, scratch_operands = 0 : i64, tpu.core_type = #tpu.core_type<tc>} {
    %get3A = arith.constant 0 : index
    %get3A_0 = arith.constant 0 : index
    %get3A_1 = arith.constant 0 : index
    %get3A_2 = vector.load %arg0[%get3A, %get3A_0, %get3A_1] : memref<2x10240x128xf32, #tpu.memory_space<vmem>>, vector<1x10000x128xf32>
    %get3A_3 = vector.shape_cast %get3A_2 : vector<1x10000x128xf32> to vector<10000x128xf32>
    %get3A_4 = arith.constant 1 : index
    %get3A_5 = arith.constant 0 : index
    %get3A_6 = arith.constant 0 : index
    %get3A_7 = vector.load %arg0[%get3A_4, %get3A_5, %get3A_6] : memref<2x10240x128xf32, #tpu.memory_space<vmem>>, vector<1x10000x128xf32>
    %get3A_8 = vector.shape_cast %get3A_7 : vector<1x10000x128xf32> to vector<10000x128xf32>
    %add3A = arith.addf %get3A_3, %get3A_8 : vector<10000x128xf32>
    %get3A_9 = arith.constant 0 : index
    %get3A_10 = arith.constant 0 : index
    %get3A_11 = vector.load %arg2[%get3A_9, %get3A_10] : memref<10000x1xf32, #tpu.memory_space<vmem>>, vector<10000x1xf32>
    %get3A_12 = arith.constant 0 : index
    %get3A_13 = arith.constant 0 : index
    %get3A_14 = vector.load %arg1[%get3A_12, %get3A_13] : memref<10000x128xf32, #tpu.memory_space<vmem>>, vector<10000x128xf32>
    %add3A_15 = arith.addf %add3A, %get3A_14 : vector<10000x128xf32>
    %mul3A = vector.broadcast %get3A_11 : vector<10000x1xf32> to vector<10000x128xf32>
    %mul3A_16 = arith.mulf %mul3A, %add3A_15 : vector<10000x128xf32>
    %get3A_17 = arith.constant 0 : index
    %get3A_18 = arith.constant 0 : index
    %get3A_19 = vector.load %arg3[%get3A_17, %get3A_18] : memref<1x128xf32, #tpu.memory_space<vmem>>, vector<1x128xf32>
    %add3A_20 = vector.broadcast %get3A_19 : vector<1x128xf32> to vector<10000x128xf32>
    %add3A_21 = arith.addf %mul3A_16, %add3A_20 : vector<10000x128xf32>
    %reduce_sum3A = arith.constant dense<0.000000e+00> : vector<128xf32>
    %reduce_sum3A_22 = vector.multi_reduction <add>, %add3A_21, %reduce_sum3A [0] : vector<10000x128xf32> to vector<128xf32>
    %broadcast_in_dim3A = vector.shape_cast %reduce_sum3A_22 : vector<128xf32> to vector<1x128xf32>
    %div3A = arith.constant 1.000000e+04 : f32
    %div3A_23 = vector.broadcast %div3A : f32 to vector<1x128xf32>
    %div3A_24 = arith.divf %broadcast_in_dim3A, %div3A_23 : vector<1x128xf32>
    %sub3A = vector.broadcast %div3A_24 : vector<1x128xf32> to vector<10000x128xf32>
    %sub3A_25 = arith.subf %add3A_21, %sub3A : vector<10000x128xf32>
    %integer_pow3A = arith.mulf %sub3A_25, %sub3A_25 : vector<10000x128xf32>
    %reduce_sum3A_26 = arith.constant dense<0.000000e+00> : vector<128xf32>
    %reduce_sum3A_27 = vector.multi_reduction <add>, %integer_pow3A, %reduce_sum3A_26 [0] : vector<10000x128xf32> to vector<128xf32>
    %broadcast_in_dim3A_28 = vector.shape_cast %reduce_sum3A_27 : vector<128xf32> to vector<1x128xf32>
    %div3A_29 = arith.constant 1.000000e+04 : f32
    %div3A_30 = vector.broadcast %div3A_29 : f32 to vector<1x128xf32>
    %div3A_31 = arith.divf %broadcast_in_dim3A_28, %div3A_30 : vector<1x128xf32>
    %sub3A_32 = vector.broadcast %div3A_24 : vector<1x128xf32> to vector<10000x128xf32>
    %sub3A_33 = arith.subf %add3A_21, %sub3A_32 : vector<10000x128xf32>
    %add3A_34 = arith.constant 9.99999974E-6 : f32
    %add3A_35 = vector.broadcast %add3A_34 : f32 to vector<1x128xf32>
    %add3A_36 = arith.addf %div3A_31, %add3A_35 : vector<1x128xf32>
    %rsqrt3A = math.rsqrt %add3A_36 : vector<1x128xf32>
    %mul3A_37 = vector.broadcast %rsqrt3A : vector<1x128xf32> to vector<10000x128xf32>
    %mul3A_38 = arith.mulf %sub3A_33, %mul3A_37 : vector<10000x128xf32>
    %get3A_39 = arith.constant 0 : index
    %get3A_40 = arith.constant 0 : index
    %get3A_41 = vector.load %arg4[%get3A_39, %get3A_40] : memref<1x128xf32, #tpu.memory_space<vmem>>, vector<1x128xf32>
    %mul3A_42 = vector.broadcast %get3A_41 : vector<1x128xf32> to vector<10000x128xf32>
    %mul3A_43 = arith.mulf %mul3A_38, %mul3A_42 : vector<10000x128xf32>
    %get3A_44 = arith.constant 0 : index
    %get3A_45 = arith.constant 0 : index
    %get3A_46 = vector.load %arg5[%get3A_44, %get3A_45] : memref<1x128xf32, #tpu.memory_space<vmem>>, vector<1x128xf32>
    %add3A_47 = vector.broadcast %get3A_46 : vector<1x128xf32> to vector<10000x128xf32>
    %add3A_48 = arith.addf %mul3A_43, %add3A_47 : vector<10000x128xf32>
    %max3A = arith.constant 0.000000e+00 : f32
    %max3A_49 = vector.broadcast %max3A : f32 to vector<10000x128xf32>
    %max3A_50 = arith.maximumf %add3A_48, %max3A_49 : vector<10000x128xf32>
    %get3A_51 = arith.constant 0 : index
    %get3A_52 = arith.constant 0 : index
    %get3A_53 = vector.load %arg8[%get3A_51, %get3A_52] : memref<10000x128xf32, #tpu.memory_space<vmem>>, vector<10000x128xf32>
    %max3A_54 = arith.maximumf %get3A_53, %max3A_50 : vector<10000x128xf32>
    %get3A_55 = arith.constant 0 : index
    %get3A_56 = arith.constant 0 : index
    %get3A_57 = vector.load %arg6[%get3A_55, %get3A_56] : memref<128x64xf32, #tpu.memory_space<vmem>>, vector<128x64xf32>
    %dot_general3A = arith.constant dense<0.000000e+00> : vector<10000x64xf32>
    %dot_general3A_58 = tpu.matmul %max3A_54, %get3A_57, %dot_general3A {dimension_numbers = #tpu.dot_dimension_numbers<[1], [0], [0], [1], [0, 0, 1, 1], [], []>, precision = #tpu.contract_precision<fp32>, transpose_lhs_hint = false} : vector<10000x128xf32>, vector<128x64xf32>, vector<10000x64xf32> -> vector<10000x64xf32>
    %get3A_59 = arith.constant 0 : index
    %get3A_60 = arith.constant 0 : index
    %get3A_61 = vector.load %arg7[%get3A_59, %get3A_60] : memref<1x64xf32, #tpu.memory_space<vmem>>, vector<1x64xf32>
    %add3A_62 = vector.broadcast %get3A_61 : vector<1x64xf32> to vector<10000x64xf32>
    %add3A_63 = arith.addf %dot_general3A_58, %add3A_62 : vector<10000x64xf32>
    %reduce_max3A = arith.constant dense<0xFF800000> : vector<10000xf32>
    %reduce_max3A_64 = vector.multi_reduction <maximumf>, %add3A_63, %reduce_max3A [1] : vector<10000x64xf32> to vector<10000xf32>
    %broadcast_in_dim3A_65 = vector.shape_cast %reduce_max3A_64 : vector<10000xf32> to vector<10000x1xf32>
    %sub3A_66 = vector.broadcast %broadcast_in_dim3A_65 : vector<10000x1xf32> to vector<10000x64xf32>
    %sub3A_67 = arith.subf %add3A_63, %sub3A_66 : vector<10000x64xf32>
    %exp3A = math.exp %sub3A_67 : vector<10000x64xf32>
    %reduce_sum3A_68 = arith.constant dense<0.000000e+00> : vector<10000xf32>
    %reduce_sum3A_69 = vector.multi_reduction <add>, %exp3A, %reduce_sum3A_68 [1] : vector<10000x64xf32> to vector<10000xf32>
    %broadcast_in_dim3A_70 = vector.shape_cast %reduce_sum3A_69 : vector<10000xf32> to vector<10000x1xf32>
    %log3A = math.log %broadcast_in_dim3A_70 : vector<10000x1xf32>
    %sub3A_71 = vector.broadcast %log3A : vector<10000x1xf32> to vector<10000x64xf32>
    %sub3A_72 = arith.subf %sub3A_67, %sub3A_71 : vector<10000x64xf32>
    %swap3A = arith.constant 0 : index
    %swap3A_73 = arith.constant 0 : index
    %swap3A_74 = vector.load %arg9[%swap3A, %swap3A_73] : memref<10000x64xf32, #tpu.memory_space<vmem>>, vector<10000x64xf32>
    tpu.vector_store %arg9[%swap3A, %swap3A_73], %sub3A_72 {strides = array<i32>} : memref<10000x64xf32, #tpu.memory_space<vmem>>, vector<10000x64xf32>,
    return
  }
}

</mosaic_0001>

<sc_bundles>
// kernel: kernel.14.cloned.1.call-start
scs
__scs_entry_jumppad:
0x0: {  	(pc) =	sbr.rel $0x88, $3  }
0x1: {  	(tag) =	ssettag $0x0;
	lr =	simm.s32 $0x1  }
0x2: {  	[smem:$0x3F99] =	sst lr;
	_ =	strace $0xD0000000  }
0x3: {  	_ = 	snop  }
0x4: {  	_ = 	snop  }
0x5: {  	_ = 	snop  }
0x6: {  	_ = 	snop  }
0x7: {  	_ = 	snop  }
__scs_overlays_trampoline_lowered:
0x8: {  	[smem:$0x3FA8] =	sst s0  }
0x9: {  	[smem:$0x3FA9] =	sst s1  }
0xa: {  	[smem:$0x3FAA] =	sst s2  }
0xb: {  	[smem:$0x3FAB] =	sst s3  }
0xc: {  	[smem:$0x3FAC] =	sst s4  }
0xd: {  	[smem:$0x3FAD] =	sst s5  }
0xe: {  	[smem:$0x3FAE] =	sst s6  }
0xf: {  	[smem:$0x3FAF] =	sst s7  }
0x10: {  	[smem:$0x3FB0] =	sst s8  }
0x11: {  	[smem:$0x3FB1] =	sst s9;
	s0 =	simm.s32 @!p0 $0x0  }
0x12: {  	s1 =	sld [smem:$0x3F97];
	s0 =	simm.s32 @p0 $0x1  }
0x13: {  	[smem:$0x3FB2] =	sst s0;
	s0 =	simm.s32 @!p1 $0x0  }
0x14: {  	s2 =	sld [smem:$0x3F96];
	s0 =	simm.s32 @p1 $0x1  }
0x15: {  	[smem:$0x3FB3] =	sst s0;
	s0 =	simm.s32 @!p2 $0x0  }
0x16: {  	s3 =	sld [smem:$0x3FDB];
	s0 =	simm.s32 @p2 $0x1  }
0x17: {  	s4 =	simm.s32 $0x1BF5;
	[smem:$0x3FB5] =	sst s0  }
0x18: {  	s0 =	sld [smem:$0x3F98];
	_ =	swait.ge [sflag:s4], $0x0  }
0x19: {  	s7 =	sld [smem:$0x3F99]  }
0x1a: {  	s8 =	sadd.s32 $0xFFFFE003, lr  }
0x1b: {  	s9 =	sadd.s32 $0xFFFFFEF7, lr;
	s5 =	simm.s32 $0xFFFFFFFF;
	p2 =	slt.u32 s8, $0xFFFFF086  }
0x1c: {  	p1 =	slt.u32 s9, $0xF7A;
	s5 =	simm.s32 @!p2 $0x0  }
0x1d: {  	s5 =	simm.s32 @p1 $0x1;
	p0 =	seq.s32 s7, s2  }
0x1e: {  	s7 =	smul.u32 @!p0 $0xF7A, s2;
	p2 =	seq.s32 @!p0 s5, $0x0  }
0x1f: {  	s9 =	smul.u32 $0xF7A, s1;
	s8 =	simm.s32 @!p0 $0x1BF5;
	p2 =	por !p2, p0  }
0x20: {  	[sflag:s8] =	ssyncset.s32 @!p0 $0xFFFFF086;
	s6 =	sadd.s32 @!p0 s3, s7;
	s7 =	simm.s32 @!p0 $0x108  }
0x21: {  	s3 =	sadd.s32 s3, s9;
	s6 =	sadd.s32 @!p0 $0x88, s6;
	s7 =	simm.s32 @p2 $0x1082  }
0x22: {  	[simem:s7], [sflag:s8] =	dma.local @!p0 [hbm:s6], $0xF7A  }
0x23: {  	s9 =	sor.u32 $0xD0000000, s2;
	s6 =	simm.s32 $0x108;
	_ =	swait.ge @!p0 [sflag:s8], $0x0  }
0x24: {  	s3 =	sadd.s32 $0x88, s3;
	s6 =	simm.s32 @!p1 $0x1082;
	[sflag:s4] =	ssyncset.s32 $0xFFFFF086  }
0x25: {  	[simem:s6], [sflag:s4] =	dma.local [hbm:s3], $0xF7A  }
0x26: {  	[smem:$0x3F99] =	sst s1;
	(tag) =	ssettag s2;
	_ =	strace s9  }
0x27: {  	s1 =	sld [smem:$0x3FA9]  }
0x28: {  	s2 =	sld [smem:$0x3FAA]  }
0x29: {  	s4 =	sld [smem:$0x3FAC]  }
0x2a: {  	p0 =	seq.s32 s5, $0x0;
	s5 =	sld [smem:$0x3FAD]  }
0x2b: {  	s6 =	sld [smem:$0x3FAE]  }
0x2c: {  	s7 =	sld [smem:$0x3FAF]  }
0x2d: {  	s3 =	simm.s32 $0x108;
	s8 =	sld [smem:$0x3FB0]  }
0x2e: {  	s3 =	simm.s32 @!p0 $0x1082;
	s9 =	sld [smem:$0x3FB1]  }
0x2f: {  	lr =	sadd.s32 s0, s3;
	s0 =	sld [smem:$0x3FA8]  }
0x30: {  	s3 =	sld [smem:$0x3FAB]  }
0x31: {  	[smem:$0x3FB4] =	sst s10  }
0x32: {  	s10 =	sld [smem:$0x3FB2];
	_ =	sdelay $0x3  }
0x33: {  	p0 =	seq.s32 s10, $0x1;
	s10 =	sld [smem:$0x3FB4];
	_ =	sdelay $0x3  }
0x34: {  	[smem:$0x3FB4] =	sst s10  }
0x35: {  	s10 =	sld [smem:$0x3FB3];
	_ =	sdelay $0x3  }
0x36: {  	p1 =	seq.s32 s10, $0x1;
	s10 =	sld [smem:$0x3FB4];
	_ =	sdelay $0x3  }
0x37: {  	[smem:$0x3FB4] =	sst s10  }
0x38: {  	s10 =	sld [smem:$0x3FB5]  }
0x39: {  	_ = 	snop;
	(pc) =	sbr.ind lr, $3  }
0x3a: {  	_ = 	snop  }
0x3b: {  	_ = 	snop  }
0x3c: {  	p2 =	seq.s32 s10, $0x1;
	s10 =	sld [smem:$0x3FB4]  }
0x3d: {  	_ =	shalt  }
0x3e: {  	_ =	shalt  }
0x3f: {  	_ =	shalt  }
0x40: {  	_ =	shalt  }
0x41: {  	_ =	shalt  }
0x42: {  	_ =	shalt  }
0x43: {  	_ =	shalt  }
0x44: {  	_ =	shalt  }
0x45: {  	_ =	shalt  }
0x46: {  	_ =	shalt  }
0x47: {  	_ =	shalt  }
0x48: {  	_ =	shalt  }
0x49: {  	_ =	shalt  }
0x4a: {  	_ =	shalt  }
0x4b: {  	_ =	shalt  }
0x4c: {  	_ =	shalt  }
0x4d: {  	_ =	shalt  }
0x4e: {  	_ =	shalt  }
0x4f: {  	_ =	shalt  }
0x50: {  	_ =	shalt  }
0x51: {  	_ =	shalt  }
0x52: {  	_ =	shalt  }
0x53: {  	_ =	shalt  }
0x54: {  	_ =	shalt  }
0x55: {  	_ =	shalt  }
0x56: {  	_ =	shalt  }
0x57: {  	_ =	shalt  }
0x58: {  	_ =	shalt  }
0x59: {  	_ =	shalt  }
0x5a: {  	_ =	shalt  }
0x5b: {  	_ =	shalt  }
0x5c: {  	_ =	shalt  }
0x5d: {  	_ =	shalt  }
0x5e: {  	_ =	shalt  }
0x5f: {  	_ =	shalt  }
0x60: {  	_ =	shalt  }
0x61: {  	_ =	shalt  }
0x62: {  	_ =	shalt  }
0x63: {  	_ =	shalt  }
0x64: {  	_ =	shalt  }
0x65: {  	_ =	shalt  }
0x66: {  	_ =	shalt  }
0x67: {  	_ =	shalt  }
0x68: {  	_ =	shalt  }
0x69: {  	_ =	shalt  }
0x6a: {  	_ =	shalt  }
0x6b: {  	_ =	shalt  }
0x6c: {  	_ =	shalt  }
0x6d: {  	_ =	shalt  }
0x6e: {  	_ =	shalt  }
0x6f: {  	_ =	shalt  }
0x70: {  	_ =	shalt  }
0x71: {  	_ =	shalt  }
0x72: {  	_ =	shalt  }
0x73: {  	_ =	shalt  }
0x74: {  	_ =	shalt  }
0x75: {  	_ =	shalt  }
0x76: {  	_ =	shalt  }
0x77: {  	_ =	shalt  }
0x78: {  	_ =	shalt  }
0x79: {  	_ =	shalt  }
0x7a: {  	_ =	shalt  }
0x7b: {  	_ =	shalt  }
0x7c: {  	_ =	shalt  }
0x7d: {  	_ =	shalt  }
0x7e: {  	_ =	shalt  }
0x7f: {  	_ =	shalt  }
0x80: {  	_ =	shalt  }
0x81: {  	_ =	shalt  }
0x82: {  	_ =	shalt  }
0x83: {  	_ =	shalt  }
0x84: {  	_ =	shalt  }
0x85: {  	_ =	shalt  }
0x86: {  	_ =	shalt  }
0x87: {  	_ =	shalt  }
.Lfunc_end0:
.L_simem_size_0:
called_computation_lowered:
.L_overlay_start_0:
0x88: {  	s2 =	sld [smem:$0x3FD9]  }
0x89: {  	s3 =	sld [smem:$0x3FFE];
	_ =	sdelay $0x1  }
0x8a: {  	s1 =	srdreg.scid  }
0x8b: {  	s0 =	sand.u32 $0x1, s1  }
0x8c: {  	s16 =	sshll.u32 s0, $0xA;
	s2 =	sadd.s32 s3, s2  }
0x8d: {  	s2 =	sadd.s32 s2, s16  }
0x8e: {  	[smem:$0x3FC0] =	sst s2  }
0x8f: {  	_ = 	snop  }
0x90: {  	(tm) =	ssettm $0x1  }
0x91: {  	s17 =	sld [smem:$0x3FFB];
	_ =	sdelay $0x3  }
0x92: {  	_ =	strace s17  }
0x93: {  	s2 =	sld [smem:$0x3FFC];
	_ =	sdelay $0x3  }
0x94: {  	_ =	strace s2  }
0x95: {  	s2 =	sld [smem:$0x3FFD];
	_ =	sdelay $0x3  }
0x96: {  	_ =	strace s2  }
0x97: {  	_ =	strace $0x8FFFFFFF  }
0x98: {  	s18 =	sld [smem:$0x3FDB];
	_ =	sdelay $0x1  }
0x99: {  	s19 =	simm.s32 $_scs_section_size  }
0x9a: {  	s4 =	simm.s32 $_size__tile_overlayer_lowered;
	s5 =	simm.s32 $_tile_overlayer_lowered  }
0x9b: {  	s22 =	simm.s32 $0x1BFF;
	s21 =	sshll.u32 s5, $0x1;
	s2 =	sadd.s32 s19, s18  }
0x9c: {  	s6 =	simm.s32 $0x0;
	s20 =	sshll.u32 s4, $0x1;
	s4 =	sadd.s32 s21, s2  }
0x9d: {  	[timem:s6], [sflag:s22] =	dma.local [hbm:s4], s20  }
0x9e: {  	_ =	swait.ge [sflag:s22], s20  }
0x9f: {  	s3 =	ssub.s32 $0x0, s20;
	[sflag:s22] =	ssyncset.done $0x0  }
0xa0: {  	[sflag:s22] =	ssyncadd.s32 s3;
	_ =	sdelay $0x1  }
0xa1: {  	s23 =	simm.s32 $0x1B8B  }
0xa2: {  	_ =	swait.ge [sflag:s23], $0x1  }
0xa3: {  	[sflag:s23] =	ssyncset.done $0x0  }
0xa4: {  	s25 =	simm.s32 $0x1B8E;
	s24 =	sld [smem:$0x3FFE];
	[sflag:s23] =	ssyncadd.s32 $0xFFFFFFFF  }
0xa5: {  	s26 =	simm.s32 $execute0_lowered;
	[smem:$0x3FD2] =	sst s25  }
0xa6: {  	s4 =	sshll.u32 s26, $0x1;
	_ =	strace $0x80000046;
	[dreg:$0x1] =	wrdreg $0xFFFFFFFF  }
0xa7: {  	s28 =	simm.s32 $_size_execute0_lowered;
	s2 =	sadd.s32 s2, s4;
	[dreg:$0x0] =	wrdreg $0x0  }
0xa8: {  	s4 =	sshll.u32 s28, $0x1;
	[dreg:$0x2] =	wrdreg s2  }
0xa9: {  	[dreg:$0x3] =	wrdreg s4  }
0xaa: {  	[dreg:$0x4] =	wrdreg $0xC0  }
0xab: {  	_ =	task [dreg:s6], $0x5FFFF  }
0xac: {  	[dreg:$0x1] =	wrdreg $0xFFFFFFFF  }
0xad: {  	[dreg:$0x0] =	wrdreg $0x60  }
0xae: {  	[dreg:$0x2] =	wrdreg s24  }
0xaf: {  	[dreg:$0x3] =	wrdreg $0x68000  }
0xb0: {  	[dreg:$0x4] =	wrdreg $0x9  }
0xb1: {  	_ =	task.clear_ibuf [dreg:s6], $0x5FFFF;
	_ =	strace $0x90000046  }
0xb2: {  	s29 =	simm.s32 $0x9;
	_ =	strace $0x80000048  }
0xb3: {  	_ =	swait.ge [sflag:s29], $0x1  }
0xb4: {  	[sflag:s29] =	ssyncadd.s32 $0xFFFFFFFF  }
0xb5: {  	_ =	strace $0x90000048  }
0xb6: {  	_ =	sfence  }
0xb7: {  	s30 =	sld [smem:$0x0];
	_ =	sdelay $0x2  }
0xb8: {  	s31 =	sshll.u32 s1, $0xD;
	s1 =	sshrl.u32 s1, $0x2  }
0xb9: {  	s3 =	sand.u32 $0x4000, s31;
	s1 =	sadd.s32 s1, s30  }
0xba: {  	s0 =	sor.u32 s3, s0;
	s1 =	sshll.u32 s1, $0x11  }
0xbb: {  	s0 =	sor.u32 s1, s0  }
0xbc: {  	s0 =	sadd.s32 $0x8F2B, s0  }
0xbd: {  	[sflag:s0] =	ssyncadd.remote.s32 $0x1  }
0xbe: {  	_ =	sfence.sel $0xFFFF  }
0xbf: {  	[dreg:$0x0] =	wrdreg $0xFFFFFFFF;
	(pc) =	sbr.abs _section_cstart, $3  }
0xc0: {  	[dreg:$0x1] =	wrdreg $0xFFFFFFFF  }
0xc1: {  	_ =	task.clear_ibuf [dreg:s6], $0x2FFFF;
	_ =	strace $0x9FFFFFFF  }
0xc2: {  	(tm) =	ssettm $0x7FFFFFFF  }
0xc3: {  	_ =	shalt  }
tec
execute0_lowered:
.L_overlay_start_1:
0x0: {  	(tag) =	ssettag $0x1  }
0x1: {  	s1 =	srdreg.scid;
	s5 =	rddreg [dreg:$0x0]  }
0x2: {  	s0 =	stileid.u32;
	s2 =	rddreg [dreg:$0x1]  }
0x3: {  	s3 =	simm.s32 $0x0;
	s13 =	simm.s32 $0x1;
	s14 =	simm.s32 $0x80  }
0x4: {  	s4 =	sand.u32 $0x1, s1;
	s26 =	sshll.u32 s0, $0x1;
	s8 =	smul.u32 $0x14000, s0  }
0x5: {  	[smem:$0x7FF] =	sst s3;
	s9 =	smul.u32 $0x50000, s0;
	s15 =	sshll.u32 s0, $0x6  }
0x6: {  	s1 =	sor.u32 s4, s26;
	s7 =	smul.u32 $0x140000, s4;
	s29 =	ssub.s32 $0x2, s4  }
0x7: {  	s15 =	sor.u32 $0x1C01, s15;
	s6 =	smul.u32 $0x500, s1;
	s1 =	rddreg [dreg:$0x2]  }
0x8: {  	_ =	strace $0x80000047;
	s30 =	sshrl.u32 s9, $0x2;
	s31 =	sshrl.u32 s29, $0x1  }
0x9: {  	s28 =	sadd.s32 s8, s7;
	s4 =	sadd.s32 s30, s2;
	s12 =	ssub.s32 s29, s31  }
0xa: {  	s10 =	sadd.s32 s6, s5;
	s6 =	sshrl.u32 s28, $0x3;
	s7 =	sadd.s32 $0xC000, s4  }
0xb: {  	s8 =	sadd.s32 $0x10000, s4;
	s16 =	sshrl.u32 s4, $0x3;
	s11 =	sadd.s32 s6, s5  }
0xc: {  	s5 =	sadd.s32 $0x4000, s4;
	s6 =	sadd.s32 $0x8000, s4;
	s9 =	sadd.s32 $0x2C00, s10  }
0xd: {  	v0 =	vimm.f32 $0.0e+00;
	v1 =	vimm.f32 $1.000000000e+00;
	s10 =	sadd.s32 $0xCC00, s11;
	s11 =	smax.u32 s12, $0x1;
	s12 =	simm.s32 $0x2800  }
.LBB2_1:
0xe: {  	s17 =	simm.s32 $0x0;
	s18 =	simm.s32 $0x200  }
.LBB2_2:
0xf: {  	p0 =	sne.s32 s18, $0xFE00;
	[tilespmem:s17+$0x2870] =	vst v0  }
0x10: {  	[tilespmem:s17+$0x2800] =	vst v0  }
0x11: {  	[tilespmem:s17+$0x2810] =	vst v0  }
.Ltmp0:
0x12: {  	[tilespmem:s17+$0x2820] =	vst v0;
	(pc) =	sbr.rel @p0 .LBB2_2-.Ltmp0, $4  }
0x13: {  	[tilespmem:s17+$0x2830] =	vst v0  }
0x14: {  	[tilespmem:s17+$0x2840] =	vst v0  }
0x15: {  	[tilespmem:s17+$0x2850] =	vst v0  }
0x16: {  	[tilespmem:s17+$0x2860] =	vst v0;
	s17 =	sshra.s32 s18, $0x2;
	s18 =	sadd.s32 $0x200, s18  }
0x17: {  	[tilespmem:s17+$0x2870] =	vst v0  }
0x18: {  	[tilespmem:s17+$0x2800] =	vst v0  }
0x19: {  	[tilespmem:s17+$0x2810] =	vst v0  }
0x1a: {  	[tilespmem:s17+$0x2820] =	vst v0  }
0x1b: {  	[tilespmem:s17+$0x2830] =	vst v0  }
0x1c: {  	[tilespmem:s17+$0x2840] =	vst v0  }
0x1d: {  	[tilespmem:s17+$0x2850] =	vst v0  }
0x1e: {  	[tilespmem:s17+$0x2860] =	vst v0  }
0x1f: {  	[spmem:s4] =	stream.linear.scatter [tilespmem:s12], [sflag:$0x1], $0x4000, $0x38;
	[tilespmem:$0x1A800] =	vst v63  }
0x20: {  	_ =	swait.ge [sflag:s13], $0x4000  }
0x21: {  	[sflag:s13] =	ssyncset.done $0x0  }
0x22: {  	[sflag:s13] =	ssyncadd.s32 $0xFFFFC000  }
0x23: {  	[spmem:s5] =	stream.linear.scatter [tilespmem:s12], [sflag:$0x1], $0x4000, $0x38;
	[tilespmem:$0x1A800] =	vst v63  }
0x24: {  	_ =	swait.ge [sflag:s13], $0x4000  }
0x25: {  	[sflag:s13] =	ssyncset.done $0x0  }
0x26: {  	[sflag:s13] =	ssyncadd.s32 $0xFFFFC000  }
0x27: {  	[spmem:s6] =	stream.linear.scatter [tilespmem:s12], [sflag:$0x1], $0x4000, $0x38;
	[tilespmem:$0x1A800] =	vst v63  }
0x28: {  	_ =	swait.ge [sflag:s13], $0x4000  }
0x29: {  	[sflag:s13] =	ssyncset.done $0x0  }
0x2a: {  	[sflag:s13] =	ssyncadd.s32 $0xFFFFC000  }
0x2b: {  	[spmem:s7] =	stream.linear.scatter [tilespmem:s12], [sflag:$0x1], $0x4000, $0x38;
	[tilespmem:$0x1A800] =	vst v63  }
0x2c: {  	_ =	swait.ge [sflag:s13], $0x4000  }
0x2d: {  	[sflag:s13] =	ssyncset.done $0x0  }
0x2e: {  	[sflag:s13] =	ssyncadd.s32 $0xFFFFC000  }
0x2f: {  	[spmem:s8] =	stream.linear.scatter [tilespmem:s12], [sflag:$0x1], $0x4000, $0x38;
	[tilespmem:$0x1A800] =	vst v63  }
0x30: {  	_ =	swait.ge [sflag:s13], $0x4000  }
0x31: {  	[sflag:s13] =	ssyncset.done $0x0  }
0x32: {  	s17 =	simm.s32 $0x0;
	s18 =	simm.s32 $0x200;
	[sflag:s13] =	ssyncadd.s32 $0xFFFFC000  }
.LBB2_4:
0x33: {  	p0 =	sne.s32 s18, $0xFE00;
	[tilespmem:s17+$0x2870] =	vst v1  }
0x34: {  	[tilespmem:s17+$0x2800] =	vst v1  }
0x35: {  	[tilespmem:s17+$0x2810] =	vst v1  }
.Ltmp1:
0x36: {  	[tilespmem:s17+$0x2820] =	vst v1;
	(pc) =	sbr.rel @p0 .LBB2_4-.Ltmp1, $4  }
0x37: {  	[tilespmem:s17+$0x2830] =	vst v1  }
0x38: {  	[tilespmem:s17+$0x2840] =	vst v1  }
0x39: {  	[tilespmem:s17+$0x2850] =	vst v1  }
0x3a: {  	[tilespmem:s17+$0x2860] =	vst v1;
	s17 =	sshra.s32 s18, $0x2;
	s18 =	sadd.s32 $0x200, s18  }
0x3b: {  	[tilespmem:s17+$0x2870] =	vst v1  }
0x3c: {  	[tilespmem:s17+$0x2800] =	vst v1  }
0x3d: {  	[tilespmem:s17+$0x2810] =	vst v1  }
0x3e: {  	[tilespmem:s17+$0x2820] =	vst v1  }
0x3f: {  	[tilespmem:s17+$0x2830] =	vst v1  }
0x40: {  	[tilespmem:s17+$0x2840] =	vst v1  }
0x41: {  	[tilespmem:s17+$0x2850] =	vst v1  }
0x42: {  	[tilespmem:s17+$0x2860] =	vst v1;
	s30 =	simm.s32 $0x0  }
0x43: {  	[tilespmem:s30], [sflag:$0x1] =	stream.linear.gather [hbm4b:s9+s30], $0x2800, $0x38;
	[tilespmem:$0x1A800] =	vst v63  }
0x44: {  	_ =	swait.ge [sflag:s13], $0x2800  }
0x45: {  	[sflag:s13] =	ssyncset.done $0x0  }
0x46: {  	[sflag:s13] =	ssyncadd.s32 $0xFFFFD800  }
0x47: {  	s31 =	simm.s32 $0x0;
	[bflag:$0x0] =	sbarrier.arrive $0xFFFF  }
0x48: {  	[spmem:s2] =	stream.indirect.scatter.add.f32 [tilespmem:s12], [sflag:$0x1], $0x80, s31, s14, $0xb8;
	[tilespmem:$0x1A800] =	vst v63  }
0x49: {  	_ =	swait.ge [sflag:s13], $0x4000  }
0x4a: {  	s17 =	simm.s32 $0x200;
	[sflag:s13] =	ssyncset.done $0x0  }
.LBB2_6:
0x4b: {  	s18 =	sshra.s32 s17, $0x2;
	[sflag:s13] =	ssyncadd.s32 $0xFFFFC000;
	p0 =	sne.s32 s17, $0x9E00  }
0x4c: {  	[spmem:s2] =	stream.indirect.scatter.add.f32 [tilespmem:s12], [sflag:$0x1], $0x80, s18, s14, $0xb8;
	[tilespmem:$0x1A800] =	vst v63  }
.Ltmp2:
0x4d: {  	_ = 	snop;
	(pc) =	sbr.rel @p0 .LBB2_6-.Ltmp2, $4  }
0x4e: {  	_ = 	snop  }
0x4f: {  	s17 =	sadd.s32 $0x200, s17  }
0x50: {  	_ =	swait.ge [sflag:s13], $0x4000  }
0x51: {  	[sflag:s13] =	ssyncset.done $0x0  }
0x52: {  	s3 =	sadd.s32 $0x1, s3  }
0x53: {  	[sflag:s13] =	ssyncadd.s32 $0xFFFFC000;
	p0 =	sne.s32 s3, s11  }
.Ltmp3:
0x54: {  	[bflag:$0x0] =	sbarrier.arrive $0xFFFF;
	(pc) =	sbr.rel @p0 .LBB2_1-.Ltmp3, $4  }
0x55: {  	[hbm:s10], [sflag:s15] =	dma.local [spmem:s16], $0x2800  }
0x56: {  	_ =	swait.ge [sflag:s13], $0x2800  }
0x57: {  	[sflag:s13] =	ssyncset.done $0x0  }
0x58: {  	[sflag:s13] =	ssyncadd.s32 $0xFFFFD800  }
0x59: {  	_ =	sfence.sel $0x180000  }
0x5a: {  	[bflag:$0x0] =	sbarrier.arrive $0xFFFF  }
0x5b: {  	p0 =	sne.s32 s0, $0x0;
	_ =	strace $0x90000047  }
0x5c: {  	s0 =	sadd.s32 @!p0 $0x100000, s1;
	[bflag:$0x2] =	sbarrier.arrive $0xFFFF  }
0x5d: {  	[sflag:s0] =	ssyncadd.tile.s32 @!p0 $0x1;
	_ =	shalt  }
.Lfunc_end2:
_tile_overlayer_lowered:
.L_overlay_start_2:
0x5e: {  	(tag) =	ssettag $0x2  }
0x5f: {  	s0 =	rddreg [dreg:$0x0];
	s2 =	stileid.u32  }
0x60: {  	s1 =	rddreg [dreg:$0x1];
	p0 =	sne.s32 s2, $0x0  }
0x61: {  	s3 =	rddreg [dreg:$0x2];
	[bflag:$0x3] =	sbarrier.arrive $0xFFFF;
	s2 =	simm.s32 @!p0 $0x1C01  }
0x62: {  	[timem:s3], [sflag:s2] =	dma.local @!p0 [hbm:s0], s1  }
0x63: {  	s0 =	simm.s32 @!p0 $0x1  }
0x64: {  	_ =	swait.ge @!p0 [sflag:s0], s1  }
0x65: {  	s1 =	ssub.s32 @!p0 $0x0, s1;
	[sflag:s0] =	ssyncset.done @!p0 $0x0  }
0x66: {  	[sflag:s0] =	ssyncadd.s32 @!p0 s1  }
0x67: {  	[bflag:$0x3] =	sbarrier.arrive $0xFFFF  }
0x68: {  	_ =	shalt  }

// kernel: kernel.17.cloned.1.call-start
scs
__scs_entry_jumppad:
0x0: {  	(pc) =	sbr.rel $0x88, $3  }
0x1: {  	(tag) =	ssettag $0x0;
	lr =	simm.s32 $0x1  }
0x2: {  	[smem:$0x3F99] =	sst lr;
	_ =	strace $0xD0000000  }
0x3: {  	_ = 	snop  }
0x4: {  	_ = 	snop  }
0x5: {  	_ = 	snop  }
0x6: {  	_ = 	snop  }
0x7: {  	_ = 	snop  }
__scs_overlays_trampoline_lowered:
0x8: {  	[smem:$0x3FA8] =	sst s0  }
0x9: {  	[smem:$0x3FA9] =	sst s1  }
0xa: {  	[smem:$0x3FAA] =	sst s2  }
0xb: {  	[smem:$0x3FAB] =	sst s3  }
0xc: {  	[smem:$0x3FAC] =	sst s4  }
0xd: {  	[smem:$0x3FAD] =	sst s5  }
0xe: {  	[smem:$0x3FAE] =	sst s6  }
0xf: {  	[smem:$0x3FAF] =	sst s7  }
0x10: {  	[smem:$0x3FB0] =	sst s8  }
0x11: {  	[smem:$0x3FB1] =	sst s9;
	s0 =	simm.s32 @!p0 $0x0  }
0x12: {  	s1 =	sld [smem:$0x3F97];
	s0 =	simm.s32 @p0 $0x1  }
0x13: {  	[smem:$0x3FB2] =	sst s0;
	s0 =	simm.s32 @!p1 $0x0  }
0x14: {  	s2 =	sld [smem:$0x3F96];
	s0 =	simm.s32 @p1 $0x1  }
0x15: {  	[smem:$0x3FB3] =	sst s0;
	s0 =	simm.s32 @!p2 $0x0  }
0x16: {  	s3 =	sld [smem:$0x3FDB];
	s0 =	simm.s32 @p2 $0x1  }
0x17: {  	s4 =	simm.s32 $0x1BF5;
	[smem:$0x3FB5] =	sst s0  }
0x18: {  	s0 =	sld [smem:$0x3F98];
	_ =	swait.ge [sflag:s4], $0x0  }
0x19: {  	s7 =	sld [smem:$0x3F99]  }
0x1a: {  	s8 =	sadd.s32 $0xFFFFE003, lr  }
0x1b: {  	s9 =	sadd.s32 $0xFFFFFEF7, lr;
	s5 =	simm.s32 $0xFFFFFFFF;
	p2 =	slt.u32 s8, $0xFFFFF086  }
0x1c: {  	p1 =	slt.u32 s9, $0xF7A;
	s5 =	simm.s32 @!p2 $0x0  }
0x1d: {  	s5 =	simm.s32 @p1 $0x1;
	p0 =	seq.s32 s7, s2  }
0x1e: {  	s7 =	smul.u32 @!p0 $0xF7A, s2;
	p2 =	seq.s32 @!p0 s5, $0x0  }
0x1f: {  	s9 =	smul.u32 $0xF7A, s1;
	s8 =	simm.s32 @!p0 $0x1BF5;
	p2 =	por !p2, p0  }
0x20: {  	[sflag:s8] =	ssyncset.s32 @!p0 $0xFFFFF086;
	s6 =	sadd.s32 @!p0 s3, s7;
	s7 =	simm.s32 @!p0 $0x108  }
0x21: {  	s3 =	sadd.s32 s3, s9;
	s6 =	sadd.s32 @!p0 $0x88, s6;
	s7 =	simm.s32 @p2 $0x1082  }
0x22: {  	[simem:s7], [sflag:s8] =	dma.local @!p0 [hbm:s6], $0xF7A  }
0x23: {  	s9 =	sor.u32 $0xD0000000, s2;
	s6 =	simm.s32 $0x108;
	_ =	swait.ge @!p0 [sflag:s8], $0x0  }
0x24: {  	s3 =	sadd.s32 $0x88, s3;
	s6 =	simm.s32 @!p1 $0x1082;
	[sflag:s4] =	ssyncset.s32 $0xFFFFF086  }
0x25: {  	[simem:s6], [sflag:s4] =	dma.local [hbm:s3], $0xF7A  }
0x26: {  	[smem:$0x3F99] =	sst s1;
	(tag) =	ssettag s2;
	_ =	strace s9  }
0x27: {  	s1 =	sld [smem:$0x3FA9]  }
0x28: {  	s2 =	sld [smem:$0x3FAA]  }
0x29: {  	s4 =	sld [smem:$0x3FAC]  }
0x2a: {  	p0 =	seq.s32 s5, $0x0;
	s5 =	sld [smem:$0x3FAD]  }
0x2b: {  	s6 =	sld [smem:$0x3FAE]  }
0x2c: {  	s7 =	sld [smem:$0x3FAF]  }
0x2d: {  	s3 =	simm.s32 $0x108;
	s8 =	sld [smem:$0x3FB0]  }
0x2e: {  	s3 =	simm.s32 @!p0 $0x1082;
	s9 =	sld [smem:$0x3FB1]  }
0x2f: {  	lr =	sadd.s32 s0, s3;
	s0 =	sld [smem:$0x3FA8]  }
0x30: {  	s3 =	sld [smem:$0x3FAB]  }
0x31: {  	[smem:$0x3FB4] =	sst s10  }
0x32: {  	s10 =	sld [smem:$0x3FB2];
	_ =	sdelay $0x3  }
0x33: {  	p0 =	seq.s32 s10, $0x1;
	s10 =	sld [smem:$0x3FB4];
	_ =	sdelay $0x3  }
0x34: {  	[smem:$0x3FB4] =	sst s10  }
0x35: {  	s10 =	sld [smem:$0x3FB3];
	_ =	sdelay $0x3  }
0x36: {  	p1 =	seq.s32 s10, $0x1;
	s10 =	sld [smem:$0x3FB4];
	_ =	sdelay $0x3  }
0x37: {  	[smem:$0x3FB4] =	sst s10  }
0x38: {  	s10 =	sld [smem:$0x3FB5]  }
0x39: {  	_ = 	snop;
	(pc) =	sbr.ind lr, $3  }
0x3a: {  	_ = 	snop  }
0x3b: {  	_ = 	snop  }
0x3c: {  	p2 =	seq.s32 s10, $0x1;
	s10 =	sld [smem:$0x3FB4]  }
0x3d: {  	_ =	shalt  }
0x3e: {  	_ =	shalt  }
0x3f: {  	_ =	shalt  }
0x40: {  	_ =	shalt  }
0x41: {  	_ =	shalt  }
0x42: {  	_ =	shalt  }
0x43: {  	_ =	shalt  }
0x44: {  	_ =	shalt  }
0x45: {  	_ =	shalt  }
0x46: {  	_ =	shalt  }
0x47: {  	_ =	shalt  }
0x48: {  	_ =	shalt  }
0x49: {  	_ =	shalt  }
0x4a: {  	_ =	shalt  }
0x4b: {  	_ =	shalt  }
0x4c: {  	_ =	shalt  }
0x4d: {  	_ =	shalt  }
0x4e: {  	_ =	shalt  }
0x4f: {  	_ =	shalt  }
0x50: {  	_ =	shalt  }
0x51: {  	_ =	shalt  }
0x52: {  	_ =	shalt  }
0x53: {  	_ =	shalt  }
0x54: {  	_ =	shalt  }
0x55: {  	_ =	shalt  }
0x56: {  	_ =	shalt  }
0x57: {  	_ =	shalt  }
0x58: {  	_ =	shalt  }
0x59: {  	_ =	shalt  }
0x5a: {  	_ =	shalt  }
0x5b: {  	_ =	shalt  }
0x5c: {  	_ =	shalt  }
0x5d: {  	_ =	shalt  }
0x5e: {  	_ =	shalt  }
0x5f: {  	_ =	shalt  }
0x60: {  	_ =	shalt  }
0x61: {  	_ =	shalt  }
0x62: {  	_ =	shalt  }
0x63: {  	_ =	shalt  }
0x64: {  	_ =	shalt  }
0x65: {  	_ =	shalt  }
0x66: {  	_ =	shalt  }
0x67: {  	_ =	shalt  }
0x68: {  	_ =	shalt  }
0x69: {  	_ =	shalt  }
0x6a: {  	_ =	shalt  }
0x6b: {  	_ =	shalt  }
0x6c: {  	_ =	shalt  }
0x6d: {  	_ =	shalt  }
0x6e: {  	_ =	shalt  }
0x6f: {  	_ =	shalt  }
0x70: {  	_ =	shalt  }
0x71: {  	_ =	shalt  }
0x72: {  	_ =	shalt  }
0x73: {  	_ =	shalt  }
0x74: {  	_ =	shalt  }
0x75: {  	_ =	shalt  }
0x76: {  	_ =	shalt  }
0x77: {  	_ =	shalt  }
0x78: {  	_ =	shalt  }
0x79: {  	_ =	shalt  }
0x7a: {  	_ =	shalt  }
0x7b: {  	_ =	shalt  }
0x7c: {  	_ =	shalt  }
0x7d: {  	_ =	shalt  }
0x7e: {  	_ =	shalt  }
0x7f: {  	_ =	shalt  }
0x80: {  	_ =	shalt  }
0x81: {  	_ =	shalt  }
0x82: {  	_ =	shalt  }
0x83: {  	_ =	shalt  }
0x84: {  	_ =	shalt  }
0x85: {  	_ =	shalt  }
0x86: {  	_ =	shalt  }
0x87: {  	_ =	shalt  }
.Lfunc_end0:
.L_simem_size_0:
called_computation.1_lowered:
.L_overlay_start_0:
0x88: {  	s2 =	sld [smem:$0x3FD9]  }
0x89: {  	s3 =	sld [smem:$0x3FFE];
	_ =	sdelay $0x1  }
0x8a: {  	s1 =	srdreg.scid  }
0x8b: {  	s0 =	sand.u32 $0x1, s1  }
0x8c: {  	s17 =	sshll.u32 s0, $0xA;
	s2 =	sadd.s32 s3, s2  }
0x8d: {  	s2 =	sadd.s32 s2, s17  }
0x8e: {  	[smem:$0x3FC0] =	sst s2  }
0x8f: {  	_ = 	snop  }
0x90: {  	s2 =	sld [smem:$0x3FD0];
	(tm) =	ssettm $0x1  }
0x91: {  	s18 =	sld [smem:$0x3FFB];
	_ =	sdelay $0x3  }
0x92: {  	_ =	strace s18  }
0x93: {  	s3 =	sld [smem:$0x3FFC];
	_ =	sdelay $0x3  }
0x94: {  	_ =	strace s3  }
0x95: {  	s3 =	sld [smem:$0x3FFD];
	_ =	sdelay $0x3  }
0x96: {  	_ =	strace s3  }
0x97: {  	_ =	strace $0x8FFFFFFF  }
0x98: {  	s19 =	sld [smem:$0x3FDB];
	_ =	sdelay $0x1  }
0x99: {  	s4 =	simm.s32 $_scs_section_size  }
0x9a: {  	s5 =	simm.s32 $_size__tile_overlayer_lowered;
	s6 =	simm.s32 $_tile_overlayer_lowered  }
0x9b: {  	s22 =	simm.s32 $0x1BFF;
	s21 =	sshll.u32 s6, $0x1;
	s3 =	sadd.s32 s4, s19  }
0x9c: {  	s7 =	simm.s32 $0x0;
	s20 =	sshll.u32 s5, $0x1;
	s5 =	sadd.s32 s21, s3  }
0x9d: {  	[timem:s7], [sflag:s22] =	dma.local [hbm:s5], s20  }
0x9e: {  	_ =	swait.ge [sflag:s22], s20  }
0x9f: {  	s4 =	ssub.s32 $0x0, s20;
	[sflag:s22] =	ssyncset.done $0x0  }
0xa0: {  	[sflag:s22] =	ssyncadd.s32 s4;
	_ =	sdelay $0x1  }
0xa1: {  	s23 =	simm.s32 $0x1B8B  }
0xa2: {  	_ =	swait.ge [sflag:s23], $0x1  }
0xa3: {  	[sflag:s23] =	ssyncset.done $0x0  }
0xa4: {  	s25 =	simm.s32 $0x1B8E;
	s24 =	sld [smem:$0x3FFE];
	[sflag:s23] =	ssyncadd.s32 $0xFFFFFFFF  }
0xa5: {  	s26 =	simm.s32 $execute0_lowered;
	[smem:$0x3FD2] =	sst s25  }
0xa6: {  	s5 =	sshll.u32 s26, $0x1;
	_ =	strace $0x80000049;
	[dreg:$0x1] =	wrdreg $0xFFFFFFFF  }
0xa7: {  	s28 =	simm.s32 $_size_execute0_lowered;
	s3 =	sadd.s32 s3, s5;
	[dreg:$0x0] =	wrdreg $0x0  }
0xa8: {  	s5 =	sshll.u32 s28, $0x1;
	[dreg:$0x2] =	wrdreg s3  }
0xa9: {  	[dreg:$0x3] =	wrdreg s5  }
0xaa: {  	[dreg:$0x4] =	wrdreg $0xC0  }
0xab: {  	_ =	task [dreg:s7], $0x5FFFF  }
0xac: {  	[dreg:$0x1] =	wrdreg $0xFFFFFFFF  }
0xad: {  	[dreg:$0x0] =	wrdreg $0x60  }
0xae: {  	[dreg:$0x2] =	wrdreg s24  }
0xaf: {  	[dreg:$0x3] =	wrdreg s2  }
0xb0: {  	[dreg:$0x4] =	wrdreg $0xA8000  }
0xb1: {  	[dreg:$0x5] =	wrdreg $0x9  }
0xb2: {  	_ =	task.clear_ibuf [dreg:s7], $0x6FFFF;
	_ =	strace $0x90000049  }
0xb3: {  	s29 =	simm.s32 $0x9;
	_ =	strace $0x8000004B  }
0xb4: {  	_ =	swait.ge [sflag:s29], $0x1  }
0xb5: {  	[sflag:s29] =	ssyncadd.s32 $0xFFFFFFFF  }
0xb6: {  	_ =	strace $0x9000004B  }
0xb7: {  	_ =	sfence  }
0xb8: {  	s30 =	sld [smem:$0x0];
	_ =	sdelay $0x2  }
0xb9: {  	s31 =	sshll.u32 s1, $0xD;
	s1 =	sshrl.u32 s1, $0x2  }
0xba: {  	s3 =	sand.u32 $0x4000, s31;
	s1 =	sadd.s32 s1, s30  }
0xbb: {  	s0 =	sor.u32 s3, s0;
	s1 =	sshll.u32 s1, $0x11  }
0xbc: {  	s0 =	sor.u32 s1, s0  }
0xbd: {  	s0 =	sadd.s32 $0x8F2B, s0  }
0xbe: {  	[sflag:s0] =	ssyncadd.remote.s32 $0x1  }
0xbf: {  	_ =	sfence.sel $0xFFFF  }
0xc0: {  	[dreg:$0x0] =	wrdreg $0xFFFFFFFF;
	(pc) =	sbr.abs _section_cstart, $3  }
0xc1: {  	[dreg:$0x1] =	wrdreg $0xFFFFFFFF  }
0xc2: {  	_ =	task.clear_ibuf [dreg:s7], $0x2FFFF;
	_ =	strace $0x9FFFFFFF  }
0xc3: {  	(tm) =	ssettm $0x7FFFFFFF  }
tec
execute0_lowered:
.L_overlay_start_1:
0x0: {  	(tag) =	ssettag $0x1  }
0x1: {  	s5 =	rddreg [dreg:$0x0]  }
0x2: {  	s12 =	rddreg [dreg:$0x1];
	s0 =	srdreg.scid  }
0x3: {  	s2 =	rddreg [dreg:$0x2];
	s1 =	stileid.u32  }
0x4: {  	s3 =	simm.s32 $0x0;
	s18 =	simm.s32 $0x1400;
	s19 =	simm.s32 $0x80  }
0x5: {  	s20 =	simm.s32 $0x6800;
	s21 =	simm.s32 $0x1;
	s22 =	simm.s32 $0x3  }
0x6: {  	s23 =	simm.s32 $0x2;
	s24 =	simm.s32 $0x4;
	s25 =	simm.s32 $0x2700  }
0x7: {  	s6 =	sand.u32 $0x1, s0;
	s0 =	rddreg [dreg:$0x3];
	s8 =	smul.u32 $0x14000, s1  }
0x8: {  	[smem:$0x7FF] =	sst s3;
	s4 =	sadd.s32 $0x5F400, s5;
	s26 =	smul.u32 $0x50000, s1  }
0x9: {  	s13 =	sadd.s32 $0x2C00, s5;
	s29 =	sshll.u32 s1, $0x1;
	s7 =	smul.u32 $0x140000, s6  }
0xa: {  	_ =	strace $0x8000004A;
	s28 =	ssub.s32 $0x2, s6;
	s10 =	sor.u32 s6, s29  }
0xb: {  	s9 =	sshrl.u32 s28, $0x1;
	s30 =	sshrl.u32 s26, $0x2;
	s11 =	smul.u32 $0x2800, s10  }
0xc: {  	s16 =	smul.u32 $0x500, s10;
	s26 =	simm.s32 $0x2780;
	s7 =	sadd.s32 s8, s7  }
0xd: {  	s15 =	ssub.s32 s28, s9;
	s7 =	sshrl.u32 s7, $0x3;
	s17 =	sshrl.u32 s11, $0x3  }
0xe: {  	s10 =	sadd.s32 s12, s16;
	s11 =	sadd.s32 s13, s16;
	s15 =	smax.u32 s15, $0x1  }
0xf: {  	s16 =	simm.s32 $0x2800;
	s14 =	sadd.s32 s7, s5;
	s5 =	sadd.s32 s30, s2  }
0x10: {  	s31 =	sadd.s32 $0x280, s17;
	s17 =	simm.s32 $0x5;
	s6 =	sadd.s32 $0x4000, s5  }
0x11: {  	s7 =	sadd.s32 $0x8000, s5;
	s8 =	sadd.s32 $0xC000, s5;
	s9 =	sadd.s32 $0x10000, s5  }
0x12: {  	v0 =	vimm.f32 $0.0e+00;
	s12 =	sadd.s32 s12, s31;
	s13 =	sadd.s32 s13, s31;
	s14 =	sadd.s32 $0xCC00, s14  }
.LBB2_1:
0x13: {  	s28 =	simm.s32 $0x0;
	s29 =	simm.s32 $0x200  }
.LBB2_2:
0x14: {  	p0 =	sne.s32 s29, $0xFE00;
	[tilespmem:s28+$0x2870] =	vst v0  }
0x15: {  	[tilespmem:s28+$0x2800] =	vst v0  }
0x16: {  	[tilespmem:s28+$0x2810] =	vst v0  }
.Ltmp0:
0x17: {  	[tilespmem:s28+$0x2820] =	vst v0;
	(pc) =	sbr.rel @p0 .LBB2_2-.Ltmp0, $4  }
0x18: {  	[tilespmem:s28+$0x2830] =	vst v0  }
0x19: {  	[tilespmem:s28+$0x2840] =	vst v0  }
0x1a: {  	[tilespmem:s28+$0x2850] =	vst v0  }
0x1b: {  	[tilespmem:s28+$0x2860] =	vst v0;
	s28 =	sshra.s32 s29, $0x2;
	s29 =	sadd.s32 $0x200, s29  }
0x1c: {  	[tilespmem:s28+$0x2870] =	vst v0  }
0x1d: {  	[tilespmem:s28+$0x2800] =	vst v0  }
0x1e: {  	[tilespmem:s28+$0x2810] =	vst v0  }
0x1f: {  	[tilespmem:s28+$0x2820] =	vst v0  }
0x20: {  	[tilespmem:s28+$0x2830] =	vst v0  }
0x21: {  	[tilespmem:s28+$0x2840] =	vst v0  }
0x22: {  	[tilespmem:s28+$0x2850] =	vst v0  }
0x23: {  	[tilespmem:s28+$0x2860] =	vst v0  }
0x24: {  	[spmem:s5] =	stream.linear.scatter [tilespmem:s16], [sflag:$0x5], $0x4000, $0x38;
	[tilespmem:$0x1E800] =	vst v63  }
0x25: {  	_ =	swait.ge [sflag:s17], $0x4000  }
0x26: {  	[sflag:s17] =	ssyncset.done $0x0  }
0x27: {  	[sflag:s17] =	ssyncadd.s32 $0xFFFFC000  }
0x28: {  	[spmem:s6] =	stream.linear.scatter [tilespmem:s16], [sflag:$0x5], $0x4000, $0x38;
	[tilespmem:$0x1E800] =	vst v63  }
0x29: {  	_ =	swait.ge [sflag:s17], $0x4000  }
0x2a: {  	[sflag:s17] =	ssyncset.done $0x0  }
0x2b: {  	[sflag:s17] =	ssyncadd.s32 $0xFFFFC000  }
0x2c: {  	[spmem:s7] =	stream.linear.scatter [tilespmem:s16], [sflag:$0x5], $0x4000, $0x38;
	[tilespmem:$0x1E800] =	vst v63  }
0x2d: {  	_ =	swait.ge [sflag:s17], $0x4000  }
0x2e: {  	[sflag:s17] =	ssyncset.done $0x0  }
0x2f: {  	[sflag:s17] =	ssyncadd.s32 $0xFFFFC000  }
0x30: {  	[spmem:s8] =	stream.linear.scatter [tilespmem:s16], [sflag:$0x5], $0x4000, $0x38;
	[tilespmem:$0x1E800] =	vst v63  }
0x31: {  	_ =	swait.ge [sflag:s17], $0x4000  }
0x32: {  	[sflag:s17] =	ssyncset.done $0x0  }
0x33: {  	[sflag:s17] =	ssyncadd.s32 $0xFFFFC000  }
0x34: {  	[spmem:s9] =	stream.linear.scatter [tilespmem:s16], [sflag:$0x5], $0x4000, $0x38;
	[tilespmem:$0x1E800] =	vst v63  }
0x35: {  	_ =	swait.ge [sflag:s17], $0x4000  }
0x36: {  	[sflag:s17] =	ssyncset.done $0x0  }
0x37: {  	[sflag:s17] =	ssyncadd.s32 $0xFFFFC000  }
0x38: {  	s28 =	simm.s32 $0x0;
	[bflag:$0x0] =	sbarrier.arrive $0xFFFF  }
0x39: {  	[tilespmem:s28], [sflag:$0x5] =	stream.linear.gather [hbm4b:s10+s28], $0x1400, $0x38;
	[tilespmem:$0x1E800] =	vst v63  }
0x3a: {  	_ =	swait.ge [sflag:s17], $0x1400  }
0x3b: {  	[sflag:s17] =	ssyncset.done $0x0  }
0x3c: {  	[sflag:s17] =	ssyncadd.s32 $0xFFFFEC00  }
0x3d: {  	[tilespmem:s18], [sflag:$0x5] =	stream.linear.gather [hbm4b:s11+s28], $0x1400, $0x38;
	[tilespmem:$0x1E800] =	vst v63  }
0x3e: {  	_ =	swait.ge [sflag:s17], $0x1400  }
0x3f: {  	[sflag:s17] =	ssyncset.done $0x0  }
0x40: {  	[sflag:s17] =	ssyncadd.s32 $0xFFFFEC00  }
0x41: {  	[tilespmem:s16], [sflag:$0x1] =	stream.indirect.gather [hbm4b:s4+s19], $0x80, s28, s19, $0xb8;
	[tilespmem:$0x1E800] =	vst v63  }
0x42: {  	_ = 	snop  }
0x43: {  	[tilespmem:s20], [sflag:$0x2] =	stream.indirect.gather [hbm4b:s4+s19], $0x80, s19, s19, $0xb8;
	[tilespmem:$0x1E800] =	vst v63  }
0x44: {  	_ =	swait.ge [sflag:s21], $0x4000  }
0x45: {  	[sflag:s21] =	ssyncset.done $0x0  }
0x46: {  	s28 =	simm.s32 $0x1400;
	[sflag:s21] =	ssyncadd.s32 $0xFFFFC000  }
0x47: {  	[spmem:s2] =	stream.indirect.scatter.add.f32 [tilespmem:s16], [sflag:$0x3], $0x80, s28, s19, $0xb8;
	[tilespmem:$0x1E800] =	vst v63  }
0x48: {  	_ =	swait.ge [sflag:s22], $0x4000  }
0x49: {  	[sflag:s22] =	ssyncset.done $0x0  }
0x4a: {  	s28 =	simm.s32 $0x100;
	[sflag:s22] =	ssyncadd.s32 $0xFFFFC000  }
0x4b: {  	[tilespmem:s16], [sflag:$0x1] =	stream.indirect.gather [hbm4b:s4+s19], $0x80, s28, s19, $0xb8;
	[tilespmem:$0x1E800] =	vst v63  }
0x4c: {  	_ =	swait.ge [sflag:s23], $0x4000  }
0x4d: {  	[sflag:s23] =	ssyncset.done $0x0  }
0x4e: {  	s28 =	simm.s32 $0x1480;
	[sflag:s23] =	ssyncadd.s32 $0xFFFFC000  }
0x4f: {  	[spmem:s2] =	stream.indirect.scatter.add.f32 [tilespmem:s20], [sflag:$0x4], $0x80, s28, s19, $0xb8;
	[tilespmem:$0x1E800] =	vst v63  }
0x50: {  	_ =	swait.ge [sflag:s24], $0x4000  }
0x51: {  	[sflag:s24] =	ssyncset.done $0x0  }
0x52: {  	s29 =	simm.s32 $0x180;
	s28 =	simm.s32 $0x400;
	[sflag:s24] =	ssyncadd.s32 $0xFFFFC000  }
.LBB2_4:
0x53: {  	[tilespmem:s20], [sflag:$0x2] =	stream.indirect.gather [hbm4b:s4+s19], $0x80, s29, s19, $0xb8;
	[tilespmem:$0x1E800] =	vst v63  }
0x54: {  	s29 =	smov.u32 s28  }
0x55: {  	p0 =	sne.s32 s28, $0x4800;
	s28 =	sadd.s32 $0x400, s28;
	_ =	swait.ge [sflag:s21], $0x4000  }
0x56: {  	s29 =	sshra.s32 s29, $0x2;
	[sflag:s21] =	ssyncset.done $0x0  }
0x57: {  	s30 =	sadd.s32 $0x1400, s29;
	[sflag:s21] =	ssyncadd.s32 $0xFFFFC000  }
0x58: {  	[spmem:s2] =	stream.indirect.scatter.add.f32 [tilespmem:s16], [sflag:$0x3], $0x80, s30, s19, $0xb8;
	[tilespmem:$0x1E800] =	vst v63  }
0x59: {  	_ =	swait.ge [sflag:s22], $0x4000  }
0x5a: {  	[sflag:s22] =	ssyncset.done $0x0  }
0x5b: {  	s30 =	sadd.s32 $0x100, s29;
	[sflag:s22] =	ssyncadd.s32 $0xFFFFC000  }
0x5c: {  	[tilespmem:s16], [sflag:$0x1] =	stream.indirect.gather [hbm4b:s4+s19], $0x80, s30, s19, $0xb8;
	[tilespmem:$0x1E800] =	vst v63  }
0x5d: {  	_ =	swait.ge [sflag:s23], $0x4000  }
0x5e: {  	[sflag:s23] =	ssyncset.done $0x0  }
.Ltmp1:
0x5f: {  	s30 =	sadd.s32 $0x1480, s29;
	[sflag:s23] =	ssyncadd.s32 $0xFFFFC000;
	(pc) =	sbr.rel @p0 .LBB2_4-.Ltmp1, $4  }
0x60: {  	[spmem:s2] =	stream.indirect.scatter.add.f32 [tilespmem:s20], [sflag:$0x4], $0x80, s30, s19, $0xb8;
	[tilespmem:$0x1E800] =	vst v63  }
0x61: {  	_ =	swait.ge [sflag:s24], $0x4000  }
0x62: {  	[sflag:s24] =	ssyncset.done $0x0  }
0x63: {  	s29 =	sadd.s32 $0x180, s29;
	[sflag:s24] =	ssyncadd.s32 $0xFFFFC000  }
0x64: {  	[tilespmem:s20], [sflag:$0x2] =	stream.indirect.gather [hbm4b:s4+s19], $0x80, s29, s19, $0xb8;
	[tilespmem:$0x1E800] =	vst v63  }
0x65: {  	_ =	swait.ge [sflag:s21], $0x4000  }
0x66: {  	[sflag:s21] =	ssyncset.done $0x0  }
0x67: {  	[sflag:s21] =	ssyncadd.s32 $0xFFFFC000  }
0x68: {  	[spmem:s2] =	stream.indirect.scatter.add.f32 [tilespmem:s16], [sflag:$0x3], $0x80, s25, s19, $0xb8;
	[tilespmem:$0x1E800] =	vst v63  }
0x69: {  	_ =	swait.ge [sflag:s23], $0x4000  }
0x6a: {  	[sflag:s23] =	ssyncset.done $0x0  }
0x6b: {  	[sflag:s23] =	ssyncadd.s32 $0xFFFFC000  }
0x6c: {  	[spmem:s2] =	stream.indirect.scatter.add.f32 [tilespmem:s20], [sflag:$0x4], $0x80, s26, s19, $0xb8;
	[tilespmem:$0x1E800] =	vst v63  }
0x6d: {  	_ =	swait.ge [sflag:s22], $0x4000  }
0x6e: {  	[sflag:s22] =	ssyncset.done $0x0  }
0x6f: {  	[sflag:s22] =	ssyncadd.s32 $0xFFFFC000  }
0x70: {  	_ =	swait.ge [sflag:s24], $0x4000  }
0x71: {  	[sflag:s24] =	ssyncset.done $0x0  }
0x72: {  	s28 =	simm.s32 $0x0;
	[sflag:s24] =	ssyncadd.s32 $0xFFFFC000  }
0x73: {  	[tilespmem:s28], [sflag:$0x5] =	stream.linear.gather [hbm4b:s12+s28], $0x1400, $0x38;
	[tilespmem:$0x1E800] =	vst v63  }
0x74: {  	_ =	swait.ge [sflag:s17], $0x1400  }
0x75: {  	[sflag:s17] =	ssyncset.done $0x0  }
0x76: {  	[sflag:s17] =	ssyncadd.s32 $0xFFFFEC00  }
0x77: {  	[tilespmem:s18], [sflag:$0x5] =	stream.linear.gather [hbm4b:s13+s28], $0x1400, $0x38;
	[tilespmem:$0x1E800] =	vst v63  }
0x78: {  	_ =	swait.ge [sflag:s17], $0x1400  }
0x79: {  	[sflag:s17] =	ssyncset.done $0x0  }
0x7a: {  	[sflag:s17] =	ssyncadd.s32 $0xFFFFEC00  }
0x7b: {  	[tilespmem:s16], [sflag:$0x1] =	stream.indirect.gather [hbm4b:s4+s19], $0x80, s28, s19, $0xb8;
	[tilespmem:$0x1E800] =	vst v63  }
0x7c: {  	_ = 	snop  }
0x7d: {  	[tilespmem:s20], [sflag:$0x2] =	stream.indirect.gather [hbm4b:s4+s19], $0x80, s19, s19, $0xb8;
	[tilespmem:$0x1E800] =	vst v63  }
0x7e: {  	_ =	swait.ge [sflag:s21], $0x4000  }
0x7f: {  	[sflag:s21] =	ssyncset.done $0x0  }
0x80: {  	s28 =	simm.s32 $0x1400;
	[sflag:s21] =	ssyncadd.s32 $0xFFFFC000  }
0x81: {  	[spmem:s2] =	stream.indirect.scatter.add.f32 [tilespmem:s16], [sflag:$0x3], $0x80, s28, s19, $0xb8;
	[tilespmem:$0x1E800] =	vst v63  }
0x82: {  	_ =	swait.ge [sflag:s22], $0x4000  }
0x83: {  	[sflag:s22] =	ssyncset.done $0x0  }
0x84: {  	s28 =	simm.s32 $0x100;
	[sflag:s22] =	ssyncadd.s32 $0xFFFFC000  }
0x85: {  	[tilespmem:s16], [sflag:$0x1] =	stream.indirect.gather [hbm4b:s4+s19], $0x80, s28, s19, $0xb8;
	[tilespmem:$0x1E800] =	vst v63  }
0x86: {  	_ =	swait.ge [sflag:s23], $0x4000  }
0x87: {  	[sflag:s23] =	ssyncset.done $0x0  }
0x88: {  	s28 =	simm.s32 $0x1480;
	[sflag:s23] =	ssyncadd.s32 $0xFFFFC000  }
0x89: {  	[spmem:s2] =	stream.indirect.scatter.add.f32 [tilespmem:s20], [sflag:$0x4], $0x80, s28, s19, $0xb8;
	[tilespmem:$0x1E800] =	vst v63  }
0x8a: {  	_ =	swait.ge [sflag:s24], $0x4000  }
0x8b: {  	[sflag:s24] =	ssyncset.done $0x0  }
0x8c: {  	s29 =	simm.s32 $0x180;
	s28 =	simm.s32 $0x400;
	[sflag:s24] =	ssyncadd.s32 $0xFFFFC000  }
.LBB2_6:
0x8d: {  	[tilespmem:s20], [sflag:$0x2] =	stream.indirect.gather [hbm4b:s4+s19], $0x80, s29, s19, $0xb8;
	[tilespmem:$0x1E800] =	vst v63  }
0x8e: {  	s29 =	smov.u32 s28  }
0x8f: {  	p0 =	sne.s32 s28, $0x4800;
	s28 =	sadd.s32 $0x400, s28;
	_ =	swait.ge [sflag:s21], $0x4000  }
0x90: {  	s29 =	sshra.s32 s29, $0x2;
	[sflag:s21] =	ssyncset.done $0x0  }
0x91: {  	s30 =	sadd.s32 $0x1400, s29;
	[sflag:s21] =	ssyncadd.s32 $0xFFFFC000  }
0x92: {  	[spmem:s2] =	stream.indirect.scatter.add.f32 [tilespmem:s16], [sflag:$0x3], $0x80, s30, s19, $0xb8;
	[tilespmem:$0x1E800] =	vst v63  }
0x93: {  	_ =	swait.ge [sflag:s22], $0x4000  }
0x94: {  	[sflag:s22] =	ssyncset.done $0x0  }
0x95: {  	s30 =	sadd.s32 $0x100, s29;
	[sflag:s22] =	ssyncadd.s32 $0xFFFFC000  }
0x96: {  	[tilespmem:s16], [sflag:$0x1] =	stream.indirect.gather [hbm4b:s4+s19], $0x80, s30, s19, $0xb8;
	[tilespmem:$0x1E800] =	vst v63  }
0x97: {  	_ =	swait.ge [sflag:s23], $0x4000  }
0x98: {  	[sflag:s23] =	ssyncset.done $0x0  }
.Ltmp2:
0x99: {  	s30 =	sadd.s32 $0x1480, s29;
	[sflag:s23] =	ssyncadd.s32 $0xFFFFC000;
	(pc) =	sbr.rel @p0 .LBB2_6-.Ltmp2, $4  }
0x9a: {  	[spmem:s2] =	stream.indirect.scatter.add.f32 [tilespmem:s20], [sflag:$0x4], $0x80, s30, s19, $0xb8;
	[tilespmem:$0x1E800] =	vst v63  }
0x9b: {  	_ =	swait.ge [sflag:s24], $0x4000  }
0x9c: {  	[sflag:s24] =	ssyncset.done $0x0  }
0x9d: {  	s29 =	sadd.s32 $0x180, s29;
	[sflag:s24] =	ssyncadd.s32 $0xFFFFC000  }
0x9e: {  	[tilespmem:s20], [sflag:$0x2] =	stream.indirect.gather [hbm4b:s4+s19], $0x80, s29, s19, $0xb8;
	[tilespmem:$0x1E800] =	vst v63  }
0x9f: {  	_ =	swait.ge [sflag:s21], $0x4000  }
0xa0: {  	[sflag:s21] =	ssyncset.done $0x0  }
0xa1: {  	[sflag:s21] =	ssyncadd.s32 $0xFFFFC000  }
0xa2: {  	[spmem:s2] =	stream.indirect.scatter.add.f32 [tilespmem:s16], [sflag:$0x3], $0x80, s25, s19, $0xb8;
	[tilespmem:$0x1E800] =	vst v63  }
0xa3: {  	_ =	swait.ge [sflag:s23], $0x4000  }
0xa4: {  	[sflag:s23] =	ssyncset.done $0x0  }
0xa5: {  	[sflag:s23] =	ssyncadd.s32 $0xFFFFC000  }
0xa6: {  	[spmem:s2] =	stream.indirect.scatter.add.f32 [tilespmem:s20], [sflag:$0x4], $0x80, s26, s19, $0xb8;
	[tilespmem:$0x1E800] =	vst v63  }
0xa7: {  	_ =	swait.ge [sflag:s22], $0x4000  }
0xa8: {  	[sflag:s22] =	ssyncset.done $0x0  }
0xa9: {  	[sflag:s22] =	ssyncadd.s32 $0xFFFFC000  }
0xaa: {  	_ =	swait.ge [sflag:s24], $0x4000  }
0xab: {  	s28 =	sshll.u32 s1, $0x6;
	s3 =	sadd.s32 $0x1, s3;
	[sflag:s24] =	ssyncset.done $0x0  }
0xac: {  	s31 =	sshrl.u32 s5, $0x3;
	p0 =	sne.s32 s3, s15;
	[sflag:s24] =	ssyncadd.s32 $0xFFFFC000  }
.Ltmp3:
0xad: {  	s28 =	sor.u32 $0x1C05, s28;
	[bflag:$0x0] =	sbarrier.arrive $0xFFFF;
	(pc) =	sbr.rel @p0 .LBB2_1-.Ltmp3, $4  }
0xae: {  	[hbm:s14], [sflag:s28] =	dma.local [spmem:s31], $0x2800  }
0xaf: {  	_ =	swait.ge [sflag:s17], $0x2800  }
0xb0: {  	[sflag:s17] =	ssyncset.done $0x0  }
0xb1: {  	[sflag:s17] =	ssyncadd.s32 $0xFFFFD800  }
0xb2: {  	_ =	sfence.sel $0x180000  }
0xb3: {  	[bflag:$0x0] =	sbarrier.arrive $0xFFFF  }
0xb4: {  	p0 =	sne.s32 s1, $0x0;
	_ =	strace $0x9000004A  }
0xb5: {  	s0 =	sadd.s32 @!p0 $0x100000, s0;
	[bflag:$0x2] =	sbarrier.arrive $0xFFFF  }
0xb6: {  	[sflag:s0] =	ssyncadd.tile.s32 @!p0 $0x1;
	_ =	shalt  }
.Lfunc_end2:
_tile_overlayer_lowered:
.L_overlay_start_2:
0xb7: {  	(tag) =	ssettag $0x2  }
0xb8: {  	s0 =	rddreg [dreg:$0x0];
	s2 =	stileid.u32  }
0xb9: {  	s1 =	rddreg [dreg:$0x1];
	p0 =	sne.s32 s2, $0x0  }
0xba: {  	s3 =	rddreg [dreg:$0x2];
	[bflag:$0x3] =	sbarrier.arrive $0xFFFF;
	s2 =	simm.s32 @!p0 $0x1C05  }
0xbb: {  	[timem:s3], [sflag:s2] =	dma.local @!p0 [hbm:s0], s1  }
0xbc: {  	s0 =	simm.s32 @!p0 $0x5  }
0xbd: {  	_ =	swait.ge @!p0 [sflag:s0], s1  }
0xbe: {  	s1 =	ssub.s32 @!p0 $0x0, s1;
	[sflag:s0] =	ssyncset.done @!p0 $0x0  }
0xbf: {  	[sflag:s0] =	ssyncadd.s32 @!p0 s1  }
0xc0: {  	[bflag:$0x3] =	sbarrier.arrive $0xFFFF  }
0xc1: {  	_ =	shalt  }

// kernel: kernel.20.cloned.1.call-start
scs
__scs_entry_jumppad:
0x0: {  	(pc) =	sbr.rel $0x88, $3  }
0x1: {  	(tag) =	ssettag $0x0;
	lr =	simm.s32 $0x1  }
0x2: {  	[smem:$0x3F99] =	sst lr;
	_ =	strace $0xD0000000  }
0x3: {  	_ = 	snop  }
0x4: {  	_ = 	snop  }
0x5: {  	_ = 	snop  }
0x6: {  	_ = 	snop  }
0x7: {  	_ = 	snop  }
__scs_overlays_trampoline_lowered:
0x8: {  	[smem:$0x3FA8] =	sst s0  }
0x9: {  	[smem:$0x3FA9] =	sst s1  }
0xa: {  	[smem:$0x3FAA] =	sst s2  }
0xb: {  	[smem:$0x3FAB] =	sst s3  }
0xc: {  	[smem:$0x3FAC] =	sst s4  }
0xd: {  	[smem:$0x3FAD] =	sst s5  }
0xe: {  	[smem:$0x3FAE] =	sst s6  }
0xf: {  	[smem:$0x3FAF] =	sst s7  }
0x10: {  	[smem:$0x3FB0] =	sst s8  }
0x11: {  	[smem:$0x3FB1] =	sst s9;
	s0 =	simm.s32 @!p0 $0x0  }
0x12: {  	s1 =	sld [smem:$0x3F97];
	s0 =	simm.s32 @p0 $0x1  }
0x13: {  	[smem:$0x3FB2] =	sst s0;
	s0 =	simm.s32 @!p1 $0x0  }
0x14: {  	s2 =	sld [smem:$0x3F96];
	s0 =	simm.s32 @p1 $0x1  }
0x15: {  	[smem:$0x3FB3] =	sst s0;
	s0 =	simm.s32 @!p2 $0x0  }
0x16: {  	s3 =	sld [smem:$0x3FDB];
	s0 =	simm.s32 @p2 $0x1  }
0x17: {  	s4 =	simm.s32 $0x1BF5;
	[smem:$0x3FB5] =	sst s0  }
0x18: {  	s0 =	sld [smem:$0x3F98];
	_ =	swait.ge [sflag:s4], $0x0  }
0x19: {  	s7 =	sld [smem:$0x3F99]  }
0x1a: {  	s8 =	sadd.s32 $0xFFFFE003, lr  }
0x1b: {  	s9 =	sadd.s32 $0xFFFFFEF7, lr;
	s5 =	simm.s32 $0xFFFFFFFF;
	p2 =	slt.u32 s8, $0xFFFFF086  }
0x1c: {  	p1 =	slt.u32 s9, $0xF7A;
	s5 =	simm.s32 @!p2 $0x0  }
0x1d: {  	s5 =	simm.s32 @p1 $0x1;
	p0 =	seq.s32 s7, s2  }
0x1e: {  	s7 =	smul.u32 @!p0 $0xF7A, s2;
	p2 =	seq.s32 @!p0 s5, $0x0  }
0x1f: {  	s9 =	smul.u32 $0xF7A, s1;
	s8 =	simm.s32 @!p0 $0x1BF5;
	p2 =	por !p2, p0  }
0x20: {  	[sflag:s8] =	ssyncset.s32 @!p0 $0xFFFFF086;
	s6 =	sadd.s32 @!p0 s3, s7;
	s7 =	simm.s32 @!p0 $0x108  }
0x21: {  	s3 =	sadd.s32 s3, s9;
	s6 =	sadd.s32 @!p0 $0x88, s6;
	s7 =	simm.s32 @p2 $0x1082  }
0x22: {  	[simem:s7], [sflag:s8] =	dma.local @!p0 [hbm:s6], $0xF7A  }
0x23: {  	s9 =	sor.u32 $0xD0000000, s2;
	s6 =	simm.s32 $0x108;
	_ =	swait.ge @!p0 [sflag:s8], $0x0  }
0x24: {  	s3 =	sadd.s32 $0x88, s3;
	s6 =	simm.s32 @!p1 $0x1082;
	[sflag:s4] =	ssyncset.s32 $0xFFFFF086  }
0x25: {  	[simem:s6], [sflag:s4] =	dma.local [hbm:s3], $0xF7A  }
0x26: {  	[smem:$0x3F99] =	sst s1;
	(tag) =	ssettag s2;
	_ =	strace s9  }
0x27: {  	s1 =	sld [smem:$0x3FA9]  }
0x28: {  	s2 =	sld [smem:$0x3FAA]  }
0x29: {  	s4 =	sld [smem:$0x3FAC]  }
0x2a: {  	p0 =	seq.s32 s5, $0x0;
	s5 =	sld [smem:$0x3FAD]  }
0x2b: {  	s6 =	sld [smem:$0x3FAE]  }
0x2c: {  	s7 =	sld [smem:$0x3FAF]  }
0x2d: {  	s3 =	simm.s32 $0x108;
	s8 =	sld [smem:$0x3FB0]  }
0x2e: {  	s3 =	simm.s32 @!p0 $0x1082;
	s9 =	sld [smem:$0x3FB1]  }
0x2f: {  	lr =	sadd.s32 s0, s3;
	s0 =	sld [smem:$0x3FA8]  }
0x30: {  	s3 =	sld [smem:$0x3FAB]  }
0x31: {  	[smem:$0x3FB4] =	sst s10  }
0x32: {  	s10 =	sld [smem:$0x3FB2];
	_ =	sdelay $0x3  }
0x33: {  	p0 =	seq.s32 s10, $0x1;
	s10 =	sld [smem:$0x3FB4];
	_ =	sdelay $0x3  }
0x34: {  	[smem:$0x3FB4] =	sst s10  }
0x35: {  	s10 =	sld [smem:$0x3FB3];
	_ =	sdelay $0x3  }
0x36: {  	p1 =	seq.s32 s10, $0x1;
	s10 =	sld [smem:$0x3FB4];
	_ =	sdelay $0x3  }
0x37: {  	[smem:$0x3FB4] =	sst s10  }
0x38: {  	s10 =	sld [smem:$0x3FB5]  }
0x39: {  	_ = 	snop;
	(pc) =	sbr.ind lr, $3  }
0x3a: {  	_ = 	snop  }
0x3b: {  	_ = 	snop  }
0x3c: {  	p2 =	seq.s32 s10, $0x1;
	s10 =	sld [smem:$0x3FB4]  }
0x3d: {  	_ =	shalt  }
0x3e: {  	_ =	shalt  }
0x3f: {  	_ =	shalt  }
0x40: {  	_ =	shalt  }
0x41: {  	_ =	shalt  }
0x42: {  	_ =	shalt  }
0x43: {  	_ =	shalt  }
0x44: {  	_ =	shalt  }
0x45: {  	_ =	shalt  }
0x46: {  	_ =	shalt  }
0x47: {  	_ =	shalt  }
0x48: {  	_ =	shalt  }
0x49: {  	_ =	shalt  }
0x4a: {  	_ =	shalt  }
0x4b: {  	_ =	shalt  }
0x4c: {  	_ =	shalt  }
0x4d: {  	_ =	shalt  }
0x4e: {  	_ =	shalt  }
0x4f: {  	_ =	shalt  }
0x50: {  	_ =	shalt  }
0x51: {  	_ =	shalt  }
0x52: {  	_ =	shalt  }
0x53: {  	_ =	shalt  }
0x54: {  	_ =	shalt  }
0x55: {  	_ =	shalt  }
0x56: {  	_ =	shalt  }
0x57: {  	_ =	shalt  }
0x58: {  	_ =	shalt  }
0x59: {  	_ =	shalt  }
0x5a: {  	_ =	shalt  }
0x5b: {  	_ =	shalt  }
0x5c: {  	_ =	shalt  }
0x5d: {  	_ =	shalt  }
0x5e: {  	_ =	shalt  }
0x5f: {  	_ =	shalt  }
0x60: {  	_ =	shalt  }
0x61: {  	_ =	shalt  }
0x62: {  	_ =	shalt  }
0x63: {  	_ =	shalt  }
0x64: {  	_ =	shalt  }
0x65: {  	_ =	shalt  }
0x66: {  	_ =	shalt  }
0x67: {  	_ =	shalt  }
0x68: {  	_ =	shalt  }
0x69: {  	_ =	shalt  }
0x6a: {  	_ =	shalt  }
0x6b: {  	_ =	shalt  }
0x6c: {  	_ =	shalt  }
0x6d: {  	_ =	shalt  }
0x6e: {  	_ =	shalt  }
0x6f: {  	_ =	shalt  }
0x70: {  	_ =	shalt  }
0x71: {  	_ =	shalt  }
0x72: {  	_ =	shalt  }
0x73: {  	_ =	shalt  }
0x74: {  	_ =	shalt  }
0x75: {  	_ =	shalt  }
0x76: {  	_ =	shalt  }
0x77: {  	_ =	shalt  }
0x78: {  	_ =	shalt  }
0x79: {  	_ =	shalt  }
0x7a: {  	_ =	shalt  }
0x7b: {  	_ =	shalt  }
0x7c: {  	_ =	shalt  }
0x7d: {  	_ =	shalt  }
0x7e: {  	_ =	shalt  }
0x7f: {  	_ =	shalt  }
0x80: {  	_ =	shalt  }
0x81: {  	_ =	shalt  }
0x82: {  	_ =	shalt  }
0x83: {  	_ =	shalt  }
0x84: {  	_ =	shalt  }
0x85: {  	_ =	shalt  }
0x86: {  	_ =	shalt  }
0x87: {  	_ =	shalt  }
.Lfunc_end0:
.L_simem_size_0:
called_computation.2_lowered:
.L_overlay_start_0:
0x88: {  	s2 =	sld [smem:$0x3FD9]  }
0x89: {  	s3 =	sld [smem:$0x3FFE];
	_ =	sdelay $0x1  }
0x8a: {  	s1 =	srdreg.scid  }
0x8b: {  	s0 =	sand.u32 $0x1, s1  }
0x8c: {  	s17 =	sshll.u32 s0, $0xA;
	s2 =	sadd.s32 s3, s2  }
0x8d: {  	s2 =	sadd.s32 s2, s17  }
0x8e: {  	[smem:$0x3FC0] =	sst s2  }
0x8f: {  	_ = 	snop  }
0x90: {  	s2 =	sld [smem:$0x3FD0];
	(tm) =	ssettm $0x1  }
0x91: {  	s18 =	sld [smem:$0x3FFB];
	_ =	sdelay $0x3  }
0x92: {  	_ =	strace s18  }
0x93: {  	s3 =	sld [smem:$0x3FFC];
	_ =	sdelay $0x3  }
0x94: {  	_ =	strace s3  }
0x95: {  	s3 =	sld [smem:$0x3FFD];
	_ =	sdelay $0x3  }
0x96: {  	_ =	strace s3  }
0x97: {  	_ =	strace $0x8FFFFFFF  }
0x98: {  	s19 =	sld [smem:$0x3FDB];
	_ =	sdelay $0x1  }
0x99: {  	s4 =	simm.s32 $_scs_section_size  }
0x9a: {  	s5 =	simm.s32 $_size__tile_overlayer_lowered;
	s6 =	simm.s32 $_tile_overlayer_lowered  }
0x9b: {  	s22 =	simm.s32 $0x1BFF;
	s21 =	sshll.u32 s6, $0x1;
	s3 =	sadd.s32 s4, s19  }
0x9c: {  	s7 =	simm.s32 $0x0;
	s20 =	sshll.u32 s5, $0x1;
	s5 =	sadd.s32 s21, s3  }
0x9d: {  	[timem:s7], [sflag:s22] =	dma.local [hbm:s5], s20  }
0x9e: {  	_ =	swait.ge [sflag:s22], s20  }
0x9f: {  	s4 =	ssub.s32 $0x0, s20;
	[sflag:s22] =	ssyncset.done $0x0  }
0xa0: {  	[sflag:s22] =	ssyncadd.s32 s4;
	_ =	sdelay $0x1  }
0xa1: {  	s23 =	simm.s32 $0x1B8B  }
0xa2: {  	_ =	swait.ge [sflag:s23], $0x1  }
0xa3: {  	[sflag:s23] =	ssyncset.done $0x0  }
0xa4: {  	s25 =	simm.s32 $0x1B8E;
	s24 =	sld [smem:$0x3FFE];
	[sflag:s23] =	ssyncadd.s32 $0xFFFFFFFF  }
0xa5: {  	s26 =	simm.s32 $execute0_lowered;
	[smem:$0x3FD2] =	sst s25  }
0xa6: {  	s5 =	sshll.u32 s26, $0x1;
	_ =	strace $0x8000004C;
	[dreg:$0x1] =	wrdreg $0xFFFFFFFF  }
0xa7: {  	s28 =	simm.s32 $_size_execute0_lowered;
	s3 =	sadd.s32 s3, s5;
	[dreg:$0x0] =	wrdreg $0x0  }
0xa8: {  	s5 =	sshll.u32 s28, $0x1;
	[dreg:$0x2] =	wrdreg s3  }
0xa9: {  	[dreg:$0x3] =	wrdreg s5  }
0xaa: {  	[dreg:$0x4] =	wrdreg $0xC0  }
0xab: {  	_ =	task [dreg:s7], $0x5FFFF  }
0xac: {  	[dreg:$0x1] =	wrdreg $0xFFFFFFFF  }
0xad: {  	[dreg:$0x0] =	wrdreg $0x60  }
0xae: {  	[dreg:$0x2] =	wrdreg s24  }
0xaf: {  	[dreg:$0x3] =	wrdreg s2  }
0xb0: {  	[dreg:$0x4] =	wrdreg $0xA8000  }
0xb1: {  	[dreg:$0x5] =	wrdreg $0x9  }
0xb2: {  	_ =	task.clear_ibuf [dreg:s7], $0x6FFFF;
	_ =	strace $0x9000004C  }
0xb3: {  	s29 =	simm.s32 $0x9;
	_ =	strace $0x8000004E  }
0xb4: {  	_ =	swait.ge [sflag:s29], $0x1  }
0xb5: {  	[sflag:s29] =	ssyncadd.s32 $0xFFFFFFFF  }
0xb6: {  	_ =	strace $0x9000004E  }
0xb7: {  	_ =	sfence  }
0xb8: {  	s30 =	sld [smem:$0x0];
	_ =	sdelay $0x2  }
0xb9: {  	s31 =	sshll.u32 s1, $0xD;
	s1 =	sshrl.u32 s1, $0x2  }
0xba: {  	s3 =	sand.u32 $0x4000, s31;
	s1 =	sadd.s32 s1, s30  }
0xbb: {  	s0 =	sor.u32 s3, s0;
	s1 =	sshll.u32 s1, $0x11  }
0xbc: {  	s0 =	sor.u32 s1, s0  }
0xbd: {  	s0 =	sadd.s32 $0x8F2B, s0  }
0xbe: {  	[sflag:s0] =	ssyncadd.remote.s32 $0x1  }
0xbf: {  	_ =	sfence.sel $0xFFFF  }
0xc0: {  	[dreg:$0x0] =	wrdreg $0xFFFFFFFF;
	(pc) =	sbr.abs _section_cstart, $3  }
0xc1: {  	[dreg:$0x1] =	wrdreg $0xFFFFFFFF  }
0xc2: {  	_ =	task.clear_ibuf [dreg:s7], $0x2FFFF;
	_ =	strace $0x9FFFFFFF  }
0xc3: {  	(tm) =	ssettm $0x7FFFFFFF  }
tec
execute0_lowered:
.L_overlay_start_1:
0x0: {  	(tag) =	ssettag $0x1  }
0x1: {  	s5 =	rddreg [dreg:$0x0]  }
0x2: {  	s12 =	rddreg [dreg:$0x1];
	s0 =	srdreg.scid  }
0x3: {  	s2 =	rddreg [dreg:$0x2];
	s1 =	stileid.u32  }
0x4: {  	s3 =	simm.s32 $0x0;
	s18 =	simm.s32 $0x1400;
	s19 =	simm.s32 $0x80  }
0x5: {  	s20 =	simm.s32 $0x6800;
	s21 =	simm.s32 $0x1;
	s22 =	simm.s32 $0x3  }
0x6: {  	s23 =	simm.s32 $0x2;
	s24 =	simm.s32 $0x4;
	s25 =	simm.s32 $0x2700  }
0x7: {  	s6 =	sand.u32 $0x1, s0;
	s0 =	rddreg [dreg:$0x3];
	s8 =	smul.u32 $0x14000, s1  }
0x8: {  	[smem:$0x7FF] =	sst s3;
	s4 =	sadd.s32 $0xD6000, s5;
	s26 =	smul.u32 $0x50000, s1  }
0x9: {  	s13 =	sadd.s32 $0x2C00, s5;
	s29 =	sshll.u32 s1, $0x1;
	s7 =	smul.u32 $0x140000, s6  }
0xa: {  	_ =	strace $0x8000004D;
	s28 =	ssub.s32 $0x2, s6;
	s10 =	sor.u32 s6, s29  }
0xb: {  	s9 =	sshrl.u32 s28, $0x1;
	s30 =	sshrl.u32 s26, $0x2;
	s11 =	smul.u32 $0x2800, s10  }
0xc: {  	s16 =	smul.u32 $0x500, s10;
	s26 =	simm.s32 $0x2780;
	s7 =	sadd.s32 s8, s7  }
0xd: {  	s15 =	ssub.s32 s28, s9;
	s7 =	sshrl.u32 s7, $0x3;
	s17 =	sshrl.u32 s11, $0x3  }
0xe: {  	s10 =	sadd.s32 s12, s16;
	s11 =	sadd.s32 s13, s16;
	s15 =	smax.u32 s15, $0x1  }
0xf: {  	s16 =	simm.s32 $0x2800;
	s14 =	sadd.s32 s7, s5;
	s5 =	sadd.s32 s30, s2  }
0x10: {  	s31 =	sadd.s32 $0x280, s17;
	s17 =	simm.s32 $0x5;
	s6 =	sadd.s32 $0x4000, s5  }
0x11: {  	s7 =	sadd.s32 $0x8000, s5;
	s8 =	sadd.s32 $0xC000, s5;
	s9 =	sadd.s32 $0x10000, s5  }
0x12: {  	v0 =	vimm.f32 $0.0e+00;
	s12 =	sadd.s32 s12, s31;
	s13 =	sadd.s32 s13, s31;
	s14 =	sadd.s32 $0xCC00, s14  }
.LBB2_1:
0x13: {  	s28 =	simm.s32 $0x0;
	s29 =	simm.s32 $0x200  }
.LBB2_2:
0x14: {  	p0 =	sne.s32 s29, $0xFE00;
	[tilespmem:s28+$0x2870] =	vst v0  }
0x15: {  	[tilespmem:s28+$0x2800] =	vst v0  }
0x16: {  	[tilespmem:s28+$0x2810] =	vst v0  }
.Ltmp0:
0x17: {  	[tilespmem:s28+$0x2820] =	vst v0;
	(pc) =	sbr.rel @p0 .LBB2_2-.Ltmp0, $4  }
0x18: {  	[tilespmem:s28+$0x2830] =	vst v0  }
0x19: {  	[tilespmem:s28+$0x2840] =	vst v0  }
0x1a: {  	[tilespmem:s28+$0x2850] =	vst v0  }
0x1b: {  	[tilespmem:s28+$0x2860] =	vst v0;
	s28 =	sshra.s32 s29, $0x2;
	s29 =	sadd.s32 $0x200, s29  }
0x1c: {  	[tilespmem:s28+$0x2870] =	vst v0  }
0x1d: {  	[tilespmem:s28+$0x2800] =	vst v0  }
0x1e: {  	[tilespmem:s28+$0x2810] =	vst v0  }
0x1f: {  	[tilespmem:s28+$0x2820] =	vst v0  }
0x20: {  	[tilespmem:s28+$0x2830] =	vst v0  }
0x21: {  	[tilespmem:s28+$0x2840] =	vst v0  }
0x22: {  	[tilespmem:s28+$0x2850] =	vst v0  }
0x23: {  	[tilespmem:s28+$0x2860] =	vst v0  }
0x24: {  	[spmem:s5] =	stream.linear.scatter [tilespmem:s16], [sflag:$0x5], $0x4000, $0x38;
	[tilespmem:$0x1E800] =	vst v63  }
0x25: {  	_ =	swait.ge [sflag:s17], $0x4000  }
0x26: {  	[sflag:s17] =	ssyncset.done $0x0  }
0x27: {  	[sflag:s17] =	ssyncadd.s32 $0xFFFFC000  }
0x28: {  	[spmem:s6] =	stream.linear.scatter [tilespmem:s16], [sflag:$0x5], $0x4000, $0x38;
	[tilespmem:$0x1E800] =	vst v63  }
0x29: {  	_ =	swait.ge [sflag:s17], $0x4000  }
0x2a: {  	[sflag:s17] =	ssyncset.done $0x0  }
0x2b: {  	[sflag:s17] =	ssyncadd.s32 $0xFFFFC000  }
0x2c: {  	[spmem:s7] =	stream.linear.scatter [tilespmem:s16], [sflag:$0x5], $0x4000, $0x38;
	[tilespmem:$0x1E800] =	vst v63  }
0x2d: {  	_ =	swait.ge [sflag:s17], $0x4000  }
0x2e: {  	[sflag:s17] =	ssyncset.done $0x0  }
0x2f: {  	[sflag:s17] =	ssyncadd.s32 $0xFFFFC000  }
0x30: {  	[spmem:s8] =	stream.linear.scatter [tilespmem:s16], [sflag:$0x5], $0x4000, $0x38;
	[tilespmem:$0x1E800] =	vst v63  }
0x31: {  	_ =	swait.ge [sflag:s17], $0x4000  }
0x32: {  	[sflag:s17] =	ssyncset.done $0x0  }
0x33: {  	[sflag:s17] =	ssyncadd.s32 $0xFFFFC000  }
0x34: {  	[spmem:s9] =	stream.linear.scatter [tilespmem:s16], [sflag:$0x5], $0x4000, $0x38;
	[tilespmem:$0x1E800] =	vst v63  }
0x35: {  	_ =	swait.ge [sflag:s17], $0x4000  }
0x36: {  	[sflag:s17] =	ssyncset.done $0x0  }
0x37: {  	[sflag:s17] =	ssyncadd.s32 $0xFFFFC000  }
0x38: {  	s28 =	simm.s32 $0x0;
	[bflag:$0x0] =	sbarrier.arrive $0xFFFF  }
0x39: {  	[tilespmem:s28], [sflag:$0x5] =	stream.linear.gather [hbm4b:s10+s28], $0x1400, $0x38;
	[tilespmem:$0x1E800] =	vst v63  }
0x3a: {  	_ =	swait.ge [sflag:s17], $0x1400  }
0x3b: {  	[sflag:s17] =	ssyncset.done $0x0  }
0x3c: {  	[sflag:s17] =	ssyncadd.s32 $0xFFFFEC00  }
0x3d: {  	[tilespmem:s18], [sflag:$0x5] =	stream.linear.gather [hbm4b:s11+s28], $0x1400, $0x38;
	[tilespmem:$0x1E800] =	vst v63  }
0x3e: {  	_ =	swait.ge [sflag:s17], $0x1400  }
0x3f: {  	[sflag:s17] =	ssyncset.done $0x0  }
0x40: {  	[sflag:s17] =	ssyncadd.s32 $0xFFFFEC00  }
0x41: {  	[tilespmem:s16], [sflag:$0x1] =	stream.indirect.gather [hbm4b:s4+s19], $0x80, s28, s19, $0xb8;
	[tilespmem:$0x1E800] =	vst v63  }
0x42: {  	_ = 	snop  }
0x43: {  	[tilespmem:s20], [sflag:$0x2] =	stream.indirect.gather [hbm4b:s4+s19], $0x80, s19, s19, $0xb8;
	[tilespmem:$0x1E800] =	vst v63  }
0x44: {  	_ =	swait.ge [sflag:s21], $0x4000  }
0x45: {  	[sflag:s21] =	ssyncset.done $0x0  }
0x46: {  	s28 =	simm.s32 $0x1400;
	[sflag:s21] =	ssyncadd.s32 $0xFFFFC000  }
0x47: {  	[spmem:s2] =	stream.indirect.scatter.add.f32 [tilespmem:s16], [sflag:$0x3], $0x80, s28, s19, $0xb8;
	[tilespmem:$0x1E800] =	vst v63  }
0x48: {  	_ =	swait.ge [sflag:s22], $0x4000  }
0x49: {  	[sflag:s22] =	ssyncset.done $0x0  }
0x4a: {  	s28 =	simm.s32 $0x100;
	[sflag:s22] =	ssyncadd.s32 $0xFFFFC000  }
0x4b: {  	[tilespmem:s16], [sflag:$0x1] =	stream.indirect.gather [hbm4b:s4+s19], $0x80, s28, s19, $0xb8;
	[tilespmem:$0x1E800] =	vst v63  }
0x4c: {  	_ =	swait.ge [sflag:s23], $0x4000  }
0x4d: {  	[sflag:s23] =	ssyncset.done $0x0  }
0x4e: {  	s28 =	simm.s32 $0x1480;
	[sflag:s23] =	ssyncadd.s32 $0xFFFFC000  }
0x4f: {  	[spmem:s2] =	stream.indirect.scatter.add.f32 [tilespmem:s20], [sflag:$0x4], $0x80, s28, s19, $0xb8;
	[tilespmem:$0x1E800] =	vst v63  }
0x50: {  	_ =	swait.ge [sflag:s24], $0x4000  }
0x51: {  	[sflag:s24] =	ssyncset.done $0x0  }
0x52: {  	s29 =	simm.s32 $0x180;
	s28 =	simm.s32 $0x400;
	[sflag:s24] =	ssyncadd.s32 $0xFFFFC000  }
.LBB2_4:
0x53: {  	[tilespmem:s20], [sflag:$0x2] =	stream.indirect.gather [hbm4b:s4+s19], $0x80, s29, s19, $0xb8;
	[tilespmem:$0x1E800] =	vst v63  }
0x54: {  	s29 =	smov.u32 s28  }
0x55: {  	p0 =	sne.s32 s28, $0x4800;
	s28 =	sadd.s32 $0x400, s28;
	_ =	swait.ge [sflag:s21], $0x4000  }
0x56: {  	s29 =	sshra.s32 s29, $0x2;
	[sflag:s21] =	ssyncset.done $0x0  }
0x57: {  	s30 =	sadd.s32 $0x1400, s29;
	[sflag:s21] =	ssyncadd.s32 $0xFFFFC000  }
0x58: {  	[spmem:s2] =	stream.indirect.scatter.add.f32 [tilespmem:s16], [sflag:$0x3], $0x80, s30, s19, $0xb8;
	[tilespmem:$0x1E800] =	vst v63  }
0x59: {  	_ =	swait.ge [sflag:s22], $0x4000  }
0x5a: {  	[sflag:s22] =	ssyncset.done $0x0  }
0x5b: {  	s30 =	sadd.s32 $0x100, s29;
	[sflag:s22] =	ssyncadd.s32 $0xFFFFC000  }
0x5c: {  	[tilespmem:s16], [sflag:$0x1] =	stream.indirect.gather [hbm4b:s4+s19], $0x80, s30, s19, $0xb8;
	[tilespmem:$0x1E800] =	vst v63  }
0x5d: {  	_ =	swait.ge [sflag:s23], $0x4000  }
0x5e: {  	[sflag:s23] =	ssyncset.done $0x0  }
.Ltmp1:
0x5f: {  	s30 =	sadd.s32 $0x1480, s29;
	[sflag:s23] =	ssyncadd.s32 $0xFFFFC000;
	(pc) =	sbr.rel @p0 .LBB2_4-.Ltmp1, $4  }
0x60: {  	[spmem:s2] =	stream.indirect.scatter.add.f32 [tilespmem:s20], [sflag:$0x4], $0x80, s30, s19, $0xb8;
	[tilespmem:$0x1E800] =	vst v63  }
0x61: {  	_ =	swait.ge [sflag:s24], $0x4000  }
0x62: {  	[sflag:s24] =	ssyncset.done $0x0  }
0x63: {  	s29 =	sadd.s32 $0x180, s29;
	[sflag:s24] =	ssyncadd.s32 $0xFFFFC000  }
0x64: {  	[tilespmem:s20], [sflag:$0x2] =	stream.indirect.gather [hbm4b:s4+s19], $0x80, s29, s19, $0xb8;
	[tilespmem:$0x1E800] =	vst v63  }
0x65: {  	_ =	swait.ge [sflag:s21], $0x4000  }
0x66: {  	[sflag:s21] =	ssyncset.done $0x0  }
0x67: {  	[sflag:s21] =	ssyncadd.s32 $0xFFFFC000  }
0x68: {  	[spmem:s2] =	stream.indirect.scatter.add.f32 [tilespmem:s16], [sflag:$0x3], $0x80, s25, s19, $0xb8;
	[tilespmem:$0x1E800] =	vst v63  }
0x69: {  	_ =	swait.ge [sflag:s23], $0x4000  }
0x6a: {  	[sflag:s23] =	ssyncset.done $0x0  }
0x6b: {  	[sflag:s23] =	ssyncadd.s32 $0xFFFFC000  }
0x6c: {  	[spmem:s2] =	stream.indirect.scatter.add.f32 [tilespmem:s20], [sflag:$0x4], $0x80, s26, s19, $0xb8;
	[tilespmem:$0x1E800] =	vst v63  }
0x6d: {  	_ =	swait.ge [sflag:s22], $0x4000  }
0x6e: {  	[sflag:s22] =	ssyncset.done $0x0  }
0x6f: {  	[sflag:s22] =	ssyncadd.s32 $0xFFFFC000  }
0x70: {  	_ =	swait.ge [sflag:s24], $0x4000  }
0x71: {  	[sflag:s24] =	ssyncset.done $0x0  }
0x72: {  	s28 =	simm.s32 $0x0;
	[sflag:s24] =	ssyncadd.s32 $0xFFFFC000  }
0x73: {  	[tilespmem:s28], [sflag:$0x5] =	stream.linear.gather [hbm4b:s12+s28], $0x1400, $0x38;
	[tilespmem:$0x1E800] =	vst v63  }
0x74: {  	_ =	swait.ge [sflag:s17], $0x1400  }
0x75: {  	[sflag:s17] =	ssyncset.done $0x0  }
0x76: {  	[sflag:s17] =	ssyncadd.s32 $0xFFFFEC00  }
0x77: {  	[tilespmem:s18], [sflag:$0x5] =	stream.linear.gather [hbm4b:s13+s28], $0x1400, $0x38;
	[tilespmem:$0x1E800] =	vst v63  }
0x78: {  	_ =	swait.ge [sflag:s17], $0x1400  }
0x79: {  	[sflag:s17] =	ssyncset.done $0x0  }
0x7a: {  	[sflag:s17] =	ssyncadd.s32 $0xFFFFEC00  }
0x7b: {  	[tilespmem:s16], [sflag:$0x1] =	stream.indirect.gather [hbm4b:s4+s19], $0x80, s28, s19, $0xb8;
	[tilespmem:$0x1E800] =	vst v63  }
0x7c: {  	_ = 	snop  }
0x7d: {  	[tilespmem:s20], [sflag:$0x2] =	stream.indirect.gather [hbm4b:s4+s19], $0x80, s19, s19, $0xb8;
	[tilespmem:$0x1E800] =	vst v63  }
0x7e: {  	_ =	swait.ge [sflag:s21], $0x4000  }
0x7f: {  	[sflag:s21] =	ssyncset.done $0x0  }
0x80: {  	s28 =	simm.s32 $0x1400;
	[sflag:s21] =	ssyncadd.s32 $0xFFFFC000  }
0x81: {  	[spmem:s2] =	stream.indirect.scatter.add.f32 [tilespmem:s16], [sflag:$0x3], $0x80, s28, s19, $0xb8;
	[tilespmem:$0x1E800] =	vst v63  }
0x82: {  	_ =	swait.ge [sflag:s22], $0x4000  }
0x83: {  	[sflag:s22] =	ssyncset.done $0x0  }
0x84: {  	s28 =	simm.s32 $0x100;
	[sflag:s22] =	ssyncadd.s32 $0xFFFFC000  }
0x85: {  	[tilespmem:s16], [sflag:$0x1] =	stream.indirect.gather [hbm4b:s4+s19], $0x80, s28, s19, $0xb8;
	[tilespmem:$0x1E800] =	vst v63  }
0x86: {  	_ =	swait.ge [sflag:s23], $0x4000  }
0x87: {  	[sflag:s23] =	ssyncset.done $0x0  }
0x88: {  	s28 =	simm.s32 $0x1480;
	[sflag:s23] =	ssyncadd.s32 $0xFFFFC000  }
0x89: {  	[spmem:s2] =	stream.indirect.scatter.add.f32 [tilespmem:s20], [sflag:$0x4], $0x80, s28, s19, $0xb8;
	[tilespmem:$0x1E800] =	vst v63  }
0x8a: {  	_ =	swait.ge [sflag:s24], $0x4000  }
0x8b: {  	[sflag:s24] =	ssyncset.done $0x0  }
0x8c: {  	s29 =	simm.s32 $0x180;
	s28 =	simm.s32 $0x400;
	[sflag:s24] =	ssyncadd.s32 $0xFFFFC000  }
.LBB2_6:
0x8d: {  	[tilespmem:s20], [sflag:$0x2] =	stream.indirect.gather [hbm4b:s4+s19], $0x80, s29, s19, $0xb8;
	[tilespmem:$0x1E800] =	vst v63  }
0x8e: {  	s29 =	smov.u32 s28  }
0x8f: {  	p0 =	sne.s32 s28, $0x4800;
	s28 =	sadd.s32 $0x400, s28;
	_ =	swait.ge [sflag:s21], $0x4000  }
0x90: {  	s29 =	sshra.s32 s29, $0x2;
	[sflag:s21] =	ssyncset.done $0x0  }
0x91: {  	s30 =	sadd.s32 $0x1400, s29;
	[sflag:s21] =	ssyncadd.s32 $0xFFFFC000  }
0x92: {  	[spmem:s2] =	stream.indirect.scatter.add.f32 [tilespmem:s16], [sflag:$0x3], $0x80, s30, s19, $0xb8;
	[tilespmem:$0x1E800] =	vst v63  }
0x93: {  	_ =	swait.ge [sflag:s22], $0x4000  }
0x94: {  	[sflag:s22] =	ssyncset.done $0x0  }
0x95: {  	s30 =	sadd.s32 $0x100, s29;
	[sflag:s22] =	ssyncadd.s32 $0xFFFFC000  }
0x96: {  	[tilespmem:s16], [sflag:$0x1] =	stream.indirect.gather [hbm4b:s4+s19], $0x80, s30, s19, $0xb8;
	[tilespmem:$0x1E800] =	vst v63  }
0x97: {  	_ =	swait.ge [sflag:s23], $0x4000  }
0x98: {  	[sflag:s23] =	ssyncset.done $0x0  }
.Ltmp2:
0x99: {  	s30 =	sadd.s32 $0x1480, s29;
	[sflag:s23] =	ssyncadd.s32 $0xFFFFC000;
	(pc) =	sbr.rel @p0 .LBB2_6-.Ltmp2, $4  }
0x9a: {  	[spmem:s2] =	stream.indirect.scatter.add.f32 [tilespmem:s20], [sflag:$0x4], $0x80, s30, s19, $0xb8;
	[tilespmem:$0x1E800] =	vst v63  }
0x9b: {  	_ =	swait.ge [sflag:s24], $0x4000  }
0x9c: {  	[sflag:s24] =	ssyncset.done $0x0  }
0x9d: {  	s29 =	sadd.s32 $0x180, s29;
	[sflag:s24] =	ssyncadd.s32 $0xFFFFC000  }
0x9e: {  	[tilespmem:s20], [sflag:$0x2] =	stream.indirect.gather [hbm4b:s4+s19], $0x80, s29, s19, $0xb8;
	[tilespmem:$0x1E800] =	vst v63  }
0x9f: {  	_ =	swait.ge [sflag:s21], $0x4000  }
0xa0: {  	[sflag:s21] =	ssyncset.done $0x0  }
0xa1: {  	[sflag:s21] =	ssyncadd.s32 $0xFFFFC000  }
0xa2: {  	[spmem:s2] =	stream.indirect.scatter.add.f32 [tilespmem:s16], [sflag:$0x3], $0x80, s25, s19, $0xb8;
	[tilespmem:$0x1E800] =	vst v63  }
0xa3: {  	_ =	swait.ge [sflag:s23], $0x4000  }
0xa4: {  	[sflag:s23] =	ssyncset.done $0x0  }
0xa5: {  	[sflag:s23] =	ssyncadd.s32 $0xFFFFC000  }
0xa6: {  	[spmem:s2] =	stream.indirect.scatter.add.f32 [tilespmem:s20], [sflag:$0x4], $0x80, s26, s19, $0xb8;
	[tilespmem:$0x1E800] =	vst v63  }
0xa7: {  	_ =	swait.ge [sflag:s22], $0x4000  }
0xa8: {  	[sflag:s22] =	ssyncset.done $0x0  }
0xa9: {  	[sflag:s22] =	ssyncadd.s32 $0xFFFFC000  }
0xaa: {  	_ =	swait.ge [sflag:s24], $0x4000  }
0xab: {  	s28 =	sshll.u32 s1, $0x6;
	s3 =	sadd.s32 $0x1, s3;
	[sflag:s24] =	ssyncset.done $0x0  }
0xac: {  	s31 =	sshrl.u32 s5, $0x3;
	p0 =	sne.s32 s3, s15;
	[sflag:s24] =	ssyncadd.s32 $0xFFFFC000  }
.Ltmp3:
0xad: {  	s28 =	sor.u32 $0x1C05, s28;
	[bflag:$0x0] =	sbarrier.arrive $0xFFFF;
	(pc) =	sbr.rel @p0 .LBB2_1-.Ltmp3, $4  }
0xae: {  	[hbm:s14], [sflag:s28] =	dma.local [spmem:s31], $0x2800  }
0xaf: {  	_ =	swait.ge [sflag:s17], $0x2800  }
0xb0: {  	[sflag:s17] =	ssyncset.done $0x0  }
0xb1: {  	[sflag:s17] =	ssyncadd.s32 $0xFFFFD800  }
0xb2: {  	_ =	sfence.sel $0x180000  }
0xb3: {  	[bflag:$0x0] =	sbarrier.arrive $0xFFFF  }
0xb4: {  	p0 =	sne.s32 s1, $0x0;
	_ =	strace $0x9000004D  }
0xb5: {  	s0 =	sadd.s32 @!p0 $0x100000, s0;
	[bflag:$0x2] =	sbarrier.arrive $0xFFFF  }
0xb6: {  	[sflag:s0] =	ssyncadd.tile.s32 @!p0 $0x1;
	_ =	shalt  }
.Lfunc_end2:
_tile_overlayer_lowered:
.L_overlay_start_2:
0xb7: {  	(tag) =	ssettag $0x2  }
0xb8: {  	s0 =	rddreg [dreg:$0x0];
	s2 =	stileid.u32  }
0xb9: {  	s1 =	rddreg [dreg:$0x1];
	p0 =	sne.s32 s2, $0x0  }
0xba: {  	s3 =	rddreg [dreg:$0x2];
	[bflag:$0x3] =	sbarrier.arrive $0xFFFF;
	s2 =	simm.s32 @!p0 $0x1C05  }
0xbb: {  	[timem:s3], [sflag:s2] =	dma.local @!p0 [hbm:s0], s1  }
0xbc: {  	s0 =	simm.s32 @!p0 $0x5  }
0xbd: {  	_ =	swait.ge @!p0 [sflag:s0], s1  }
0xbe: {  	s1 =	ssub.s32 @!p0 $0x0, s1;
	[sflag:s0] =	ssyncset.done @!p0 $0x0  }
0xbf: {  	[sflag:s0] =	ssyncadd.s32 @!p0 s1  }
0xc0: {  	[bflag:$0x3] =	sbarrier.arrive $0xFFFF  }
0xc1: {  	_ =	shalt  }

// kernel: kernel.23.cloned.1.call-start
scs
__scs_entry_jumppad:
0x0: {  	(pc) =	sbr.rel $0x88, $3  }
0x1: {  	(tag) =	ssettag $0x0;
	lr =	simm.s32 $0x1  }
0x2: {  	[smem:$0x3F99] =	sst lr;
	_ =	strace $0xD0000000  }
0x3: {  	_ = 	snop  }
0x4: {  	_ = 	snop  }
0x5: {  	_ = 	snop  }
0x6: {  	_ = 	snop  }
0x7: {  	_ = 	snop  }
__scs_overlays_trampoline_lowered:
0x8: {  	[smem:$0x3FA8] =	sst s0  }
0x9: {  	[smem:$0x3FA9] =	sst s1  }
0xa: {  	[smem:$0x3FAA] =	sst s2  }
0xb: {  	[smem:$0x3FAB] =	sst s3  }
0xc: {  	[smem:$0x3FAC] =	sst s4  }
0xd: {  	[smem:$0x3FAD] =	sst s5  }
0xe: {  	[smem:$0x3FAE] =	sst s6  }
0xf: {  	[smem:$0x3FAF] =	sst s7  }
0x10: {  	[smem:$0x3FB0] =	sst s8  }
0x11: {  	[smem:$0x3FB1] =	sst s9;
	s0 =	simm.s32 @!p0 $0x0  }
0x12: {  	s1 =	sld [smem:$0x3F97];
	s0 =	simm.s32 @p0 $0x1  }
0x13: {  	[smem:$0x3FB2] =	sst s0;
	s0 =	simm.s32 @!p1 $0x0  }
0x14: {  	s2 =	sld [smem:$0x3F96];
	s0 =	simm.s32 @p1 $0x1  }
0x15: {  	[smem:$0x3FB3] =	sst s0;
	s0 =	simm.s32 @!p2 $0x0  }
0x16: {  	s3 =	sld [smem:$0x3FDB];
	s0 =	simm.s32 @p2 $0x1  }
0x17: {  	s4 =	simm.s32 $0x1BF5;
	[smem:$0x3FB5] =	sst s0  }
0x18: {  	s0 =	sld [smem:$0x3F98];
	_ =	swait.ge [sflag:s4], $0x0  }
0x19: {  	s7 =	sld [smem:$0x3F99]  }
0x1a: {  	s8 =	sadd.s32 $0xFFFFE003, lr  }
0x1b: {  	s9 =	sadd.s32 $0xFFFFFEF7, lr;
	s5 =	simm.s32 $0xFFFFFFFF;
	p2 =	slt.u32 s8, $0xFFFFF086  }
0x1c: {  	p1 =	slt.u32 s9, $0xF7A;
	s5 =	simm.s32 @!p2 $0x0  }
0x1d: {  	s5 =	simm.s32 @p1 $0x1;
	p0 =	seq.s32 s7, s2  }
0x1e: {  	s7 =	smul.u32 @!p0 $0xF7A, s2;
	p2 =	seq.s32 @!p0 s5, $0x0  }
0x1f: {  	s9 =	smul.u32 $0xF7A, s1;
	s8 =	simm.s32 @!p0 $0x1BF5;
	p2 =	por !p2, p0  }
0x20: {  	[sflag:s8] =	ssyncset.s32 @!p0 $0xFFFFF086;
	s6 =	sadd.s32 @!p0 s3, s7;
	s7 =	simm.s32 @!p0 $0x108  }
0x21: {  	s3 =	sadd.s32 s3, s9;
	s6 =	sadd.s32 @!p0 $0x88, s6;
	s7 =	simm.s32 @p2 $0x1082  }
0x22: {  	[simem:s7], [sflag:s8] =	dma.local @!p0 [hbm:s6], $0xF7A  }
0x23: {  	s9 =	sor.u32 $0xD0000000, s2;
	s6 =	simm.s32 $0x108;
	_ =	swait.ge @!p0 [sflag:s8], $0x0  }
0x24: {  	s3 =	sadd.s32 $0x88, s3;
	s6 =	simm.s32 @!p1 $0x1082;
	[sflag:s4] =	ssyncset.s32 $0xFFFFF086  }
0x25: {  	[simem:s6], [sflag:s4] =	dma.local [hbm:s3], $0xF7A  }
0x26: {  	[smem:$0x3F99] =	sst s1;
	(tag) =	ssettag s2;
	_ =	strace s9  }
0x27: {  	s1 =	sld [smem:$0x3FA9]  }
0x28: {  	s2 =	sld [smem:$0x3FAA]  }
0x29: {  	s4 =	sld [smem:$0x3FAC]  }
0x2a: {  	p0 =	seq.s32 s5, $0x0;
	s5 =	sld [smem:$0x3FAD]  }
0x2b: {  	s6 =	sld [smem:$0x3FAE]  }
0x2c: {  	s7 =	sld [smem:$0x3FAF]  }
0x2d: {  	s3 =	simm.s32 $0x108;
	s8 =	sld [smem:$0x3FB0]  }
0x2e: {  	s3 =	simm.s32 @!p0 $0x1082;
	s9 =	sld [smem:$0x3FB1]  }
0x2f: {  	lr =	sadd.s32 s0, s3;
	s0 =	sld [smem:$0x3FA8]  }
0x30: {  	s3 =	sld [smem:$0x3FAB]  }
0x31: {  	[smem:$0x3FB4] =	sst s10  }
0x32: {  	s10 =	sld [smem:$0x3FB2];
	_ =	sdelay $0x3  }
0x33: {  	p0 =	seq.s32 s10, $0x1;
	s10 =	sld [smem:$0x3FB4];
	_ =	sdelay $0x3  }
0x34: {  	[smem:$0x3FB4] =	sst s10  }
0x35: {  	s10 =	sld [smem:$0x3FB3];
	_ =	sdelay $0x3  }
0x36: {  	p1 =	seq.s32 s10, $0x1;
	s10 =	sld [smem:$0x3FB4];
	_ =	sdelay $0x3  }
0x37: {  	[smem:$0x3FB4] =	sst s10  }
0x38: {  	s10 =	sld [smem:$0x3FB5]  }
0x39: {  	_ = 	snop;
	(pc) =	sbr.ind lr, $3  }
0x3a: {  	_ = 	snop  }
0x3b: {  	_ = 	snop  }
0x3c: {  	p2 =	seq.s32 s10, $0x1;
	s10 =	sld [smem:$0x3FB4]  }
0x3d: {  	_ =	shalt  }
0x3e: {  	_ =	shalt  }
0x3f: {  	_ =	shalt  }
0x40: {  	_ =	shalt  }
0x41: {  	_ =	shalt  }
0x42: {  	_ =	shalt  }
0x43: {  	_ =	shalt  }
0x44: {  	_ =	shalt  }
0x45: {  	_ =	shalt  }
0x46: {  	_ =	shalt  }
0x47: {  	_ =	shalt  }
0x48: {  	_ =	shalt  }
0x49: {  	_ =	shalt  }
0x4a: {  	_ =	shalt  }
0x4b: {  	_ =	shalt  }
0x4c: {  	_ =	shalt  }
0x4d: {  	_ =	shalt  }
0x4e: {  	_ =	shalt  }
0x4f: {  	_ =	shalt  }
0x50: {  	_ =	shalt  }
0x51: {  	_ =	shalt  }
0x52: {  	_ =	shalt  }
0x53: {  	_ =	shalt  }
0x54: {  	_ =	shalt  }
0x55: {  	_ =	shalt  }
0x56: {  	_ =	shalt  }
0x57: {  	_ =	shalt  }
0x58: {  	_ =	shalt  }
0x59: {  	_ =	shalt  }
0x5a: {  	_ =	shalt  }
0x5b: {  	_ =	shalt  }
0x5c: {  	_ =	shalt  }
0x5d: {  	_ =	shalt  }
0x5e: {  	_ =	shalt  }
0x5f: {  	_ =	shalt  }
0x60: {  	_ =	shalt  }
0x61: {  	_ =	shalt  }
0x62: {  	_ =	shalt  }
0x63: {  	_ =	shalt  }
0x64: {  	_ =	shalt  }
0x65: {  	_ =	shalt  }
0x66: {  	_ =	shalt  }
0x67: {  	_ =	shalt  }
0x68: {  	_ =	shalt  }
0x69: {  	_ =	shalt  }
0x6a: {  	_ =	shalt  }
0x6b: {  	_ =	shalt  }
0x6c: {  	_ =	shalt  }
0x6d: {  	_ =	shalt  }
0x6e: {  	_ =	shalt  }
0x6f: {  	_ =	shalt  }
0x70: {  	_ =	shalt  }
0x71: {  	_ =	shalt  }
0x72: {  	_ =	shalt  }
0x73: {  	_ =	shalt  }
0x74: {  	_ =	shalt  }
0x75: {  	_ =	shalt  }
0x76: {  	_ =	shalt  }
0x77: {  	_ =	shalt  }
0x78: {  	_ =	shalt  }
0x79: {  	_ =	shalt  }
0x7a: {  	_ =	shalt  }
0x7b: {  	_ =	shalt  }
0x7c: {  	_ =	shalt  }
0x7d: {  	_ =	shalt  }
0x7e: {  	_ =	shalt  }
0x7f: {  	_ =	shalt  }
0x80: {  	_ =	shalt  }
0x81: {  	_ =	shalt  }
0x82: {  	_ =	shalt  }
0x83: {  	_ =	shalt  }
0x84: {  	_ =	shalt  }
0x85: {  	_ =	shalt  }
0x86: {  	_ =	shalt  }
0x87: {  	_ =	shalt  }
.Lfunc_end0:
.L_simem_size_0:
called_computation.3_lowered:
.L_overlay_start_0:
0x88: {  	s2 =	sld [smem:$0x3FD9]  }
0x89: {  	s3 =	sld [smem:$0x3FFE];
	_ =	sdelay $0x1  }
0x8a: {  	s1 =	srdreg.scid  }
0x8b: {  	s0 =	sand.u32 $0x1, s1  }
0x8c: {  	s17 =	sshll.u32 s0, $0xA;
	s2 =	sadd.s32 s3, s2  }
0x8d: {  	s2 =	sadd.s32 s2, s17  }
0x8e: {  	[smem:$0x3FC0] =	sst s2  }
0x8f: {  	_ = 	snop  }
0x90: {  	s2 =	sld [smem:$0x3FD0];
	(tm) =	ssettm $0x1  }
0x91: {  	s18 =	sld [smem:$0x3FFB];
	_ =	sdelay $0x3  }
0x92: {  	_ =	strace s18  }
0x93: {  	s3 =	sld [smem:$0x3FFC];
	_ =	sdelay $0x3  }
0x94: {  	_ =	strace s3  }
0x95: {  	s3 =	sld [smem:$0x3FFD];
	_ =	sdelay $0x3  }
0x96: {  	_ =	strace s3  }
0x97: {  	_ =	strace $0x8FFFFFFF  }
0x98: {  	s19 =	sld [smem:$0x3FDB];
	_ =	sdelay $0x1  }
0x99: {  	s4 =	simm.s32 $_scs_section_size  }
0x9a: {  	s5 =	simm.s32 $_size__tile_overlayer_lowered;
	s6 =	simm.s32 $_tile_overlayer_lowered  }
0x9b: {  	s22 =	simm.s32 $0x1BFF;
	s21 =	sshll.u32 s6, $0x1;
	s3 =	sadd.s32 s4, s19  }
0x9c: {  	s7 =	simm.s32 $0x0;
	s20 =	sshll.u32 s5, $0x1;
	s5 =	sadd.s32 s21, s3  }
0x9d: {  	[timem:s7], [sflag:s22] =	dma.local [hbm:s5], s20  }
0x9e: {  	_ =	swait.ge [sflag:s22], s20  }
0x9f: {  	s4 =	ssub.s32 $0x0, s20;
	[sflag:s22] =	ssyncset.done $0x0  }
0xa0: {  	[sflag:s22] =	ssyncadd.s32 s4;
	_ =	sdelay $0x1  }
0xa1: {  	s23 =	simm.s32 $0x1B8B  }
0xa2: {  	_ =	swait.ge [sflag:s23], $0x1  }
0xa3: {  	[sflag:s23] =	ssyncset.done $0x0  }
0xa4: {  	s25 =	simm.s32 $0x1B8E;
	s24 =	sld [smem:$0x3FFE];
	[sflag:s23] =	ssyncadd.s32 $0xFFFFFFFF  }
0xa5: {  	s26 =	simm.s32 $execute0_lowered;
	[smem:$0x3FD2] =	sst s25  }
0xa6: {  	s5 =	sshll.u32 s26, $0x1;
	_ =	strace $0x8000004F;
	[dreg:$0x1] =	wrdreg $0xFFFFFFFF  }
0xa7: {  	s28 =	simm.s32 $_size_execute0_lowered;
	s3 =	sadd.s32 s3, s5;
	[dreg:$0x0] =	wrdreg $0x0  }
0xa8: {  	s5 =	sshll.u32 s28, $0x1;
	[dreg:$0x2] =	wrdreg s3  }
0xa9: {  	[dreg:$0x3] =	wrdreg s5  }
0xaa: {  	[dreg:$0x4] =	wrdreg $0xC0  }
0xab: {  	_ =	task [dreg:s7], $0x5FFFF  }
0xac: {  	[dreg:$0x1] =	wrdreg $0xFFFFFFFF  }
0xad: {  	[dreg:$0x0] =	wrdreg $0x60  }
0xae: {  	[dreg:$0x2] =	wrdreg s24  }
0xaf: {  	[dreg:$0x3] =	wrdreg s2  }
0xb0: {  	[dreg:$0x4] =	wrdreg $0xA8000  }
0xb1: {  	[dreg:$0x5] =	wrdreg $0x9  }
0xb2: {  	_ =	task.clear_ibuf [dreg:s7], $0x6FFFF;
	_ =	strace $0x9000004F  }
0xb3: {  	s29 =	simm.s32 $0x9;
	_ =	strace $0x80000051  }
0xb4: {  	_ =	swait.ge [sflag:s29], $0x1  }
0xb5: {  	[sflag:s29] =	ssyncadd.s32 $0xFFFFFFFF  }
0xb6: {  	_ =	strace $0x90000051  }
0xb7: {  	_ =	sfence  }
0xb8: {  	s30 =	sld [smem:$0x0];
	_ =	sdelay $0x2  }
0xb9: {  	s31 =	sshll.u32 s1, $0xD;
	s1 =	sshrl.u32 s1, $0x2  }
0xba: {  	s3 =	sand.u32 $0x4000, s31;
	s1 =	sadd.s32 s1, s30  }
0xbb: {  	s0 =	sor.u32 s3, s0;
	s1 =	sshll.u32 s1, $0x11  }
0xbc: {  	s0 =	sor.u32 s1, s0  }
0xbd: {  	s0 =	sadd.s32 $0x8F2B, s0  }
0xbe: {  	[sflag:s0] =	ssyncadd.remote.s32 $0x1  }
0xbf: {  	_ =	sfence.sel $0xFFFF  }
0xc0: {  	[dreg:$0x0] =	wrdreg $0xFFFFFFFF;
	(pc) =	sbr.abs _section_cstart, $3  }
0xc1: {  	[dreg:$0x1] =	wrdreg $0xFFFFFFFF  }
0xc2: {  	_ =	task.clear_ibuf [dreg:s7], $0x2FFFF;
	_ =	strace $0x9FFFFFFF  }
0xc3: {  	(tm) =	ssettm $0x7FFFFFFF  }
tec
execute0_lowered:
.L_overlay_start_1:
0x0: {  	(tag) =	ssettag $0x1  }
0x1: {  	s5 =	rddreg [dreg:$0x0]  }
0x2: {  	s12 =	rddreg [dreg:$0x1];
	s0 =	srdreg.scid  }
0x3: {  	s2 =	rddreg [dreg:$0x2];
	s1 =	stileid.u32  }
0x4: {  	s3 =	simm.s32 $0x0;
	s18 =	simm.s32 $0x1400;
	s19 =	simm.s32 $0x80  }
0x5: {  	s20 =	simm.s32 $0x6800;
	s21 =	simm.s32 $0x1;
	s22 =	simm.s32 $0x3  }
0x6: {  	s23 =	simm.s32 $0x2;
	s24 =	simm.s32 $0x4;
	s25 =	simm.s32 $0x2700  }
0x7: {  	s6 =	sand.u32 $0x1, s0;
	s0 =	rddreg [dreg:$0x3];
	s8 =	smul.u32 $0x14000, s1  }
0x8: {  	[smem:$0x7FF] =	sst s3;
	s4 =	sadd.s32 $0x5F400, s5;
	s26 =	smul.u32 $0x50000, s1  }
0x9: {  	s13 =	sadd.s32 $0x2C00, s5;
	s29 =	sshll.u32 s1, $0x1;
	s7 =	smul.u32 $0x140000, s6  }
0xa: {  	_ =	strace $0x80000050;
	s28 =	ssub.s32 $0x2, s6;
	s10 =	sor.u32 s6, s29  }
0xb: {  	s9 =	sshrl.u32 s28, $0x1;
	s30 =	sshrl.u32 s26, $0x2;
	s11 =	smul.u32 $0x2800, s10  }
0xc: {  	s16 =	smul.u32 $0x500, s10;
	s26 =	simm.s32 $0x2780;
	s7 =	sadd.s32 s8, s7  }
0xd: {  	s15 =	ssub.s32 s28, s9;
	s7 =	sshrl.u32 s7, $0x3;
	s17 =	sshrl.u32 s11, $0x3  }
0xe: {  	s10 =	sadd.s32 s12, s16;
	s11 =	sadd.s32 s13, s16;
	s15 =	smax.u32 s15, $0x1  }
0xf: {  	s16 =	simm.s32 $0x2800;
	s14 =	sadd.s32 s7, s5;
	s5 =	sadd.s32 s30, s2  }
0x10: {  	s31 =	sadd.s32 $0x280, s17;
	s17 =	simm.s32 $0x5;
	s6 =	sadd.s32 $0x4000, s5  }
0x11: {  	s7 =	sadd.s32 $0x8000, s5;
	s8 =	sadd.s32 $0xC000, s5;
	s9 =	sadd.s32 $0x10000, s5  }
0x12: {  	v0 =	vimm.f32 $0.0e+00;
	s12 =	sadd.s32 s12, s31;
	s13 =	sadd.s32 s13, s31;
	s14 =	sadd.s32 $0xCC00, s14  }
.LBB2_1:
0x13: {  	s28 =	simm.s32 $0x0;
	s29 =	simm.s32 $0x200  }
.LBB2_2:
0x14: {  	p0 =	sne.s32 s29, $0xFE00;
	[tilespmem:s28+$0x2870] =	vst v0  }
0x15: {  	[tilespmem:s28+$0x2800] =	vst v0  }
0x16: {  	[tilespmem:s28+$0x2810] =	vst v0  }
.Ltmp0:
0x17: {  	[tilespmem:s28+$0x2820] =	vst v0;
	(pc) =	sbr.rel @p0 .LBB2_2-.Ltmp0, $4  }
0x18: {  	[tilespmem:s28+$0x2830] =	vst v0  }
0x19: {  	[tilespmem:s28+$0x2840] =	vst v0  }
0x1a: {  	[tilespmem:s28+$0x2850] =	vst v0  }
0x1b: {  	[tilespmem:s28+$0x2860] =	vst v0;
	s28 =	sshra.s32 s29, $0x2;
	s29 =	sadd.s32 $0x200, s29  }
0x1c: {  	[tilespmem:s28+$0x2870] =	vst v0  }
0x1d: {  	[tilespmem:s28+$0x2800] =	vst v0  }
0x1e: {  	[tilespmem:s28+$0x2810] =	vst v0  }
0x1f: {  	[tilespmem:s28+$0x2820] =	vst v0  }
0x20: {  	[tilespmem:s28+$0x2830] =	vst v0  }
0x21: {  	[tilespmem:s28+$0x2840] =	vst v0  }
0x22: {  	[tilespmem:s28+$0x2850] =	vst v0  }
0x23: {  	[tilespmem:s28+$0x2860] =	vst v0  }
0x24: {  	[spmem:s5] =	stream.linear.scatter [tilespmem:s16], [sflag:$0x5], $0x4000, $0x38;
	[tilespmem:$0x1E800] =	vst v63  }
0x25: {  	_ =	swait.ge [sflag:s17], $0x4000  }
0x26: {  	[sflag:s17] =	ssyncset.done $0x0  }
0x27: {  	[sflag:s17] =	ssyncadd.s32 $0xFFFFC000  }
0x28: {  	[spmem:s6] =	stream.linear.scatter [tilespmem:s16], [sflag:$0x5], $0x4000, $0x38;
	[tilespmem:$0x1E800] =	vst v63  }
0x29: {  	_ =	swait.ge [sflag:s17], $0x4000  }
0x2a: {  	[sflag:s17] =	ssyncset.done $0x0  }
0x2b: {  	[sflag:s17] =	ssyncadd.s32 $0xFFFFC000  }
0x2c: {  	[spmem:s7] =	stream.linear.scatter [tilespmem:s16], [sflag:$0x5], $0x4000, $0x38;
	[tilespmem:$0x1E800] =	vst v63  }
0x2d: {  	_ =	swait.ge [sflag:s17], $0x4000  }
0x2e: {  	[sflag:s17] =	ssyncset.done $0x0  }
0x2f: {  	[sflag:s17] =	ssyncadd.s32 $0xFFFFC000  }
0x30: {  	[spmem:s8] =	stream.linear.scatter [tilespmem:s16], [sflag:$0x5], $0x4000, $0x38;
	[tilespmem:$0x1E800] =	vst v63  }
0x31: {  	_ =	swait.ge [sflag:s17], $0x4000  }
0x32: {  	[sflag:s17] =	ssyncset.done $0x0  }
0x33: {  	[sflag:s17] =	ssyncadd.s32 $0xFFFFC000  }
0x34: {  	[spmem:s9] =	stream.linear.scatter [tilespmem:s16], [sflag:$0x5], $0x4000, $0x38;
	[tilespmem:$0x1E800] =	vst v63  }
0x35: {  	_ =	swait.ge [sflag:s17], $0x4000  }
0x36: {  	[sflag:s17] =	ssyncset.done $0x0  }
0x37: {  	[sflag:s17] =	ssyncadd.s32 $0xFFFFC000  }
0x38: {  	s28 =	simm.s32 $0x0;
	[bflag:$0x0] =	sbarrier.arrive $0xFFFF  }
0x39: {  	[tilespmem:s28], [sflag:$0x5] =	stream.linear.gather [hbm4b:s10+s28], $0x1400, $0x38;
	[tilespmem:$0x1E800] =	vst v63  }
0x3a: {  	_ =	swait.ge [sflag:s17], $0x1400  }
0x3b: {  	[sflag:s17] =	ssyncset.done $0x0  }
0x3c: {  	[sflag:s17] =	ssyncadd.s32 $0xFFFFEC00  }
0x3d: {  	[tilespmem:s18], [sflag:$0x5] =	stream.linear.gather [hbm4b:s11+s28], $0x1400, $0x38;
	[tilespmem:$0x1E800] =	vst v63  }
0x3e: {  	_ =	swait.ge [sflag:s17], $0x1400  }
0x3f: {  	[sflag:s17] =	ssyncset.done $0x0  }
0x40: {  	[sflag:s17] =	ssyncadd.s32 $0xFFFFEC00  }
0x41: {  	[tilespmem:s16], [sflag:$0x1] =	stream.indirect.gather [hbm4b:s4+s19], $0x80, s28, s19, $0xb8;
	[tilespmem:$0x1E800] =	vst v63  }
0x42: {  	_ = 	snop  }
0x43: {  	[tilespmem:s20], [sflag:$0x2] =	stream.indirect.gather [hbm4b:s4+s19], $0x80, s19, s19, $0xb8;
	[tilespmem:$0x1E800] =	vst v63  }
0x44: {  	_ =	swait.ge [sflag:s21], $0x4000  }
0x45: {  	[sflag:s21] =	ssyncset.done $0x0  }
0x46: {  	s28 =	simm.s32 $0x1400;
	[sflag:s21] =	ssyncadd.s32 $0xFFFFC000  }
0x47: {  	[spmem:s2] =	stream.indirect.scatter.add.f32 [tilespmem:s16], [sflag:$0x3], $0x80, s28, s19, $0xb8;
	[tilespmem:$0x1E800] =	vst v63  }
0x48: {  	_ =	swait.ge [sflag:s22], $0x4000  }
0x49: {  	[sflag:s22] =	ssyncset.done $0x0  }
0x4a: {  	s28 =	simm.s32 $0x100;
	[sflag:s22] =	ssyncadd.s32 $0xFFFFC000  }
0x4b: {  	[tilespmem:s16], [sflag:$0x1] =	stream.indirect.gather [hbm4b:s4+s19], $0x80, s28, s19, $0xb8;
	[tilespmem:$0x1E800] =	vst v63  }
0x4c: {  	_ =	swait.ge [sflag:s23], $0x4000  }
0x4d: {  	[sflag:s23] =	ssyncset.done $0x0  }
0x4e: {  	s28 =	simm.s32 $0x1480;
	[sflag:s23] =	ssyncadd.s32 $0xFFFFC000  }
0x4f: {  	[spmem:s2] =	stream.indirect.scatter.add.f32 [tilespmem:s20], [sflag:$0x4], $0x80, s28, s19, $0xb8;
	[tilespmem:$0x1E800] =	vst v63  }
0x50: {  	_ =	swait.ge [sflag:s24], $0x4000  }
0x51: {  	[sflag:s24] =	ssyncset.done $0x0  }
0x52: {  	s29 =	simm.s32 $0x180;
	s28 =	simm.s32 $0x400;
	[sflag:s24] =	ssyncadd.s32 $0xFFFFC000  }
.LBB2_4:
0x53: {  	[tilespmem:s20], [sflag:$0x2] =	stream.indirect.gather [hbm4b:s4+s19], $0x80, s29, s19, $0xb8;
	[tilespmem:$0x1E800] =	vst v63  }
0x54: {  	s29 =	smov.u32 s28  }
0x55: {  	p0 =	sne.s32 s28, $0x4800;
	s28 =	sadd.s32 $0x400, s28;
	_ =	swait.ge [sflag:s21], $0x4000  }
0x56: {  	s29 =	sshra.s32 s29, $0x2;
	[sflag:s21] =	ssyncset.done $0x0  }
0x57: {  	s30 =	sadd.s32 $0x1400, s29;
	[sflag:s21] =	ssyncadd.s32 $0xFFFFC000  }
0x58: {  	[spmem:s2] =	stream.indirect.scatter.add.f32 [tilespmem:s16], [sflag:$0x3], $0x80, s30, s19, $0xb8;
	[tilespmem:$0x1E800] =	vst v63  }
0x59: {  	_ =	swait.ge [sflag:s22], $0x4000  }
0x5a: {  	[sflag:s22] =	ssyncset.done $0x0  }
0x5b: {  	s30 =	sadd.s32 $0x100, s29;
	[sflag:s22] =	ssyncadd.s32 $0xFFFFC000  }
0x5c: {  	[tilespmem:s16], [sflag:$0x1] =	stream.indirect.gather [hbm4b:s4+s19], $0x80, s30, s19, $0xb8;
	[tilespmem:$0x1E800] =	vst v63  }
0x5d: {  	_ =	swait.ge [sflag:s23], $0x4000  }
0x5e: {  	[sflag:s23] =	ssyncset.done $0x0  }
.Ltmp1:
0x5f: {  	s30 =	sadd.s32 $0x1480, s29;
	[sflag:s23] =	ssyncadd.s32 $0xFFFFC000;
	(pc) =	sbr.rel @p0 .LBB2_4-.Ltmp1, $4  }
0x60: {  	[spmem:s2] =	stream.indirect.scatter.add.f32 [tilespmem:s20], [sflag:$0x4], $0x80, s30, s19, $0xb8;
	[tilespmem:$0x1E800] =	vst v63  }
0x61: {  	_ =	swait.ge [sflag:s24], $0x4000  }
0x62: {  	[sflag:s24] =	ssyncset.done $0x0  }
0x63: {  	s29 =	sadd.s32 $0x180, s29;
	[sflag:s24] =	ssyncadd.s32 $0xFFFFC000  }
0x64: {  	[tilespmem:s20], [sflag:$0x2] =	stream.indirect.gather [hbm4b:s4+s19], $0x80, s29, s19, $0xb8;
	[tilespmem:$0x1E800] =	vst v63  }
0x65: {  	_ =	swait.ge [sflag:s21], $0x4000  }
0x66: {  	[sflag:s21] =	ssyncset.done $0x0  }
0x67: {  	[sflag:s21] =	ssyncadd.s32 $0xFFFFC000  }
0x68: {  	[spmem:s2] =	stream.indirect.scatter.add.f32 [tilespmem:s16], [sflag:$0x3], $0x80, s25, s19, $0xb8;
	[tilespmem:$0x1E800] =	vst v63  }
0x69: {  	_ =	swait.ge [sflag:s23], $0x4000  }
0x6a: {  	[sflag:s23] =	ssyncset.done $0x0  }
0x6b: {  	[sflag:s23] =	ssyncadd.s32 $0xFFFFC000  }
0x6c: {  	[spmem:s2] =	stream.indirect.scatter.add.f32 [tilespmem:s20], [sflag:$0x4], $0x80, s26, s19, $0xb8;
	[tilespmem:$0x1E800] =	vst v63  }
0x6d: {  	_ =	swait.ge [sflag:s22], $0x4000  }
0x6e: {  	[sflag:s22] =	ssyncset.done $0x0  }
0x6f: {  	[sflag:s22] =	ssyncadd.s32 $0xFFFFC000  }
0x70: {  	_ =	swait.ge [sflag:s24], $0x4000  }
0x71: {  	[sflag:s24] =	ssyncset.done $0x0  }
0x72: {  	s28 =	simm.s32 $0x0;
	[sflag:s24] =	ssyncadd.s32 $0xFFFFC000  }
0x73: {  	[tilespmem:s28], [sflag:$0x5] =	stream.linear.gather [hbm4b:s12+s28], $0x1400, $0x38;
	[tilespmem:$0x1E800] =	vst v63  }
0x74: {  	_ =	swait.ge [sflag:s17], $0x1400  }
0x75: {  	[sflag:s17] =	ssyncset.done $0x0  }
0x76: {  	[sflag:s17] =	ssyncadd.s32 $0xFFFFEC00  }
0x77: {  	[tilespmem:s18], [sflag:$0x5] =	stream.linear.gather [hbm4b:s13+s28], $0x1400, $0x38;
	[tilespmem:$0x1E800] =	vst v63  }
0x78: {  	_ =	swait.ge [sflag:s17], $0x1400  }
0x79: {  	[sflag:s17] =	ssyncset.done $0x0  }
0x7a: {  	[sflag:s17] =	ssyncadd.s32 $0xFFFFEC00  }
0x7b: {  	[tilespmem:s16], [sflag:$0x1] =	stream.indirect.gather [hbm4b:s4+s19], $0x80, s28, s19, $0xb8;
	[tilespmem:$0x1E800] =	vst v63  }
0x7c: {  	_ = 	snop  }
0x7d: {  	[tilespmem:s20], [sflag:$0x2] =	stream.indirect.gather [hbm4b:s4+s19], $0x80, s19, s19, $0xb8;
	[tilespmem:$0x1E800] =	vst v63  }
0x7e: {  	_ =	swait.ge [sflag:s21], $0x4000  }
0x7f: {  	[sflag:s21] =	ssyncset.done $0x0  }
0x80: {  	s28 =	simm.s32 $0x1400;
	[sflag:s21] =	ssyncadd.s32 $0xFFFFC000  }
0x81: {  	[spmem:s2] =	stream.indirect.scatter.add.f32 [tilespmem:s16], [sflag:$0x3], $0x80, s28, s19, $0xb8;
	[tilespmem:$0x1E800] =	vst v63  }
0x82: {  	_ =	swait.ge [sflag:s22], $0x4000  }
0x83: {  	[sflag:s22] =	ssyncset.done $0x0  }
0x84: {  	s28 =	simm.s32 $0x100;
	[sflag:s22] =	ssyncadd.s32 $0xFFFFC000  }
0x85: {  	[tilespmem:s16], [sflag:$0x1] =	stream.indirect.gather [hbm4b:s4+s19], $0x80, s28, s19, $0xb8;
	[tilespmem:$0x1E800] =	vst v63  }
0x86: {  	_ =	swait.ge [sflag:s23], $0x4000  }
0x87: {  	[sflag:s23] =	ssyncset.done $0x0  }
0x88: {  	s28 =	simm.s32 $0x1480;
	[sflag:s23] =	ssyncadd.s32 $0xFFFFC000  }
0x89: {  	[spmem:s2] =	stream.indirect.scatter.add.f32 [tilespmem:s20], [sflag:$0x4], $0x80, s28, s19, $0xb8;
	[tilespmem:$0x1E800] =	vst v63  }
0x8a: {  	_ =	swait.ge [sflag:s24], $0x4000  }
0x8b: {  	[sflag:s24] =	ssyncset.done $0x0  }
0x8c: {  	s29 =	simm.s32 $0x180;
	s28 =	simm.s32 $0x400;
	[sflag:s24] =	ssyncadd.s32 $0xFFFFC000  }
.LBB2_6:
0x8d: {  	[tilespmem:s20], [sflag:$0x2] =	stream.indirect.gather [hbm4b:s4+s19], $0x80, s29, s19, $0xb8;
	[tilespmem:$0x1E800] =	vst v63  }
0x8e: {  	s29 =	smov.u32 s28  }
0x8f: {  	p0 =	sne.s32 s28, $0x4800;
	s28 =	sadd.s32 $0x400, s28;
	_ =	swait.ge [sflag:s21], $0x4000  }
0x90: {  	s29 =	sshra.s32 s29, $0x2;
	[sflag:s21] =	ssyncset.done $0x0  }
0x91: {  	s30 =	sadd.s32 $0x1400, s29;
	[sflag:s21] =	ssyncadd.s32 $0xFFFFC000  }
0x92: {  	[spmem:s2] =	stream.indirect.scatter.add.f32 [tilespmem:s16], [sflag:$0x3], $0x80, s30, s19, $0xb8;
	[tilespmem:$0x1E800] =	vst v63  }
0x93: {  	_ =	swait.ge [sflag:s22], $0x4000  }
0x94: {  	[sflag:s22] =	ssyncset.done $0x0  }
0x95: {  	s30 =	sadd.s32 $0x100, s29;
	[sflag:s22] =	ssyncadd.s32 $0xFFFFC000  }
0x96: {  	[tilespmem:s16], [sflag:$0x1] =	stream.indirect.gather [hbm4b:s4+s19], $0x80, s30, s19, $0xb8;
	[tilespmem:$0x1E800] =	vst v63  }
0x97: {  	_ =	swait.ge [sflag:s23], $0x4000  }
0x98: {  	[sflag:s23] =	ssyncset.done $0x0  }
.Ltmp2:
0x99: {  	s30 =	sadd.s32 $0x1480, s29;
	[sflag:s23] =	ssyncadd.s32 $0xFFFFC000;
	(pc) =	sbr.rel @p0 .LBB2_6-.Ltmp2, $4  }
0x9a: {  	[spmem:s2] =	stream.indirect.scatter.add.f32 [tilespmem:s20], [sflag:$0x4], $0x80, s30, s19, $0xb8;
	[tilespmem:$0x1E800] =	vst v63  }
0x9b: {  	_ =	swait.ge [sflag:s24], $0x4000  }
0x9c: {  	[sflag:s24] =	ssyncset.done $0x0  }
0x9d: {  	s29 =	sadd.s32 $0x180, s29;
	[sflag:s24] =	ssyncadd.s32 $0xFFFFC000  }
0x9e: {  	[tilespmem:s20], [sflag:$0x2] =	stream.indirect.gather [hbm4b:s4+s19], $0x80, s29, s19, $0xb8;
	[tilespmem:$0x1E800] =	vst v63  }
0x9f: {  	_ =	swait.ge [sflag:s21], $0x4000  }
0xa0: {  	[sflag:s21] =	ssyncset.done $0x0  }
0xa1: {  	[sflag:s21] =	ssyncadd.s32 $0xFFFFC000  }
0xa2: {  	[spmem:s2] =	stream.indirect.scatter.add.f32 [tilespmem:s16], [sflag:$0x3], $0x80, s25, s19, $0xb8;
	[tilespmem:$0x1E800] =	vst v63  }
0xa3: {  	_ =	swait.ge [sflag:s23], $0x4000  }
0xa4: {  	[sflag:s23] =	ssyncset.done $0x0  }
0xa5: {  	[sflag:s23] =	ssyncadd.s32 $0xFFFFC000  }
0xa6: {  	[spmem:s2] =	stream.indirect.scatter.add.f32 [tilespmem:s20], [sflag:$0x4], $0x80, s26, s19, $0xb8;
	[tilespmem:$0x1E800] =	vst v63  }
0xa7: {  	_ =	swait.ge [sflag:s22], $0x4000  }
0xa8: {  	[sflag:s22] =	ssyncset.done $0x0  }
0xa9: {  	[sflag:s22] =	ssyncadd.s32 $0xFFFFC000  }
0xaa: {  	_ =	swait.ge [sflag:s24], $0x4000  }
0xab: {  	s28 =	sshll.u32 s1, $0x6;
	s3 =	sadd.s32 $0x1, s3;
	[sflag:s24] =	ssyncset.done $0x0  }
0xac: {  	s31 =	sshrl.u32 s5, $0x3;
	p0 =	sne.s32 s3, s15;
	[sflag:s24] =	ssyncadd.s32 $0xFFFFC000  }
.Ltmp3:
0xad: {  	s28 =	sor.u32 $0x1C05, s28;
	[bflag:$0x0] =	sbarrier.arrive $0xFFFF;
	(pc) =	sbr.rel @p0 .LBB2_1-.Ltmp3, $4  }
0xae: {  	[hbm:s14], [sflag:s28] =	dma.local [spmem:s31], $0x2800  }
0xaf: {  	_ =	swait.ge [sflag:s17], $0x2800  }
0xb0: {  	[sflag:s17] =	ssyncset.done $0x0  }
0xb1: {  	[sflag:s17] =	ssyncadd.s32 $0xFFFFD800  }
0xb2: {  	_ =	sfence.sel $0x180000  }
0xb3: {  	[bflag:$0x0] =	sbarrier.arrive $0xFFFF  }
0xb4: {  	p0 =	sne.s32 s1, $0x0;
	_ =	strace $0x90000050  }
0xb5: {  	s0 =	sadd.s32 @!p0 $0x100000, s0;
	[bflag:$0x2] =	sbarrier.arrive $0xFFFF  }
0xb6: {  	[sflag:s0] =	ssyncadd.tile.s32 @!p0 $0x1;
	_ =	shalt  }
.Lfunc_end2:
_tile_overlayer_lowered:
.L_overlay_start_2:
0xb7: {  	(tag) =	ssettag $0x2  }
0xb8: {  	s0 =	rddreg [dreg:$0x0];
	s2 =	stileid.u32  }
0xb9: {  	s1 =	rddreg [dreg:$0x1];
	p0 =	sne.s32 s2, $0x0  }
0xba: {  	s3 =	rddreg [dreg:$0x2];
	[bflag:$0x3] =	sbarrier.arrive $0xFFFF;
	s2 =	simm.s32 @!p0 $0x1C05  }
0xbb: {  	[timem:s3], [sflag:s2] =	dma.local @!p0 [hbm:s0], s1  }
0xbc: {  	s0 =	simm.s32 @!p0 $0x5  }
0xbd: {  	_ =	swait.ge @!p0 [sflag:s0], s1  }
0xbe: {  	s1 =	ssub.s32 @!p0 $0x0, s1;
	[sflag:s0] =	ssyncset.done @!p0 $0x0  }
0xbf: {  	[sflag:s0] =	ssyncadd.s32 @!p0 s1  }
0xc0: {  	[bflag:$0x3] =	sbarrier.arrive $0xFFFF  }
0xc1: {  	_ =	shalt  }

// kernel: kernel.26.cloned.1.call-start
scs
__scs_entry_jumppad:
0x0: {  	(pc) =	sbr.rel $0x88, $3  }
0x1: {  	(tag) =	ssettag $0x0;
	lr =	simm.s32 $0x1  }
0x2: {  	[smem:$0x3F99] =	sst lr;
	_ =	strace $0xD0000000  }
0x3: {  	_ = 	snop  }
0x4: {  	_ = 	snop  }
0x5: {  	_ = 	snop  }
0x6: {  	_ = 	snop  }
0x7: {  	_ = 	snop  }
__scs_overlays_trampoline_lowered:
0x8: {  	[smem:$0x3FA8] =	sst s0  }
0x9: {  	[smem:$0x3FA9] =	sst s1  }
0xa: {  	[smem:$0x3FAA] =	sst s2  }
0xb: {  	[smem:$0x3FAB] =	sst s3  }
0xc: {  	[smem:$0x3FAC] =	sst s4  }
0xd: {  	[smem:$0x3FAD] =	sst s5  }
0xe: {  	[smem:$0x3FAE] =	sst s6  }
0xf: {  	[smem:$0x3FAF] =	sst s7  }
0x10: {  	[smem:$0x3FB0] =	sst s8  }
0x11: {  	[smem:$0x3FB1] =	sst s9;
	s0 =	simm.s32 @!p0 $0x0  }
0x12: {  	s1 =	sld [smem:$0x3F97];
	s0 =	simm.s32 @p0 $0x1  }
0x13: {  	[smem:$0x3FB2] =	sst s0;
	s0 =	simm.s32 @!p1 $0x0  }
0x14: {  	s2 =	sld [smem:$0x3F96];
	s0 =	simm.s32 @p1 $0x1  }
0x15: {  	[smem:$0x3FB3] =	sst s0;
	s0 =	simm.s32 @!p2 $0x0  }
0x16: {  	s3 =	sld [smem:$0x3FDB];
	s0 =	simm.s32 @p2 $0x1  }
0x17: {  	s4 =	simm.s32 $0x1BF5;
	[smem:$0x3FB5] =	sst s0  }
0x18: {  	s0 =	sld [smem:$0x3F98];
	_ =	swait.ge [sflag:s4], $0x0  }
0x19: {  	s7 =	sld [smem:$0x3F99]  }
0x1a: {  	s8 =	sadd.s32 $0xFFFFE003, lr  }
0x1b: {  	s9 =	sadd.s32 $0xFFFFFEF7, lr;
	s5 =	simm.s32 $0xFFFFFFFF;
	p2 =	slt.u32 s8, $0xFFFFF086  }
0x1c: {  	p1 =	slt.u32 s9, $0xF7A;
	s5 =	simm.s32 @!p2 $0x0  }
0x1d: {  	s5 =	simm.s32 @p1 $0x1;
	p0 =	seq.s32 s7, s2  }
0x1e: {  	s7 =	smul.u32 @!p0 $0xF7A, s2;
	p2 =	seq.s32 @!p0 s5, $0x0  }
0x1f: {  	s9 =	smul.u32 $0xF7A, s1;
	s8 =	simm.s32 @!p0 $0x1BF5;
	p2 =	por !p2, p0  }
0x20: {  	[sflag:s8] =	ssyncset.s32 @!p0 $0xFFFFF086;
	s6 =	sadd.s32 @!p0 s3, s7;
	s7 =	simm.s32 @!p0 $0x108  }
0x21: {  	s3 =	sadd.s32 s3, s9;
	s6 =	sadd.s32 @!p0 $0x88, s6;
	s7 =	simm.s32 @p2 $0x1082  }
0x22: {  	[simem:s7], [sflag:s8] =	dma.local @!p0 [hbm:s6], $0xF7A  }
0x23: {  	s9 =	sor.u32 $0xD0000000, s2;
	s6 =	simm.s32 $0x108;
	_ =	swait.ge @!p0 [sflag:s8], $0x0  }
0x24: {  	s3 =	sadd.s32 $0x88, s3;
	s6 =	simm.s32 @!p1 $0x1082;
	[sflag:s4] =	ssyncset.s32 $0xFFFFF086  }
0x25: {  	[simem:s6], [sflag:s4] =	dma.local [hbm:s3], $0xF7A  }
0x26: {  	[smem:$0x3F99] =	sst s1;
	(tag) =	ssettag s2;
	_ =	strace s9  }
0x27: {  	s1 =	sld [smem:$0x3FA9]  }
0x28: {  	s2 =	sld [smem:$0x3FAA]  }
0x29: {  	s4 =	sld [smem:$0x3FAC]  }
0x2a: {  	p0 =	seq.s32 s5, $0x0;
	s5 =	sld [smem:$0x3FAD]  }
0x2b: {  	s6 =	sld [smem:$0x3FAE]  }
0x2c: {  	s7 =	sld [smem:$0x3FAF]  }
0x2d: {  	s3 =	simm.s32 $0x108;
	s8 =	sld [smem:$0x3FB0]  }
0x2e: {  	s3 =	simm.s32 @!p0 $0x1082;
	s9 =	sld [smem:$0x3FB1]  }
0x2f: {  	lr =	sadd.s32 s0, s3;
	s0 =	sld [smem:$0x3FA8]  }
0x30: {  	s3 =	sld [smem:$0x3FAB]  }
0x31: {  	[smem:$0x3FB4] =	sst s10  }
0x32: {  	s10 =	sld [smem:$0x3FB2];
	_ =	sdelay $0x3  }
0x33: {  	p0 =	seq.s32 s10, $0x1;
	s10 =	sld [smem:$0x3FB4];
	_ =	sdelay $0x3  }
0x34: {  	[smem:$0x3FB4] =	sst s10  }
0x35: {  	s10 =	sld [smem:$0x3FB3];
	_ =	sdelay $0x3  }
0x36: {  	p1 =	seq.s32 s10, $0x1;
	s10 =	sld [smem:$0x3FB4];
	_ =	sdelay $0x3  }
0x37: {  	[smem:$0x3FB4] =	sst s10  }
0x38: {  	s10 =	sld [smem:$0x3FB5]  }
0x39: {  	_ = 	snop;
	(pc) =	sbr.ind lr, $3  }
0x3a: {  	_ = 	snop  }
0x3b: {  	_ = 	snop  }
0x3c: {  	p2 =	seq.s32 s10, $0x1;
	s10 =	sld [smem:$0x3FB4]  }
0x3d: {  	_ =	shalt  }
0x3e: {  	_ =	shalt  }
0x3f: {  	_ =	shalt  }
0x40: {  	_ =	shalt  }
0x41: {  	_ =	shalt  }
0x42: {  	_ =	shalt  }
0x43: {  	_ =	shalt  }
0x44: {  	_ =	shalt  }
0x45: {  	_ =	shalt  }
0x46: {  	_ =	shalt  }
0x47: {  	_ =	shalt  }
0x48: {  	_ =	shalt  }
0x49: {  	_ =	shalt  }
0x4a: {  	_ =	shalt  }
0x4b: {  	_ =	shalt  }
0x4c: {  	_ =	shalt  }
0x4d: {  	_ =	shalt  }
0x4e: {  	_ =	shalt  }
0x4f: {  	_ =	shalt  }
0x50: {  	_ =	shalt  }
0x51: {  	_ =	shalt  }
0x52: {  	_ =	shalt  }
0x53: {  	_ =	shalt  }
0x54: {  	_ =	shalt  }
0x55: {  	_ =	shalt  }
0x56: {  	_ =	shalt  }
0x57: {  	_ =	shalt  }
0x58: {  	_ =	shalt  }
0x59: {  	_ =	shalt  }
0x5a: {  	_ =	shalt  }
0x5b: {  	_ =	shalt  }
0x5c: {  	_ =	shalt  }
0x5d: {  	_ =	shalt  }
0x5e: {  	_ =	shalt  }
0x5f: {  	_ =	shalt  }
0x60: {  	_ =	shalt  }
0x61: {  	_ =	shalt  }
0x62: {  	_ =	shalt  }
0x63: {  	_ =	shalt  }
0x64: {  	_ =	shalt  }
0x65: {  	_ =	shalt  }
0x66: {  	_ =	shalt  }
0x67: {  	_ =	shalt  }
0x68: {  	_ =	shalt  }
0x69: {  	_ =	shalt  }
0x6a: {  	_ =	shalt  }
0x6b: {  	_ =	shalt  }
0x6c: {  	_ =	shalt  }
0x6d: {  	_ =	shalt  }
0x6e: {  	_ =	shalt  }
0x6f: {  	_ =	shalt  }
0x70: {  	_ =	shalt  }
0x71: {  	_ =	shalt  }
0x72: {  	_ =	shalt  }
0x73: {  	_ =	shalt  }
0x74: {  	_ =	shalt  }
0x75: {  	_ =	shalt  }
0x76: {  	_ =	shalt  }
0x77: {  	_ =	shalt  }
0x78: {  	_ =	shalt  }
0x79: {  	_ =	shalt  }
0x7a: {  	_ =	shalt  }
0x7b: {  	_ =	shalt  }
0x7c: {  	_ =	shalt  }
0x7d: {  	_ =	shalt  }
0x7e: {  	_ =	shalt  }
0x7f: {  	_ =	shalt  }
0x80: {  	_ =	shalt  }
0x81: {  	_ =	shalt  }
0x82: {  	_ =	shalt  }
0x83: {  	_ =	shalt  }
0x84: {  	_ =	shalt  }
0x85: {  	_ =	shalt  }
0x86: {  	_ =	shalt  }
0x87: {  	_ =	shalt  }
.Lfunc_end0:
.L_simem_size_0:
called_computation.4_lowered:
.L_overlay_start_0:
0x88: {  	s2 =	sld [smem:$0x3FD9]  }
0x89: {  	s3 =	sld [smem:$0x3FFE];
	_ =	sdelay $0x1  }
0x8a: {  	s1 =	srdreg.scid  }
0x8b: {  	s0 =	sand.u32 $0x1, s1  }
0x8c: {  	s17 =	sshll.u32 s0, $0xA;
	s2 =	sadd.s32 s3, s2  }
0x8d: {  	s2 =	sadd.s32 s2, s17  }
0x8e: {  	[smem:$0x3FC0] =	sst s2  }
0x8f: {  	_ = 	snop  }
0x90: {  	s2 =	sld [smem:$0x3FD0];
	(tm) =	ssettm $0x1  }
0x91: {  	s18 =	sld [smem:$0x3FFB];
	_ =	sdelay $0x3  }
0x92: {  	_ =	strace s18  }
0x93: {  	s3 =	sld [smem:$0x3FFC];
	_ =	sdelay $0x3  }
0x94: {  	_ =	strace s3  }
0x95: {  	s3 =	sld [smem:$0x3FFD];
	_ =	sdelay $0x3  }
0x96: {  	_ =	strace s3  }
0x97: {  	_ =	strace $0x8FFFFFFF  }
0x98: {  	s19 =	sld [smem:$0x3FDB];
	_ =	sdelay $0x1  }
0x99: {  	s4 =	simm.s32 $_scs_section_size  }
0x9a: {  	s5 =	simm.s32 $_size__tile_overlayer_lowered;
	s6 =	simm.s32 $_tile_overlayer_lowered  }
0x9b: {  	s22 =	simm.s32 $0x1BFF;
	s21 =	sshll.u32 s6, $0x1;
	s3 =	sadd.s32 s4, s19  }
0x9c: {  	s7 =	simm.s32 $0x0;
	s20 =	sshll.u32 s5, $0x1;
	s5 =	sadd.s32 s21, s3  }
0x9d: {  	[timem:s7], [sflag:s22] =	dma.local [hbm:s5], s20  }
0x9e: {  	_ =	swait.ge [sflag:s22], s20  }
0x9f: {  	s4 =	ssub.s32 $0x0, s20;
	[sflag:s22] =	ssyncset.done $0x0  }
0xa0: {  	[sflag:s22] =	ssyncadd.s32 s4;
	_ =	sdelay $0x1  }
0xa1: {  	s23 =	simm.s32 $0x1B8B  }
0xa2: {  	_ =	swait.ge [sflag:s23], $0x1  }
0xa3: {  	[sflag:s23] =	ssyncset.done $0x0  }
0xa4: {  	s25 =	simm.s32 $0x1B8E;
	s24 =	sld [smem:$0x3FFE];
	[sflag:s23] =	ssyncadd.s32 $0xFFFFFFFF  }
0xa5: {  	s26 =	simm.s32 $execute0_lowered;
	[smem:$0x3FD2] =	sst s25  }
0xa6: {  	s5 =	sshll.u32 s26, $0x1;
	_ =	strace $0x80000052;
	[dreg:$0x1] =	wrdreg $0xFFFFFFFF  }
0xa7: {  	s28 =	simm.s32 $_size_execute0_lowered;
	s3 =	sadd.s32 s3, s5;
	[dreg:$0x0] =	wrdreg $0x0  }
0xa8: {  	s5 =	sshll.u32 s28, $0x1;
	[dreg:$0x2] =	wrdreg s3  }
0xa9: {  	[dreg:$0x3] =	wrdreg s5  }
0xaa: {  	[dreg:$0x4] =	wrdreg $0xC0  }
0xab: {  	_ =	task [dreg:s7], $0x5FFFF  }
0xac: {  	[dreg:$0x1] =	wrdreg $0xFFFFFFFF  }
0xad: {  	[dreg:$0x0] =	wrdreg $0x60  }
0xae: {  	[dreg:$0x2] =	wrdreg s24  }
0xaf: {  	[dreg:$0x3] =	wrdreg s2  }
0xb0: {  	[dreg:$0x4] =	wrdreg $0xA8000  }
0xb1: {  	[dreg:$0x5] =	wrdreg $0x9  }
0xb2: {  	_ =	task.clear_ibuf [dreg:s7], $0x6FFFF;
	_ =	strace $0x90000052  }
0xb3: {  	s29 =	simm.s32 $0x9;
	_ =	strace $0x80000054  }
0xb4: {  	_ =	swait.ge [sflag:s29], $0x1  }
0xb5: {  	[sflag:s29] =	ssyncadd.s32 $0xFFFFFFFF  }
0xb6: {  	_ =	strace $0x90000054  }
0xb7: {  	_ =	sfence  }
0xb8: {  	s30 =	sld [smem:$0x0];
	_ =	sdelay $0x2  }
0xb9: {  	s31 =	sshll.u32 s1, $0xD;
	s1 =	sshrl.u32 s1, $0x2  }
0xba: {  	s3 =	sand.u32 $0x4000, s31;
	s1 =	sadd.s32 s1, s30  }
0xbb: {  	s0 =	sor.u32 s3, s0;
	s1 =	sshll.u32 s1, $0x11  }
0xbc: {  	s0 =	sor.u32 s1, s0  }
0xbd: {  	s0 =	sadd.s32 $0x8F2B, s0  }
0xbe: {  	[sflag:s0] =	ssyncadd.remote.s32 $0x1  }
0xbf: {  	_ =	sfence.sel $0xFFFF  }
0xc0: {  	[dreg:$0x0] =	wrdreg $0xFFFFFFFF;
	(pc) =	sbr.abs _section_cstart, $3  }
0xc1: {  	[dreg:$0x1] =	wrdreg $0xFFFFFFFF  }
0xc2: {  	_ =	task.clear_ibuf [dreg:s7], $0x2FFFF;
	_ =	strace $0x9FFFFFFF  }
0xc3: {  	(tm) =	ssettm $0x7FFFFFFF  }
tec
execute0_lowered:
.L_overlay_start_1:
0x0: {  	(tag) =	ssettag $0x1  }
0x1: {  	s5 =	rddreg [dreg:$0x0]  }
0x2: {  	s12 =	rddreg [dreg:$0x1];
	s0 =	srdreg.scid  }
0x3: {  	s2 =	rddreg [dreg:$0x2];
	s1 =	stileid.u32  }
0x4: {  	s3 =	simm.s32 $0x0;
	s18 =	simm.s32 $0x1400;
	s19 =	simm.s32 $0x80  }
0x5: {  	s20 =	simm.s32 $0x6800;
	s21 =	simm.s32 $0x1;
	s22 =	simm.s32 $0x3  }
0x6: {  	s23 =	simm.s32 $0x2;
	s24 =	simm.s32 $0x4;
	s25 =	simm.s32 $0x2700  }
0x7: {  	s6 =	sand.u32 $0x1, s0;
	s0 =	rddreg [dreg:$0x3];
	s8 =	smul.u32 $0x14000, s1  }
0x8: {  	[smem:$0x7FF] =	sst s3;
	s4 =	sadd.s32 $0xD6000, s5;
	s26 =	smul.u32 $0x50000, s1  }
0x9: {  	s13 =	sadd.s32 $0x2C00, s5;
	s29 =	sshll.u32 s1, $0x1;
	s7 =	smul.u32 $0x140000, s6  }
0xa: {  	_ =	strace $0x80000053;
	s28 =	ssub.s32 $0x2, s6;
	s10 =	sor.u32 s6, s29  }
0xb: {  	s9 =	sshrl.u32 s28, $0x1;
	s30 =	sshrl.u32 s26, $0x2;
	s11 =	smul.u32 $0x2800, s10  }
0xc: {  	s16 =	smul.u32 $0x500, s10;
	s26 =	simm.s32 $0x2780;
	s7 =	sadd.s32 s8, s7  }
0xd: {  	s15 =	ssub.s32 s28, s9;
	s7 =	sshrl.u32 s7, $0x3;
	s17 =	sshrl.u32 s11, $0x3  }
0xe: {  	s10 =	sadd.s32 s12, s16;
	s11 =	sadd.s32 s13, s16;
	s15 =	smax.u32 s15, $0x1  }
0xf: {  	s16 =	simm.s32 $0x2800;
	s14 =	sadd.s32 s7, s5;
	s5 =	sadd.s32 s30, s2  }
0x10: {  	s31 =	sadd.s32 $0x280, s17;
	s17 =	simm.s32 $0x5;
	s6 =	sadd.s32 $0x4000, s5  }
0x11: {  	s7 =	sadd.s32 $0x8000, s5;
	s8 =	sadd.s32 $0xC000, s5;
	s9 =	sadd.s32 $0x10000, s5  }
0x12: {  	v0 =	vimm.f32 $0.0e+00;
	s12 =	sadd.s32 s12, s31;
	s13 =	sadd.s32 s13, s31;
	s14 =	sadd.s32 $0xCC00, s14  }
.LBB2_1:
0x13: {  	s28 =	simm.s32 $0x0;
	s29 =	simm.s32 $0x200  }
.LBB2_2:
0x14: {  	p0 =	sne.s32 s29, $0xFE00;
	[tilespmem:s28+$0x2870] =	vst v0  }
0x15: {  	[tilespmem:s28+$0x2800] =	vst v0  }
0x16: {  	[tilespmem:s28+$0x2810] =	vst v0  }
.Ltmp0:
0x17: {  	[tilespmem:s28+$0x2820] =	vst v0;
	(pc) =	sbr.rel @p0 .LBB2_2-.Ltmp0, $4  }
0x18: {  	[tilespmem:s28+$0x2830] =	vst v0  }
0x19: {  	[tilespmem:s28+$0x2840] =	vst v0  }
0x1a: {  	[tilespmem:s28+$0x2850] =	vst v0  }
0x1b: {  	[tilespmem:s28+$0x2860] =	vst v0;
	s28 =	sshra.s32 s29, $0x2;
	s29 =	sadd.s32 $0x200, s29  }
0x1c: {  	[tilespmem:s28+$0x2870] =	vst v0  }
0x1d: {  	[tilespmem:s28+$0x2800] =	vst v0  }
0x1e: {  	[tilespmem:s28+$0x2810] =	vst v0  }
0x1f: {  	[tilespmem:s28+$0x2820] =	vst v0  }
0x20: {  	[tilespmem:s28+$0x2830] =	vst v0  }
0x21: {  	[tilespmem:s28+$0x2840] =	vst v0  }
0x22: {  	[tilespmem:s28+$0x2850] =	vst v0  }
0x23: {  	[tilespmem:s28+$0x2860] =	vst v0  }
0x24: {  	[spmem:s5] =	stream.linear.scatter [tilespmem:s16], [sflag:$0x5], $0x4000, $0x38;
	[tilespmem:$0x1E800] =	vst v63  }
0x25: {  	_ =	swait.ge [sflag:s17], $0x4000  }
0x26: {  	[sflag:s17] =	ssyncset.done $0x0  }
0x27: {  	[sflag:s17] =	ssyncadd.s32 $0xFFFFC000  }
0x28: {  	[spmem:s6] =	stream.linear.scatter [tilespmem:s16], [sflag:$0x5], $0x4000, $0x38;
	[tilespmem:$0x1E800] =	vst v63  }
0x29: {  	_ =	swait.ge [sflag:s17], $0x4000  }
0x2a: {  	[sflag:s17] =	ssyncset.done $0x0  }
0x2b: {  	[sflag:s17] =	ssyncadd.s32 $0xFFFFC000  }
0x2c: {  	[spmem:s7] =	stream.linear.scatter [tilespmem:s16], [sflag:$0x5], $0x4000, $0x38;
	[tilespmem:$0x1E800] =	vst v63  }
0x2d: {  	_ =	swait.ge [sflag:s17], $0x4000  }
0x2e: {  	[sflag:s17] =	ssyncset.done $0x0  }
0x2f: {  	[sflag:s17] =	ssyncadd.s32 $0xFFFFC000  }
0x30: {  	[spmem:s8] =	stream.linear.scatter [tilespmem:s16], [sflag:$0x5], $0x4000, $0x38;
	[tilespmem:$0x1E800] =	vst v63  }
0x31: {  	_ =	swait.ge [sflag:s17], $0x4000  }
0x32: {  	[sflag:s17] =	ssyncset.done $0x0  }
0x33: {  	[sflag:s17] =	ssyncadd.s32 $0xFFFFC000  }
0x34: {  	[spmem:s9] =	stream.linear.scatter [tilespmem:s16], [sflag:$0x5], $0x4000, $0x38;
	[tilespmem:$0x1E800] =	vst v63  }
0x35: {  	_ =	swait.ge [sflag:s17], $0x4000  }
0x36: {  	[sflag:s17] =	ssyncset.done $0x0  }
0x37: {  	[sflag:s17] =	ssyncadd.s32 $0xFFFFC000  }
0x38: {  	s28 =	simm.s32 $0x0;
	[bflag:$0x0] =	sbarrier.arrive $0xFFFF  }
0x39: {  	[tilespmem:s28], [sflag:$0x5] =	stream.linear.gather [hbm4b:s10+s28], $0x1400, $0x38;
	[tilespmem:$0x1E800] =	vst v63  }
0x3a: {  	_ =	swait.ge [sflag:s17], $0x1400  }
0x3b: {  	[sflag:s17] =	ssyncset.done $0x0  }
0x3c: {  	[sflag:s17] =	ssyncadd.s32 $0xFFFFEC00  }
0x3d: {  	[tilespmem:s18], [sflag:$0x5] =	stream.linear.gather [hbm4b:s11+s28], $0x1400, $0x38;
	[tilespmem:$0x1E800] =	vst v63  }
0x3e: {  	_ =	swait.ge [sflag:s17], $0x1400  }
0x3f: {  	[sflag:s17] =	ssyncset.done $0x0  }
0x40: {  	[sflag:s17] =	ssyncadd.s32 $0xFFFFEC00  }
0x41: {  	[tilespmem:s16], [sflag:$0x1] =	stream.indirect.gather [hbm4b:s4+s19], $0x80, s28, s19, $0xb8;
	[tilespmem:$0x1E800] =	vst v63  }
0x42: {  	_ = 	snop  }
0x43: {  	[tilespmem:s20], [sflag:$0x2] =	stream.indirect.gather [hbm4b:s4+s19], $0x80, s19, s19, $0xb8;
	[tilespmem:$0x1E800] =	vst v63  }
0x44: {  	_ =	swait.ge [sflag:s21], $0x4000  }
0x45: {  	[sflag:s21] =	ssyncset.done $0x0  }
0x46: {  	s28 =	simm.s32 $0x1400;
	[sflag:s21] =	ssyncadd.s32 $0xFFFFC000  }
0x47: {  	[spmem:s2] =	stream.indirect.scatter.add.f32 [tilespmem:s16], [sflag:$0x3], $0x80, s28, s19, $0xb8;
	[tilespmem:$0x1E800] =	vst v63  }
0x48: {  	_ =	swait.ge [sflag:s22], $0x4000  }
0x49: {  	[sflag:s22] =	ssyncset.done $0x0  }
0x4a: {  	s28 =	simm.s32 $0x100;
	[sflag:s22] =	ssyncadd.s32 $0xFFFFC000  }
0x4b: {  	[tilespmem:s16], [sflag:$0x1] =	stream.indirect.gather [hbm4b:s4+s19], $0x80, s28, s19, $0xb8;
	[tilespmem:$0x1E800] =	vst v63  }
0x4c: {  	_ =	swait.ge [sflag:s23], $0x4000  }
0x4d: {  	[sflag:s23] =	ssyncset.done $0x0  }
0x4e: {  	s28 =	simm.s32 $0x1480;
	[sflag:s23] =	ssyncadd.s32 $0xFFFFC000  }
0x4f: {  	[spmem:s2] =	stream.indirect.scatter.add.f32 [tilespmem:s20], [sflag:$0x4], $0x80, s28, s19, $0xb8;
	[tilespmem:$0x1E800] =	vst v63  }
0x50: {  	_ =	swait.ge [sflag:s24], $0x4000  }
0x51: {  	[sflag:s24] =	ssyncset.done $0x0  }
0x52: {  	s29 =	simm.s32 $0x180;
	s28 =	simm.s32 $0x400;
	[sflag:s24] =	ssyncadd.s32 $0xFFFFC000  }
.LBB2_4:
0x53: {  	[tilespmem:s20], [sflag:$0x2] =	stream.indirect.gather [hbm4b:s4+s19], $0x80, s29, s19, $0xb8;
	[tilespmem:$0x1E800] =	vst v63  }
0x54: {  	s29 =	smov.u32 s28  }
0x55: {  	p0 =	sne.s32 s28, $0x4800;
	s28 =	sadd.s32 $0x400, s28;
	_ =	swait.ge [sflag:s21], $0x4000  }
0x56: {  	s29 =	sshra.s32 s29, $0x2;
	[sflag:s21] =	ssyncset.done $0x0  }
0x57: {  	s30 =	sadd.s32 $0x1400, s29;
	[sflag:s21] =	ssyncadd.s32 $0xFFFFC000  }
0x58: {  	[spmem:s2] =	stream.indirect.scatter.add.f32 [tilespmem:s16], [sflag:$0x3], $0x80, s30, s19, $0xb8;
	[tilespmem:$0x1E800] =	vst v63  }
0x59: {  	_ =	swait.ge [sflag:s22], $0x4000  }
0x5a: {  	[sflag:s22] =	ssyncset.done $0x0  }
0x5b: {  	s30 =	sadd.s32 $0x100, s29;
	[sflag:s22] =	ssyncadd.s32 $0xFFFFC000  }
0x5c: {  	[tilespmem:s16], [sflag:$0x1] =	stream.indirect.gather [hbm4b:s4+s19], $0x80, s30, s19, $0xb8;
	[tilespmem:$0x1E800] =	vst v63  }
0x5d: {  	_ =	swait.ge [sflag:s23], $0x4000  }
0x5e: {  	[sflag:s23] =	ssyncset.done $0x0  }
.Ltmp1:
0x5f: {  	s30 =	sadd.s32 $0x1480, s29;
	[sflag:s23] =	ssyncadd.s32 $0xFFFFC000;
	(pc) =	sbr.rel @p0 .LBB2_4-.Ltmp1, $4  }
0x60: {  	[spmem:s2] =	stream.indirect.scatter.add.f32 [tilespmem:s20], [sflag:$0x4], $0x80, s30, s19, $0xb8;
	[tilespmem:$0x1E800] =	vst v63  }
0x61: {  	_ =	swait.ge [sflag:s24], $0x4000  }
0x62: {  	[sflag:s24] =	ssyncset.done $0x0  }
0x63: {  	s29 =	sadd.s32 $0x180, s29;
	[sflag:s24] =	ssyncadd.s32 $0xFFFFC000  }
0x64: {  	[tilespmem:s20], [sflag:$0x2] =	stream.indirect.gather [hbm4b:s4+s19], $0x80, s29, s19, $0xb8;
	[tilespmem:$0x1E800] =	vst v63  }
0x65: {  	_ =	swait.ge [sflag:s21], $0x4000  }
0x66: {  	[sflag:s21] =	ssyncset.done $0x0  }
0x67: {  	[sflag:s21] =	ssyncadd.s32 $0xFFFFC000  }
0x68: {  	[spmem:s2] =	stream.indirect.scatter.add.f32 [tilespmem:s16], [sflag:$0x3], $0x80, s25, s19, $0xb8;
	[tilespmem:$0x1E800] =	vst v63  }
0x69: {  	_ =	swait.ge [sflag:s23], $0x4000  }
0x6a: {  	[sflag:s23] =	ssyncset.done $0x0  }
0x6b: {  	[sflag:s23] =	ssyncadd.s32 $0xFFFFC000  }
0x6c: {  	[spmem:s2] =	stream.indirect.scatter.add.f32 [tilespmem:s20], [sflag:$0x4], $0x80, s26, s19, $0xb8;
	[tilespmem:$0x1E800] =	vst v63  }
0x6d: {  	_ =	swait.ge [sflag:s22], $0x4000  }
0x6e: {  	[sflag:s22] =	ssyncset.done $0x0  }
0x6f: {  	[sflag:s22] =	ssyncadd.s32 $0xFFFFC000  }
0x70: {  	_ =	swait.ge [sflag:s24], $0x4000  }
0x71: {  	[sflag:s24] =	ssyncset.done $0x0  }
0x72: {  	s28 =	simm.s32 $0x0;
	[sflag:s24] =	ssyncadd.s32 $0xFFFFC000  }
0x73: {  	[tilespmem:s28], [sflag:$0x5] =	stream.linear.gather [hbm4b:s12+s28], $0x1400, $0x38;
	[tilespmem:$0x1E800] =	vst v63  }
0x74: {  	_ =	swait.ge [sflag:s17], $0x1400  }
0x75: {  	[sflag:s17] =	ssyncset.done $0x0  }
0x76: {  	[sflag:s17] =	ssyncadd.s32 $0xFFFFEC00  }
0x77: {  	[tilespmem:s18], [sflag:$0x5] =	stream.linear.gather [hbm4b:s13+s28], $0x1400, $0x38;
	[tilespmem:$0x1E800] =	vst v63  }
0x78: {  	_ =	swait.ge [sflag:s17], $0x1400  }
0x79: {  	[sflag:s17] =	ssyncset.done $0x0  }
0x7a: {  	[sflag:s17] =	ssyncadd.s32 $0xFFFFEC00  }
0x7b: {  	[tilespmem:s16], [sflag:$0x1] =	stream.indirect.gather [hbm4b:s4+s19], $0x80, s28, s19, $0xb8;
	[tilespmem:$0x1E800] =	vst v63  }
0x7c: {  	_ = 	snop  }
0x7d: {  	[tilespmem:s20], [sflag:$0x2] =	stream.indirect.gather [hbm4b:s4+s19], $0x80, s19, s19, $0xb8;
	[tilespmem:$0x1E800] =	vst v63  }
0x7e: {  	_ =	swait.ge [sflag:s21], $0x4000  }
0x7f: {  	[sflag:s21] =	ssyncset.done $0x0  }
0x80: {  	s28 =	simm.s32 $0x1400;
	[sflag:s21] =	ssyncadd.s32 $0xFFFFC000  }
0x81: {  	[spmem:s2] =	stream.indirect.scatter.add.f32 [tilespmem:s16], [sflag:$0x3], $0x80, s28, s19, $0xb8;
	[tilespmem:$0x1E800] =	vst v63  }
0x82: {  	_ =	swait.ge [sflag:s22], $0x4000  }
0x83: {  	[sflag:s22] =	ssyncset.done $0x0  }
0x84: {  	s28 =	simm.s32 $0x100;
	[sflag:s22] =	ssyncadd.s32 $0xFFFFC000  }
0x85: {  	[tilespmem:s16], [sflag:$0x1] =	stream.indirect.gather [hbm4b:s4+s19], $0x80, s28, s19, $0xb8;
	[tilespmem:$0x1E800] =	vst v63  }
0x86: {  	_ =	swait.ge [sflag:s23], $0x4000  }
0x87: {  	[sflag:s23] =	ssyncset.done $0x0  }
0x88: {  	s28 =	simm.s32 $0x1480;
	[sflag:s23] =	ssyncadd.s32 $0xFFFFC000  }
0x89: {  	[spmem:s2] =	stream.indirect.scatter.add.f32 [tilespmem:s20], [sflag:$0x4], $0x80, s28, s19, $0xb8;
	[tilespmem:$0x1E800] =	vst v63  }
0x8a: {  	_ =	swait.ge [sflag:s24], $0x4000  }
0x8b: {  	[sflag:s24] =	ssyncset.done $0x0  }
0x8c: {  	s29 =	simm.s32 $0x180;
	s28 =	simm.s32 $0x400;
	[sflag:s24] =	ssyncadd.s32 $0xFFFFC000  }
.LBB2_6:
0x8d: {  	[tilespmem:s20], [sflag:$0x2] =	stream.indirect.gather [hbm4b:s4+s19], $0x80, s29, s19, $0xb8;
	[tilespmem:$0x1E800] =	vst v63  }
0x8e: {  	s29 =	smov.u32 s28  }
0x8f: {  	p0 =	sne.s32 s28, $0x4800;
	s28 =	sadd.s32 $0x400, s28;
	_ =	swait.ge [sflag:s21], $0x4000  }
0x90: {  	s29 =	sshra.s32 s29, $0x2;
	[sflag:s21] =	ssyncset.done $0x0  }
0x91: {  	s30 =	sadd.s32 $0x1400, s29;
	[sflag:s21] =	ssyncadd.s32 $0xFFFFC000  }
0x92: {  	[spmem:s2] =	stream.indirect.scatter.add.f32 [tilespmem:s16], [sflag:$0x3], $0x80, s30, s19, $0xb8;
	[tilespmem:$0x1E800] =	vst v63  }
0x93: {  	_ =	swait.ge [sflag:s22], $0x4000  }
0x94: {  	[sflag:s22] =	ssyncset.done $0x0  }
0x95: {  	s30 =	sadd.s32 $0x100, s29;
	[sflag:s22] =	ssyncadd.s32 $0xFFFFC000  }
0x96: {  	[tilespmem:s16], [sflag:$0x1] =	stream.indirect.gather [hbm4b:s4+s19], $0x80, s30, s19, $0xb8;
	[tilespmem:$0x1E800] =	vst v63  }
0x97: {  	_ =	swait.ge [sflag:s23], $0x4000  }
0x98: {  	[sflag:s23] =	ssyncset.done $0x0  }
.Ltmp2:
0x99: {  	s30 =	sadd.s32 $0x1480, s29;
	[sflag:s23] =	ssyncadd.s32 $0xFFFFC000;
	(pc) =	sbr.rel @p0 .LBB2_6-.Ltmp2, $4  }
0x9a: {  	[spmem:s2] =	stream.indirect.scatter.add.f32 [tilespmem:s20], [sflag:$0x4], $0x80, s30, s19, $0xb8;
	[tilespmem:$0x1E800] =	vst v63  }
0x9b: {  	_ =	swait.ge [sflag:s24], $0x4000  }
0x9c: {  	[sflag:s24] =	ssyncset.done $0x0  }
0x9d: {  	s29 =	sadd.s32 $0x180, s29;
	[sflag:s24] =	ssyncadd.s32 $0xFFFFC000  }
0x9e: {  	[tilespmem:s20], [sflag:$0x2] =	stream.indirect.gather [hbm4b:s4+s19], $0x80, s29, s19, $0xb8;
	[tilespmem:$0x1E800] =	vst v63  }
0x9f: {  	_ =	swait.ge [sflag:s21], $0x4000  }
0xa0: {  	[sflag:s21] =	ssyncset.done $0x0  }
0xa1: {  	[sflag:s21] =	ssyncadd.s32 $0xFFFFC000  }
0xa2: {  	[spmem:s2] =	stream.indirect.scatter.add.f32 [tilespmem:s16], [sflag:$0x3], $0x80, s25, s19, $0xb8;
	[tilespmem:$0x1E800] =	vst v63  }
0xa3: {  	_ =	swait.ge [sflag:s23], $0x4000  }
0xa4: {  	[sflag:s23] =	ssyncset.done $0x0  }
0xa5: {  	[sflag:s23] =	ssyncadd.s32 $0xFFFFC000  }
0xa6: {  	[spmem:s2] =	stream.indirect.scatter.add.f32 [tilespmem:s20], [sflag:$0x4], $0x80, s26, s19, $0xb8;
	[tilespmem:$0x1E800] =	vst v63  }
0xa7: {  	_ =	swait.ge [sflag:s22], $0x4000  }
0xa8: {  	[sflag:s22] =	ssyncset.done $0x0  }
0xa9: {  	[sflag:s22] =	ssyncadd.s32 $0xFFFFC000  }
0xaa: {  	_ =	swait.ge [sflag:s24], $0x4000  }
0xab: {  	s28 =	sshll.u32 s1, $0x6;
	s3 =	sadd.s32 $0x1, s3;
	[sflag:s24] =	ssyncset.done $0x0  }
0xac: {  	s31 =	sshrl.u32 s5, $0x3;
	p0 =	sne.s32 s3, s15;
	[sflag:s24] =	ssyncadd.s32 $0xFFFFC000  }
.Ltmp3:
0xad: {  	s28 =	sor.u32 $0x1C05, s28;
	[bflag:$0x0] =	sbarrier.arrive $0xFFFF;
	(pc) =	sbr.rel @p0 .LBB2_1-.Ltmp3, $4  }
0xae: {  	[hbm:s14], [sflag:s28] =	dma.local [spmem:s31], $0x2800  }
0xaf: {  	_ =	swait.ge [sflag:s17], $0x2800  }
0xb0: {  	[sflag:s17] =	ssyncset.done $0x0  }
0xb1: {  	[sflag:s17] =	ssyncadd.s32 $0xFFFFD800  }
0xb2: {  	_ =	sfence.sel $0x180000  }
0xb3: {  	[bflag:$0x0] =	sbarrier.arrive $0xFFFF  }
0xb4: {  	p0 =	sne.s32 s1, $0x0;
	_ =	strace $0x90000053  }
0xb5: {  	s0 =	sadd.s32 @!p0 $0x100000, s0;
	[bflag:$0x2] =	sbarrier.arrive $0xFFFF  }
0xb6: {  	[sflag:s0] =	ssyncadd.tile.s32 @!p0 $0x1;
	_ =	shalt  }
.Lfunc_end2:
_tile_overlayer_lowered:
.L_overlay_start_2:
0xb7: {  	(tag) =	ssettag $0x2  }
0xb8: {  	s0 =	rddreg [dreg:$0x0];
	s2 =	stileid.u32  }
0xb9: {  	s1 =	rddreg [dreg:$0x1];
	p0 =	sne.s32 s2, $0x0  }
0xba: {  	s3 =	rddreg [dreg:$0x2];
	[bflag:$0x3] =	sbarrier.arrive $0xFFFF;
	s2 =	simm.s32 @!p0 $0x1C05  }
0xbb: {  	[timem:s3], [sflag:s2] =	dma.local @!p0 [hbm:s0], s1  }
0xbc: {  	s0 =	simm.s32 @!p0 $0x5  }
0xbd: {  	_ =	swait.ge @!p0 [sflag:s0], s1  }
0xbe: {  	s1 =	ssub.s32 @!p0 $0x0, s1;
	[sflag:s0] =	ssyncset.done @!p0 $0x0  }
0xbf: {  	[sflag:s0] =	ssyncadd.s32 @!p0 s1  }
0xc0: {  	[bflag:$0x3] =	sbarrier.arrive $0xFFFF  }
0xc1: {  	_ =	shalt  }

// kernel: kernel.29.cloned.1.call-start
scs
__scs_entry_jumppad:
0x0: {  	(pc) =	sbr.rel $0x88, $3  }
0x1: {  	(tag) =	ssettag $0x0;
	lr =	simm.s32 $0x1  }
0x2: {  	[smem:$0x3F99] =	sst lr;
	_ =	strace $0xD0000000  }
0x3: {  	_ = 	snop  }
0x4: {  	_ = 	snop  }
0x5: {  	_ = 	snop  }
0x6: {  	_ = 	snop  }
0x7: {  	_ = 	snop  }
__scs_overlays_trampoline_lowered:
0x8: {  	[smem:$0x3FA8] =	sst s0  }
0x9: {  	[smem:$0x3FA9] =	sst s1  }
0xa: {  	[smem:$0x3FAA] =	sst s2  }
0xb: {  	[smem:$0x3FAB] =	sst s3  }
0xc: {  	[smem:$0x3FAC] =	sst s4  }
0xd: {  	[smem:$0x3FAD] =	sst s5  }
0xe: {  	[smem:$0x3FAE] =	sst s6  }
0xf: {  	[smem:$0x3FAF] =	sst s7  }
0x10: {  	[smem:$0x3FB0] =	sst s8  }
0x11: {  	[smem:$0x3FB1] =	sst s9;
	s0 =	simm.s32 @!p0 $0x0  }
0x12: {  	s1 =	sld [smem:$0x3F97];
	s0 =	simm.s32 @p0 $0x1  }
0x13: {  	[smem:$0x3FB2] =	sst s0;
	s0 =	simm.s32 @!p1 $0x0  }
0x14: {  	s2 =	sld [smem:$0x3F96];
	s0 =	simm.s32 @p1 $0x1  }
0x15: {  	[smem:$0x3FB3] =	sst s0;
	s0 =	simm.s32 @!p2 $0x0  }
0x16: {  	s3 =	sld [smem:$0x3FDB];
	s0 =	simm.s32 @p2 $0x1  }
0x17: {  	s4 =	simm.s32 $0x1BF5;
	[smem:$0x3FB5] =	sst s0  }
0x18: {  	s0 =	sld [smem:$0x3F98];
	_ =	swait.ge [sflag:s4], $0x0  }
0x19: {  	s7 =	sld [smem:$0x3F99]  }
0x1a: {  	s8 =	sadd.s32 $0xFFFFE003, lr  }
0x1b: {  	s9 =	sadd.s32 $0xFFFFFEF7, lr;
	s5 =	simm.s32 $0xFFFFFFFF;
	p2 =	slt.u32 s8, $0xFFFFF086  }
0x1c: {  	p1 =	slt.u32 s9, $0xF7A;
	s5 =	simm.s32 @!p2 $0x0  }
0x1d: {  	s5 =	simm.s32 @p1 $0x1;
	p0 =	seq.s32 s7, s2  }
0x1e: {  	s7 =	smul.u32 @!p0 $0xF7A, s2;
	p2 =	seq.s32 @!p0 s5, $0x0  }
0x1f: {  	s9 =	smul.u32 $0xF7A, s1;
	s8 =	simm.s32 @!p0 $0x1BF5;
	p2 =	por !p2, p0  }
0x20: {  	[sflag:s8] =	ssyncset.s32 @!p0 $0xFFFFF086;
	s6 =	sadd.s32 @!p0 s3, s7;
	s7 =	simm.s32 @!p0 $0x108  }
0x21: {  	s3 =	sadd.s32 s3, s9;
	s6 =	sadd.s32 @!p0 $0x88, s6;
	s7 =	simm.s32 @p2 $0x1082  }
0x22: {  	[simem:s7], [sflag:s8] =	dma.local @!p0 [hbm:s6], $0xF7A  }
0x23: {  	s9 =	sor.u32 $0xD0000000, s2;
	s6 =	simm.s32 $0x108;
	_ =	swait.ge @!p0 [sflag:s8], $0x0  }
0x24: {  	s3 =	sadd.s32 $0x88, s3;
	s6 =	simm.s32 @!p1 $0x1082;
	[sflag:s4] =	ssyncset.s32 $0xFFFFF086  }
0x25: {  	[simem:s6], [sflag:s4] =	dma.local [hbm:s3], $0xF7A  }
0x26: {  	[smem:$0x3F99] =	sst s1;
	(tag) =	ssettag s2;
	_ =	strace s9  }
0x27: {  	s1 =	sld [smem:$0x3FA9]  }
0x28: {  	s2 =	sld [smem:$0x3FAA]  }
0x29: {  	s4 =	sld [smem:$0x3FAC]  }
0x2a: {  	p0 =	seq.s32 s5, $0x0;
	s5 =	sld [smem:$0x3FAD]  }
0x2b: {  	s6 =	sld [smem:$0x3FAE]  }
0x2c: {  	s7 =	sld [smem:$0x3FAF]  }
0x2d: {  	s3 =	simm.s32 $0x108;
	s8 =	sld [smem:$0x3FB0]  }
0x2e: {  	s3 =	simm.s32 @!p0 $0x1082;
	s9 =	sld [smem:$0x3FB1]  }
0x2f: {  	lr =	sadd.s32 s0, s3;
	s0 =	sld [smem:$0x3FA8]  }
0x30: {  	s3 =	sld [smem:$0x3FAB]  }
0x31: {  	[smem:$0x3FB4] =	sst s10  }
0x32: {  	s10 =	sld [smem:$0x3FB2];
	_ =	sdelay $0x3  }
0x33: {  	p0 =	seq.s32 s10, $0x1;
	s10 =	sld [smem:$0x3FB4];
	_ =	sdelay $0x3  }
0x34: {  	[smem:$0x3FB4] =	sst s10  }
0x35: {  	s10 =	sld [smem:$0x3FB3];
	_ =	sdelay $0x3  }
0x36: {  	p1 =	seq.s32 s10, $0x1;
	s10 =	sld [smem:$0x3FB4];
	_ =	sdelay $0x3  }
0x37: {  	[smem:$0x3FB4] =	sst s10  }
0x38: {  	s10 =	sld [smem:$0x3FB5]  }
0x39: {  	_ = 	snop;
	(pc) =	sbr.ind lr, $3  }
0x3a: {  	_ = 	snop  }
0x3b: {  	_ = 	snop  }
0x3c: {  	p2 =	seq.s32 s10, $0x1;
	s10 =	sld [smem:$0x3FB4]  }
0x3d: {  	_ =	shalt  }
0x3e: {  	_ =	shalt  }
0x3f: {  	_ =	shalt  }
0x40: {  	_ =	shalt  }
0x41: {  	_ =	shalt  }
0x42: {  	_ =	shalt  }
0x43: {  	_ =	shalt  }
0x44: {  	_ =	shalt  }
0x45: {  	_ =	shalt  }
0x46: {  	_ =	shalt  }
0x47: {  	_ =	shalt  }
0x48: {  	_ =	shalt  }
0x49: {  	_ =	shalt  }
0x4a: {  	_ =	shalt  }
0x4b: {  	_ =	shalt  }
0x4c: {  	_ =	shalt  }
0x4d: {  	_ =	shalt  }
0x4e: {  	_ =	shalt  }
0x4f: {  	_ =	shalt  }
0x50: {  	_ =	shalt  }
0x51: {  	_ =	shalt  }
0x52: {  	_ =	shalt  }
0x53: {  	_ =	shalt  }
0x54: {  	_ =	shalt  }
0x55: {  	_ =	shalt  }
0x56: {  	_ =	shalt  }
0x57: {  	_ =	shalt  }
0x58: {  	_ =	shalt  }
0x59: {  	_ =	shalt  }
0x5a: {  	_ =	shalt  }
0x5b: {  	_ =	shalt  }
0x5c: {  	_ =	shalt  }
0x5d: {  	_ =	shalt  }
0x5e: {  	_ =	shalt  }
0x5f: {  	_ =	shalt  }
0x60: {  	_ =	shalt  }
0x61: {  	_ =	shalt  }
0x62: {  	_ =	shalt  }
0x63: {  	_ =	shalt  }
0x64: {  	_ =	shalt  }
0x65: {  	_ =	shalt  }
0x66: {  	_ =	shalt  }
0x67: {  	_ =	shalt  }
0x68: {  	_ =	shalt  }
0x69: {  	_ =	shalt  }
0x6a: {  	_ =	shalt  }
0x6b: {  	_ =	shalt  }
0x6c: {  	_ =	shalt  }
0x6d: {  	_ =	shalt  }
0x6e: {  	_ =	shalt  }
0x6f: {  	_ =	shalt  }
0x70: {  	_ =	shalt  }
0x71: {  	_ =	shalt  }
0x72: {  	_ =	shalt  }
0x73: {  	_ =	shalt  }
0x74: {  	_ =	shalt  }
0x75: {  	_ =	shalt  }
0x76: {  	_ =	shalt  }
0x77: {  	_ =	shalt  }
0x78: {  	_ =	shalt  }
0x79: {  	_ =	shalt  }
0x7a: {  	_ =	shalt  }
0x7b: {  	_ =	shalt  }
0x7c: {  	_ =	shalt  }
0x7d: {  	_ =	shalt  }
0x7e: {  	_ =	shalt  }
0x7f: {  	_ =	shalt  }
0x80: {  	_ =	shalt  }
0x81: {  	_ =	shalt  }
0x82: {  	_ =	shalt  }
0x83: {  	_ =	shalt  }
0x84: {  	_ =	shalt  }
0x85: {  	_ =	shalt  }
0x86: {  	_ =	shalt  }
0x87: {  	_ =	shalt  }
.Lfunc_end0:
.L_simem_size_0:
called_computation.5_lowered:
.L_overlay_start_0:
0x88: {  	s2 =	sld [smem:$0x3FD9]  }
0x89: {  	s3 =	sld [smem:$0x3FFE];
	_ =	sdelay $0x1  }
0x8a: {  	s1 =	srdreg.scid  }
0x8b: {  	s0 =	sand.u32 $0x1, s1  }
0x8c: {  	s17 =	sshll.u32 s0, $0xA;
	s2 =	sadd.s32 s3, s2  }
0x8d: {  	s2 =	sadd.s32 s2, s17  }
0x8e: {  	[smem:$0x3FC0] =	sst s2  }
0x8f: {  	_ = 	snop  }
0x90: {  	s2 =	sld [smem:$0x3FD0];
	(tm) =	ssettm $0x1  }
0x91: {  	s18 =	sld [smem:$0x3FFB];
	_ =	sdelay $0x3  }
0x92: {  	_ =	strace s18  }
0x93: {  	s3 =	sld [smem:$0x3FFC];
	_ =	sdelay $0x3  }
0x94: {  	_ =	strace s3  }
0x95: {  	s3 =	sld [smem:$0x3FFD];
	_ =	sdelay $0x3  }
0x96: {  	_ =	strace s3  }
0x97: {  	_ =	strace $0x8FFFFFFF  }
0x98: {  	s19 =	sld [smem:$0x3FDB];
	_ =	sdelay $0x1  }
0x99: {  	s4 =	simm.s32 $_scs_section_size  }
0x9a: {  	s5 =	simm.s32 $_size__tile_overlayer_lowered;
	s6 =	simm.s32 $_tile_overlayer_lowered  }
0x9b: {  	s22 =	simm.s32 $0x1BFF;
	s21 =	sshll.u32 s6, $0x1;
	s3 =	sadd.s32 s4, s19  }
0x9c: {  	s7 =	simm.s32 $0x0;
	s20 =	sshll.u32 s5, $0x1;
	s5 =	sadd.s32 s21, s3  }
0x9d: {  	[timem:s7], [sflag:s22] =	dma.local [hbm:s5], s20  }
0x9e: {  	_ =	swait.ge [sflag:s22], s20  }
0x9f: {  	s4 =	ssub.s32 $0x0, s20;
	[sflag:s22] =	ssyncset.done $0x0  }
0xa0: {  	[sflag:s22] =	ssyncadd.s32 s4;
	_ =	sdelay $0x1  }
0xa1: {  	s23 =	simm.s32 $0x1B8B  }
0xa2: {  	_ =	swait.ge [sflag:s23], $0x1  }
0xa3: {  	[sflag:s23] =	ssyncset.done $0x0  }
0xa4: {  	s25 =	simm.s32 $0x1B8E;
	s24 =	sld [smem:$0x3FFE];
	[sflag:s23] =	ssyncadd.s32 $0xFFFFFFFF  }
0xa5: {  	s26 =	simm.s32 $execute0_lowered;
	[smem:$0x3FD2] =	sst s25  }
0xa6: {  	s5 =	sshll.u32 s26, $0x1;
	_ =	strace $0x80000055;
	[dreg:$0x1] =	wrdreg $0xFFFFFFFF  }
0xa7: {  	s28 =	simm.s32 $_size_execute0_lowered;
	s3 =	sadd.s32 s3, s5;
	[dreg:$0x0] =	wrdreg $0x0  }
0xa8: {  	s5 =	sshll.u32 s28, $0x1;
	[dreg:$0x2] =	wrdreg s3  }
0xa9: {  	[dreg:$0x3] =	wrdreg s5  }
0xaa: {  	[dreg:$0x4] =	wrdreg $0xC0  }
0xab: {  	_ =	task [dreg:s7], $0x5FFFF  }
0xac: {  	[dreg:$0x1] =	wrdreg $0xFFFFFFFF  }
0xad: {  	[dreg:$0x0] =	wrdreg $0x60  }
0xae: {  	[dreg:$0x2] =	wrdreg s24  }
0xaf: {  	[dreg:$0x3] =	wrdreg s2  }
0xb0: {  	[dreg:$0x4] =	wrdreg $0xA8000  }
0xb1: {  	[dreg:$0x5] =	wrdreg $0x9  }
0xb2: {  	_ =	task.clear_ibuf [dreg:s7], $0x6FFFF;
	_ =	strace $0x90000055  }
0xb3: {  	s29 =	simm.s32 $0x9;
	_ =	strace $0x80000057  }
0xb4: {  	_ =	swait.ge [sflag:s29], $0x1  }
0xb5: {  	[sflag:s29] =	ssyncadd.s32 $0xFFFFFFFF  }
0xb6: {  	_ =	strace $0x90000057  }
0xb7: {  	_ =	sfence  }
0xb8: {  	s30 =	sld [smem:$0x0];
	_ =	sdelay $0x2  }
0xb9: {  	s31 =	sshll.u32 s1, $0xD;
	s1 =	sshrl.u32 s1, $0x2  }
0xba: {  	s3 =	sand.u32 $0x4000, s31;
	s1 =	sadd.s32 s1, s30  }
0xbb: {  	s0 =	sor.u32 s3, s0;
	s1 =	sshll.u32 s1, $0x11  }
0xbc: {  	s0 =	sor.u32 s1, s0  }
0xbd: {  	s0 =	sadd.s32 $0x8F2B, s0  }
0xbe: {  	[sflag:s0] =	ssyncadd.remote.s32 $0x1  }
0xbf: {  	_ =	sfence.sel $0xFFFF  }
0xc0: {  	[dreg:$0x0] =	wrdreg $0xFFFFFFFF;
	(pc) =	sbr.abs _section_cstart, $3  }
0xc1: {  	[dreg:$0x1] =	wrdreg $0xFFFFFFFF  }
0xc2: {  	_ =	task.clear_ibuf [dreg:s7], $0x2FFFF;
	_ =	strace $0x9FFFFFFF  }
0xc3: {  	(tm) =	ssettm $0x7FFFFFFF  }
tec
execute0_lowered:
.L_overlay_start_1:
0x0: {  	(tag) =	ssettag $0x1  }
0x1: {  	s5 =	rddreg [dreg:$0x0]  }
0x2: {  	s12 =	rddreg [dreg:$0x1];
	s0 =	srdreg.scid  }
0x3: {  	s2 =	rddreg [dreg:$0x2];
	s1 =	stileid.u32  }
0x4: {  	s3 =	simm.s32 $0x0;
	s18 =	simm.s32 $0x1400;
	s19 =	simm.s32 $0x80  }
0x5: {  	s20 =	simm.s32 $0x6800;
	s21 =	simm.s32 $0x1;
	s22 =	simm.s32 $0x3  }
0x6: {  	s23 =	simm.s32 $0x2;
	s24 =	simm.s32 $0x4;
	s25 =	simm.s32 $0x2700  }
0x7: {  	s6 =	sand.u32 $0x1, s0;
	s0 =	rddreg [dreg:$0x3];
	s8 =	smul.u32 $0x14000, s1  }
0x8: {  	[smem:$0x7FF] =	sst s3;
	s4 =	sadd.s32 $0x5F400, s5;
	s26 =	smul.u32 $0x50000, s1  }
0x9: {  	s13 =	sadd.s32 $0x2C00, s5;
	s29 =	sshll.u32 s1, $0x1;
	s7 =	smul.u32 $0x140000, s6  }
0xa: {  	_ =	strace $0x80000056;
	s28 =	ssub.s32 $0x2, s6;
	s10 =	sor.u32 s6, s29  }
0xb: {  	s9 =	sshrl.u32 s28, $0x1;
	s30 =	sshrl.u32 s26, $0x2;
	s11 =	smul.u32 $0x2800, s10  }
0xc: {  	s16 =	smul.u32 $0x500, s10;
	s26 =	simm.s32 $0x2780;
	s7 =	sadd.s32 s8, s7  }
0xd: {  	s15 =	ssub.s32 s28, s9;
	s7 =	sshrl.u32 s7, $0x3;
	s17 =	sshrl.u32 s11, $0x3  }
0xe: {  	s10 =	sadd.s32 s12, s16;
	s11 =	sadd.s32 s13, s16;
	s15 =	smax.u32 s15, $0x1  }
0xf: {  	s16 =	simm.s32 $0x2800;
	s14 =	sadd.s32 s7, s5;
	s5 =	sadd.s32 s30, s2  }
0x10: {  	s31 =	sadd.s32 $0x280, s17;
	s17 =	simm.s32 $0x5;
	s6 =	sadd.s32 $0x4000, s5  }
0x11: {  	s7 =	sadd.s32 $0x8000, s5;
	s8 =	sadd.s32 $0xC000, s5;
	s9 =	sadd.s32 $0x10000, s5  }
0x12: {  	v0 =	vimm.f32 $0.0e+00;
	s12 =	sadd.s32 s12, s31;
	s13 =	sadd.s32 s13, s31;
	s14 =	sadd.s32 $0xCC00, s14  }
.LBB2_1:
0x13: {  	s28 =	simm.s32 $0x0;
	s29 =	simm.s32 $0x200  }
.LBB2_2:
0x14: {  	p0 =	sne.s32 s29, $0xFE00;
	[tilespmem:s28+$0x2870] =	vst v0  }
0x15: {  	[tilespmem:s28+$0x2800] =	vst v0  }
0x16: {  	[tilespmem:s28+$0x2810] =	vst v0  }
.Ltmp0:
0x17: {  	[tilespmem:s28+$0x2820] =	vst v0;
	(pc) =	sbr.rel @p0 .LBB2_2-.Ltmp0, $4  }
0x18: {  	[tilespmem:s28+$0x2830] =	vst v0  }
0x19: {  	[tilespmem:s28+$0x2840] =	vst v0  }
0x1a: {  	[tilespmem:s28+$0x2850] =	vst v0  }
0x1b: {  	[tilespmem:s28+$0x2860] =	vst v0;
	s28 =	sshra.s32 s29, $0x2;
	s29 =	sadd.s32 $0x200, s29  }
0x1c: {  	[tilespmem:s28+$0x2870] =	vst v0  }
0x1d: {  	[tilespmem:s28+$0x2800] =	vst v0  }
0x1e: {  	[tilespmem:s28+$0x2810] =	vst v0  }
0x1f: {  	[tilespmem:s28+$0x2820] =	vst v0  }
0x20: {  	[tilespmem:s28+$0x2830] =	vst v0  }
0x21: {  	[tilespmem:s28+$0x2840] =	vst v0  }
0x22: {  	[tilespmem:s28+$0x2850] =	vst v0  }
0x23: {  	[tilespmem:s28+$0x2860] =	vst v0  }
0x24: {  	[spmem:s5] =	stream.linear.scatter [tilespmem:s16], [sflag:$0x5], $0x4000, $0x38;
	[tilespmem:$0x1E800] =	vst v63  }
0x25: {  	_ =	swait.ge [sflag:s17], $0x4000  }
0x26: {  	[sflag:s17] =	ssyncset.done $0x0  }
0x27: {  	[sflag:s17] =	ssyncadd.s32 $0xFFFFC000  }
0x28: {  	[spmem:s6] =	stream.linear.scatter [tilespmem:s16], [sflag:$0x5], $0x4000, $0x38;
	[tilespmem:$0x1E800] =	vst v63  }
0x29: {  	_ =	swait.ge [sflag:s17], $0x4000  }
0x2a: {  	[sflag:s17] =	ssyncset.done $0x0  }
0x2b: {  	[sflag:s17] =	ssyncadd.s32 $0xFFFFC000  }
0x2c: {  	[spmem:s7] =	stream.linear.scatter [tilespmem:s16], [sflag:$0x5], $0x4000, $0x38;
	[tilespmem:$0x1E800] =	vst v63  }
0x2d: {  	_ =	swait.ge [sflag:s17], $0x4000  }
0x2e: {  	[sflag:s17] =	ssyncset.done $0x0  }
0x2f: {  	[sflag:s17] =	ssyncadd.s32 $0xFFFFC000  }
0x30: {  	[spmem:s8] =	stream.linear.scatter [tilespmem:s16], [sflag:$0x5], $0x4000, $0x38;
	[tilespmem:$0x1E800] =	vst v63  }
0x31: {  	_ =	swait.ge [sflag:s17], $0x4000  }
0x32: {  	[sflag:s17] =	ssyncset.done $0x0  }
0x33: {  	[sflag:s17] =	ssyncadd.s32 $0xFFFFC000  }
0x34: {  	[spmem:s9] =	stream.linear.scatter [tilespmem:s16], [sflag:$0x5], $0x4000, $0x38;
	[tilespmem:$0x1E800] =	vst v63  }
0x35: {  	_ =	swait.ge [sflag:s17], $0x4000  }
0x36: {  	[sflag:s17] =	ssyncset.done $0x0  }
0x37: {  	[sflag:s17] =	ssyncadd.s32 $0xFFFFC000  }
0x38: {  	s28 =	simm.s32 $0x0;
	[bflag:$0x0] =	sbarrier.arrive $0xFFFF  }
0x39: {  	[tilespmem:s28], [sflag:$0x5] =	stream.linear.gather [hbm4b:s10+s28], $0x1400, $0x38;
	[tilespmem:$0x1E800] =	vst v63  }
0x3a: {  	_ =	swait.ge [sflag:s17], $0x1400  }
0x3b: {  	[sflag:s17] =	ssyncset.done $0x0  }
0x3c: {  	[sflag:s17] =	ssyncadd.s32 $0xFFFFEC00  }
0x3d: {  	[tilespmem:s18], [sflag:$0x5] =	stream.linear.gather [hbm4b:s11+s28], $0x1400, $0x38;
	[tilespmem:$0x1E800] =	vst v63  }
0x3e: {  	_ =	swait.ge [sflag:s17], $0x1400  }
0x3f: {  	[sflag:s17] =	ssyncset.done $0x0  }
0x40: {  	[sflag:s17] =	ssyncadd.s32 $0xFFFFEC00  }
0x41: {  	[tilespmem:s16], [sflag:$0x1] =	stream.indirect.gather [hbm4b:s4+s19], $0x80, s28, s19, $0xb8;
	[tilespmem:$0x1E800] =	vst v63  }
0x42: {  	_ = 	snop  }
0x43: {  	[tilespmem:s20], [sflag:$0x2] =	stream.indirect.gather [hbm4b:s4+s19], $0x80, s19, s19, $0xb8;
	[tilespmem:$0x1E800] =	vst v63  }
0x44: {  	_ =	swait.ge [sflag:s21], $0x4000  }
0x45: {  	[sflag:s21] =	ssyncset.done $0x0  }
0x46: {  	s28 =	simm.s32 $0x1400;
	[sflag:s21] =	ssyncadd.s32 $0xFFFFC000  }
0x47: {  	[spmem:s2] =	stream.indirect.scatter.add.f32 [tilespmem:s16], [sflag:$0x3], $0x80, s28, s19, $0xb8;
	[tilespmem:$0x1E800] =	vst v63  }
0x48: {  	_ =	swait.ge [sflag:s22], $0x4000  }
0x49: {  	[sflag:s22] =	ssyncset.done $0x0  }
0x4a: {  	s28 =	simm.s32 $0x100;
	[sflag:s22] =	ssyncadd.s32 $0xFFFFC000  }
0x4b: {  	[tilespmem:s16], [sflag:$0x1] =	stream.indirect.gather [hbm4b:s4+s19], $0x80, s28, s19, $0xb8;
	[tilespmem:$0x1E800] =	vst v63  }
0x4c: {  	_ =	swait.ge [sflag:s23], $0x4000  }
0x4d: {  	[sflag:s23] =	ssyncset.done $0x0  }
0x4e: {  	s28 =	simm.s32 $0x1480;
	[sflag:s23] =	ssyncadd.s32 $0xFFFFC000  }
0x4f: {  	[spmem:s2] =	stream.indirect.scatter.add.f32 [tilespmem:s20], [sflag:$0x4], $0x80, s28, s19, $0xb8;
	[tilespmem:$0x1E800] =	vst v63  }
0x50: {  	_ =	swait.ge [sflag:s24], $0x4000  }
0x51: {  	[sflag:s24] =	ssyncset.done $0x0  }
0x52: {  	s29 =	simm.s32 $0x180;
	s28 =	simm.s32 $0x400;
	[sflag:s24] =	ssyncadd.s32 $0xFFFFC000  }
.LBB2_4:
0x53: {  	[tilespmem:s20], [sflag:$0x2] =	stream.indirect.gather [hbm4b:s4+s19], $0x80, s29, s19, $0xb8;
	[tilespmem:$0x1E800] =	vst v63  }
0x54: {  	s29 =	smov.u32 s28  }
0x55: {  	p0 =	sne.s32 s28, $0x4800;
	s28 =	sadd.s32 $0x400, s28;
	_ =	swait.ge [sflag:s21], $0x4000  }
0x56: {  	s29 =	sshra.s32 s29, $0x2;
	[sflag:s21] =	ssyncset.done $0x0  }
0x57: {  	s30 =	sadd.s32 $0x1400, s29;
	[sflag:s21] =	ssyncadd.s32 $0xFFFFC000  }
0x58: {  	[spmem:s2] =	stream.indirect.scatter.add.f32 [tilespmem:s16], [sflag:$0x3], $0x80, s30, s19, $0xb8;
	[tilespmem:$0x1E800] =	vst v63  }
0x59: {  	_ =	swait.ge [sflag:s22], $0x4000  }
0x5a: {  	[sflag:s22] =	ssyncset.done $0x0  }
0x5b: {  	s30 =	sadd.s32 $0x100, s29;
	[sflag:s22] =	ssyncadd.s32 $0xFFFFC000  }
0x5c: {  	[tilespmem:s16], [sflag:$0x1] =	stream.indirect.gather [hbm4b:s4+s19], $0x80, s30, s19, $0xb8;
	[tilespmem:$0x1E800] =	vst v63  }
0x5d: {  	_ =	swait.ge [sflag:s23], $0x4000  }
0x5e: {  	[sflag:s23] =	ssyncset.done $0x0  }
.Ltmp1:
0x5f: {  	s30 =	sadd.s32 $0x1480, s29;
	[sflag:s23] =	ssyncadd.s32 $0xFFFFC000;
	(pc) =	sbr.rel @p0 .LBB2_4-.Ltmp1, $4  }
0x60: {  	[spmem:s2] =	stream.indirect.scatter.add.f32 [tilespmem:s20], [sflag:$0x4], $0x80, s30, s19, $0xb8;
	[tilespmem:$0x1E800] =	vst v63  }
0x61: {  	_ =	swait.ge [sflag:s24], $0x4000  }
0x62: {  	[sflag:s24] =	ssyncset.done $0x0  }
0x63: {  	s29 =	sadd.s32 $0x180, s29;
	[sflag:s24] =	ssyncadd.s32 $0xFFFFC000  }
0x64: {  	[tilespmem:s20], [sflag:$0x2] =	stream.indirect.gather [hbm4b:s4+s19], $0x80, s29, s19, $0xb8;
	[tilespmem:$0x1E800] =	vst v63  }
0x65: {  	_ =	swait.ge [sflag:s21], $0x4000  }
0x66: {  	[sflag:s21] =	ssyncset.done $0x0  }
0x67: {  	[sflag:s21] =	ssyncadd.s32 $0xFFFFC000  }
0x68: {  	[spmem:s2] =	stream.indirect.scatter.add.f32 [tilespmem:s16], [sflag:$0x3], $0x80, s25, s19, $0xb8;
	[tilespmem:$0x1E800] =	vst v63  }
0x69: {  	_ =	swait.ge [sflag:s23], $0x4000  }
0x6a: {  	[sflag:s23] =	ssyncset.done $0x0  }
0x6b: {  	[sflag:s23] =	ssyncadd.s32 $0xFFFFC000  }
0x6c: {  	[spmem:s2] =	stream.indirect.scatter.add.f32 [tilespmem:s20], [sflag:$0x4], $0x80, s26, s19, $0xb8;
	[tilespmem:$0x1E800] =	vst v63  }
0x6d: {  	_ =	swait.ge [sflag:s22], $0x4000  }
0x6e: {  	[sflag:s22] =	ssyncset.done $0x0  }
0x6f: {  	[sflag:s22] =	ssyncadd.s32 $0xFFFFC000  }
0x70: {  	_ =	swait.ge [sflag:s24], $0x4000  }
0x71: {  	[sflag:s24] =	ssyncset.done $0x0  }
0x72: {  	s28 =	simm.s32 $0x0;
	[sflag:s24] =	ssyncadd.s32 $0xFFFFC000  }
0x73: {  	[tilespmem:s28], [sflag:$0x5] =	stream.linear.gather [hbm4b:s12+s28], $0x1400, $0x38;
	[tilespmem:$0x1E800] =	vst v63  }
0x74: {  	_ =	swait.ge [sflag:s17], $0x1400  }
0x75: {  	[sflag:s17] =	ssyncset.done $0x0  }
0x76: {  	[sflag:s17] =	ssyncadd.s32 $0xFFFFEC00  }
0x77: {  	[tilespmem:s18], [sflag:$0x5] =	stream.linear.gather [hbm4b:s13+s28], $0x1400, $0x38;
	[tilespmem:$0x1E800] =	vst v63  }
0x78: {  	_ =	swait.ge [sflag:s17], $0x1400  }
0x79: {  	[sflag:s17] =	ssyncset.done $0x0  }
0x7a: {  	[sflag:s17] =	ssyncadd.s32 $0xFFFFEC00  }
0x7b: {  	[tilespmem:s16], [sflag:$0x1] =	stream.indirect.gather [hbm4b:s4+s19], $0x80, s28, s19, $0xb8;
	[tilespmem:$0x1E800] =	vst v63  }
0x7c: {  	_ = 	snop  }
0x7d: {  	[tilespmem:s20], [sflag:$0x2] =	stream.indirect.gather [hbm4b:s4+s19], $0x80, s19, s19, $0xb8;
	[tilespmem:$0x1E800] =	vst v63  }
0x7e: {  	_ =	swait.ge [sflag:s21], $0x4000  }
0x7f: {  	[sflag:s21] =	ssyncset.done $0x0  }
0x80: {  	s28 =	simm.s32 $0x1400;
	[sflag:s21] =	ssyncadd.s32 $0xFFFFC000  }
0x81: {  	[spmem:s2] =	stream.indirect.scatter.add.f32 [tilespmem:s16], [sflag:$0x3], $0x80, s28, s19, $0xb8;
	[tilespmem:$0x1E800] =	vst v63  }
0x82: {  	_ =	swait.ge [sflag:s22], $0x4000  }
0x83: {  	[sflag:s22] =	ssyncset.done $0x0  }
0x84: {  	s28 =	simm.s32 $0x100;
	[sflag:s22] =	ssyncadd.s32 $0xFFFFC000  }
0x85: {  	[tilespmem:s16], [sflag:$0x1] =	stream.indirect.gather [hbm4b:s4+s19], $0x80, s28, s19, $0xb8;
	[tilespmem:$0x1E800] =	vst v63  }
0x86: {  	_ =	swait.ge [sflag:s23], $0x4000  }
0x87: {  	[sflag:s23] =	ssyncset.done $0x0  }
0x88: {  	s28 =	simm.s32 $0x1480;
	[sflag:s23] =	ssyncadd.s32 $0xFFFFC000  }
0x89: {  	[spmem:s2] =	stream.indirect.scatter.add.f32 [tilespmem:s20], [sflag:$0x4], $0x80, s28, s19, $0xb8;
	[tilespmem:$0x1E800] =	vst v63  }
0x8a: {  	_ =	swait.ge [sflag:s24], $0x4000  }
0x8b: {  	[sflag:s24] =	ssyncset.done $0x0  }
0x8c: {  	s29 =	simm.s32 $0x180;
	s28 =	simm.s32 $0x400;
	[sflag:s24] =	ssyncadd.s32 $0xFFFFC000  }
.LBB2_6:
0x8d: {  	[tilespmem:s20], [sflag:$0x2] =	stream.indirect.gather [hbm4b:s4+s19], $0x80, s29, s19, $0xb8;
	[tilespmem:$0x1E800] =	vst v63  }
0x8e: {  	s29 =	smov.u32 s28  }
0x8f: {  	p0 =	sne.s32 s28, $0x4800;
	s28 =	sadd.s32 $0x400, s28;
	_ =	swait.ge [sflag:s21], $0x4000  }
0x90: {  	s29 =	sshra.s32 s29, $0x2;
	[sflag:s21] =	ssyncset.done $0x0  }
0x91: {  	s30 =	sadd.s32 $0x1400, s29;
	[sflag:s21] =	ssyncadd.s32 $0xFFFFC000  }
0x92: {  	[spmem:s2] =	stream.indirect.scatter.add.f32 [tilespmem:s16], [sflag:$0x3], $0x80, s30, s19, $0xb8;
	[tilespmem:$0x1E800] =	vst v63  }
0x93: {  	_ =	swait.ge [sflag:s22], $0x4000  }
0x94: {  	[sflag:s22] =	ssyncset.done $0x0  }
0x95: {  	s30 =	sadd.s32 $0x100, s29;
	[sflag:s22] =	ssyncadd.s32 $0xFFFFC000  }
0x96: {  	[tilespmem:s16], [sflag:$0x1] =	stream.indirect.gather [hbm4b:s4+s19], $0x80, s30, s19, $0xb8;
	[tilespmem:$0x1E800] =	vst v63  }
0x97: {  	_ =	swait.ge [sflag:s23], $0x4000  }
0x98: {  	[sflag:s23] =	ssyncset.done $0x0  }
.Ltmp2:
0x99: {  	s30 =	sadd.s32 $0x1480, s29;
	[sflag:s23] =	ssyncadd.s32 $0xFFFFC000;
	(pc) =	sbr.rel @p0 .LBB2_6-.Ltmp2, $4  }
0x9a: {  	[spmem:s2] =	stream.indirect.scatter.add.f32 [tilespmem:s20], [sflag:$0x4], $0x80, s30, s19, $0xb8;
	[tilespmem:$0x1E800] =	vst v63  }
0x9b: {  	_ =	swait.ge [sflag:s24], $0x4000  }
0x9c: {  	[sflag:s24] =	ssyncset.done $0x0  }
0x9d: {  	s29 =	sadd.s32 $0x180, s29;
	[sflag:s24] =	ssyncadd.s32 $0xFFFFC000  }
0x9e: {  	[tilespmem:s20], [sflag:$0x2] =	stream.indirect.gather [hbm4b:s4+s19], $0x80, s29, s19, $0xb8;
	[tilespmem:$0x1E800] =	vst v63  }
0x9f: {  	_ =	swait.ge [sflag:s21], $0x4000  }
0xa0: {  	[sflag:s21] =	ssyncset.done $0x0  }
0xa1: {  	[sflag:s21] =	ssyncadd.s32 $0xFFFFC000  }
0xa2: {  	[spmem:s2] =	stream.indirect.scatter.add.f32 [tilespmem:s16], [sflag:$0x3], $0x80, s25, s19, $0xb8;
	[tilespmem:$0x1E800] =	vst v63  }
0xa3: {  	_ =	swait.ge [sflag:s23], $0x4000  }
0xa4: {  	[sflag:s23] =	ssyncset.done $0x0  }
0xa5: {  	[sflag:s23] =	ssyncadd.s32 $0xFFFFC000  }
0xa6: {  	[spmem:s2] =	stream.indirect.scatter.add.f32 [tilespmem:s20], [sflag:$0x4], $0x80, s26, s19, $0xb8;
	[tilespmem:$0x1E800] =	vst v63  }
0xa7: {  	_ =	swait.ge [sflag:s22], $0x4000  }
0xa8: {  	[sflag:s22] =	ssyncset.done $0x0  }
0xa9: {  	[sflag:s22] =	ssyncadd.s32 $0xFFFFC000  }
0xaa: {  	_ =	swait.ge [sflag:s24], $0x4000  }
0xab: {  	s28 =	sshll.u32 s1, $0x6;
	s3 =	sadd.s32 $0x1, s3;
	[sflag:s24] =	ssyncset.done $0x0  }
0xac: {  	s31 =	sshrl.u32 s5, $0x3;
	p0 =	sne.s32 s3, s15;
	[sflag:s24] =	ssyncadd.s32 $0xFFFFC000  }
.Ltmp3:
0xad: {  	s28 =	sor.u32 $0x1C05, s28;
	[bflag:$0x0] =	sbarrier.arrive $0xFFFF;
	(pc) =	sbr.rel @p0 .LBB2_1-.Ltmp3, $4  }
0xae: {  	[hbm:s14], [sflag:s28] =	dma.local [spmem:s31], $0x2800  }
0xaf: {  	_ =	swait.ge [sflag:s17], $0x2800  }
0xb0: {  	[sflag:s17] =	ssyncset.done $0x0  }
0xb1: {  	[sflag:s17] =	ssyncadd.s32 $0xFFFFD800  }
0xb2: {  	_ =	sfence.sel $0x180000  }
0xb3: {  	[bflag:$0x0] =	sbarrier.arrive $0xFFFF  }
0xb4: {  	p0 =	sne.s32 s1, $0x0;
	_ =	strace $0x90000056  }
0xb5: {  	s0 =	sadd.s32 @!p0 $0x100000, s0;
	[bflag:$0x2] =	sbarrier.arrive $0xFFFF  }
0xb6: {  	[sflag:s0] =	ssyncadd.tile.s32 @!p0 $0x1;
	_ =	shalt  }
.Lfunc_end2:
_tile_overlayer_lowered:
.L_overlay_start_2:
0xb7: {  	(tag) =	ssettag $0x2  }
0xb8: {  	s0 =	rddreg [dreg:$0x0];
	s2 =	stileid.u32  }
0xb9: {  	s1 =	rddreg [dreg:$0x1];
	p0 =	sne.s32 s2, $0x0  }
0xba: {  	s3 =	rddreg [dreg:$0x2];
	[bflag:$0x3] =	sbarrier.arrive $0xFFFF;
	s2 =	simm.s32 @!p0 $0x1C05  }
0xbb: {  	[timem:s3], [sflag:s2] =	dma.local @!p0 [hbm:s0], s1  }
0xbc: {  	s0 =	simm.s32 @!p0 $0x5  }
0xbd: {  	_ =	swait.ge @!p0 [sflag:s0], s1  }
0xbe: {  	s1 =	ssub.s32 @!p0 $0x0, s1;
	[sflag:s0] =	ssyncset.done @!p0 $0x0  }
0xbf: {  	[sflag:s0] =	ssyncadd.s32 @!p0 s1  }
0xc0: {  	[bflag:$0x3] =	sbarrier.arrive $0xFFFF  }
0xc1: {  	_ =	shalt  }

</sc_bundles>
